<compile_context>
chip_gen: v7x
topology: tpu7x:2x2x1
jax: 0.10.2.dev20260603
libtpu: 0.0.44.dev20260713+nightly
codegen_flags: <defaults>
</compile_context>

<pallas_src>
import functools

import jax
import jax.numpy as jnp
from jax import lax
from jax.experimental import pallas as pl
from jax.experimental.pallas import tpu as pltpu
from jax.experimental.pallas import tpu_sc as plsc

_NC = 2
_NS = 16
_NW = _NC * _NS


def _gather_rows(table, idx, chunk):
    V, Dp = table.shape
    N = idx.shape[0]
    assert N % _NW == 0
    n_w = N // _NW
    assert n_w % chunk == 0 and chunk % 8 == 0 and chunk <= 128
    steps = n_w // chunk
    mesh = plsc.VectorSubcoreMesh(core_axis_name="c", subcore_axis_name="s")

    @functools.partial(
        pl.kernel,
        mesh=mesh,
        compiler_params=pltpu.CompilerParams(use_tc_tiling_on_sc=False),
        out_type=jax.ShapeDtypeStruct((N, Dp), table.dtype),
        scratch_types=[
            pltpu.VMEM((chunk,), jnp.int32),
            pltpu.VMEM((chunk, Dp), table.dtype),
            pltpu.SemaphoreType.DMA,
        ],
    )
    def k(table_hbm, idx_hbm, out_hbm, idx_v, rows_v, sem):
        wid = lax.axis_index("s") * _NC + lax.axis_index("c")

        def body(s, carry):
            base = wid * n_w + s * chunk
            pltpu.sync_copy(idx_hbm.at[pl.ds(base, chunk)], idx_v)
            pltpu.async_copy(table_hbm.at[idx_v], rows_v, sem).wait()
            pltpu.sync_copy(rows_v, out_hbm.at[pl.ds(base, chunk)])
            return carry

        lax.fori_loop(0, steps, body, 0)

    return k(table, idx)


def _gather_rows_ring(table, idx, chunk):
    V, Dp = table.shape
    N = idx.shape[0]
    n_w = N // _NW
    steps = n_w // chunk
    assert steps % 2 == 0
    K = steps // 2
    mesh = plsc.VectorSubcoreMesh(core_axis_name="c", subcore_axis_name="s")

    @functools.partial(
        pl.kernel,
        mesh=mesh,
        compiler_params=pltpu.CompilerParams(use_tc_tiling_on_sc=False),
        out_type=jax.ShapeDtypeStruct((N, Dp), table.dtype),
        scratch_types=[
            pltpu.VMEM((chunk,), jnp.int32),
            pltpu.VMEM((chunk,), jnp.int32),
            pltpu.VMEM((chunk, Dp), table.dtype),
            pltpu.VMEM((chunk, Dp), table.dtype),
            pltpu.SemaphoreType.DMA,
            pltpu.SemaphoreType.DMA,
            pltpu.SemaphoreType.DMA,
            pltpu.SemaphoreType.DMA,
        ],
    )
    def k(table_hbm, idx_hbm, out_hbm, idx0, idx1, rows0, rows1,
          sg0, sg1, sw0, sw1):
        wid = lax.axis_index("s") * _NC + lax.axis_index("c")
        idx_v = (idx0, idx1)
        rows_v = (rows0, rows1)
        sg = (sg0, sg1)
        sw = (sw0, sw1)

        def sync_idx(b, c):
            base = wid * n_w + c * chunk
            pltpu.sync_copy(idx_hbm.at[pl.ds(base, chunk)], idx_v[b])

        def start_g(b):
            pltpu.async_copy(table_hbm.at[idx_v[b]], rows_v[b], sg[b])

        def wait_g(b):
            pltpu.make_async_copy(table_hbm.at[idx_v[b]], rows_v[b], sg[b]).wait()

        def start_w(b, c):
            base = wid * n_w + c * chunk
            pltpu.async_copy(rows_v[b], out_hbm.at[pl.ds(base, chunk)], sw[b])

        def wait_w(b, c):
            base = wid * n_w + c * chunk
            pltpu.make_async_copy(
                rows_v[b], out_hbm.at[pl.ds(base, chunk)], sw[b]).wait()

        sync_idx(0, 0)
        start_g(0)

        def body(kk, carry):
            c0 = 2 * kk
            wait_g(0)
            start_w(0, c0)
            sync_idx(1, c0 + 1)
            start_g(1)
            wait_g(1)
            start_w(1, c0 + 1)
            wait_w(0, c0)

            @pl.when(kk + 1 < K)
            def _():
                sync_idx(0, c0 + 2)
                start_g(0)

            wait_w(1, c0 + 1)
            return carry

        lax.fori_loop(0, K, body, 0)

    return k(table, idx)


def _gather_rows2(table_a, table_b, idx, chunk):
    Va, Da = table_a.shape
    Vb, Db = table_b.shape
    assert Da == Db
    N = idx.shape[0]
    n_w = N // _NW
    steps = n_w // chunk
    mesh = plsc.VectorSubcoreMesh(core_axis_name="c", subcore_axis_name="s")

    @functools.partial(
        pl.kernel,
        mesh=mesh,
        compiler_params=pltpu.CompilerParams(use_tc_tiling_on_sc=False),
        out_type=jax.ShapeDtypeStruct((N, 2, Da), table_a.dtype),
        scratch_types=[
            pltpu.VMEM((chunk,), jnp.int32),
            pltpu.VMEM((chunk, Da), table_a.dtype),
            pltpu.VMEM((chunk, Db), table_b.dtype),
            pltpu.SemaphoreType.DMA,
            pltpu.SemaphoreType.DMA,
        ],
    )
    def k(ta_hbm, tb_hbm, idx_hbm, out_hbm, idx_v, rows_a, rows_b,
          sem_a, sem_b):
        wid = lax.axis_index("s") * _NC + lax.axis_index("c")

        def body(s, carry):
            base = wid * n_w + s * chunk
            pltpu.sync_copy(idx_hbm.at[pl.ds(base, chunk)], idx_v)
            cp_a = pltpu.async_copy(ta_hbm.at[idx_v], rows_a, sem_a)
            cp_b = pltpu.async_copy(tb_hbm.at[idx_v], rows_b, sem_b)
            cp_a.wait()
            cp_b.wait()
            pltpu.sync_copy(rows_a, out_hbm.at[pl.ds(base, chunk), 0])
            pltpu.sync_copy(rows_b, out_hbm.at[pl.ds(base, chunk), 1])
            return carry

        lax.fori_loop(0, steps, body, 0)

    return k(table_a, table_b, idx)


def _stage_a_body(wi_ref, u_ref, rt_ref,
                  w1a_ref, w1b_ref, b1_ref,
                  a1a_ref, a1b_ref, ab1_ref, a2w_ref, a2b_ref, a3_ref,
                  w2_ref, b2_ref, w3a_ref, w3b_ref, b3_ref, out_ref):
    LB2, D2 = wi_ref.shape
    D = D2 // 2
    BU = u_ref.shape[0]
    B2 = BU // 2
    L = LB2 // B2
    relu = lambda x: jnp.maximum(x, 0.0)
    mm = lambda a, b: jnp.dot(a.astype(jnp.bfloat16), b.astype(jnp.bfloat16),
                              preferred_element_type=jnp.float32)
    rtw1b = mm(rt_ref[:], w1b_ref[:])
    iota8 = lax.broadcasted_iota(jnp.int32, (1, 8), 1)
    for h in (0, 1):
        wu = lax.bitcast_convert_type(
            u_ref[h * B2:(h + 1) * B2, D:], jnp.float32)
        wi = wi_ref[:, h * D:(h + 1) * D]
        ohs = [(u_ref[h * B2:(h + 1) * B2, L + j:L + j + 1] == iota8)
               .astype(jnp.float32) for j in range(L)]
        oh = jnp.concatenate(ohs, axis=0)
        u_att = mm(wu, a1b_ref[:]) + ab1_ref[:]
        u_rep = jnp.broadcast_to(u_att[None], (L, B2, D)).reshape(LB2, D)
        x2 = relu(mm(wi, w1a_ref[:]) + mm(oh, rtw1b) + b1_ref[:])
        hh = relu(mm(x2, a1a_ref[:]) + u_rep)
        hh = relu(mm(hh, a2w_ref[:]) + a2b_ref[:])
        l2 = jnp.sum(hh * a3_ref[:], axis=1, keepdims=True)
        l3 = l2.reshape(L, B2, 1)
        m = l3[0]
        for j in range(1, L):
            m = jnp.maximum(m, l3[j])
        e3 = jnp.exp(l3 - m[None])
        denom = e3[0]
        for j in range(1, L):
            denom = denom + e3[j]
        w3 = x2.reshape(L, B2, D) * e3
        acc = w3[0]
        for j in range(1, L):
            acc = acc + w3[j]
        hI = acc / denom
        hI = relu(mm(hI, w2_ref[:]) + b2_ref[:])
        out_ref[h * B2:(h + 1) * B2] = relu(
            mm(wu, w3a_ref[:]) + mm(hI, w3b_ref[:]) + b3_ref[:])


def _stage_a(witem_w, urows, rt_pad, w1a, w1b, b1,
             a1a, a1b, ab1, a2w, a2b, a3row, w2, b2, w3a, w3b, b3,
             BU, blk0, nblk):
    D = rt_pad.shape[1]
    L = 2 * witem_w.shape[0] // (nblk * BU)
    full = lambda arr: pl.BlockSpec(arr.shape, lambda i: (0,) * arr.ndim)
    return pl.pallas_call(
        _stage_a_body,
        grid=(nblk,),
        in_specs=[
            pl.BlockSpec((L * BU // 2, 2 * D), lambda i: (i, 0)),
            pl.BlockSpec((BU, 2 * D), lambda i: (i + blk0, 0)),
            full(rt_pad), full(w1a), full(w1b), full(b1),
            full(a1a), full(a1b), full(ab1), full(a2w), full(a2b), full(a3row),
            full(w2), full(b2), full(w3a), full(w3b), full(b3),
        ],
        out_specs=pl.BlockSpec((BU, D), lambda i: (i, 0)),
        out_shape=jax.ShapeDtypeStruct((nblk * BU, D), jnp.float32),
    )(witem_w, urows, rt_pad, w1a, w1b, b1,
      a1a, a1b, ab1, a2w, a2b, a3row, w2, b2, w3a, w3b, b3)


def _stage_b_body(f_ref, wu_ref,
                  sa1a_ref, sa1b_ref, sab1_ref, sa2w_ref, sa2b_ref, sa3_ref,
                  s1w_ref, s1b_ref, s2a_ref, s2b_ref, s2bias_ref,
                  s3w_ref, s3b_ref, out_ref):
    S = f_ref.shape[0] - 1
    D = f_ref.shape[2]
    relu = lambda x: jnp.maximum(x, 0.0)
    mm = lambda a, b: jnp.dot(a.astype(jnp.bfloat16), b.astype(jnp.bfloat16),
                              preferred_element_type=jnp.float32)
    wu = lax.bitcast_convert_type(wu_ref[:, D:], jnp.float32)
    u_att = mm(wu, sa1b_ref[:]) + sab1_ref[:]
    sa2b = sa2b_ref[:]
    sa3 = sa3_ref[:]
    zs = []
    ls = []
    for s in range(S):
        z_s = f_ref[s + 1]
        a = relu(mm(z_s, sa1a_ref[:]) + u_att)
        a = relu(mm(a, sa2w_ref[:]) + sa2b)
        l_s = jnp.sum(a * sa3, axis=1, keepdims=True)
        zs.append(z_s)
        ls.append(l_s)
    m = ls[0]
    for s in range(1, S):
        m = jnp.maximum(m, ls[s])
    es = [jnp.exp(l_s - m) for l_s in ls]
    denom = es[0]
    for s in range(1, S):
        denom = denom + es[s]
    acc = zs[0] * es[0]
    for s in range(1, S):
        acc = acc + zs[s] * es[s]
    hS = acc / denom
    hS = relu(mm(hS, s1w_ref[:]) + s1b_ref[:])
    f = relu(mm(f_ref[0], s2a_ref[:]) + mm(hS, s2b_ref[:]) + s2bias_ref[:])
    out_ref[:] = relu(mm(f, s3w_ref[:]) + s3b_ref[:])


def _stage_b(feat3, wuser, sa1a, sa1b, sab1, sa2w, sa2b, sa3row,
             s1w, s1b, s2a, s2b, s2bias, s3w, s3b):
    S1, B, D = feat3.shape
    BN = 512
    grid = B // BN
    full = lambda arr: pl.BlockSpec(arr.shape, lambda i: (0,) * arr.ndim)
    return pl.pallas_call(
        _stage_b_body,
        grid=(grid,),
        in_specs=[
            pl.BlockSpec((S1, BN, D), lambda i: (0, i, 0)),
            pl.BlockSpec((BN, 2 * D), lambda i: (i, 0)),
            full(sa1a), full(sa1b), full(sab1), full(sa2w), full(sa2b),
            full(sa3row), full(s1w), full(s1b), full(s2a), full(s2b),
            full(s2bias), full(s3w), full(s3b),
        ],
        out_specs=pl.BlockSpec((BN, D), lambda i: (i, 0)),
        out_shape=jax.ShapeDtypeStruct((B, D), jnp.float32),
    )(feat3, wuser, sa1a, sa1b, sab1, sa2w, sa2b, sa3row,
      s1w, s1b, s2a, s2b, s2bias, s3w, s3b)


def kernel(nodes, item_history, itemrating_history, social_history,
           user_table, item_table, rating_table,
           i_ln1_w, i_ln1_b, i_ln2_w, i_ln2_b, i_ln3_w, i_ln3_b,
           ia1_w, ia1_b, ia2_w, ia2_b, ia3_w, ia3_b,
           s_ln1_w, s_ln1_b, s_ln2_w, s_ln2_b, s_ln3_w, s_ln3_b,
           sa1_w, sa1_b, sa2_w, sa2_b, sa3_w, sa3_b):
    NU, L = item_history.shape
    S = social_history.shape[1]
    D = user_table.shape[1]
    B = nodes.shape[0]
    i32 = jnp.int32
    f32 = jnp.float32
    nodes = nodes.astype(i32)

    cat_all = jnp.concatenate(
        [item_history.astype(i32), itemrating_history.astype(i32),
         social_history.astype(i32), jnp.zeros((NU, 4), i32)], axis=1)
    user_bits = lax.bitcast_convert_type(user_table.astype(f32), i32)

    soc = _gather_rows(cat_all, nodes, 32)[:, 2 * L:2 * L + S]
    u_all = jnp.concatenate([nodes, soc.T.reshape(-1)])
    NT = u_all.shape[0]

    urows = _gather_rows2(cat_all, user_bits, u_all, 112).reshape(NT, 2 * D)

    BU = 512
    NB = NT // BU
    B2 = BU // 2
    items_perm = (urows[:, :L].reshape(NB, 2, B2, L)
                  .transpose(0, 3, 2, 1).reshape(-1))
    itemtab = item_table.astype(f32)
    NH = NB // 2
    nper = L * NT // 2
    wi_halves = [
        _gather_rows_ring(itemtab, items_perm[h * nper:(h + 1) * nper], 120)
        .reshape(nper // 2, 2 * D)
        for h in (0, 1)
    ]

    rt_pad = jnp.concatenate(
        [rating_table.astype(f32),
         jnp.zeros((8 - rating_table.shape[0], D), f32)], axis=0)
    row = lambda v: v.reshape(1, -1).astype(f32)
    feat_halves = [
        _stage_a(
            wi_halves[h], urows, rt_pad,
            i_ln1_w[:D], i_ln1_w[D:], row(i_ln1_b),
            ia1_w[:D], ia1_w[D:], row(ia1_b), ia2_w, row(ia2_b), row(ia3_w),
            i_ln2_w, row(i_ln2_b), i_ln3_w[:D], i_ln3_w[D:], row(i_ln3_b),
            BU, h * NH, NH)
        for h in (0, 1)
    ]
    feat = jnp.concatenate(feat_halves, axis=0)

    feat3 = feat.reshape(S + 1, B, D)
    return _stage_b(
        feat3, urows,
        sa1_w[:D], sa1_w[D:], row(sa1_b), sa2_w, row(sa2_b), row(sa3_w),
        s_ln1_w, row(s_ln1_b), s_ln2_w[:D], s_ln2_w[D:], row(s_ln2_b),
        s_ln3_w, row(s_ln3_b))

# --- scband reference (transcript-rebuilt; emitter-appended) ---
"""Pipeline reference for scband-aggre-social-27814208209714 (READ-ONLY COPY).

The authoritative reference and input builder live on the scoring server;
editing this copy changes nothing except your own understanding.
"""

import jax, jax.numpy as jnp
import numpy as np

N_USERS = 100000
N_ITEMS = 100000
N_RATINGS = 5
D = 64
B = 1024
L_ITEM = 20
L_SOC = 20


def _lin(k, fin, fout):
    k1, k2 = jax.random.split(k)
    lim = 1.0 / np.sqrt(fin)
    W = jax.random.uniform(k1, (fin, fout), minval=-lim, maxval=lim, dtype=jnp.float32)
    b = jax.random.uniform(k2, (fout,), minval=-lim, maxval=lim, dtype=jnp.float32)
    return W, b


def setup_inputs(seed: int = 0):
    key = jax.random.key(seed)
    ks = jax.random.split(key, 20)
    inp = {}
    inp["nodes"] = jax.random.randint(ks[0], (B,), 0, N_USERS)
    inp["item_history"] = jax.random.randint(ks[1], (N_USERS, L_ITEM), 0, N_ITEMS)
    inp["itemrating_history"] = jax.random.randint(ks[2], (N_USERS, L_ITEM), 0, N_RATINGS)
    inp["social_history"] = jax.random.randint(ks[3], (N_USERS, L_SOC), 0, N_USERS)
    inp["user_table"] = jax.random.normal(ks[4], (N_USERS, D), dtype=jnp.float32) * 0.05
    inp["item_table"] = jax.random.normal(ks[5], (N_ITEMS, D), dtype=jnp.float32) * 0.05
    inp["rating_table"] = jax.random.normal(ks[6], (N_RATINGS, D), dtype=jnp.float32) * 0.05
    inp["i_ln1_w"], inp["i_ln1_b"] = _lin(ks[7], 2 * D, D)
    inp["i_ln2_w"], inp["i_ln2_b"] = _lin(ks[8], D, D)
    inp["i_ln3_w"], inp["i_ln3_b"] = _lin(ks[9], 2 * D, D)
    inp["ia1_w"], inp["ia1_b"] = _lin(ks[10], 2 * D, D)
    inp["ia2_w"], inp["ia2_b"] = _lin(ks[11], D, D)
    inp["ia3_w"], inp["ia3_b"] = _lin(ks[12], D, 1)
    inp["s_ln1_w"], inp["s_ln1_b"] = _lin(ks[13], D, D)
    inp["s_ln2_w"], inp["s_ln2_b"] = _lin(ks[14], 2 * D, D)
    inp["s_ln3_w"], inp["s_ln3_b"] = _lin(ks[15], D, D)
    inp["sa1_w"], inp["sa1_b"] = _lin(ks[16], 2 * D, D)
    inp["sa2_w"], inp["sa2_b"] = _lin(ks[17], D, D)
    inp["sa3_w"], inp["sa3_b"] = _lin(ks[18], D, 1)
    return inp


def _attention(x, w1, b1, w2, b2, w3, b3, axis):
    # GraphRec-style Attention: relu(Linear 2d->d) -> relu(Linear d->d) -> Linear d->1 -> softmax over items
    h = jax.nn.relu(x @ w1 + b1)
    h = jax.nn.relu(h @ w2 + b2)
    h = h @ w3 + b3
    return jax.nn.softmax(h, axis=axis)


def _item_final(U, item_history, itemrating_history, user_table, item_table, rating_table,
                i_ln1_w, i_ln1_b, i_ln2_w, i_ln2_b, i_ln3_w, i_ln3_b,
                ia1_w, ia1_b, ia2_w, ia2_b, ia3_w, ia3_b):
    items = item_history[U]            # [..., L]
    ratings = itemrating_history[U]    # [..., L]
    w_item = item_table[items]         # [..., L, D]
    w_rating = rating_table[ratings]   # [..., L, D]
    x_i = jax.nn.relu(jnp.concatenate([w_item, w_rating], axis=-1) @ i_ln1_w + i_ln1_b)
    w_user = user_table[U]             # [..., D]
    w_user_rep = jnp.broadcast_to(w_user[..., None, :], x_i.shape)
    alpha = _attention(jnp.concatenate([x_i, w_user_rep], axis=-1),
                       ia1_w, ia1_b, ia2_w, ia2_b, ia3_w, ia3_b, axis=-2)  # [..., L, 1]
    hI = jnp.sum(x_i * alpha, axis=-2)  # == mm(x_i.T, alpha).T, [..., D]
    hI = jax.nn.relu(hI @ i_ln2_w + i_ln2_b)
    feat = jax.nn.relu(jnp.concatenate([w_user, hI], axis=-1) @ i_ln3_w + i_ln3_b)
    return feat


def reference(nodes, item_history, itemrating_history, social_history,
              user_table, item_table, rating_table,
              i_ln1_w, i_ln1_b, i_ln2_w, i_ln2_b, i_ln3_w, i_ln3_b,
              ia1_w, ia1_b, ia2_w, ia2_b, ia3_w, ia3_b,
              s_ln1_w, s_ln1_b, s_ln2_w, s_ln2_b, s_ln3_w, s_ln3_b,
              sa1_w, sa1_b, sa2_w, sa2_b, sa3_w, sa3_b):
    # hI_i = item_final(nodes)
    hI = _item_final(nodes, item_history, itemrating_history, user_table, item_table, rating_table,
                     i_ln1_w, i_ln1_b, i_ln2_w, i_ln2_b, i_ln3_w, i_ln3_b,
                     ia1_w, ia1_b, ia2_w, ia2_b, ia3_w, ia3_b)          # [B, D]
    # social aggregation
    soc = social_history[nodes]                                          # [B, S]
    hI_soc = _item_final(soc, item_history, itemrating_history, user_table, item_table, rating_table,
                         i_ln1_w, i_ln1_b, i_ln2_w, i_ln2_b, i_ln3_w, i_ln3_b,
                         ia1_w, ia1_b, ia2_w, ia2_b, ia3_w, ia3_b)      # [B, S, D]
    w_user = user_table[nodes]                                           # [B, D]
    w_user_rep = jnp.broadcast_to(w_user[:, None, :], hI_soc.shape)
    beta = _attention(jnp.concatenate([hI_soc, w_user_rep], axis=-1),
                      sa1_w, sa1_b, sa2_w, sa2_b, sa3_w, sa3_b, axis=-2)  # [B, S, 1]
    hS = jnp.sum(hI_soc * beta, axis=-2)                                  # [B, D]
    hS = jax.nn.relu(hS @ s_ln1_w + s_ln1_b)
    feats = jax.nn.relu(jnp.concatenate([hI, hS], axis=-1) @ s_ln2_w + s_ln2_b)
    feats = jax.nn.relu(feats @ s_ln3_w + s_ln3_b)
    return feats

if __name__ == "__main__":
    import jax
    _d = setup_inputs()
    print(jax.jit(kernel)(*tuple(_d.values())))

</pallas_src>

<mosaic_0001>
#map = affine_map<(d0, d1) -> (0, 0)>
#map1 = affine_map<(d0, d1) -> (0)>
module attributes {stable_mosaic.version = 14 : i64} {
  func.func @k(%arg0: i32, %arg1: i32, %arg2: memref<100000x64xf32, #tpu.memory_space<hbm>>, %arg3: memref<215040xi32, #tpu.memory_space<hbm>>, %arg4: memref<215040x64xf32, #tpu.memory_space<hbm>>, %arg5: memref<120xi32, #tpu.memory_space<vmem>>, %arg6: memref<120xi32, #tpu.memory_space<vmem>>, %arg7: memref<120x64xf32, #tpu.memory_space<vmem>>, %arg8: memref<120x64xf32, #tpu.memory_space<vmem>>, %arg9: memref<!tpu.dma_semaphore, #tpu.memory_space<semaphore_mem>>, %arg10: memref<!tpu.dma_semaphore, #tpu.memory_space<semaphore_mem>>, %arg11: memref<!tpu.dma_semaphore, #tpu.memory_space<semaphore_mem>>, %arg12: memref<!tpu.dma_semaphore, #tpu.memory_space<semaphore_mem>>) attributes {dimension_semantics = [#tpu.dimension_semantics<core_parallel>, #tpu.dimension_semantics<subcore_parallel>], iteration_bounds = array<i64: 2, 16>, scalar_prefetch = 0 : i64, scratch_operands = 8 : i64, tpu.core_type = #tpu.core_type<sc_vector_subcore>, window_params = [{transform_indices = #map}, {transform_indices = #map1}, {transform_indices = #map}]} {
    %mul3A = arith.constant 2 : i32
    %mul3A_0 = arith.muli %arg1, %mul3A : i32
    %add3A = arith.addi %mul3A_0, %arg0 : i32
    %mul3A_1 = arith.constant 6720 : i32
    %mul3A_2 = arith.muli %add3A, %mul3A_1 : i32
    %add3A_3 = arith.constant 0 : i32
    %add3A_4 = arith.addi %mul3A_2, %add3A_3 : i32
    "tpu.region"() ({
      %run_scoped3A = tpu.sem_alloc : memref<!tpu.dma_semaphore, #tpu.memory_space<semaphore_mem>>
      %dma_start3A_12 = tpu.memref_slice %arg3[%add3A_4] : memref<215040xi32, #tpu.memory_space<hbm>> -> memref<120xi32, #tpu.memory_space<hbm>>
      %dma_start3A_13 = tpu.memref_slice %arg3[%add3A_4] : memref<215040xi32, #tpu.memory_space<hbm>> -> memref<120xi32, #tpu.memory_space<hbm>>
      tpu.enqueue_dma source(%dma_start3A_13 : memref<120xi32, #tpu.memory_space<hbm>>) target(%arg5 : memref<120xi32, #tpu.memory_space<vmem>>) target_semaphore(%run_scoped3A : memref<!tpu.dma_semaphore, #tpu.memory_space<semaphore_mem>>)
      %dma_wait3A = tpu.memref_slice %arg3[%add3A_4] : memref<215040xi32, #tpu.memory_space<hbm>> -> memref<120xi32, #tpu.memory_space<hbm>>
      %dma_wait3A_14 = tpu.memref_slice %arg3[%add3A_4] : memref<215040xi32, #tpu.memory_space<hbm>> -> memref<120xi32, #tpu.memory_space<hbm>>
      tpu.wait_dma2 semaphore(%run_scoped3A : memref<!tpu.dma_semaphore, #tpu.memory_space<semaphore_mem>>) src(%dma_wait3A_14 : memref<120xi32, #tpu.memory_space<hbm>>) dst(%arg5 : memref<120xi32, #tpu.memory_space<vmem>>)
      tpu.yield
    }) : () -> ()
    %dma_start3A = arith.constant 0 : i32
    %dma_start3A_5 = arith.constant 0 : i32
    %dma_start3A_6 = tpu.memref_slice %arg2[%dma_start3A, %dma_start3A_5] : memref<100000x64xf32, #tpu.memory_space<hbm>> -> memref<100000x64xf32, #tpu.memory_space<hbm>>
    tpu.enqueue_indirect_dma source(%dma_start3A_6 : memref<100000x64xf32, #tpu.memory_space<hbm>>) target(%arg7 : memref<120x64xf32, #tpu.memory_space<vmem>>) offsets(%arg5 : memref<120xi32, #tpu.memory_space<vmem>>) semaphore(%arg9 : memref<!tpu.dma_semaphore, #tpu.memory_space<semaphore_mem>>)
    %scan3A = arith.constant 0 : i32
    %scan3A_7 = arith.constant 0 : i32
    %scan3A_8 = arith.constant 28 : i32
    %scan3A_9 = arith.addi %scan3A_7, %scan3A_8 : i32
    %scan3A_10 = arith.constant 1 : i32
    scf.for %scan3A_12 = %scan3A_7 to %scan3A_9 step %scan3A_10  : i32 {
      %mul3A_13 = arith.constant 2 : i32
      %mul3A_14 = arith.muli %mul3A_13, %scan3A_12 : i32
      %dma_wait3A = arith.constant 0 : i32
      %dma_wait3A_15 = arith.constant 0 : i32
      %dma_wait3A_16 = tpu.memref_slice %arg2[%dma_wait3A, %dma_wait3A_15] : memref<100000x64xf32, #tpu.memory_space<hbm>> -> memref<100000x64xf32, #tpu.memory_space<hbm>>
      tpu.wait_indirect_dma semaphore(%arg9 : memref<!tpu.dma_semaphore, #tpu.memory_space<semaphore_mem>>) src(%dma_wait3A_16 : memref<100000x64xf32, #tpu.memory_space<hbm>>) dst(%arg7 : memref<120x64xf32, #tpu.memory_space<vmem>>)
      %mul3A_17 = arith.constant 6720 : i32
      %mul3A_18 = arith.muli %add3A, %mul3A_17 : i32
      %mul3A_19 = arith.constant 120 : i32
      %mul3A_20 = arith.muli %mul3A_14, %mul3A_19 : i32
      %add3A_21 = arith.addi %mul3A_18, %mul3A_20 : i32
      %dma_start3A_22 = arith.constant 0 : i32
      %dma_start3A_23 = tpu.memref_slice %arg4[%add3A_21, %dma_start3A_22] : memref<215040x64xf32, #tpu.memory_space<hbm>> -> memref<120x64xf32, #tpu.memory_space<hbm>>
      %dma_start3A_24 = arith.constant 0 : i32
      %dma_start3A_25 = tpu.memref_slice %arg4[%add3A_21, %dma_start3A_24] : memref<215040x64xf32, #tpu.memory_space<hbm>> -> memref<120x64xf32, #tpu.memory_space<hbm>>
      tpu.enqueue_dma source(%arg7 : memref<120x64xf32, #tpu.memory_space<vmem>>) target(%dma_start3A_25 : memref<120x64xf32, #tpu.memory_space<hbm>>) target_semaphore(%arg11 : memref<!tpu.dma_semaphore, #tpu.memory_space<semaphore_mem>>)
      %add3A_26 = arith.constant 1 : i32
      %add3A_27 = arith.addi %mul3A_14, %add3A_26 : i32
      %mul3A_28 = arith.constant 6720 : i32
      %mul3A_29 = arith.muli %add3A, %mul3A_28 : i32
      %mul3A_30 = arith.constant 120 : i32
      %mul3A_31 = arith.muli %add3A_27, %mul3A_30 : i32
      %add3A_32 = arith.addi %mul3A_29, %mul3A_31 : i32
      "tpu.region"() ({
        %run_scoped3A = tpu.sem_alloc : memref<!tpu.dma_semaphore, #tpu.memory_space<semaphore_mem>>
        %dma_start3A_74 = tpu.memref_slice %arg3[%add3A_32] : memref<215040xi32, #tpu.memory_space<hbm>> -> memref<120xi32, #tpu.memory_space<hbm>>
        %dma_start3A_75 = tpu.memref_slice %arg3[%add3A_32] : memref<215040xi32, #tpu.memory_space<hbm>> -> memref<120xi32, #tpu.memory_space<hbm>>
        tpu.enqueue_dma source(%dma_start3A_75 : memref<120xi32, #tpu.memory_space<hbm>>) target(%arg6 : memref<120xi32, #tpu.memory_space<vmem>>) target_semaphore(%run_scoped3A : memref<!tpu.dma_semaphore, #tpu.memory_space<semaphore_mem>>)
        %dma_wait3A_76 = tpu.memref_slice %arg3[%add3A_32] : memref<215040xi32, #tpu.memory_space<hbm>> -> memref<120xi32, #tpu.memory_space<hbm>>
        %dma_wait3A_77 = tpu.memref_slice %arg3[%add3A_32] : memref<215040xi32, #tpu.memory_space<hbm>> -> memref<120xi32, #tpu.memory_space<hbm>>
        tpu.wait_dma2 semaphore(%run_scoped3A : memref<!tpu.dma_semaphore, #tpu.memory_space<semaphore_mem>>) src(%dma_wait3A_77 : memref<120xi32, #tpu.memory_space<hbm>>) dst(%arg6 : memref<120xi32, #tpu.memory_space<vmem>>)
        tpu.yield
      }) : () -> ()
      %dma_start3A_33 = arith.constant 0 : i32
      %dma_start3A_34 = arith.constant 0 : i32
      %dma_start3A_35 = tpu.memref_slice %arg2[%dma_start3A_33, %dma_start3A_34] : memref<100000x64xf32, #tpu.memory_space<hbm>> -> memref<100000x64xf32, #tpu.memory_space<hbm>>
      tpu.enqueue_indirect_dma source(%dma_start3A_35 : memref<100000x64xf32, #tpu.memory_space<hbm>>) target(%arg8 : memref<120x64xf32, #tpu.memory_space<vmem>>) offsets(%arg6 : memref<120xi32, #tpu.memory_space<vmem>>) semaphore(%arg10 : memref<!tpu.dma_semaphore, #tpu.memory_space<semaphore_mem>>)
      %dma_wait3A_36 = arith.constant 0 : i32
      %dma_wait3A_37 = arith.constant 0 : i32
      %dma_wait3A_38 = tpu.memref_slice %arg2[%dma_wait3A_36, %dma_wait3A_37] : memref<100000x64xf32, #tpu.memory_space<hbm>> -> memref<100000x64xf32, #tpu.memory_space<hbm>>
      tpu.wait_indirect_dma semaphore(%arg10 : memref<!tpu.dma_semaphore, #tpu.memory_space<semaphore_mem>>) src(%dma_wait3A_38 : memref<100000x64xf32, #tpu.memory_space<hbm>>) dst(%arg8 : memref<120x64xf32, #tpu.memory_space<vmem>>)
      %add3A_39 = arith.constant 1 : i32
      %add3A_40 = arith.addi %mul3A_14, %add3A_39 : i32
      %mul3A_41 = arith.constant 6720 : i32
      %mul3A_42 = arith.muli %add3A, %mul3A_41 : i32
      %mul3A_43 = arith.constant 120 : i32
      %mul3A_44 = arith.muli %add3A_40, %mul3A_43 : i32
      %add3A_45 = arith.addi %mul3A_42, %mul3A_44 : i32
      %dma_start3A_46 = arith.constant 0 : i32
      %dma_start3A_47 = tpu.memref_slice %arg4[%add3A_45, %dma_start3A_46] : memref<215040x64xf32, #tpu.memory_space<hbm>> -> memref<120x64xf32, #tpu.memory_space<hbm>>
      %dma_start3A_48 = arith.constant 0 : i32
      %dma_start3A_49 = tpu.memref_slice %arg4[%add3A_45, %dma_start3A_48] : memref<215040x64xf32, #tpu.memory_space<hbm>> -> memref<120x64xf32, #tpu.memory_space<hbm>>
      tpu.enqueue_dma source(%arg8 : memref<120x64xf32, #tpu.memory_space<vmem>>) target(%dma_start3A_49 : memref<120x64xf32, #tpu.memory_space<hbm>>) target_semaphore(%arg12 : memref<!tpu.dma_semaphore, #tpu.memory_space<semaphore_mem>>)
      %mul3A_50 = arith.constant 6720 : i32
      %mul3A_51 = arith.muli %add3A, %mul3A_50 : i32
      %mul3A_52 = arith.constant 120 : i32
      %mul3A_53 = arith.muli %mul3A_14, %mul3A_52 : i32
      %add3A_54 = arith.addi %mul3A_51, %mul3A_53 : i32
      %dma_wait3A_55 = arith.constant 0 : i32
      %dma_wait3A_56 = tpu.memref_slice %arg4[%add3A_54, %dma_wait3A_55] : memref<215040x64xf32, #tpu.memory_space<hbm>> -> memref<120x64xf32, #tpu.memory_space<hbm>>
      %dma_wait3A_57 = arith.constant 0 : i32
      %dma_wait3A_58 = tpu.memref_slice %arg4[%add3A_54, %dma_wait3A_57] : memref<215040x64xf32, #tpu.memory_space<hbm>> -> memref<120x64xf32, #tpu.memory_space<hbm>>
      tpu.wait_dma2 semaphore(%arg11 : memref<!tpu.dma_semaphore, #tpu.memory_space<semaphore_mem>>) src(%arg7 : memref<120x64xf32, #tpu.memory_space<vmem>>) dst(%dma_wait3A_58 : memref<120x64xf32, #tpu.memory_space<hbm>>)
      %add3A_59 = arith.constant 1 : i32
      %add3A_60 = arith.addi %scan3A_12, %add3A_59 : i32
      %lt3A = arith.constant 28 : i32
      %lt3A_61 = arith.cmpi slt, %add3A_60, %lt3A : i32
      %convert_element_type3A = arith.extui %lt3A_61 : i1 to i32
      %cond3A = arith.constant 0 : i32
      %cond3A_62 = arith.cmpi ne, %convert_element_type3A, %cond3A : i32
      scf.if %cond3A_62 {
        %add3A_74 = arith.constant 2 : i32
        %add3A_75 = arith.addi %mul3A_14, %add3A_74 : i32
        %mul3A_76 = arith.constant 6720 : i32
        %mul3A_77 = arith.muli %add3A, %mul3A_76 : i32
        %mul3A_78 = arith.constant 120 : i32
        %mul3A_79 = arith.muli %add3A_75, %mul3A_78 : i32
        %add3A_80 = arith.addi %mul3A_77, %mul3A_79 : i32
        "tpu.region"() ({
          %run_scoped3A = tpu.sem_alloc : memref<!tpu.dma_semaphore, #tpu.memory_space<semaphore_mem>>
          %dma_start3A_84 = tpu.memref_slice %arg3[%add3A_80] : memref<215040xi32, #tpu.memory_space<hbm>> -> memref<120xi32, #tpu.memory_space<hbm>>
          %dma_start3A_85 = tpu.memref_slice %arg3[%add3A_80] : memref<215040xi32, #tpu.memory_space<hbm>> -> memref<120xi32, #tpu.memory_space<hbm>>
          tpu.enqueue_dma source(%dma_start3A_85 : memref<120xi32, #tpu.memory_space<hbm>>) target(%arg5 : memref<120xi32, #tpu.memory_space<vmem>>) target_semaphore(%run_scoped3A : memref<!tpu.dma_semaphore, #tpu.memory_space<semaphore_mem>>)
          %dma_wait3A_86 = tpu.memref_slice %arg3[%add3A_80] : memref<215040xi32, #tpu.memory_space<hbm>> -> memref<120xi32, #tpu.memory_space<hbm>>
          %dma_wait3A_87 = tpu.memref_slice %arg3[%add3A_80] : memref<215040xi32, #tpu.memory_space<hbm>> -> memref<120xi32, #tpu.memory_space<hbm>>
          tpu.wait_dma2 semaphore(%run_scoped3A : memref<!tpu.dma_semaphore, #tpu.memory_space<semaphore_mem>>) src(%dma_wait3A_87 : memref<120xi32, #tpu.memory_space<hbm>>) dst(%arg5 : memref<120xi32, #tpu.memory_space<vmem>>)
          tpu.yield
        }) : () -> ()
        %dma_start3A_81 = arith.constant 0 : i32
        %dma_start3A_82 = arith.constant 0 : i32
        %dma_start3A_83 = tpu.memref_slice %arg2[%dma_start3A_81, %dma_start3A_82] : memref<100000x64xf32, #tpu.memory_space<hbm>> -> memref<100000x64xf32, #tpu.memory_space<hbm>>
        tpu.enqueue_indirect_dma source(%dma_start3A_83 : memref<100000x64xf32, #tpu.memory_space<hbm>>) target(%arg7 : memref<120x64xf32, #tpu.memory_space<vmem>>) offsets(%arg5 : memref<120xi32, #tpu.memory_space<vmem>>) semaphore(%arg9 : memref<!tpu.dma_semaphore, #tpu.memory_space<semaphore_mem>>)
      } else {
      }
      %add3A_63 = arith.constant 1 : i32
      %add3A_64 = arith.addi %mul3A_14, %add3A_63 : i32
      %mul3A_65 = arith.constant 6720 : i32
      %mul3A_66 = arith.muli %add3A, %mul3A_65 : i32
      %mul3A_67 = arith.constant 120 : i32
      %mul3A_68 = arith.muli %add3A_64, %mul3A_67 : i32
      %add3A_69 = arith.addi %mul3A_66, %mul3A_68 : i32
      %dma_wait3A_70 = arith.constant 0 : i32
      %dma_wait3A_71 = tpu.memref_slice %arg4[%add3A_69, %dma_wait3A_70] : memref<215040x64xf32, #tpu.memory_space<hbm>> -> memref<120x64xf32, #tpu.memory_space<hbm>>
      %dma_wait3A_72 = arith.constant 0 : i32
      %dma_wait3A_73 = tpu.memref_slice %arg4[%add3A_69, %dma_wait3A_72] : memref<215040x64xf32, #tpu.memory_space<hbm>> -> memref<120x64xf32, #tpu.memory_space<hbm>>
      tpu.wait_dma2 semaphore(%arg12 : memref<!tpu.dma_semaphore, #tpu.memory_space<semaphore_mem>>) src(%arg8 : memref<120x64xf32, #tpu.memory_space<vmem>>) dst(%dma_wait3A_73 : memref<120x64xf32, #tpu.memory_space<hbm>>)
    }
    %scan3A_11 = arith.constant 28 : i32
    return
  }
}

#map = affine_map<(d0, d1) -> (0, 0)>
#map1 = affine_map<(d0, d1) -> (0)>
module attributes {stable_mosaic.version = 14 : i64} {
  func.func @k(%arg0: i32, %arg1: i32, %arg2: memref<100000x64xf32, #tpu.memory_space<hbm>>, %arg3: memref<215040xi32, #tpu.memory_space<hbm>>, %arg4: memref<215040x64xf32, #tpu.memory_space<hbm>>, %arg5: memref<120xi32, #tpu.memory_space<vmem>>, %arg6: memref<120xi32, #tpu.memory_space<vmem>>, %arg7: memref<120x64xf32, #tpu.memory_space<vmem>>, %arg8: memref<120x64xf32, #tpu.memory_space<vmem>>, %arg9: memref<!tpu.dma_semaphore, #tpu.memory_space<semaphore_mem>>, %arg10: memref<!tpu.dma_semaphore, #tpu.memory_space<semaphore_mem>>, %arg11: memref<!tpu.dma_semaphore, #tpu.memory_space<semaphore_mem>>, %arg12: memref<!tpu.dma_semaphore, #tpu.memory_space<semaphore_mem>>) attributes {dimension_semantics = [#tpu.dimension_semantics<core_parallel>, #tpu.dimension_semantics<subcore_parallel>], iteration_bounds = array<i64: 2, 16>, scalar_prefetch = 0 : i64, scratch_operands = 8 : i64, tpu.core_type = #tpu.core_type<sc_vector_subcore>, window_params = [{transform_indices = #map}, {transform_indices = #map1}, {transform_indices = #map}]} {
    %mul3A = arith.constant 2 : i32
    %mul3A_0 = arith.muli %arg1, %mul3A : i32
    %add3A = arith.addi %mul3A_0, %arg0 : i32
    %mul3A_1 = arith.constant 6720 : i32
    %mul3A_2 = arith.muli %add3A, %mul3A_1 : i32
    %add3A_3 = arith.constant 0 : i32
    %add3A_4 = arith.addi %mul3A_2, %add3A_3 : i32
    "tpu.region"() ({
      %run_scoped3A = tpu.sem_alloc : memref<!tpu.dma_semaphore, #tpu.memory_space<semaphore_mem>>
      %dma_start3A_12 = tpu.memref_slice %arg3[%add3A_4] : memref<215040xi32, #tpu.memory_space<hbm>> -> memref<120xi32, #tpu.memory_space<hbm>>
      %dma_start3A_13 = tpu.memref_slice %arg3[%add3A_4] : memref<215040xi32, #tpu.memory_space<hbm>> -> memref<120xi32, #tpu.memory_space<hbm>>
      tpu.enqueue_dma source(%dma_start3A_13 : memref<120xi32, #tpu.memory_space<hbm>>) target(%arg5 : memref<120xi32, #tpu.memory_space<vmem>>) target_semaphore(%run_scoped3A : memref<!tpu.dma_semaphore, #tpu.memory_space<semaphore_mem>>)
      %dma_wait3A = tpu.memref_slice %arg3[%add3A_4] : memref<215040xi32, #tpu.memory_space<hbm>> -> memref<120xi32, #tpu.memory_space<hbm>>
      %dma_wait3A_14 = tpu.memref_slice %arg3[%add3A_4] : memref<215040xi32, #tpu.memory_space<hbm>> -> memref<120xi32, #tpu.memory_space<hbm>>
      tpu.wait_dma2 semaphore(%run_scoped3A : memref<!tpu.dma_semaphore, #tpu.memory_space<semaphore_mem>>) src(%dma_wait3A_14 : memref<120xi32, #tpu.memory_space<hbm>>) dst(%arg5 : memref<120xi32, #tpu.memory_space<vmem>>)
      tpu.yield
    }) : () -> ()
    %dma_start3A = arith.constant 0 : i32
    %dma_start3A_5 = arith.constant 0 : i32
    %dma_start3A_6 = tpu.memref_slice %arg2[%dma_start3A, %dma_start3A_5] : memref<100000x64xf32, #tpu.memory_space<hbm>> -> memref<100000x64xf32, #tpu.memory_space<hbm>>
    tpu.enqueue_indirect_dma source(%dma_start3A_6 : memref<100000x64xf32, #tpu.memory_space<hbm>>) target(%arg7 : memref<120x64xf32, #tpu.memory_space<vmem>>) offsets(%arg5 : memref<120xi32, #tpu.memory_space<vmem>>) semaphore(%arg9 : memref<!tpu.dma_semaphore, #tpu.memory_space<semaphore_mem>>)
    %scan3A = arith.constant 0 : i32
    %scan3A_7 = arith.constant 0 : i32
    %scan3A_8 = arith.constant 28 : i32
    %scan3A_9 = arith.addi %scan3A_7, %scan3A_8 : i32
    %scan3A_10 = arith.constant 1 : i32
    scf.for %scan3A_12 = %scan3A_7 to %scan3A_9 step %scan3A_10  : i32 {
      %mul3A_13 = arith.constant 2 : i32
      %mul3A_14 = arith.muli %mul3A_13, %scan3A_12 : i32
      %dma_wait3A = arith.constant 0 : i32
      %dma_wait3A_15 = arith.constant 0 : i32
      %dma_wait3A_16 = tpu.memref_slice %arg2[%dma_wait3A, %dma_wait3A_15] : memref<100000x64xf32, #tpu.memory_space<hbm>> -> memref<100000x64xf32, #tpu.memory_space<hbm>>
      tpu.wait_indirect_dma semaphore(%arg9 : memref<!tpu.dma_semaphore, #tpu.memory_space<semaphore_mem>>) src(%dma_wait3A_16 : memref<100000x64xf32, #tpu.memory_space<hbm>>) dst(%arg7 : memref<120x64xf32, #tpu.memory_space<vmem>>)
      %mul3A_17 = arith.constant 6720 : i32
      %mul3A_18 = arith.muli %add3A, %mul3A_17 : i32
      %mul3A_19 = arith.constant 120 : i32
      %mul3A_20 = arith.muli %mul3A_14, %mul3A_19 : i32
      %add3A_21 = arith.addi %mul3A_18, %mul3A_20 : i32
      %dma_start3A_22 = arith.constant 0 : i32
      %dma_start3A_23 = tpu.memref_slice %arg4[%add3A_21, %dma_start3A_22] : memref<215040x64xf32, #tpu.memory_space<hbm>> -> memref<120x64xf32, #tpu.memory_space<hbm>>
      %dma_start3A_24 = arith.constant 0 : i32
      %dma_start3A_25 = tpu.memref_slice %arg4[%add3A_21, %dma_start3A_24] : memref<215040x64xf32, #tpu.memory_space<hbm>> -> memref<120x64xf32, #tpu.memory_space<hbm>>
      tpu.enqueue_dma source(%arg7 : memref<120x64xf32, #tpu.memory_space<vmem>>) target(%dma_start3A_25 : memref<120x64xf32, #tpu.memory_space<hbm>>) target_semaphore(%arg11 : memref<!tpu.dma_semaphore, #tpu.memory_space<semaphore_mem>>)
      %add3A_26 = arith.constant 1 : i32
      %add3A_27 = arith.addi %mul3A_14, %add3A_26 : i32
      %mul3A_28 = arith.constant 6720 : i32
      %mul3A_29 = arith.muli %add3A, %mul3A_28 : i32
      %mul3A_30 = arith.constant 120 : i32
      %mul3A_31 = arith.muli %add3A_27, %mul3A_30 : i32
      %add3A_32 = arith.addi %mul3A_29, %mul3A_31 : i32
      "tpu.region"() ({
        %run_scoped3A = tpu.sem_alloc : memref<!tpu.dma_semaphore, #tpu.memory_space<semaphore_mem>>
        %dma_start3A_74 = tpu.memref_slice %arg3[%add3A_32] : memref<215040xi32, #tpu.memory_space<hbm>> -> memref<120xi32, #tpu.memory_space<hbm>>
        %dma_start3A_75 = tpu.memref_slice %arg3[%add3A_32] : memref<215040xi32, #tpu.memory_space<hbm>> -> memref<120xi32, #tpu.memory_space<hbm>>
        tpu.enqueue_dma source(%dma_start3A_75 : memref<120xi32, #tpu.memory_space<hbm>>) target(%arg6 : memref<120xi32, #tpu.memory_space<vmem>>) target_semaphore(%run_scoped3A : memref<!tpu.dma_semaphore, #tpu.memory_space<semaphore_mem>>)
        %dma_wait3A_76 = tpu.memref_slice %arg3[%add3A_32] : memref<215040xi32, #tpu.memory_space<hbm>> -> memref<120xi32, #tpu.memory_space<hbm>>
        %dma_wait3A_77 = tpu.memref_slice %arg3[%add3A_32] : memref<215040xi32, #tpu.memory_space<hbm>> -> memref<120xi32, #tpu.memory_space<hbm>>
        tpu.wait_dma2 semaphore(%run_scoped3A : memref<!tpu.dma_semaphore, #tpu.memory_space<semaphore_mem>>) src(%dma_wait3A_77 : memref<120xi32, #tpu.memory_space<hbm>>) dst(%arg6 : memref<120xi32, #tpu.memory_space<vmem>>)
        tpu.yield
      }) : () -> ()
      %dma_start3A_33 = arith.constant 0 : i32
      %dma_start3A_34 = arith.constant 0 : i32
      %dma_start3A_35 = tpu.memref_slice %arg2[%dma_start3A_33, %dma_start3A_34] : memref<100000x64xf32, #tpu.memory_space<hbm>> -> memref<100000x64xf32, #tpu.memory_space<hbm>>
      tpu.enqueue_indirect_dma source(%dma_start3A_35 : memref<100000x64xf32, #tpu.memory_space<hbm>>) target(%arg8 : memref<120x64xf32, #tpu.memory_space<vmem>>) offsets(%arg6 : memref<120xi32, #tpu.memory_space<vmem>>) semaphore(%arg10 : memref<!tpu.dma_semaphore, #tpu.memory_space<semaphore_mem>>)
      %dma_wait3A_36 = arith.constant 0 : i32
      %dma_wait3A_37 = arith.constant 0 : i32
      %dma_wait3A_38 = tpu.memref_slice %arg2[%dma_wait3A_36, %dma_wait3A_37] : memref<100000x64xf32, #tpu.memory_space<hbm>> -> memref<100000x64xf32, #tpu.memory_space<hbm>>
      tpu.wait_indirect_dma semaphore(%arg10 : memref<!tpu.dma_semaphore, #tpu.memory_space<semaphore_mem>>) src(%dma_wait3A_38 : memref<100000x64xf32, #tpu.memory_space<hbm>>) dst(%arg8 : memref<120x64xf32, #tpu.memory_space<vmem>>)
      %add3A_39 = arith.constant 1 : i32
      %add3A_40 = arith.addi %mul3A_14, %add3A_39 : i32
      %mul3A_41 = arith.constant 6720 : i32
      %mul3A_42 = arith.muli %add3A, %mul3A_41 : i32
      %mul3A_43 = arith.constant 120 : i32
      %mul3A_44 = arith.muli %add3A_40, %mul3A_43 : i32
      %add3A_45 = arith.addi %mul3A_42, %mul3A_44 : i32
      %dma_start3A_46 = arith.constant 0 : i32
      %dma_start3A_47 = tpu.memref_slice %arg4[%add3A_45, %dma_start3A_46] : memref<215040x64xf32, #tpu.memory_space<hbm>> -> memref<120x64xf32, #tpu.memory_space<hbm>>
      %dma_start3A_48 = arith.constant 0 : i32
      %dma_start3A_49 = tpu.memref_slice %arg4[%add3A_45, %dma_start3A_48] : memref<215040x64xf32, #tpu.memory_space<hbm>> -> memref<120x64xf32, #tpu.memory_space<hbm>>
      tpu.enqueue_dma source(%arg8 : memref<120x64xf32, #tpu.memory_space<vmem>>) target(%dma_start3A_49 : memref<120x64xf32, #tpu.memory_space<hbm>>) target_semaphore(%arg12 : memref<!tpu.dma_semaphore, #tpu.memory_space<semaphore_mem>>)
      %mul3A_50 = arith.constant 6720 : i32
      %mul3A_51 = arith.muli %add3A, %mul3A_50 : i32
      %mul3A_52 = arith.constant 120 : i32
      %mul3A_53 = arith.muli %mul3A_14, %mul3A_52 : i32
      %add3A_54 = arith.addi %mul3A_51, %mul3A_53 : i32
      %dma_wait3A_55 = arith.constant 0 : i32
      %dma_wait3A_56 = tpu.memref_slice %arg4[%add3A_54, %dma_wait3A_55] : memref<215040x64xf32, #tpu.memory_space<hbm>> -> memref<120x64xf32, #tpu.memory_space<hbm>>
      %dma_wait3A_57 = arith.constant 0 : i32
      %dma_wait3A_58 = tpu.memref_slice %arg4[%add3A_54, %dma_wait3A_57] : memref<215040x64xf32, #tpu.memory_space<hbm>> -> memref<120x64xf32, #tpu.memory_space<hbm>>
      tpu.wait_dma2 semaphore(%arg11 : memref<!tpu.dma_semaphore, #tpu.memory_space<semaphore_mem>>) src(%arg7 : memref<120x64xf32, #tpu.memory_space<vmem>>) dst(%dma_wait3A_58 : memref<120x64xf32, #tpu.memory_space<hbm>>)
      %add3A_59 = arith.constant 1 : i32
      %add3A_60 = arith.addi %scan3A_12, %add3A_59 : i32
      %lt3A = arith.constant 28 : i32
      %lt3A_61 = arith.cmpi slt, %add3A_60, %lt3A : i32
      %convert_element_type3A = arith.extui %lt3A_61 : i1 to i32
      %cond3A = arith.constant 0 : i32
      %cond3A_62 = arith.cmpi ne, %convert_element_type3A, %cond3A : i32
      scf.if %cond3A_62 {
        %add3A_74 = arith.constant 2 : i32
        %add3A_75 = arith.addi %mul3A_14, %add3A_74 : i32
        %mul3A_76 = arith.constant 6720 : i32
        %mul3A_77 = arith.muli %add3A, %mul3A_76 : i32
        %mul3A_78 = arith.constant 120 : i32
        %mul3A_79 = arith.muli %add3A_75, %mul3A_78 : i32
        %add3A_80 = arith.addi %mul3A_77, %mul3A_79 : i32
        "tpu.region"() ({
          %run_scoped3A = tpu.sem_alloc : memref<!tpu.dma_semaphore, #tpu.memory_space<semaphore_mem>>
          %dma_start3A_84 = tpu.memref_slice %arg3[%add3A_80] : memref<215040xi32, #tpu.memory_space<hbm>> -> memref<120xi32, #tpu.memory_space<hbm>>
          %dma_start3A_85 = tpu.memref_slice %arg3[%add3A_80] : memref<215040xi32, #tpu.memory_space<hbm>> -> memref<120xi32, #tpu.memory_space<hbm>>
          tpu.enqueue_dma source(%dma_start3A_85 : memref<120xi32, #tpu.memory_space<hbm>>) target(%arg5 : memref<120xi32, #tpu.memory_space<vmem>>) target_semaphore(%run_scoped3A : memref<!tpu.dma_semaphore, #tpu.memory_space<semaphore_mem>>)
          %dma_wait3A_86 = tpu.memref_slice %arg3[%add3A_80] : memref<215040xi32, #tpu.memory_space<hbm>> -> memref<120xi32, #tpu.memory_space<hbm>>
          %dma_wait3A_87 = tpu.memref_slice %arg3[%add3A_80] : memref<215040xi32, #tpu.memory_space<hbm>> -> memref<120xi32, #tpu.memory_space<hbm>>
          tpu.wait_dma2 semaphore(%run_scoped3A : memref<!tpu.dma_semaphore, #tpu.memory_space<semaphore_mem>>) src(%dma_wait3A_87 : memref<120xi32, #tpu.memory_space<hbm>>) dst(%arg5 : memref<120xi32, #tpu.memory_space<vmem>>)
          tpu.yield
        }) : () -> ()
        %dma_start3A_81 = arith.constant 0 : i32
        %dma_start3A_82 = arith.constant 0 : i32
        %dma_start3A_83 = tpu.memref_slice %arg2[%dma_start3A_81, %dma_start3A_82] : memref<100000x64xf32, #tpu.memory_space<hbm>> -> memref<100000x64xf32, #tpu.memory_space<hbm>>
        tpu.enqueue_indirect_dma source(%dma_start3A_83 : memref<100000x64xf32, #tpu.memory_space<hbm>>) target(%arg7 : memref<120x64xf32, #tpu.memory_space<vmem>>) offsets(%arg5 : memref<120xi32, #tpu.memory_space<vmem>>) semaphore(%arg9 : memref<!tpu.dma_semaphore, #tpu.memory_space<semaphore_mem>>)
      } else {
      }
      %add3A_63 = arith.constant 1 : i32
      %add3A_64 = arith.addi %mul3A_14, %add3A_63 : i32
      %mul3A_65 = arith.constant 6720 : i32
      %mul3A_66 = arith.muli %add3A, %mul3A_65 : i32
      %mul3A_67 = arith.constant 120 : i32
      %mul3A_68 = arith.muli %add3A_64, %mul3A_67 : i32
      %add3A_69 = arith.addi %mul3A_66, %mul3A_68 : i32
      %dma_wait3A_70 = arith.constant 0 : i32
      %dma_wait3A_71 = tpu.memref_slice %arg4[%add3A_69, %dma_wait3A_70] : memref<215040x64xf32, #tpu.memory_space<hbm>> -> memref<120x64xf32, #tpu.memory_space<hbm>>
      %dma_wait3A_72 = arith.constant 0 : i32
      %dma_wait3A_73 = tpu.memref_slice %arg4[%add3A_69, %dma_wait3A_72] : memref<215040x64xf32, #tpu.memory_space<hbm>> -> memref<120x64xf32, #tpu.memory_space<hbm>>
      tpu.wait_dma2 semaphore(%arg12 : memref<!tpu.dma_semaphore, #tpu.memory_space<semaphore_mem>>) src(%arg8 : memref<120x64xf32, #tpu.memory_space<vmem>>) dst(%dma_wait3A_73 : memref<120x64xf32, #tpu.memory_space<hbm>>)
    }
    %scan3A_11 = arith.constant 28 : i32
    return
  }
}

#map = affine_map<(d0, d1) -> (0, 0)>
#map1 = affine_map<(d0, d1) -> (0)>
#map2 = affine_map<(d0, d1) -> (0, 0, 0)>
module attributes {stable_mosaic.version = 14 : i64} {
  func.func @k(%arg0: i32, %arg1: i32, %arg2: memref<100000x64xi32, #tpu.memory_space<hbm>>, %arg3: memref<100000x64xi32, #tpu.memory_space<hbm>>, %arg4: memref<21504xi32, #tpu.memory_space<hbm>>, %arg5: memref<21504x2x64xi32, #tpu.memory_space<hbm>>, %arg6: memref<112xi32, #tpu.memory_space<vmem>>, %arg7: memref<112x64xi32, #tpu.memory_space<vmem>>, %arg8: memref<112x64xi32, #tpu.memory_space<vmem>>, %arg9: memref<!tpu.dma_semaphore, #tpu.memory_space<semaphore_mem>>, %arg10: memref<!tpu.dma_semaphore, #tpu.memory_space<semaphore_mem>>) attributes {dimension_semantics = [#tpu.dimension_semantics<core_parallel>, #tpu.dimension_semantics<subcore_parallel>], iteration_bounds = array<i64: 2, 16>, scalar_prefetch = 0 : i64, scratch_operands = 5 : i64, tpu.core_type = #tpu.core_type<sc_vector_subcore>, window_params = [{transform_indices = #map}, {transform_indices = #map}, {transform_indices = #map1}, {transform_indices = #map2}]} {
    %mul3A = arith.constant 2 : i32
    %mul3A_0 = arith.muli %arg1, %mul3A : i32
    %add3A = arith.addi %mul3A_0, %arg0 : i32
    %scan3A = arith.constant 0 : i32
    %scan3A_1 = arith.constant 0 : i32
    %scan3A_2 = arith.constant 6 : i32
    %scan3A_3 = arith.addi %scan3A_1, %scan3A_2 : i32
    %scan3A_4 = arith.constant 1 : i32
    scf.for %scan3A_6 = %scan3A_1 to %scan3A_3 step %scan3A_4  : i32 {
      %mul3A_7 = arith.constant 672 : i32
      %mul3A_8 = arith.muli %add3A, %mul3A_7 : i32
      %mul3A_9 = arith.constant 112 : i32
      %mul3A_10 = arith.muli %scan3A_6, %mul3A_9 : i32
      %add3A_11 = arith.addi %mul3A_8, %mul3A_10 : i32
      "tpu.region"() ({
        %run_scoped3A_23 = tpu.sem_alloc : memref<!tpu.dma_semaphore, #tpu.memory_space<semaphore_mem>>
        %dma_start3A_24 = tpu.memref_slice %arg4[%add3A_11] : memref<21504xi32, #tpu.memory_space<hbm>> -> memref<112xi32, #tpu.memory_space<hbm>>
        %dma_start3A_25 = tpu.memref_slice %arg4[%add3A_11] : memref<21504xi32, #tpu.memory_space<hbm>> -> memref<112xi32, #tpu.memory_space<hbm>>
        tpu.enqueue_dma source(%dma_start3A_25 : memref<112xi32, #tpu.memory_space<hbm>>) target(%arg6 : memref<112xi32, #tpu.memory_space<vmem>>) target_semaphore(%run_scoped3A_23 : memref<!tpu.dma_semaphore, #tpu.memory_space<semaphore_mem>>)
        %dma_wait3A_26 = tpu.memref_slice %arg4[%add3A_11] : memref<21504xi32, #tpu.memory_space<hbm>> -> memref<112xi32, #tpu.memory_space<hbm>>
        %dma_wait3A_27 = tpu.memref_slice %arg4[%add3A_11] : memref<21504xi32, #tpu.memory_space<hbm>> -> memref<112xi32, #tpu.memory_space<hbm>>
        tpu.wait_dma2 semaphore(%run_scoped3A_23 : memref<!tpu.dma_semaphore, #tpu.memory_space<semaphore_mem>>) src(%dma_wait3A_27 : memref<112xi32, #tpu.memory_space<hbm>>) dst(%arg6 : memref<112xi32, #tpu.memory_space<vmem>>)
        tpu.yield
      }) : () -> ()
      %dma_start3A = arith.constant 0 : i32
      %dma_start3A_12 = arith.constant 0 : i32
      %dma_start3A_13 = tpu.memref_slice %arg2[%dma_start3A, %dma_start3A_12] : memref<100000x64xi32, #tpu.memory_space<hbm>> -> memref<100000x64xi32, #tpu.memory_space<hbm>>
      tpu.enqueue_indirect_dma source(%dma_start3A_13 : memref<100000x64xi32, #tpu.memory_space<hbm>>) target(%arg7 : memref<112x64xi32, #tpu.memory_space<vmem>>) offsets(%arg6 : memref<112xi32, #tpu.memory_space<vmem>>) semaphore(%arg9 : memref<!tpu.dma_semaphore, #tpu.memory_space<semaphore_mem>>)
      %dma_start3A_14 = arith.constant 0 : i32
      %dma_start3A_15 = arith.constant 0 : i32
      %dma_start3A_16 = tpu.memref_slice %arg3[%dma_start3A_14, %dma_start3A_15] : memref<100000x64xi32, #tpu.memory_space<hbm>> -> memref<100000x64xi32, #tpu.memory_space<hbm>>
      tpu.enqueue_indirect_dma source(%dma_start3A_16 : memref<100000x64xi32, #tpu.memory_space<hbm>>) target(%arg8 : memref<112x64xi32, #tpu.memory_space<vmem>>) offsets(%arg6 : memref<112xi32, #tpu.memory_space<vmem>>) semaphore(%arg10 : memref<!tpu.dma_semaphore, #tpu.memory_space<semaphore_mem>>)
      %dma_wait3A = arith.constant 0 : i32
      %dma_wait3A_17 = arith.constant 0 : i32
      %dma_wait3A_18 = tpu.memref_slice %arg2[%dma_wait3A, %dma_wait3A_17] : memref<100000x64xi32, #tpu.memory_space<hbm>> -> memref<100000x64xi32, #tpu.memory_space<hbm>>
      tpu.wait_indirect_dma semaphore(%arg9 : memref<!tpu.dma_semaphore, #tpu.memory_space<semaphore_mem>>) src(%dma_wait3A_18 : memref<100000x64xi32, #tpu.memory_space<hbm>>) dst(%arg7 : memref<112x64xi32, #tpu.memory_space<vmem>>)
      %dma_wait3A_19 = arith.constant 0 : i32
      %dma_wait3A_20 = arith.constant 0 : i32
      %dma_wait3A_21 = tpu.memref_slice %arg3[%dma_wait3A_19, %dma_wait3A_20] : memref<100000x64xi32, #tpu.memory_space<hbm>> -> memref<100000x64xi32, #tpu.memory_space<hbm>>
      tpu.wait_indirect_dma semaphore(%arg10 : memref<!tpu.dma_semaphore, #tpu.memory_space<semaphore_mem>>) src(%dma_wait3A_21 : memref<100000x64xi32, #tpu.memory_space<hbm>>) dst(%arg8 : memref<112x64xi32, #tpu.memory_space<vmem>>)
      %run_scoped3A = arith.constant 0 : i32
      "tpu.region"() ({
        %run_scoped3A_23 = tpu.sem_alloc : memref<!tpu.dma_semaphore, #tpu.memory_space<semaphore_mem>>
        %dma_start3A_24 = arith.constant 0 : i32
        %dma_start3A_25 = tpu.memref_slice %arg5[%add3A_11, %run_scoped3A, %dma_start3A_24] : memref<21504x2x64xi32, #tpu.memory_space<hbm>> -> memref<112x1x64xi32, #tpu.memory_space<hbm>>
        %dma_start3A_26 = tpu.memref_squeeze %dma_start3A_25 : memref<112x1x64xi32, #tpu.memory_space<hbm>> -> memref<112x64xi32, #tpu.memory_space<hbm>>
        %dma_start3A_27 = arith.constant 0 : i32
        %dma_start3A_28 = tpu.memref_slice %arg5[%add3A_11, %run_scoped3A, %dma_start3A_27] : memref<21504x2x64xi32, #tpu.memory_space<hbm>> -> memref<112x1x64xi32, #tpu.memory_space<hbm>>
        %dma_start3A_29 = tpu.memref_squeeze %dma_start3A_28 : memref<112x1x64xi32, #tpu.memory_space<hbm>> -> memref<112x64xi32, #tpu.memory_space<hbm>>
        tpu.enqueue_dma source(%arg7 : memref<112x64xi32, #tpu.memory_space<vmem>>) target(%dma_start3A_29 : memref<112x64xi32, #tpu.memory_space<hbm>>) target_semaphore(%run_scoped3A_23 : memref<!tpu.dma_semaphore, #tpu.memory_space<semaphore_mem>>)
        %dma_wait3A_30 = arith.constant 0 : i32
        %dma_wait3A_31 = tpu.memref_slice %arg5[%add3A_11, %run_scoped3A, %dma_wait3A_30] : memref<21504x2x64xi32, #tpu.memory_space<hbm>> -> memref<112x1x64xi32, #tpu.memory_space<hbm>>
        %dma_wait3A_32 = tpu.memref_squeeze %dma_wait3A_31 : memref<112x1x64xi32, #tpu.memory_space<hbm>> -> memref<112x64xi32, #tpu.memory_space<hbm>>
        %dma_wait3A_33 = arith.constant 0 : i32
        %dma_wait3A_34 = tpu.memref_slice %arg5[%add3A_11, %run_scoped3A, %dma_wait3A_33] : memref<21504x2x64xi32, #tpu.memory_space<hbm>> -> memref<112x1x64xi32, #tpu.memory_space<hbm>>
        %dma_wait3A_35 = tpu.memref_squeeze %dma_wait3A_34 : memref<112x1x64xi32, #tpu.memory_space<hbm>> -> memref<112x64xi32, #tpu.memory_space<hbm>>
        tpu.wait_dma2 semaphore(%run_scoped3A_23 : memref<!tpu.dma_semaphore, #tpu.memory_space<semaphore_mem>>) src(%arg7 : memref<112x64xi32, #tpu.memory_space<vmem>>) dst(%dma_wait3A_35 : memref<112x64xi32, #tpu.memory_space<hbm>>)
        tpu.yield
      }) : () -> ()
      %run_scoped3A_22 = arith.constant 1 : i32
      "tpu.region"() ({
        %run_scoped3A_23 = tpu.sem_alloc : memref<!tpu.dma_semaphore, #tpu.memory_space<semaphore_mem>>
        %dma_start3A_24 = arith.constant 0 : i32
        %dma_start3A_25 = tpu.memref_slice %arg5[%add3A_11, %run_scoped3A_22, %dma_start3A_24] : memref<21504x2x64xi32, #tpu.memory_space<hbm>> -> memref<112x1x64xi32, #tpu.memory_space<hbm>>
        %dma_start3A_26 = tpu.memref_squeeze %dma_start3A_25 : memref<112x1x64xi32, #tpu.memory_space<hbm>> -> memref<112x64xi32, #tpu.memory_space<hbm>>
        %dma_start3A_27 = arith.constant 0 : i32
        %dma_start3A_28 = tpu.memref_slice %arg5[%add3A_11, %run_scoped3A_22, %dma_start3A_27] : memref<21504x2x64xi32, #tpu.memory_space<hbm>> -> memref<112x1x64xi32, #tpu.memory_space<hbm>>
        %dma_start3A_29 = tpu.memref_squeeze %dma_start3A_28 : memref<112x1x64xi32, #tpu.memory_space<hbm>> -> memref<112x64xi32, #tpu.memory_space<hbm>>
        tpu.enqueue_dma source(%arg8 : memref<112x64xi32, #tpu.memory_space<vmem>>) target(%dma_start3A_29 : memref<112x64xi32, #tpu.memory_space<hbm>>) target_semaphore(%run_scoped3A_23 : memref<!tpu.dma_semaphore, #tpu.memory_space<semaphore_mem>>)
        %dma_wait3A_30 = arith.constant 0 : i32
        %dma_wait3A_31 = tpu.memref_slice %arg5[%add3A_11, %run_scoped3A_22, %dma_wait3A_30] : memref<21504x2x64xi32, #tpu.memory_space<hbm>> -> memref<112x1x64xi32, #tpu.memory_space<hbm>>
        %dma_wait3A_32 = tpu.memref_squeeze %dma_wait3A_31 : memref<112x1x64xi32, #tpu.memory_space<hbm>> -> memref<112x64xi32, #tpu.memory_space<hbm>>
        %dma_wait3A_33 = arith.constant 0 : i32
        %dma_wait3A_34 = tpu.memref_slice %arg5[%add3A_11, %run_scoped3A_22, %dma_wait3A_33] : memref<21504x2x64xi32, #tpu.memory_space<hbm>> -> memref<112x1x64xi32, #tpu.memory_space<hbm>>
        %dma_wait3A_35 = tpu.memref_squeeze %dma_wait3A_34 : memref<112x1x64xi32, #tpu.memory_space<hbm>> -> memref<112x64xi32, #tpu.memory_space<hbm>>
        tpu.wait_dma2 semaphore(%run_scoped3A_23 : memref<!tpu.dma_semaphore, #tpu.memory_space<semaphore_mem>>) src(%arg8 : memref<112x64xi32, #tpu.memory_space<vmem>>) dst(%dma_wait3A_35 : memref<112x64xi32, #tpu.memory_space<hbm>>)
        tpu.yield
      }) : () -> ()
    }
    %scan3A_5 = arith.constant 6 : i32
    return
  }
}

#map = affine_map<(d0, d1) -> (0, 0)>
#map1 = affine_map<(d0, d1) -> (0)>
module attributes {stable_mosaic.version = 14 : i64} {
  func.func @k(%arg0: i32, %arg1: i32, %arg2: memref<100000x64xi32, #tpu.memory_space<hbm>>, %arg3: memref<1024xi32, #tpu.memory_space<hbm>>, %arg4: memref<1024x64xi32, #tpu.memory_space<hbm>>, %arg5: memref<32xi32, #tpu.memory_space<vmem>>, %arg6: memref<32x64xi32, #tpu.memory_space<vmem>>, %arg7: memref<!tpu.dma_semaphore, #tpu.memory_space<semaphore_mem>>) attributes {dimension_semantics = [#tpu.dimension_semantics<core_parallel>, #tpu.dimension_semantics<subcore_parallel>], iteration_bounds = array<i64: 2, 16>, scalar_prefetch = 0 : i64, scratch_operands = 3 : i64, tpu.core_type = #tpu.core_type<sc_vector_subcore>, window_params = [{transform_indices = #map}, {transform_indices = #map1}, {transform_indices = #map}]} {
    %mul3A = arith.constant 2 : i32
    %mul3A_0 = arith.muli %arg1, %mul3A : i32
    %add3A = arith.addi %mul3A_0, %arg0 : i32
    %scan3A = arith.constant 0 : i32
    %scan3A_1 = arith.constant 0 : i32
    %mul3A_2 = arith.constant 32 : i32
    %mul3A_3 = arith.muli %add3A, %mul3A_2 : i32
    %mul3A_4 = arith.constant 32 : i32
    %mul3A_5 = arith.muli %scan3A_1, %mul3A_4 : i32
    %add3A_6 = arith.addi %mul3A_3, %mul3A_5 : i32
    "tpu.region"() ({
      %run_scoped3A = tpu.sem_alloc : memref<!tpu.dma_semaphore, #tpu.memory_space<semaphore_mem>>
      %dma_start3A_12 = tpu.memref_slice %arg3[%add3A_6] : memref<1024xi32, #tpu.memory_space<hbm>> -> memref<32xi32, #tpu.memory_space<hbm>>
      %dma_start3A_13 = tpu.memref_slice %arg3[%add3A_6] : memref<1024xi32, #tpu.memory_space<hbm>> -> memref<32xi32, #tpu.memory_space<hbm>>
      tpu.enqueue_dma source(%dma_start3A_13 : memref<32xi32, #tpu.memory_space<hbm>>) target(%arg5 : memref<32xi32, #tpu.memory_space<vmem>>) target_semaphore(%run_scoped3A : memref<!tpu.dma_semaphore, #tpu.memory_space<semaphore_mem>>)
      %dma_wait3A_14 = tpu.memref_slice %arg3[%add3A_6] : memref<1024xi32, #tpu.memory_space<hbm>> -> memref<32xi32, #tpu.memory_space<hbm>>
      %dma_wait3A_15 = tpu.memref_slice %arg3[%add3A_6] : memref<1024xi32, #tpu.memory_space<hbm>> -> memref<32xi32, #tpu.memory_space<hbm>>
      tpu.wait_dma2 semaphore(%run_scoped3A : memref<!tpu.dma_semaphore, #tpu.memory_space<semaphore_mem>>) src(%dma_wait3A_15 : memref<32xi32, #tpu.memory_space<hbm>>) dst(%arg5 : memref<32xi32, #tpu.memory_space<vmem>>)
      tpu.yield
    }) : () -> ()
    %dma_start3A = arith.constant 0 : i32
    %dma_start3A_7 = arith.constant 0 : i32
    %dma_start3A_8 = tpu.memref_slice %arg2[%dma_start3A, %dma_start3A_7] : memref<100000x64xi32, #tpu.memory_space<hbm>> -> memref<100000x64xi32, #tpu.memory_space<hbm>>
    tpu.enqueue_indirect_dma source(%dma_start3A_8 : memref<100000x64xi32, #tpu.memory_space<hbm>>) target(%arg6 : memref<32x64xi32, #tpu.memory_space<vmem>>) offsets(%arg5 : memref<32xi32, #tpu.memory_space<vmem>>) semaphore(%arg7 : memref<!tpu.dma_semaphore, #tpu.memory_space<semaphore_mem>>)
    %dma_wait3A = arith.constant 0 : i32
    %dma_wait3A_9 = arith.constant 0 : i32
    %dma_wait3A_10 = tpu.memref_slice %arg2[%dma_wait3A, %dma_wait3A_9] : memref<100000x64xi32, #tpu.memory_space<hbm>> -> memref<100000x64xi32, #tpu.memory_space<hbm>>
    tpu.wait_indirect_dma semaphore(%arg7 : memref<!tpu.dma_semaphore, #tpu.memory_space<semaphore_mem>>) src(%dma_wait3A_10 : memref<100000x64xi32, #tpu.memory_space<hbm>>) dst(%arg6 : memref<32x64xi32, #tpu.memory_space<vmem>>)
    "tpu.region"() ({
      %run_scoped3A = tpu.sem_alloc : memref<!tpu.dma_semaphore, #tpu.memory_space<semaphore_mem>>
      %dma_start3A_12 = arith.constant 0 : i32
      %dma_start3A_13 = tpu.memref_slice %arg4[%add3A_6, %dma_start3A_12] : memref<1024x64xi32, #tpu.memory_space<hbm>> -> memref<32x64xi32, #tpu.memory_space<hbm>>
      %dma_start3A_14 = arith.constant 0 : i32
      %dma_start3A_15 = tpu.memref_slice %arg4[%add3A_6, %dma_start3A_14] : memref<1024x64xi32, #tpu.memory_space<hbm>> -> memref<32x64xi32, #tpu.memory_space<hbm>>
      tpu.enqueue_dma source(%arg6 : memref<32x64xi32, #tpu.memory_space<vmem>>) target(%dma_start3A_15 : memref<32x64xi32, #tpu.memory_space<hbm>>) target_semaphore(%run_scoped3A : memref<!tpu.dma_semaphore, #tpu.memory_space<semaphore_mem>>)
      %dma_wait3A_16 = arith.constant 0 : i32
      %dma_wait3A_17 = tpu.memref_slice %arg4[%add3A_6, %dma_wait3A_16] : memref<1024x64xi32, #tpu.memory_space<hbm>> -> memref<32x64xi32, #tpu.memory_space<hbm>>
      %dma_wait3A_18 = arith.constant 0 : i32
      %dma_wait3A_19 = tpu.memref_slice %arg4[%add3A_6, %dma_wait3A_18] : memref<1024x64xi32, #tpu.memory_space<hbm>> -> memref<32x64xi32, #tpu.memory_space<hbm>>
      tpu.wait_dma2 semaphore(%run_scoped3A : memref<!tpu.dma_semaphore, #tpu.memory_space<semaphore_mem>>) src(%arg6 : memref<32x64xi32, #tpu.memory_space<vmem>>) dst(%dma_wait3A_19 : memref<32x64xi32, #tpu.memory_space<hbm>>)
      tpu.yield
    }) : () -> ()
    %scan3A_11 = arith.constant 1 : i32
    return
  }
}

module attributes {stable_mosaic.version = 14 : i64} {
  func.func @_stage_a_body(%arg0: i32, %arg1: memref<5120x128xf32, #tpu.memory_space<vmem>>, %arg2: memref<512x128xi32, #tpu.memory_space<vmem>>, %arg3: memref<8x64xf32, #tpu.memory_space<vmem>>, %arg4: memref<64x64xf32, #tpu.memory_space<vmem>>, %arg5: memref<64x64xf32, #tpu.memory_space<vmem>>, %arg6: memref<1x64xf32, #tpu.memory_space<vmem>>, %arg7: memref<64x64xf32, #tpu.memory_space<vmem>>, %arg8: memref<64x64xf32, #tpu.memory_space<vmem>>, %arg9: memref<1x64xf32, #tpu.memory_space<vmem>>, %arg10: memref<64x64xf32, #tpu.memory_space<vmem>>, %arg11: memref<1x64xf32, #tpu.memory_space<vmem>>, %arg12: memref<1x64xf32, #tpu.memory_space<vmem>>, %arg13: memref<64x64xf32, #tpu.memory_space<vmem>>, %arg14: memref<1x64xf32, #tpu.memory_space<vmem>>, %arg15: memref<64x64xf32, #tpu.memory_space<vmem>>, %arg16: memref<64x64xf32, #tpu.memory_space<vmem>>, %arg17: memref<1x64xf32, #tpu.memory_space<vmem>>, %arg18: memref<512x64xf32, #tpu.memory_space<vmem>>) attributes {dimension_semantics = [#tpu.dimension_semantics<arbitrary>], iteration_bounds = array<i64: 21>, scalar_prefetch = 0 : i64, scratch_operands = 0 : i64, tpu.core_type = #tpu.core_type<tc>, window_params = [{transform_indices = @transform_0, window_bounds = array<i64: 5120, 128>}, {transform_indices = @transform_1, window_bounds = array<i64: 512, 128>}, {pipeline_mode = #tpu.pipeline_mode<synchronous>, transform_indices = @transform_2, window_bounds = array<i64: 8, 64>}, {pipeline_mode = #tpu.pipeline_mode<synchronous>, transform_indices = @transform_3, window_bounds = array<i64: 64, 64>}, {pipeline_mode = #tpu.pipeline_mode<synchronous>, transform_indices = @transform_4, window_bounds = array<i64: 64, 64>}, {pipeline_mode = #tpu.pipeline_mode<synchronous>, transform_indices = @transform_5, window_bounds = array<i64: 1, 64>}, {pipeline_mode = #tpu.pipeline_mode<synchronous>, transform_indices = @transform_6, window_bounds = array<i64: 64, 64>}, {pipeline_mode = #tpu.pipeline_mode<synchronous>, transform_indices = @transform_7, window_bounds = array<i64: 64, 64>}, {pipeline_mode = #tpu.pipeline_mode<synchronous>, transform_indices = @transform_8, window_bounds = array<i64: 1, 64>}, {pipeline_mode = #tpu.pipeline_mode<synchronous>, transform_indices = @transform_9, window_bounds = array<i64: 64, 64>}, {pipeline_mode = #tpu.pipeline_mode<synchronous>, transform_indices = @transform_10, window_bounds = array<i64: 1, 64>}, {pipeline_mode = #tpu.pipeline_mode<synchronous>, transform_indices = @transform_11, window_bounds = array<i64: 1, 64>}, {pipeline_mode = #tpu.pipeline_mode<synchronous>, transform_indices = @transform_12, window_bounds = array<i64: 64, 64>}, {pipeline_mode = #tpu.pipeline_mode<synchronous>, transform_indices = @transform_13, window_bounds = array<i64: 1, 64>}, {pipeline_mode = #tpu.pipeline_mode<synchronous>, transform_indices = @transform_14, window_bounds = array<i64: 64, 64>}, {pipeline_mode = #tpu.pipeline_mode<synchronous>, transform_indices = @transform_15, window_bounds = array<i64: 64, 64>}, {pipeline_mode = #tpu.pipeline_mode<synchronous>, transform_indices = @transform_16, window_bounds = array<i64: 1, 64>}, {transform_indices = @transform_17, window_bounds = array<i64: 512, 64>}]} {
    %get3A = arith.constant 0 : index
    %get3A_0 = arith.constant 0 : index
    %get3A_1 = vector.load %arg3[%get3A, %get3A_0] : memref<8x64xf32, #tpu.memory_space<vmem>>, vector<8x64xf32>
    %get3A_2 = arith.constant 0 : index
    %get3A_3 = arith.constant 0 : index
    %get3A_4 = vector.load %arg5[%get3A_2, %get3A_3] : memref<64x64xf32, #tpu.memory_space<vmem>>, vector<64x64xf32>
    %convert_element_type3A = arith.truncf %get3A_1 : vector<8x64xf32> to vector<8x64xbf16>
    %convert_element_type3A_5 = arith.truncf %get3A_4 : vector<64x64xf32> to vector<64x64xbf16>
    %dot_general3A = arith.constant dense<0.000000e+00> : vector<8x64xf32>
    %dot_general3A_6 = tpu.matmul %convert_element_type3A, %convert_element_type3A_5, %dot_general3A {dimension_numbers = #tpu.dot_dimension_numbers<[1], [0], [0], [1], [0, 0, 1, 1], [], []>, transpose_lhs_hint = false} : vector<8x64xbf16>, vector<64x64xbf16>, vector<8x64xf32> -> vector<8x64xf32>
    %iota3A = tpu.iota {dimensions = array<i32: 1>} : vector<1x8xi32>
    %get3A_7 = arith.constant 0 : index
    %get3A_8 = arith.constant 64 : index
    %get3A_9 = vector.load %arg2[%get3A_7, %get3A_8] : memref<512x128xi32, #tpu.memory_space<vmem>>, vector<256x64xi32>
    %bitcast_convert_type3A = tpu.bitcast %get3A_9 : vector<256x64xi32> -> vector<256x64xf32>
    %get3A_10 = arith.constant 0 : index
    %get3A_11 = arith.constant 0 : index
    %get3A_12 = vector.load %arg1[%get3A_10, %get3A_11] : memref<5120x128xf32, #tpu.memory_space<vmem>>, vector<5120x64xf32>
    %get3A_13 = arith.constant 0 : index
    %get3A_14 = arith.constant 20 : index
    %get3A_15 = vector.load %arg2[%get3A_13, %get3A_14] : memref<512x128xi32, #tpu.memory_space<vmem>>, vector<256x1xi32>
    %eq3A = vector.broadcast %get3A_15 : vector<256x1xi32> to vector<256x8xi32>
    %eq3A_16 = vector.broadcast %iota3A : vector<1x8xi32> to vector<256x8xi32>
    %eq3A_17 = arith.cmpi eq, %eq3A, %eq3A_16 : vector<256x8xi32>
    %convert_element_type3A_18 = arith.extui %eq3A_17 : vector<256x8xi1> to vector<256x8xi32>
    %convert_element_type3A_19 = arith.sitofp %convert_element_type3A_18 : vector<256x8xi32> to vector<256x8xf32>
    %get3A_20 = arith.constant 0 : index
    %get3A_21 = arith.constant 21 : index
    %get3A_22 = vector.load %arg2[%get3A_20, %get3A_21] : memref<512x128xi32, #tpu.memory_space<vmem>>, vector<256x1xi32>
    %eq3A_23 = vector.broadcast %get3A_22 : vector<256x1xi32> to vector<256x8xi32>
    %eq3A_24 = vector.broadcast %iota3A : vector<1x8xi32> to vector<256x8xi32>
    %eq3A_25 = arith.cmpi eq, %eq3A_23, %eq3A_24 : vector<256x8xi32>
    %convert_element_type3A_26 = arith.extui %eq3A_25 : vector<256x8xi1> to vector<256x8xi32>
    %convert_element_type3A_27 = arith.sitofp %convert_element_type3A_26 : vector<256x8xi32> to vector<256x8xf32>
    %get3A_28 = arith.constant 0 : index
    %get3A_29 = arith.constant 22 : index
    %get3A_30 = vector.load %arg2[%get3A_28, %get3A_29] : memref<512x128xi32, #tpu.memory_space<vmem>>, vector<256x1xi32>
    %eq3A_31 = vector.broadcast %get3A_30 : vector<256x1xi32> to vector<256x8xi32>
    %eq3A_32 = vector.broadcast %iota3A : vector<1x8xi32> to vector<256x8xi32>
    %eq3A_33 = arith.cmpi eq, %eq3A_31, %eq3A_32 : vector<256x8xi32>
    %convert_element_type3A_34 = arith.extui %eq3A_33 : vector<256x8xi1> to vector<256x8xi32>
    %convert_element_type3A_35 = arith.sitofp %convert_element_type3A_34 : vector<256x8xi32> to vector<256x8xf32>
    %get3A_36 = arith.constant 0 : index
    %get3A_37 = arith.constant 23 : index
    %get3A_38 = vector.load %arg2[%get3A_36, %get3A_37] : memref<512x128xi32, #tpu.memory_space<vmem>>, vector<256x1xi32>
    %eq3A_39 = vector.broadcast %get3A_38 : vector<256x1xi32> to vector<256x8xi32>
    %eq3A_40 = vector.broadcast %iota3A : vector<1x8xi32> to vector<256x8xi32>
    %eq3A_41 = arith.cmpi eq, %eq3A_39, %eq3A_40 : vector<256x8xi32>
    %convert_element_type3A_42 = arith.extui %eq3A_41 : vector<256x8xi1> to vector<256x8xi32>
    %convert_element_type3A_43 = arith.sitofp %convert_element_type3A_42 : vector<256x8xi32> to vector<256x8xf32>
    %get3A_44 = arith.constant 0 : index
    %get3A_45 = arith.constant 24 : index
    %get3A_46 = vector.load %arg2[%get3A_44, %get3A_45] : memref<512x128xi32, #tpu.memory_space<vmem>>, vector<256x1xi32>
    %eq3A_47 = vector.broadcast %get3A_46 : vector<256x1xi32> to vector<256x8xi32>
    %eq3A_48 = vector.broadcast %iota3A : vector<1x8xi32> to vector<256x8xi32>
    %eq3A_49 = arith.cmpi eq, %eq3A_47, %eq3A_48 : vector<256x8xi32>
    %convert_element_type3A_50 = arith.extui %eq3A_49 : vector<256x8xi1> to vector<256x8xi32>
    %convert_element_type3A_51 = arith.sitofp %convert_element_type3A_50 : vector<256x8xi32> to vector<256x8xf32>
    %get3A_52 = arith.constant 0 : index
    %get3A_53 = arith.constant 25 : index
    %get3A_54 = vector.load %arg2[%get3A_52, %get3A_53] : memref<512x128xi32, #tpu.memory_space<vmem>>, vector<256x1xi32>
    %eq3A_55 = vector.broadcast %get3A_54 : vector<256x1xi32> to vector<256x8xi32>
    %eq3A_56 = vector.broadcast %iota3A : vector<1x8xi32> to vector<256x8xi32>
    %eq3A_57 = arith.cmpi eq, %eq3A_55, %eq3A_56 : vector<256x8xi32>
    %convert_element_type3A_58 = arith.extui %eq3A_57 : vector<256x8xi1> to vector<256x8xi32>
    %convert_element_type3A_59 = arith.sitofp %convert_element_type3A_58 : vector<256x8xi32> to vector<256x8xf32>
    %get3A_60 = arith.constant 0 : index
    %get3A_61 = arith.constant 26 : index
    %get3A_62 = vector.load %arg2[%get3A_60, %get3A_61] : memref<512x128xi32, #tpu.memory_space<vmem>>, vector<256x1xi32>
    %eq3A_63 = vector.broadcast %get3A_62 : vector<256x1xi32> to vector<256x8xi32>
    %eq3A_64 = vector.broadcast %iota3A : vector<1x8xi32> to vector<256x8xi32>
    %eq3A_65 = arith.cmpi eq, %eq3A_63, %eq3A_64 : vector<256x8xi32>
    %convert_element_type3A_66 = arith.extui %eq3A_65 : vector<256x8xi1> to vector<256x8xi32>
    %convert_element_type3A_67 = arith.sitofp %convert_element_type3A_66 : vector<256x8xi32> to vector<256x8xf32>
    %get3A_68 = arith.constant 0 : index
    %get3A_69 = arith.constant 27 : index
    %get3A_70 = vector.load %arg2[%get3A_68, %get3A_69] : memref<512x128xi32, #tpu.memory_space<vmem>>, vector<256x1xi32>
    %eq3A_71 = vector.broadcast %get3A_70 : vector<256x1xi32> to vector<256x8xi32>
    %eq3A_72 = vector.broadcast %iota3A : vector<1x8xi32> to vector<256x8xi32>
    %eq3A_73 = arith.cmpi eq, %eq3A_71, %eq3A_72 : vector<256x8xi32>
    %convert_element_type3A_74 = arith.extui %eq3A_73 : vector<256x8xi1> to vector<256x8xi32>
    %convert_element_type3A_75 = arith.sitofp %convert_element_type3A_74 : vector<256x8xi32> to vector<256x8xf32>
    %get3A_76 = arith.constant 0 : index
    %get3A_77 = arith.constant 28 : index
    %get3A_78 = vector.load %arg2[%get3A_76, %get3A_77] : memref<512x128xi32, #tpu.memory_space<vmem>>, vector<256x1xi32>
    %eq3A_79 = vector.broadcast %get3A_78 : vector<256x1xi32> to vector<256x8xi32>
    %eq3A_80 = vector.broadcast %iota3A : vector<1x8xi32> to vector<256x8xi32>
    %eq3A_81 = arith.cmpi eq, %eq3A_79, %eq3A_80 : vector<256x8xi32>
    %convert_element_type3A_82 = arith.extui %eq3A_81 : vector<256x8xi1> to vector<256x8xi32>
    %convert_element_type3A_83 = arith.sitofp %convert_element_type3A_82 : vector<256x8xi32> to vector<256x8xf32>
    %get3A_84 = arith.constant 0 : index
    %get3A_85 = arith.constant 29 : index
    %get3A_86 = vector.load %arg2[%get3A_84, %get3A_85] : memref<512x128xi32, #tpu.memory_space<vmem>>, vector<256x1xi32>
    %eq3A_87 = vector.broadcast %get3A_86 : vector<256x1xi32> to vector<256x8xi32>
    %eq3A_88 = vector.broadcast %iota3A : vector<1x8xi32> to vector<256x8xi32>
    %eq3A_89 = arith.cmpi eq, %eq3A_87, %eq3A_88 : vector<256x8xi32>
    %convert_element_type3A_90 = arith.extui %eq3A_89 : vector<256x8xi1> to vector<256x8xi32>
    %convert_element_type3A_91 = arith.sitofp %convert_element_type3A_90 : vector<256x8xi32> to vector<256x8xf32>
    %get3A_92 = arith.constant 0 : index
    %get3A_93 = arith.constant 30 : index
    %get3A_94 = vector.load %arg2[%get3A_92, %get3A_93] : memref<512x128xi32, #tpu.memory_space<vmem>>, vector<256x1xi32>
    %eq3A_95 = vector.broadcast %get3A_94 : vector<256x1xi32> to vector<256x8xi32>
    %eq3A_96 = vector.broadcast %iota3A : vector<1x8xi32> to vector<256x8xi32>
    %eq3A_97 = arith.cmpi eq, %eq3A_95, %eq3A_96 : vector<256x8xi32>
    %convert_element_type3A_98 = arith.extui %eq3A_97 : vector<256x8xi1> to vector<256x8xi32>
    %convert_element_type3A_99 = arith.sitofp %convert_element_type3A_98 : vector<256x8xi32> to vector<256x8xf32>
    %get3A_100 = arith.constant 0 : index
    %get3A_101 = arith.constant 31 : index
    %get3A_102 = vector.load %arg2[%get3A_100, %get3A_101] : memref<512x128xi32, #tpu.memory_space<vmem>>, vector<256x1xi32>
    %eq3A_103 = vector.broadcast %get3A_102 : vector<256x1xi32> to vector<256x8xi32>
    %eq3A_104 = vector.broadcast %iota3A : vector<1x8xi32> to vector<256x8xi32>
    %eq3A_105 = arith.cmpi eq, %eq3A_103, %eq3A_104 : vector<256x8xi32>
    %convert_element_type3A_106 = arith.extui %eq3A_105 : vector<256x8xi1> to vector<256x8xi32>
    %convert_element_type3A_107 = arith.sitofp %convert_element_type3A_106 : vector<256x8xi32> to vector<256x8xf32>
    %get3A_108 = arith.constant 0 : index
    %get3A_109 = arith.constant 32 : index
    %get3A_110 = vector.load %arg2[%get3A_108, %get3A_109] : memref<512x128xi32, #tpu.memory_space<vmem>>, vector<256x1xi32>
    %eq3A_111 = vector.broadcast %get3A_110 : vector<256x1xi32> to vector<256x8xi32>
    %eq3A_112 = vector.broadcast %iota3A : vector<1x8xi32> to vector<256x8xi32>
    %eq3A_113 = arith.cmpi eq, %eq3A_111, %eq3A_112 : vector<256x8xi32>
    %convert_element_type3A_114 = arith.extui %eq3A_113 : vector<256x8xi1> to vector<256x8xi32>
    %convert_element_type3A_115 = arith.sitofp %convert_element_type3A_114 : vector<256x8xi32> to vector<256x8xf32>
    %get3A_116 = arith.constant 0 : index
    %get3A_117 = arith.constant 33 : index
    %get3A_118 = vector.load %arg2[%get3A_116, %get3A_117] : memref<512x128xi32, #tpu.memory_space<vmem>>, vector<256x1xi32>
    %eq3A_119 = vector.broadcast %get3A_118 : vector<256x1xi32> to vector<256x8xi32>
    %eq3A_120 = vector.broadcast %iota3A : vector<1x8xi32> to vector<256x8xi32>
    %eq3A_121 = arith.cmpi eq, %eq3A_119, %eq3A_120 : vector<256x8xi32>
    %convert_element_type3A_122 = arith.extui %eq3A_121 : vector<256x8xi1> to vector<256x8xi32>
    %convert_element_type3A_123 = arith.sitofp %convert_element_type3A_122 : vector<256x8xi32> to vector<256x8xf32>
    %get3A_124 = arith.constant 0 : index
    %get3A_125 = arith.constant 34 : index
    %get3A_126 = vector.load %arg2[%get3A_124, %get3A_125] : memref<512x128xi32, #tpu.memory_space<vmem>>, vector<256x1xi32>
    %eq3A_127 = vector.broadcast %get3A_126 : vector<256x1xi32> to vector<256x8xi32>
    %eq3A_128 = vector.broadcast %iota3A : vector<1x8xi32> to vector<256x8xi32>
    %eq3A_129 = arith.cmpi eq, %eq3A_127, %eq3A_128 : vector<256x8xi32>
    %convert_element_type3A_130 = arith.extui %eq3A_129 : vector<256x8xi1> to vector<256x8xi32>
    %convert_element_type3A_131 = arith.sitofp %convert_element_type3A_130 : vector<256x8xi32> to vector<256x8xf32>
    %get3A_132 = arith.constant 0 : index
    %get3A_133 = arith.constant 35 : index
    %get3A_134 = vector.load %arg2[%get3A_132, %get3A_133] : memref<512x128xi32, #tpu.memory_space<vmem>>, vector<256x1xi32>
    %eq3A_135 = vector.broadcast %get3A_134 : vector<256x1xi32> to vector<256x8xi32>
    %eq3A_136 = vector.broadcast %iota3A : vector<1x8xi32> to vector<256x8xi32>
    %eq3A_137 = arith.cmpi eq, %eq3A_135, %eq3A_136 : vector<256x8xi32>
    %convert_element_type3A_138 = arith.extui %eq3A_137 : vector<256x8xi1> to vector<256x8xi32>
    %convert_element_type3A_139 = arith.sitofp %convert_element_type3A_138 : vector<256x8xi32> to vector<256x8xf32>
    %get3A_140 = arith.constant 0 : index
    %get3A_141 = arith.constant 36 : index
    %get3A_142 = vector.load %arg2[%get3A_140, %get3A_141] : memref<512x128xi32, #tpu.memory_space<vmem>>, vector<256x1xi32>
    %eq3A_143 = vector.broadcast %get3A_142 : vector<256x1xi32> to vector<256x8xi32>
    %eq3A_144 = vector.broadcast %iota3A : vector<1x8xi32> to vector<256x8xi32>
    %eq3A_145 = arith.cmpi eq, %eq3A_143, %eq3A_144 : vector<256x8xi32>
    %convert_element_type3A_146 = arith.extui %eq3A_145 : vector<256x8xi1> to vector<256x8xi32>
    %convert_element_type3A_147 = arith.sitofp %convert_element_type3A_146 : vector<256x8xi32> to vector<256x8xf32>
    %get3A_148 = arith.constant 0 : index
    %get3A_149 = arith.constant 37 : index
    %get3A_150 = vector.load %arg2[%get3A_148, %get3A_149] : memref<512x128xi32, #tpu.memory_space<vmem>>, vector<256x1xi32>
    %eq3A_151 = vector.broadcast %get3A_150 : vector<256x1xi32> to vector<256x8xi32>
    %eq3A_152 = vector.broadcast %iota3A : vector<1x8xi32> to vector<256x8xi32>
    %eq3A_153 = arith.cmpi eq, %eq3A_151, %eq3A_152 : vector<256x8xi32>
    %convert_element_type3A_154 = arith.extui %eq3A_153 : vector<256x8xi1> to vector<256x8xi32>
    %convert_element_type3A_155 = arith.sitofp %convert_element_type3A_154 : vector<256x8xi32> to vector<256x8xf32>
    %get3A_156 = arith.constant 0 : index
    %get3A_157 = arith.constant 38 : index
    %get3A_158 = vector.load %arg2[%get3A_156, %get3A_157] : memref<512x128xi32, #tpu.memory_space<vmem>>, vector<256x1xi32>
    %eq3A_159 = vector.broadcast %get3A_158 : vector<256x1xi32> to vector<256x8xi32>
    %eq3A_160 = vector.broadcast %iota3A : vector<1x8xi32> to vector<256x8xi32>
    %eq3A_161 = arith.cmpi eq, %eq3A_159, %eq3A_160 : vector<256x8xi32>
    %convert_element_type3A_162 = arith.extui %eq3A_161 : vector<256x8xi1> to vector<256x8xi32>
    %convert_element_type3A_163 = arith.sitofp %convert_element_type3A_162 : vector<256x8xi32> to vector<256x8xf32>
    %get3A_164 = arith.constant 0 : index
    %get3A_165 = arith.constant 39 : index
    %get3A_166 = vector.load %arg2[%get3A_164, %get3A_165] : memref<512x128xi32, #tpu.memory_space<vmem>>, vector<256x1xi32>
    %eq3A_167 = vector.broadcast %get3A_166 : vector<256x1xi32> to vector<256x8xi32>
    %eq3A_168 = vector.broadcast %iota3A : vector<1x8xi32> to vector<256x8xi32>
    %eq3A_169 = arith.cmpi eq, %eq3A_167, %eq3A_168 : vector<256x8xi32>
    %convert_element_type3A_170 = arith.extui %eq3A_169 : vector<256x8xi1> to vector<256x8xi32>
    %convert_element_type3A_171 = arith.sitofp %convert_element_type3A_170 : vector<256x8xi32> to vector<256x8xf32>
    %concatenate3A = tpu.concatenate %convert_element_type3A_19, %convert_element_type3A_27, %convert_element_type3A_35, %convert_element_type3A_43, %convert_element_type3A_51, %convert_element_type3A_59, %convert_element_type3A_67, %convert_element_type3A_75, %convert_element_type3A_83, %convert_element_type3A_91, %convert_element_type3A_99, %convert_element_type3A_107, %convert_element_type3A_115, %convert_element_type3A_123, %convert_element_type3A_131, %convert_element_type3A_139, %convert_element_type3A_147, %convert_element_type3A_155, %convert_element_type3A_163, %convert_element_type3A_171 in 0 : vector<256x8xf32>, vector<256x8xf32>, vector<256x8xf32>, vector<256x8xf32>, vector<256x8xf32>, vector<256x8xf32>, vector<256x8xf32>, vector<256x8xf32>, vector<256x8xf32>, vector<256x8xf32>, vector<256x8xf32>, vector<256x8xf32>, vector<256x8xf32>, vector<256x8xf32>, vector<256x8xf32>, vector<256x8xf32>, vector<256x8xf32>, vector<256x8xf32>, vector<256x8xf32>, vector<256x8xf32> -> vector<5120x8xf32>
    %get3A_172 = arith.constant 0 : index
    %get3A_173 = arith.constant 0 : index
    %get3A_174 = vector.load %arg8[%get3A_172, %get3A_173] : memref<64x64xf32, #tpu.memory_space<vmem>>, vector<64x64xf32>
    %convert_element_type3A_175 = arith.truncf %bitcast_convert_type3A : vector<256x64xf32> to vector<256x64xbf16>
    %convert_element_type3A_176 = arith.truncf %get3A_174 : vector<64x64xf32> to vector<64x64xbf16>
    %dot_general3A_177 = arith.constant dense<0.000000e+00> : vector<256x64xf32>
    %dot_general3A_178 = tpu.matmul %convert_element_type3A_175, %convert_element_type3A_176, %dot_general3A_177 {dimension_numbers = #tpu.dot_dimension_numbers<[1], [0], [0], [1], [0, 0, 1, 1], [], []>, transpose_lhs_hint = false} : vector<256x64xbf16>, vector<64x64xbf16>, vector<256x64xf32> -> vector<256x64xf32>
    %get3A_179 = arith.constant 0 : index
    %get3A_180 = arith.constant 0 : index
    %get3A_181 = vector.load %arg9[%get3A_179, %get3A_180] : memref<1x64xf32, #tpu.memory_space<vmem>>, vector<1x64xf32>
    %add3A = vector.broadcast %get3A_181 : vector<1x64xf32> to vector<256x64xf32>
    %add3A_182 = arith.addf %dot_general3A_178, %add3A : vector<256x64xf32>
    %broadcast_in_dim3A = vector.shape_cast %add3A_182 : vector<256x64xf32> to vector<1x256x64xf32>
    %broadcast_in_dim3A_183 = vector.shape_cast %broadcast_in_dim3A : vector<1x256x64xf32> to vector<1x256x64xf32>
    %broadcast_in_dim3A_184 = vector.broadcast %broadcast_in_dim3A_183 : vector<1x256x64xf32> to vector<20x256x64xf32>
    %reshape3A = vector.shape_cast %broadcast_in_dim3A_184 : vector<20x256x64xf32> to vector<5120x64xf32>
    %get3A_185 = arith.constant 0 : index
    %get3A_186 = arith.constant 0 : index
    %get3A_187 = vector.load %arg4[%get3A_185, %get3A_186] : memref<64x64xf32, #tpu.memory_space<vmem>>, vector<64x64xf32>
    %convert_element_type3A_188 = arith.truncf %get3A_12 : vector<5120x64xf32> to vector<5120x64xbf16>
    %convert_element_type3A_189 = arith.truncf %get3A_187 : vector<64x64xf32> to vector<64x64xbf16>
    %dot_general3A_190 = arith.constant dense<0.000000e+00> : vector<5120x64xf32>
    %dot_general3A_191 = tpu.matmul %convert_element_type3A_188, %convert_element_type3A_189, %dot_general3A_190 {dimension_numbers = #tpu.dot_dimension_numbers<[1], [0], [0], [1], [0, 0, 1, 1], [], []>, transpose_lhs_hint = false} : vector<5120x64xbf16>, vector<64x64xbf16>, vector<5120x64xf32> -> vector<5120x64xf32>
    %convert_element_type3A_192 = arith.truncf %concatenate3A : vector<5120x8xf32> to vector<5120x8xbf16>
    %convert_element_type3A_193 = arith.truncf %dot_general3A_6 : vector<8x64xf32> to vector<8x64xbf16>
    %dot_general3A_194 = arith.constant dense<0.000000e+00> : vector<5120x64xf32>
    %dot_general3A_195 = tpu.matmul %convert_element_type3A_192, %convert_element_type3A_193, %dot_general3A_194 {dimension_numbers = #tpu.dot_dimension_numbers<[1], [0], [0], [1], [0, 0, 1, 1], [], []>, transpose_lhs_hint = false} : vector<5120x8xbf16>, vector<8x64xbf16>, vector<5120x64xf32> -> vector<5120x64xf32>
    %add3A_196 = arith.addf %dot_general3A_191, %dot_general3A_195 : vector<5120x64xf32>
    %get3A_197 = arith.constant 0 : index
    %get3A_198 = arith.constant 0 : index
    %get3A_199 = vector.load %arg6[%get3A_197, %get3A_198] : memref<1x64xf32, #tpu.memory_space<vmem>>, vector<1x64xf32>
    %add3A_200 = vector.broadcast %get3A_199 : vector<1x64xf32> to vector<5120x64xf32>
    %add3A_201 = arith.addf %add3A_196, %add3A_200 : vector<5120x64xf32>
    %max3A = arith.constant 0.000000e+00 : f32
    %max3A_202 = vector.broadcast %max3A : f32 to vector<5120x64xf32>
    %max3A_203 = arith.maximumf %add3A_201, %max3A_202 : vector<5120x64xf32>
    %get3A_204 = arith.constant 0 : index
    %get3A_205 = arith.constant 0 : index
    %get3A_206 = vector.load %arg7[%get3A_204, %get3A_205] : memref<64x64xf32, #tpu.memory_space<vmem>>, vector<64x64xf32>
    %convert_element_type3A_207 = arith.truncf %max3A_203 : vector<5120x64xf32> to vector<5120x64xbf16>
    %convert_element_type3A_208 = arith.truncf %get3A_206 : vector<64x64xf32> to vector<64x64xbf16>
    %dot_general3A_209 = arith.constant dense<0.000000e+00> : vector<5120x64xf32>
    %dot_general3A_210 = tpu.matmul %convert_element_type3A_207, %convert_element_type3A_208, %dot_general3A_209 {dimension_numbers = #tpu.dot_dimension_numbers<[1], [0], [0], [1], [0, 0, 1, 1], [], []>, transpose_lhs_hint = false} : vector<5120x64xbf16>, vector<64x64xbf16>, vector<5120x64xf32> -> vector<5120x64xf32>
    %add3A_211 = arith.addf %dot_general3A_210, %reshape3A : vector<5120x64xf32>
    %max3A_212 = arith.constant 0.000000e+00 : f32
    %max3A_213 = vector.broadcast %max3A_212 : f32 to vector<5120x64xf32>
    %max3A_214 = arith.maximumf %add3A_211, %max3A_213 : vector<5120x64xf32>
    %get3A_215 = arith.constant 0 : index
    %get3A_216 = arith.constant 0 : index
    %get3A_217 = vector.load %arg10[%get3A_215, %get3A_216] : memref<64x64xf32, #tpu.memory_space<vmem>>, vector<64x64xf32>
    %convert_element_type3A_218 = arith.truncf %max3A_214 : vector<5120x64xf32> to vector<5120x64xbf16>
    %convert_element_type3A_219 = arith.truncf %get3A_217 : vector<64x64xf32> to vector<64x64xbf16>
    %dot_general3A_220 = arith.constant dense<0.000000e+00> : vector<5120x64xf32>
    %dot_general3A_221 = tpu.matmul %convert_element_type3A_218, %convert_element_type3A_219, %dot_general3A_220 {dimension_numbers = #tpu.dot_dimension_numbers<[1], [0], [0], [1], [0, 0, 1, 1], [], []>, transpose_lhs_hint = false} : vector<5120x64xbf16>, vector<64x64xbf16>, vector<5120x64xf32> -> vector<5120x64xf32>
    %get3A_222 = arith.constant 0 : index
    %get3A_223 = arith.constant 0 : index
    %get3A_224 = vector.load %arg11[%get3A_222, %get3A_223] : memref<1x64xf32, #tpu.memory_space<vmem>>, vector<1x64xf32>
    %add3A_225 = vector.broadcast %get3A_224 : vector<1x64xf32> to vector<5120x64xf32>
    %add3A_226 = arith.addf %dot_general3A_221, %add3A_225 : vector<5120x64xf32>
    %max3A_227 = arith.constant 0.000000e+00 : f32
    %max3A_228 = vector.broadcast %max3A_227 : f32 to vector<5120x64xf32>
    %max3A_229 = arith.maximumf %add3A_226, %max3A_228 : vector<5120x64xf32>
    %get3A_230 = arith.constant 0 : index
    %get3A_231 = arith.constant 0 : index
    %get3A_232 = vector.load %arg12[%get3A_230, %get3A_231] : memref<1x64xf32, #tpu.memory_space<vmem>>, vector<1x64xf32>
    %mul3A = vector.broadcast %get3A_232 : vector<1x64xf32> to vector<5120x64xf32>
    %mul3A_233 = arith.mulf %max3A_229, %mul3A : vector<5120x64xf32>
    %reduce_sum3A = arith.constant dense<0.000000e+00> : vector<5120xf32>
    %reduce_sum3A_234 = vector.multi_reduction <add>, %mul3A_233, %reduce_sum3A [1] : vector<5120x64xf32> to vector<5120xf32>
    %broadcast_in_dim3A_235 = vector.shape_cast %reduce_sum3A_234 : vector<5120xf32> to vector<5120x1xf32>
    %reshape3A_236 = vector.shape_cast %broadcast_in_dim3A_235 : vector<5120x1xf32> to vector<20x256x1xf32>
    %slice3A = vector.extract_strided_slice %reshape3A_236 {offsets = [0, 0, 0], sizes = [1, 256, 1], strides = [1, 1, 1]} : vector<20x256x1xf32> to vector<1x256x1xf32>
    %squeeze3A = vector.shape_cast %slice3A : vector<1x256x1xf32> to vector<256x1xf32>
    %slice3A_237 = vector.extract_strided_slice %reshape3A_236 {offsets = [1, 0, 0], sizes = [1, 256, 1], strides = [1, 1, 1]} : vector<20x256x1xf32> to vector<1x256x1xf32>
    %squeeze3A_238 = vector.shape_cast %slice3A_237 : vector<1x256x1xf32> to vector<256x1xf32>
    %max3A_239 = arith.maximumf %squeeze3A, %squeeze3A_238 : vector<256x1xf32>
    %slice3A_240 = vector.extract_strided_slice %reshape3A_236 {offsets = [2, 0, 0], sizes = [1, 256, 1], strides = [1, 1, 1]} : vector<20x256x1xf32> to vector<1x256x1xf32>
    %squeeze3A_241 = vector.shape_cast %slice3A_240 : vector<1x256x1xf32> to vector<256x1xf32>
    %max3A_242 = arith.maximumf %max3A_239, %squeeze3A_241 : vector<256x1xf32>
    %slice3A_243 = vector.extract_strided_slice %reshape3A_236 {offsets = [3, 0, 0], sizes = [1, 256, 1], strides = [1, 1, 1]} : vector<20x256x1xf32> to vector<1x256x1xf32>
    %squeeze3A_244 = vector.shape_cast %slice3A_243 : vector<1x256x1xf32> to vector<256x1xf32>
    %max3A_245 = arith.maximumf %max3A_242, %squeeze3A_244 : vector<256x1xf32>
    %slice3A_246 = vector.extract_strided_slice %reshape3A_236 {offsets = [4, 0, 0], sizes = [1, 256, 1], strides = [1, 1, 1]} : vector<20x256x1xf32> to vector<1x256x1xf32>
    %squeeze3A_247 = vector.shape_cast %slice3A_246 : vector<1x256x1xf32> to vector<256x1xf32>
    %max3A_248 = arith.maximumf %max3A_245, %squeeze3A_247 : vector<256x1xf32>
    %slice3A_249 = vector.extract_strided_slice %reshape3A_236 {offsets = [5, 0, 0], sizes = [1, 256, 1], strides = [1, 1, 1]} : vector<20x256x1xf32> to vector<1x256x1xf32>
    %squeeze3A_250 = vector.shape_cast %slice3A_249 : vector<1x256x1xf32> to vector<256x1xf32>
    %max3A_251 = arith.maximumf %max3A_248, %squeeze3A_250 : vector<256x1xf32>
    %slice3A_252 = vector.extract_strided_slice %reshape3A_236 {offsets = [6, 0, 0], sizes = [1, 256, 1], strides = [1, 1, 1]} : vector<20x256x1xf32> to vector<1x256x1xf32>
    %squeeze3A_253 = vector.shape_cast %slice3A_252 : vector<1x256x1xf32> to vector<256x1xf32>
    %max3A_254 = arith.maximumf %max3A_251, %squeeze3A_253 : vector<256x1xf32>
    %slice3A_255 = vector.extract_strided_slice %reshape3A_236 {offsets = [7, 0, 0], sizes = [1, 256, 1], strides = [1, 1, 1]} : vector<20x256x1xf32> to vector<1x256x1xf32>
    %squeeze3A_256 = vector.shape_cast %slice3A_255 : vector<1x256x1xf32> to vector<256x1xf32>
    %max3A_257 = arith.maximumf %max3A_254, %squeeze3A_256 : vector<256x1xf32>
    %slice3A_258 = vector.extract_strided_slice %reshape3A_236 {offsets = [8, 0, 0], sizes = [1, 256, 1], strides = [1, 1, 1]} : vector<20x256x1xf32> to vector<1x256x1xf32>
    %squeeze3A_259 = vector.shape_cast %slice3A_258 : vector<1x256x1xf32> to vector<256x1xf32>
    %max3A_260 = arith.maximumf %max3A_257, %squeeze3A_259 : vector<256x1xf32>
    %slice3A_261 = vector.extract_strided_slice %reshape3A_236 {offsets = [9, 0, 0], sizes = [1, 256, 1], strides = [1, 1, 1]} : vector<20x256x1xf32> to vector<1x256x1xf32>
    %squeeze3A_262 = vector.shape_cast %slice3A_261 : vector<1x256x1xf32> to vector<256x1xf32>
    %max3A_263 = arith.maximumf %max3A_260, %squeeze3A_262 : vector<256x1xf32>
    %slice3A_264 = vector.extract_strided_slice %reshape3A_236 {offsets = [10, 0, 0], sizes = [1, 256, 1], strides = [1, 1, 1]} : vector<20x256x1xf32> to vector<1x256x1xf32>
    %squeeze3A_265 = vector.shape_cast %slice3A_264 : vector<1x256x1xf32> to vector<256x1xf32>
    %max3A_266 = arith.maximumf %max3A_263, %squeeze3A_265 : vector<256x1xf32>
    %slice3A_267 = vector.extract_strided_slice %reshape3A_236 {offsets = [11, 0, 0], sizes = [1, 256, 1], strides = [1, 1, 1]} : vector<20x256x1xf32> to vector<1x256x1xf32>
    %squeeze3A_268 = vector.shape_cast %slice3A_267 : vector<1x256x1xf32> to vector<256x1xf32>
    %max3A_269 = arith.maximumf %max3A_266, %squeeze3A_268 : vector<256x1xf32>
    %slice3A_270 = vector.extract_strided_slice %reshape3A_236 {offsets = [12, 0, 0], sizes = [1, 256, 1], strides = [1, 1, 1]} : vector<20x256x1xf32> to vector<1x256x1xf32>
    %squeeze3A_271 = vector.shape_cast %slice3A_270 : vector<1x256x1xf32> to vector<256x1xf32>
    %max3A_272 = arith.maximumf %max3A_269, %squeeze3A_271 : vector<256x1xf32>
    %slice3A_273 = vector.extract_strided_slice %reshape3A_236 {offsets = [13, 0, 0], sizes = [1, 256, 1], strides = [1, 1, 1]} : vector<20x256x1xf32> to vector<1x256x1xf32>
    %squeeze3A_274 = vector.shape_cast %slice3A_273 : vector<1x256x1xf32> to vector<256x1xf32>
    %max3A_275 = arith.maximumf %max3A_272, %squeeze3A_274 : vector<256x1xf32>
    %slice3A_276 = vector.extract_strided_slice %reshape3A_236 {offsets = [14, 0, 0], sizes = [1, 256, 1], strides = [1, 1, 1]} : vector<20x256x1xf32> to vector<1x256x1xf32>
    %squeeze3A_277 = vector.shape_cast %slice3A_276 : vector<1x256x1xf32> to vector<256x1xf32>
    %max3A_278 = arith.maximumf %max3A_275, %squeeze3A_277 : vector<256x1xf32>
    %slice3A_279 = vector.extract_strided_slice %reshape3A_236 {offsets = [15, 0, 0], sizes = [1, 256, 1], strides = [1, 1, 1]} : vector<20x256x1xf32> to vector<1x256x1xf32>
    %squeeze3A_280 = vector.shape_cast %slice3A_279 : vector<1x256x1xf32> to vector<256x1xf32>
    %max3A_281 = arith.maximumf %max3A_278, %squeeze3A_280 : vector<256x1xf32>
    %slice3A_282 = vector.extract_strided_slice %reshape3A_236 {offsets = [16, 0, 0], sizes = [1, 256, 1], strides = [1, 1, 1]} : vector<20x256x1xf32> to vector<1x256x1xf32>
    %squeeze3A_283 = vector.shape_cast %slice3A_282 : vector<1x256x1xf32> to vector<256x1xf32>
    %max3A_284 = arith.maximumf %max3A_281, %squeeze3A_283 : vector<256x1xf32>
    %slice3A_285 = vector.extract_strided_slice %reshape3A_236 {offsets = [17, 0, 0], sizes = [1, 256, 1], strides = [1, 1, 1]} : vector<20x256x1xf32> to vector<1x256x1xf32>
    %squeeze3A_286 = vector.shape_cast %slice3A_285 : vector<1x256x1xf32> to vector<256x1xf32>
    %max3A_287 = arith.maximumf %max3A_284, %squeeze3A_286 : vector<256x1xf32>
    %slice3A_288 = vector.extract_strided_slice %reshape3A_236 {offsets = [18, 0, 0], sizes = [1, 256, 1], strides = [1, 1, 1]} : vector<20x256x1xf32> to vector<1x256x1xf32>
    %squeeze3A_289 = vector.shape_cast %slice3A_288 : vector<1x256x1xf32> to vector<256x1xf32>
    %max3A_290 = arith.maximumf %max3A_287, %squeeze3A_289 : vector<256x1xf32>
    %slice3A_291 = vector.extract_strided_slice %reshape3A_236 {offsets = [19, 0, 0], sizes = [1, 256, 1], strides = [1, 1, 1]} : vector<20x256x1xf32> to vector<1x256x1xf32>
    %squeeze3A_292 = vector.shape_cast %slice3A_291 : vector<1x256x1xf32> to vector<256x1xf32>
    %max3A_293 = arith.maximumf %max3A_290, %squeeze3A_292 : vector<256x1xf32>
    %broadcast_in_dim3A_294 = vector.shape_cast %max3A_293 : vector<256x1xf32> to vector<1x256x1xf32>
    %sub3A = vector.broadcast %broadcast_in_dim3A_294 : vector<1x256x1xf32> to vector<20x256x1xf32>
    %sub3A_295 = arith.subf %reshape3A_236, %sub3A : vector<20x256x1xf32>
    %exp3A = math.exp %sub3A_295 : vector<20x256x1xf32>
    %slice3A_296 = vector.extract_strided_slice %exp3A {offsets = [0, 0, 0], sizes = [1, 256, 1], strides = [1, 1, 1]} : vector<20x256x1xf32> to vector<1x256x1xf32>
    %squeeze3A_297 = vector.shape_cast %slice3A_296 : vector<1x256x1xf32> to vector<256x1xf32>
    %slice3A_298 = vector.extract_strided_slice %exp3A {offsets = [1, 0, 0], sizes = [1, 256, 1], strides = [1, 1, 1]} : vector<20x256x1xf32> to vector<1x256x1xf32>
    %squeeze3A_299 = vector.shape_cast %slice3A_298 : vector<1x256x1xf32> to vector<256x1xf32>
    %add3A_300 = arith.addf %squeeze3A_297, %squeeze3A_299 : vector<256x1xf32>
    %slice3A_301 = vector.extract_strided_slice %exp3A {offsets = [2, 0, 0], sizes = [1, 256, 1], strides = [1, 1, 1]} : vector<20x256x1xf32> to vector<1x256x1xf32>
    %squeeze3A_302 = vector.shape_cast %slice3A_301 : vector<1x256x1xf32> to vector<256x1xf32>
    %add3A_303 = arith.addf %add3A_300, %squeeze3A_302 : vector<256x1xf32>
    %slice3A_304 = vector.extract_strided_slice %exp3A {offsets = [3, 0, 0], sizes = [1, 256, 1], strides = [1, 1, 1]} : vector<20x256x1xf32> to vector<1x256x1xf32>
    %squeeze3A_305 = vector.shape_cast %slice3A_304 : vector<1x256x1xf32> to vector<256x1xf32>
    %add3A_306 = arith.addf %add3A_303, %squeeze3A_305 : vector<256x1xf32>
    %slice3A_307 = vector.extract_strided_slice %exp3A {offsets = [4, 0, 0], sizes = [1, 256, 1], strides = [1, 1, 1]} : vector<20x256x1xf32> to vector<1x256x1xf32>
    %squeeze3A_308 = vector.shape_cast %slice3A_307 : vector<1x256x1xf32> to vector<256x1xf32>
    %add3A_309 = arith.addf %add3A_306, %squeeze3A_308 : vector<256x1xf32>
    %slice3A_310 = vector.extract_strided_slice %exp3A {offsets = [5, 0, 0], sizes = [1, 256, 1], strides = [1, 1, 1]} : vector<20x256x1xf32> to vector<1x256x1xf32>
    %squeeze3A_311 = vector.shape_cast %slice3A_310 : vector<1x256x1xf32> to vector<256x1xf32>
    %add3A_312 = arith.addf %add3A_309, %squeeze3A_311 : vector<256x1xf32>
    %slice3A_313 = vector.extract_strided_slice %exp3A {offsets = [6, 0, 0], sizes = [1, 256, 1], strides = [1, 1, 1]} : vector<20x256x1xf32> to vector<1x256x1xf32>
    %squeeze3A_314 = vector.shape_cast %slice3A_313 : vector<1x256x1xf32> to vector<256x1xf32>
    %add3A_315 = arith.addf %add3A_312, %squeeze3A_314 : vector<256x1xf32>
    %slice3A_316 = vector.extract_strided_slice %exp3A {offsets = [7, 0, 0], sizes = [1, 256, 1], strides = [1, 1, 1]} : vector<20x256x1xf32> to vector<1x256x1xf32>
    %squeeze3A_317 = vector.shape_cast %slice3A_316 : vector<1x256x1xf32> to vector<256x1xf32>
    %add3A_318 = arith.addf %add3A_315, %squeeze3A_317 : vector<256x1xf32>
    %slice3A_319 = vector.extract_strided_slice %exp3A {offsets = [8, 0, 0], sizes = [1, 256, 1], strides = [1, 1, 1]} : vector<20x256x1xf32> to vector<1x256x1xf32>
    %squeeze3A_320 = vector.shape_cast %slice3A_319 : vector<1x256x1xf32> to vector<256x1xf32>
    %add3A_321 = arith.addf %add3A_318, %squeeze3A_320 : vector<256x1xf32>
    %slice3A_322 = vector.extract_strided_slice %exp3A {offsets = [9, 0, 0], sizes = [1, 256, 1], strides = [1, 1, 1]} : vector<20x256x1xf32> to vector<1x256x1xf32>
    %squeeze3A_323 = vector.shape_cast %slice3A_322 : vector<1x256x1xf32> to vector<256x1xf32>
    %add3A_324 = arith.addf %add3A_321, %squeeze3A_323 : vector<256x1xf32>
    %slice3A_325 = vector.extract_strided_slice %exp3A {offsets = [10, 0, 0], sizes = [1, 256, 1], strides = [1, 1, 1]} : vector<20x256x1xf32> to vector<1x256x1xf32>
    %squeeze3A_326 = vector.shape_cast %slice3A_325 : vector<1x256x1xf32> to vector<256x1xf32>
    %add3A_327 = arith.addf %add3A_324, %squeeze3A_326 : vector<256x1xf32>
    %slice3A_328 = vector.extract_strided_slice %exp3A {offsets = [11, 0, 0], sizes = [1, 256, 1], strides = [1, 1, 1]} : vector<20x256x1xf32> to vector<1x256x1xf32>
    %squeeze3A_329 = vector.shape_cast %slice3A_328 : vector<1x256x1xf32> to vector<256x1xf32>
    %add3A_330 = arith.addf %add3A_327, %squeeze3A_329 : vector<256x1xf32>
    %slice3A_331 = vector.extract_strided_slice %exp3A {offsets = [12, 0, 0], sizes = [1, 256, 1], strides = [1, 1, 1]} : vector<20x256x1xf32> to vector<1x256x1xf32>
    %squeeze3A_332 = vector.shape_cast %slice3A_331 : vector<1x256x1xf32> to vector<256x1xf32>
    %add3A_333 = arith.addf %add3A_330, %squeeze3A_332 : vector<256x1xf32>
    %slice3A_334 = vector.extract_strided_slice %exp3A {offsets = [13, 0, 0], sizes = [1, 256, 1], strides = [1, 1, 1]} : vector<20x256x1xf32> to vector<1x256x1xf32>
    %squeeze3A_335 = vector.shape_cast %slice3A_334 : vector<1x256x1xf32> to vector<256x1xf32>
    %add3A_336 = arith.addf %add3A_333, %squeeze3A_335 : vector<256x1xf32>
    %slice3A_337 = vector.extract_strided_slice %exp3A {offsets = [14, 0, 0], sizes = [1, 256, 1], strides = [1, 1, 1]} : vector<20x256x1xf32> to vector<1x256x1xf32>
    %squeeze3A_338 = vector.shape_cast %slice3A_337 : vector<1x256x1xf32> to vector<256x1xf32>
    %add3A_339 = arith.addf %add3A_336, %squeeze3A_338 : vector<256x1xf32>
    %slice3A_340 = vector.extract_strided_slice %exp3A {offsets = [15, 0, 0], sizes = [1, 256, 1], strides = [1, 1, 1]} : vector<20x256x1xf32> to vector<1x256x1xf32>
    %squeeze3A_341 = vector.shape_cast %slice3A_340 : vector<1x256x1xf32> to vector<256x1xf32>
    %add3A_342 = arith.addf %add3A_339, %squeeze3A_341 : vector<256x1xf32>
    %slice3A_343 = vector.extract_strided_slice %exp3A {offsets = [16, 0, 0], sizes = [1, 256, 1], strides = [1, 1, 1]} : vector<20x256x1xf32> to vector<1x256x1xf32>
    %squeeze3A_344 = vector.shape_cast %slice3A_343 : vector<1x256x1xf32> to vector<256x1xf32>
    %add3A_345 = arith.addf %add3A_342, %squeeze3A_344 : vector<256x1xf32>
    %slice3A_346 = vector.extract_strided_slice %exp3A {offsets = [17, 0, 0], sizes = [1, 256, 1], strides = [1, 1, 1]} : vector<20x256x1xf32> to vector<1x256x1xf32>
    %squeeze3A_347 = vector.shape_cast %slice3A_346 : vector<1x256x1xf32> to vector<256x1xf32>
    %add3A_348 = arith.addf %add3A_345, %squeeze3A_347 : vector<256x1xf32>
    %slice3A_349 = vector.extract_strided_slice %exp3A {offsets = [18, 0, 0], sizes = [1, 256, 1], strides = [1, 1, 1]} : vector<20x256x1xf32> to vector<1x256x1xf32>
    %squeeze3A_350 = vector.shape_cast %slice3A_349 : vector<1x256x1xf32> to vector<256x1xf32>
    %add3A_351 = arith.addf %add3A_348, %squeeze3A_350 : vector<256x1xf32>
    %slice3A_352 = vector.extract_strided_slice %exp3A {offsets = [19, 0, 0], sizes = [1, 256, 1], strides = [1, 1, 1]} : vector<20x256x1xf32> to vector<1x256x1xf32>
    %squeeze3A_353 = vector.shape_cast %slice3A_352 : vector<1x256x1xf32> to vector<256x1xf32>
    %add3A_354 = arith.addf %add3A_351, %squeeze3A_353 : vector<256x1xf32>
    %reshape3A_355 = vector.shape_cast %max3A_203 : vector<5120x64xf32> to vector<20x256x64xf32>
    %mul3A_356 = vector.broadcast %exp3A : vector<20x256x1xf32> to vector<20x256x64xf32>
    %mul3A_357 = arith.mulf %reshape3A_355, %mul3A_356 : vector<20x256x64xf32>
    %slice3A_358 = vector.extract_strided_slice %mul3A_357 {offsets = [0, 0, 0], sizes = [1, 256, 64], strides = [1, 1, 1]} : vector<20x256x64xf32> to vector<1x256x64xf32>
    %squeeze3A_359 = vector.shape_cast %slice3A_358 : vector<1x256x64xf32> to vector<256x64xf32>
    %slice3A_360 = vector.extract_strided_slice %mul3A_357 {offsets = [1, 0, 0], sizes = [1, 256, 64], strides = [1, 1, 1]} : vector<20x256x64xf32> to vector<1x256x64xf32>
    %squeeze3A_361 = vector.shape_cast %slice3A_360 : vector<1x256x64xf32> to vector<256x64xf32>
    %add3A_362 = arith.addf %squeeze3A_359, %squeeze3A_361 : vector<256x64xf32>
    %slice3A_363 = vector.extract_strided_slice %mul3A_357 {offsets = [2, 0, 0], sizes = [1, 256, 64], strides = [1, 1, 1]} : vector<20x256x64xf32> to vector<1x256x64xf32>
    %squeeze3A_364 = vector.shape_cast %slice3A_363 : vector<1x256x64xf32> to vector<256x64xf32>
    %add3A_365 = arith.addf %add3A_362, %squeeze3A_364 : vector<256x64xf32>
    %slice3A_366 = vector.extract_strided_slice %mul3A_357 {offsets = [3, 0, 0], sizes = [1, 256, 64], strides = [1, 1, 1]} : vector<20x256x64xf32> to vector<1x256x64xf32>
    %squeeze3A_367 = vector.shape_cast %slice3A_366 : vector<1x256x64xf32> to vector<256x64xf32>
    %add3A_368 = arith.addf %add3A_365, %squeeze3A_367 : vector<256x64xf32>
    %slice3A_369 = vector.extract_strided_slice %mul3A_357 {offsets = [4, 0, 0], sizes = [1, 256, 64], strides = [1, 1, 1]} : vector<20x256x64xf32> to vector<1x256x64xf32>
    %squeeze3A_370 = vector.shape_cast %slice3A_369 : vector<1x256x64xf32> to vector<256x64xf32>
    %add3A_371 = arith.addf %add3A_368, %squeeze3A_370 : vector<256x64xf32>
    %slice3A_372 = vector.extract_strided_slice %mul3A_357 {offsets = [5, 0, 0], sizes = [1, 256, 64], strides = [1, 1, 1]} : vector<20x256x64xf32> to vector<1x256x64xf32>
    %squeeze3A_373 = vector.shape_cast %slice3A_372 : vector<1x256x64xf32> to vector<256x64xf32>
    %add3A_374 = arith.addf %add3A_371, %squeeze3A_373 : vector<256x64xf32>
    %slice3A_375 = vector.extract_strided_slice %mul3A_357 {offsets = [6, 0, 0], sizes = [1, 256, 64], strides = [1, 1, 1]} : vector<20x256x64xf32> to vector<1x256x64xf32>
    %squeeze3A_376 = vector.shape_cast %slice3A_375 : vector<1x256x64xf32> to vector<256x64xf32>
    %add3A_377 = arith.addf %add3A_374, %squeeze3A_376 : vector<256x64xf32>
    %slice3A_378 = vector.extract_strided_slice %mul3A_357 {offsets = [7, 0, 0], sizes = [1, 256, 64], strides = [1, 1, 1]} : vector<20x256x64xf32> to vector<1x256x64xf32>
    %squeeze3A_379 = vector.shape_cast %slice3A_378 : vector<1x256x64xf32> to vector<256x64xf32>
    %add3A_380 = arith.addf %add3A_377, %squeeze3A_379 : vector<256x64xf32>
    %slice3A_381 = vector.extract_strided_slice %mul3A_357 {offsets = [8, 0, 0], sizes = [1, 256, 64], strides = [1, 1, 1]} : vector<20x256x64xf32> to vector<1x256x64xf32>
    %squeeze3A_382 = vector.shape_cast %slice3A_381 : vector<1x256x64xf32> to vector<256x64xf32>
    %add3A_383 = arith.addf %add3A_380, %squeeze3A_382 : vector<256x64xf32>
    %slice3A_384 = vector.extract_strided_slice %mul3A_357 {offsets = [9, 0, 0], sizes = [1, 256, 64], strides = [1, 1, 1]} : vector<20x256x64xf32> to vector<1x256x64xf32>
    %squeeze3A_385 = vector.shape_cast %slice3A_384 : vector<1x256x64xf32> to vector<256x64xf32>
    %add3A_386 = arith.addf %add3A_383, %squeeze3A_385 : vector<256x64xf32>
    %slice3A_387 = vector.extract_strided_slice %mul3A_357 {offsets = [10, 0, 0], sizes = [1, 256, 64], strides = [1, 1, 1]} : vector<20x256x64xf32> to vector<1x256x64xf32>
    %squeeze3A_388 = vector.shape_cast %slice3A_387 : vector<1x256x64xf32> to vector<256x64xf32>
    %add3A_389 = arith.addf %add3A_386, %squeeze3A_388 : vector<256x64xf32>
    %slice3A_390 = vector.extract_strided_slice %mul3A_357 {offsets = [11, 0, 0], sizes = [1, 256, 64], strides = [1, 1, 1]} : vector<20x256x64xf32> to vector<1x256x64xf32>
    %squeeze3A_391 = vector.shape_cast %slice3A_390 : vector<1x256x64xf32> to vector<256x64xf32>
    %add3A_392 = arith.addf %add3A_389, %squeeze3A_391 : vector<256x64xf32>
    %slice3A_393 = vector.extract_strided_slice %mul3A_357 {offsets = [12, 0, 0], sizes = [1, 256, 64], strides = [1, 1, 1]} : vector<20x256x64xf32> to vector<1x256x64xf32>
    %squeeze3A_394 = vector.shape_cast %slice3A_393 : vector<1x256x64xf32> to vector<256x64xf32>
    %add3A_395 = arith.addf %add3A_392, %squeeze3A_394 : vector<256x64xf32>
    %slice3A_396 = vector.extract_strided_slice %mul3A_357 {offsets = [13, 0, 0], sizes = [1, 256, 64], strides = [1, 1, 1]} : vector<20x256x64xf32> to vector<1x256x64xf32>
    %squeeze3A_397 = vector.shape_cast %slice3A_396 : vector<1x256x64xf32> to vector<256x64xf32>
    %add3A_398 = arith.addf %add3A_395, %squeeze3A_397 : vector<256x64xf32>
    %slice3A_399 = vector.extract_strided_slice %mul3A_357 {offsets = [14, 0, 0], sizes = [1, 256, 64], strides = [1, 1, 1]} : vector<20x256x64xf32> to vector<1x256x64xf32>
    %squeeze3A_400 = vector.shape_cast %slice3A_399 : vector<1x256x64xf32> to vector<256x64xf32>
    %add3A_401 = arith.addf %add3A_398, %squeeze3A_400 : vector<256x64xf32>
    %slice3A_402 = vector.extract_strided_slice %mul3A_357 {offsets = [15, 0, 0], sizes = [1, 256, 64], strides = [1, 1, 1]} : vector<20x256x64xf32> to vector<1x256x64xf32>
    %squeeze3A_403 = vector.shape_cast %slice3A_402 : vector<1x256x64xf32> to vector<256x64xf32>
    %add3A_404 = arith.addf %add3A_401, %squeeze3A_403 : vector<256x64xf32>
    %slice3A_405 = vector.extract_strided_slice %mul3A_357 {offsets = [16, 0, 0], sizes = [1, 256, 64], strides = [1, 1, 1]} : vector<20x256x64xf32> to vector<1x256x64xf32>
    %squeeze3A_406 = vector.shape_cast %slice3A_405 : vector<1x256x64xf32> to vector<256x64xf32>
    %add3A_407 = arith.addf %add3A_404, %squeeze3A_406 : vector<256x64xf32>
    %slice3A_408 = vector.extract_strided_slice %mul3A_357 {offsets = [17, 0, 0], sizes = [1, 256, 64], strides = [1, 1, 1]} : vector<20x256x64xf32> to vector<1x256x64xf32>
    %squeeze3A_409 = vector.shape_cast %slice3A_408 : vector<1x256x64xf32> to vector<256x64xf32>
    %add3A_410 = arith.addf %add3A_407, %squeeze3A_409 : vector<256x64xf32>
    %slice3A_411 = vector.extract_strided_slice %mul3A_357 {offsets = [18, 0, 0], sizes = [1, 256, 64], strides = [1, 1, 1]} : vector<20x256x64xf32> to vector<1x256x64xf32>
    %squeeze3A_412 = vector.shape_cast %slice3A_411 : vector<1x256x64xf32> to vector<256x64xf32>
    %add3A_413 = arith.addf %add3A_410, %squeeze3A_412 : vector<256x64xf32>
    %slice3A_414 = vector.extract_strided_slice %mul3A_357 {offsets = [19, 0, 0], sizes = [1, 256, 64], strides = [1, 1, 1]} : vector<20x256x64xf32> to vector<1x256x64xf32>
    %squeeze3A_415 = vector.shape_cast %slice3A_414 : vector<1x256x64xf32> to vector<256x64xf32>
    %add3A_416 = arith.addf %add3A_413, %squeeze3A_415 : vector<256x64xf32>
    %div3A = vector.broadcast %add3A_354 : vector<256x1xf32> to vector<256x64xf32>
    %div3A_417 = arith.divf %add3A_416, %div3A : vector<256x64xf32>
    %get3A_418 = arith.constant 0 : index
    %get3A_419 = arith.constant 0 : index
    %get3A_420 = vector.load %arg13[%get3A_418, %get3A_419] : memref<64x64xf32, #tpu.memory_space<vmem>>, vector<64x64xf32>
    %convert_element_type3A_421 = arith.truncf %div3A_417 : vector<256x64xf32> to vector<256x64xbf16>
    %convert_element_type3A_422 = arith.truncf %get3A_420 : vector<64x64xf32> to vector<64x64xbf16>
    %dot_general3A_423 = arith.constant dense<0.000000e+00> : vector<256x64xf32>
    %dot_general3A_424 = tpu.matmul %convert_element_type3A_421, %convert_element_type3A_422, %dot_general3A_423 {dimension_numbers = #tpu.dot_dimension_numbers<[1], [0], [0], [1], [0, 0, 1, 1], [], []>, transpose_lhs_hint = false} : vector<256x64xbf16>, vector<64x64xbf16>, vector<256x64xf32> -> vector<256x64xf32>
    %get3A_425 = arith.constant 0 : index
    %get3A_426 = arith.constant 0 : index
    %get3A_427 = vector.load %arg14[%get3A_425, %get3A_426] : memref<1x64xf32, #tpu.memory_space<vmem>>, vector<1x64xf32>
    %add3A_428 = vector.broadcast %get3A_427 : vector<1x64xf32> to vector<256x64xf32>
    %add3A_429 = arith.addf %dot_general3A_424, %add3A_428 : vector<256x64xf32>
    %max3A_430 = arith.constant 0.000000e+00 : f32
    %max3A_431 = vector.broadcast %max3A_430 : f32 to vector<256x64xf32>
    %max3A_432 = arith.maximumf %add3A_429, %max3A_431 : vector<256x64xf32>
    %get3A_433 = arith.constant 0 : index
    %get3A_434 = arith.constant 0 : index
    %get3A_435 = vector.load %arg15[%get3A_433, %get3A_434] : memref<64x64xf32, #tpu.memory_space<vmem>>, vector<64x64xf32>
    %convert_element_type3A_436 = arith.truncf %bitcast_convert_type3A : vector<256x64xf32> to vector<256x64xbf16>
    %convert_element_type3A_437 = arith.truncf %get3A_435 : vector<64x64xf32> to vector<64x64xbf16>
    %dot_general3A_438 = arith.constant dense<0.000000e+00> : vector<256x64xf32>
    %dot_general3A_439 = tpu.matmul %convert_element_type3A_436, %convert_element_type3A_437, %dot_general3A_438 {dimension_numbers = #tpu.dot_dimension_numbers<[1], [0], [0], [1], [0, 0, 1, 1], [], []>, transpose_lhs_hint = false} : vector<256x64xbf16>, vector<64x64xbf16>, vector<256x64xf32> -> vector<256x64xf32>
    %get3A_440 = arith.constant 0 : index
    %get3A_441 = arith.constant 0 : index
    %get3A_442 = vector.load %arg16[%get3A_440, %get3A_441] : memref<64x64xf32, #tpu.memory_space<vmem>>, vector<64x64xf32>
    %convert_element_type3A_443 = arith.truncf %max3A_432 : vector<256x64xf32> to vector<256x64xbf16>
    %convert_element_type3A_444 = arith.truncf %get3A_442 : vector<64x64xf32> to vector<64x64xbf16>
    %dot_general3A_445 = arith.constant dense<0.000000e+00> : vector<256x64xf32>
    %dot_general3A_446 = tpu.matmul %convert_element_type3A_443, %convert_element_type3A_444, %dot_general3A_445 {dimension_numbers = #tpu.dot_dimension_numbers<[1], [0], [0], [1], [0, 0, 1, 1], [], []>, transpose_lhs_hint = false} : vector<256x64xbf16>, vector<64x64xbf16>, vector<256x64xf32> -> vector<256x64xf32>
    %add3A_447 = arith.addf %dot_general3A_439, %dot_general3A_446 : vector<256x64xf32>
    %get3A_448 = arith.constant 0 : index
    %get3A_449 = arith.constant 0 : index
    %get3A_450 = vector.load %arg17[%get3A_448, %get3A_449] : memref<1x64xf32, #tpu.memory_space<vmem>>, vector<1x64xf32>
    %add3A_451 = vector.broadcast %get3A_450 : vector<1x64xf32> to vector<256x64xf32>
    %add3A_452 = arith.addf %add3A_447, %add3A_451 : vector<256x64xf32>
    %max3A_453 = arith.constant 0.000000e+00 : f32
    %max3A_454 = vector.broadcast %max3A_453 : f32 to vector<256x64xf32>
    %max3A_455 = arith.maximumf %add3A_452, %max3A_454 : vector<256x64xf32>
    %swap3A = arith.constant 0 : index
    %swap3A_456 = arith.constant 0 : index
    %swap3A_457 = vector.load %arg18[%swap3A, %swap3A_456] : memref<512x64xf32, #tpu.memory_space<vmem>>, vector<256x64xf32>
    tpu.vector_store %arg18[%swap3A, %swap3A_456], %max3A_455 {strides = array<i32>} : memref<512x64xf32, #tpu.memory_space<vmem>>, vector<256x64xf32>,
    %get3A_458 = arith.constant 256 : index
    %get3A_459 = arith.constant 64 : index
    %get3A_460 = vector.load %arg2[%get3A_458, %get3A_459] : memref<512x128xi32, #tpu.memory_space<vmem>>, vector<256x64xi32>
    %bitcast_convert_type3A_461 = tpu.bitcast %get3A_460 : vector<256x64xi32> -> vector<256x64xf32>
    %get3A_462 = arith.constant 0 : index
    %get3A_463 = arith.constant 64 : index
    %get3A_464 = vector.load %arg1[%get3A_462, %get3A_463] : memref<5120x128xf32, #tpu.memory_space<vmem>>, vector<5120x64xf32>
    %get3A_465 = arith.constant 256 : index
    %get3A_466 = arith.constant 20 : index
    %get3A_467 = vector.load %arg2[%get3A_465, %get3A_466] : memref<512x128xi32, #tpu.memory_space<vmem>>, vector<256x1xi32>
    %eq3A_468 = vector.broadcast %get3A_467 : vector<256x1xi32> to vector<256x8xi32>
    %eq3A_469 = vector.broadcast %iota3A : vector<1x8xi32> to vector<256x8xi32>
    %eq3A_470 = arith.cmpi eq, %eq3A_468, %eq3A_469 : vector<256x8xi32>
    %convert_element_type3A_471 = arith.extui %eq3A_470 : vector<256x8xi1> to vector<256x8xi32>
    %convert_element_type3A_472 = arith.sitofp %convert_element_type3A_471 : vector<256x8xi32> to vector<256x8xf32>
    %get3A_473 = arith.constant 256 : index
    %get3A_474 = arith.constant 21 : index
    %get3A_475 = vector.load %arg2[%get3A_473, %get3A_474] : memref<512x128xi32, #tpu.memory_space<vmem>>, vector<256x1xi32>
    %eq3A_476 = vector.broadcast %get3A_475 : vector<256x1xi32> to vector<256x8xi32>
    %eq3A_477 = vector.broadcast %iota3A : vector<1x8xi32> to vector<256x8xi32>
    %eq3A_478 = arith.cmpi eq, %eq3A_476, %eq3A_477 : vector<256x8xi32>
    %convert_element_type3A_479 = arith.extui %eq3A_478 : vector<256x8xi1> to vector<256x8xi32>
    %convert_element_type3A_480 = arith.sitofp %convert_element_type3A_479 : vector<256x8xi32> to vector<256x8xf32>
    %get3A_481 = arith.constant 256 : index
    %get3A_482 = arith.constant 22 : index
    %get3A_483 = vector.load %arg2[%get3A_481, %get3A_482] : memref<512x128xi32, #tpu.memory_space<vmem>>, vector<256x1xi32>
    %eq3A_484 = vector.broadcast %get3A_483 : vector<256x1xi32> to vector<256x8xi32>
    %eq3A_485 = vector.broadcast %iota3A : vector<1x8xi32> to vector<256x8xi32>
    %eq3A_486 = arith.cmpi eq, %eq3A_484, %eq3A_485 : vector<256x8xi32>
    %convert_element_type3A_487 = arith.extui %eq3A_486 : vector<256x8xi1> to vector<256x8xi32>
    %convert_element_type3A_488 = arith.sitofp %convert_element_type3A_487 : vector<256x8xi32> to vector<256x8xf32>
    %get3A_489 = arith.constant 256 : index
    %get3A_490 = arith.constant 23 : index
    %get3A_491 = vector.load %arg2[%get3A_489, %get3A_490] : memref<512x128xi32, #tpu.memory_space<vmem>>, vector<256x1xi32>
    %eq3A_492 = vector.broadcast %get3A_491 : vector<256x1xi32> to vector<256x8xi32>
    %eq3A_493 = vector.broadcast %iota3A : vector<1x8xi32> to vector<256x8xi32>
    %eq3A_494 = arith.cmpi eq, %eq3A_492, %eq3A_493 : vector<256x8xi32>
    %convert_element_type3A_495 = arith.extui %eq3A_494 : vector<256x8xi1> to vector<256x8xi32>
    %convert_element_type3A_496 = arith.sitofp %convert_element_type3A_495 : vector<256x8xi32> to vector<256x8xf32>
    %get3A_497 = arith.constant 256 : index
    %get3A_498 = arith.constant 24 : index
    %get3A_499 = vector.load %arg2[%get3A_497, %get3A_498] : memref<512x128xi32, #tpu.memory_space<vmem>>, vector<256x1xi32>
    %eq3A_500 = vector.broadcast %get3A_499 : vector<256x1xi32> to vector<256x8xi32>
    %eq3A_501 = vector.broadcast %iota3A : vector<1x8xi32> to vector<256x8xi32>
    %eq3A_502 = arith.cmpi eq, %eq3A_500, %eq3A_501 : vector<256x8xi32>
    %convert_element_type3A_503 = arith.extui %eq3A_502 : vector<256x8xi1> to vector<256x8xi32>
    %convert_element_type3A_504 = arith.sitofp %convert_element_type3A_503 : vector<256x8xi32> to vector<256x8xf32>
    %get3A_505 = arith.constant 256 : index
    %get3A_506 = arith.constant 25 : index
    %get3A_507 = vector.load %arg2[%get3A_505, %get3A_506] : memref<512x128xi32, #tpu.memory_space<vmem>>, vector<256x1xi32>
    %eq3A_508 = vector.broadcast %get3A_507 : vector<256x1xi32> to vector<256x8xi32>
    %eq3A_509 = vector.broadcast %iota3A : vector<1x8xi32> to vector<256x8xi32>
    %eq3A_510 = arith.cmpi eq, %eq3A_508, %eq3A_509 : vector<256x8xi32>
    %convert_element_type3A_511 = arith.extui %eq3A_510 : vector<256x8xi1> to vector<256x8xi32>
    %convert_element_type3A_512 = arith.sitofp %convert_element_type3A_511 : vector<256x8xi32> to vector<256x8xf32>
    %get3A_513 = arith.constant 256 : index
    %get3A_514 = arith.constant 26 : index
    %get3A_515 = vector.load %arg2[%get3A_513, %get3A_514] : memref<512x128xi32, #tpu.memory_space<vmem>>, vector<256x1xi32>
    %eq3A_516 = vector.broadcast %get3A_515 : vector<256x1xi32> to vector<256x8xi32>
    %eq3A_517 = vector.broadcast %iota3A : vector<1x8xi32> to vector<256x8xi32>
    %eq3A_518 = arith.cmpi eq, %eq3A_516, %eq3A_517 : vector<256x8xi32>
    %convert_element_type3A_519 = arith.extui %eq3A_518 : vector<256x8xi1> to vector<256x8xi32>
    %convert_element_type3A_520 = arith.sitofp %convert_element_type3A_519 : vector<256x8xi32> to vector<256x8xf32>
    %get3A_521 = arith.constant 256 : index
    %get3A_522 = arith.constant 27 : index
    %get3A_523 = vector.load %arg2[%get3A_521, %get3A_522] : memref<512x128xi32, #tpu.memory_space<vmem>>, vector<256x1xi32>
    %eq3A_524 = vector.broadcast %get3A_523 : vector<256x1xi32> to vector<256x8xi32>
    %eq3A_525 = vector.broadcast %iota3A : vector<1x8xi32> to vector<256x8xi32>
    %eq3A_526 = arith.cmpi eq, %eq3A_524, %eq3A_525 : vector<256x8xi32>
    %convert_element_type3A_527 = arith.extui %eq3A_526 : vector<256x8xi1> to vector<256x8xi32>
    %convert_element_type3A_528 = arith.sitofp %convert_element_type3A_527 : vector<256x8xi32> to vector<256x8xf32>
    %get3A_529 = arith.constant 256 : index
    %get3A_530 = arith.constant 28 : index
    %get3A_531 = vector.load %arg2[%get3A_529, %get3A_530] : memref<512x128xi32, #tpu.memory_space<vmem>>, vector<256x1xi32>
    %eq3A_532 = vector.broadcast %get3A_531 : vector<256x1xi32> to vector<256x8xi32>
    %eq3A_533 = vector.broadcast %iota3A : vector<1x8xi32> to vector<256x8xi32>
    %eq3A_534 = arith.cmpi eq, %eq3A_532, %eq3A_533 : vector<256x8xi32>
    %convert_element_type3A_535 = arith.extui %eq3A_534 : vector<256x8xi1> to vector<256x8xi32>
    %convert_element_type3A_536 = arith.sitofp %convert_element_type3A_535 : vector<256x8xi32> to vector<256x8xf32>
    %get3A_537 = arith.constant 256 : index
    %get3A_538 = arith.constant 29 : index
    %get3A_539 = vector.load %arg2[%get3A_537, %get3A_538] : memref<512x128xi32, #tpu.memory_space<vmem>>, vector<256x1xi32>
    %eq3A_540 = vector.broadcast %get3A_539 : vector<256x1xi32> to vector<256x8xi32>
    %eq3A_541 = vector.broadcast %iota3A : vector<1x8xi32> to vector<256x8xi32>
    %eq3A_542 = arith.cmpi eq, %eq3A_540, %eq3A_541 : vector<256x8xi32>
    %convert_element_type3A_543 = arith.extui %eq3A_542 : vector<256x8xi1> to vector<256x8xi32>
    %convert_element_type3A_544 = arith.sitofp %convert_element_type3A_543 : vector<256x8xi32> to vector<256x8xf32>
    %get3A_545 = arith.constant 256 : index
    %get3A_546 = arith.constant 30 : index
    %get3A_547 = vector.load %arg2[%get3A_545, %get3A_546] : memref<512x128xi32, #tpu.memory_space<vmem>>, vector<256x1xi32>
    %eq3A_548 = vector.broadcast %get3A_547 : vector<256x1xi32> to vector<256x8xi32>
    %eq3A_549 = vector.broadcast %iota3A : vector<1x8xi32> to vector<256x8xi32>
    %eq3A_550 = arith.cmpi eq, %eq3A_548, %eq3A_549 : vector<256x8xi32>
    %convert_element_type3A_551 = arith.extui %eq3A_550 : vector<256x8xi1> to vector<256x8xi32>
    %convert_element_type3A_552 = arith.sitofp %convert_element_type3A_551 : vector<256x8xi32> to vector<256x8xf32>
    %get3A_553 = arith.constant 256 : index
    %get3A_554 = arith.constant 31 : index
    %get3A_555 = vector.load %arg2[%get3A_553, %get3A_554] : memref<512x128xi32, #tpu.memory_space<vmem>>, vector<256x1xi32>
    %eq3A_556 = vector.broadcast %get3A_555 : vector<256x1xi32> to vector<256x8xi32>
    %eq3A_557 = vector.broadcast %iota3A : vector<1x8xi32> to vector<256x8xi32>
    %eq3A_558 = arith.cmpi eq, %eq3A_556, %eq3A_557 : vector<256x8xi32>
    %convert_element_type3A_559 = arith.extui %eq3A_558 : vector<256x8xi1> to vector<256x8xi32>
    %convert_element_type3A_560 = arith.sitofp %convert_element_type3A_559 : vector<256x8xi32> to vector<256x8xf32>
    %get3A_561 = arith.constant 256 : index
    %get3A_562 = arith.constant 32 : index
    %get3A_563 = vector.load %arg2[%get3A_561, %get3A_562] : memref<512x128xi32, #tpu.memory_space<vmem>>, vector<256x1xi32>
    %eq3A_564 = vector.broadcast %get3A_563 : vector<256x1xi32> to vector<256x8xi32>
    %eq3A_565 = vector.broadcast %iota3A : vector<1x8xi32> to vector<256x8xi32>
    %eq3A_566 = arith.cmpi eq, %eq3A_564, %eq3A_565 : vector<256x8xi32>
    %convert_element_type3A_567 = arith.extui %eq3A_566 : vector<256x8xi1> to vector<256x8xi32>
    %convert_element_type3A_568 = arith.sitofp %convert_element_type3A_567 : vector<256x8xi32> to vector<256x8xf32>
    %get3A_569 = arith.constant 256 : index
    %get3A_570 = arith.constant 33 : index
    %get3A_571 = vector.load %arg2[%get3A_569, %get3A_570] : memref<512x128xi32, #tpu.memory_space<vmem>>, vector<256x1xi32>
    %eq3A_572 = vector.broadcast %get3A_571 : vector<256x1xi32> to vector<256x8xi32>
    %eq3A_573 = vector.broadcast %iota3A : vector<1x8xi32> to vector<256x8xi32>
    %eq3A_574 = arith.cmpi eq, %eq3A_572, %eq3A_573 : vector<256x8xi32>
    %convert_element_type3A_575 = arith.extui %eq3A_574 : vector<256x8xi1> to vector<256x8xi32>
    %convert_element_type3A_576 = arith.sitofp %convert_element_type3A_575 : vector<256x8xi32> to vector<256x8xf32>
    %get3A_577 = arith.constant 256 : index
    %get3A_578 = arith.constant 34 : index
    %get3A_579 = vector.load %arg2[%get3A_577, %get3A_578] : memref<512x128xi32, #tpu.memory_space<vmem>>, vector<256x1xi32>
    %eq3A_580 = vector.broadcast %get3A_579 : vector<256x1xi32> to vector<256x8xi32>
    %eq3A_581 = vector.broadcast %iota3A : vector<1x8xi32> to vector<256x8xi32>
    %eq3A_582 = arith.cmpi eq, %eq3A_580, %eq3A_581 : vector<256x8xi32>
    %convert_element_type3A_583 = arith.extui %eq3A_582 : vector<256x8xi1> to vector<256x8xi32>
    %convert_element_type3A_584 = arith.sitofp %convert_element_type3A_583 : vector<256x8xi32> to vector<256x8xf32>
    %get3A_585 = arith.constant 256 : index
    %get3A_586 = arith.constant 35 : index
    %get3A_587 = vector.load %arg2[%get3A_585, %get3A_586] : memref<512x128xi32, #tpu.memory_space<vmem>>, vector<256x1xi32>
    %eq3A_588 = vector.broadcast %get3A_587 : vector<256x1xi32> to vector<256x8xi32>
    %eq3A_589 = vector.broadcast %iota3A : vector<1x8xi32> to vector<256x8xi32>
    %eq3A_590 = arith.cmpi eq, %eq3A_588, %eq3A_589 : vector<256x8xi32>
    %convert_element_type3A_591 = arith.extui %eq3A_590 : vector<256x8xi1> to vector<256x8xi32>
    %convert_element_type3A_592 = arith.sitofp %convert_element_type3A_591 : vector<256x8xi32> to vector<256x8xf32>
    %get3A_593 = arith.constant 256 : index
    %get3A_594 = arith.constant 36 : index
    %get3A_595 = vector.load %arg2[%get3A_593, %get3A_594] : memref<512x128xi32, #tpu.memory_space<vmem>>, vector<256x1xi32>
    %eq3A_596 = vector.broadcast %get3A_595 : vector<256x1xi32> to vector<256x8xi32>
    %eq3A_597 = vector.broadcast %iota3A : vector<1x8xi32> to vector<256x8xi32>
    %eq3A_598 = arith.cmpi eq, %eq3A_596, %eq3A_597 : vector<256x8xi32>
    %convert_element_type3A_599 = arith.extui %eq3A_598 : vector<256x8xi1> to vector<256x8xi32>
    %convert_element_type3A_600 = arith.sitofp %convert_element_type3A_599 : vector<256x8xi32> to vector<256x8xf32>
    %get3A_601 = arith.constant 256 : index
    %get3A_602 = arith.constant 37 : index
    %get3A_603 = vector.load %arg2[%get3A_601, %get3A_602] : memref<512x128xi32, #tpu.memory_space<vmem>>, vector<256x1xi32>
    %eq3A_604 = vector.broadcast %get3A_603 : vector<256x1xi32> to vector<256x8xi32>
    %eq3A_605 = vector.broadcast %iota3A : vector<1x8xi32> to vector<256x8xi32>
    %eq3A_606 = arith.cmpi eq, %eq3A_604, %eq3A_605 : vector<256x8xi32>
    %convert_element_type3A_607 = arith.extui %eq3A_606 : vector<256x8xi1> to vector<256x8xi32>
    %convert_element_type3A_608 = arith.sitofp %convert_element_type3A_607 : vector<256x8xi32> to vector<256x8xf32>
    %get3A_609 = arith.constant 256 : index
    %get3A_610 = arith.constant 38 : index
    %get3A_611 = vector.load %arg2[%get3A_609, %get3A_610] : memref<512x128xi32, #tpu.memory_space<vmem>>, vector<256x1xi32>
    %eq3A_612 = vector.broadcast %get3A_611 : vector<256x1xi32> to vector<256x8xi32>
    %eq3A_613 = vector.broadcast %iota3A : vector<1x8xi32> to vector<256x8xi32>
    %eq3A_614 = arith.cmpi eq, %eq3A_612, %eq3A_613 : vector<256x8xi32>
    %convert_element_type3A_615 = arith.extui %eq3A_614 : vector<256x8xi1> to vector<256x8xi32>
    %convert_element_type3A_616 = arith.sitofp %convert_element_type3A_615 : vector<256x8xi32> to vector<256x8xf32>
    %get3A_617 = arith.constant 256 : index
    %get3A_618 = arith.constant 39 : index
    %get3A_619 = vector.load %arg2[%get3A_617, %get3A_618] : memref<512x128xi32, #tpu.memory_space<vmem>>, vector<256x1xi32>
    %eq3A_620 = vector.broadcast %get3A_619 : vector<256x1xi32> to vector<256x8xi32>
    %eq3A_621 = vector.broadcast %iota3A : vector<1x8xi32> to vector<256x8xi32>
    %eq3A_622 = arith.cmpi eq, %eq3A_620, %eq3A_621 : vector<256x8xi32>
    %convert_element_type3A_623 = arith.extui %eq3A_622 : vector<256x8xi1> to vector<256x8xi32>
    %convert_element_type3A_624 = arith.sitofp %convert_element_type3A_623 : vector<256x8xi32> to vector<256x8xf32>
    %concatenate3A_625 = tpu.concatenate %convert_element_type3A_472, %convert_element_type3A_480, %convert_element_type3A_488, %convert_element_type3A_496, %convert_element_type3A_504, %convert_element_type3A_512, %convert_element_type3A_520, %convert_element_type3A_528, %convert_element_type3A_536, %convert_element_type3A_544, %convert_element_type3A_552, %convert_element_type3A_560, %convert_element_type3A_568, %convert_element_type3A_576, %convert_element_type3A_584, %convert_element_type3A_592, %convert_element_type3A_600, %convert_element_type3A_608, %convert_element_type3A_616, %convert_element_type3A_624 in 0 : vector<256x8xf32>, vector<256x8xf32>, vector<256x8xf32>, vector<256x8xf32>, vector<256x8xf32>, vector<256x8xf32>, vector<256x8xf32>, vector<256x8xf32>, vector<256x8xf32>, vector<256x8xf32>, vector<256x8xf32>, vector<256x8xf32>, vector<256x8xf32>, vector<256x8xf32>, vector<256x8xf32>, vector<256x8xf32>, vector<256x8xf32>, vector<256x8xf32>, vector<256x8xf32>, vector<256x8xf32> -> vector<5120x8xf32>
    %get3A_626 = arith.constant 0 : index
    %get3A_627 = arith.constant 0 : index
    %get3A_628 = vector.load %arg8[%get3A_626, %get3A_627] : memref<64x64xf32, #tpu.memory_space<vmem>>, vector<64x64xf32>
    %convert_element_type3A_629 = arith.truncf %bitcast_convert_type3A_461 : vector<256x64xf32> to vector<256x64xbf16>
    %convert_element_type3A_630 = arith.truncf %get3A_628 : vector<64x64xf32> to vector<64x64xbf16>
    %dot_general3A_631 = arith.constant dense<0.000000e+00> : vector<256x64xf32>
    %dot_general3A_632 = tpu.matmul %convert_element_type3A_629, %convert_element_type3A_630, %dot_general3A_631 {dimension_numbers = #tpu.dot_dimension_numbers<[1], [0], [0], [1], [0, 0, 1, 1], [], []>, transpose_lhs_hint = false} : vector<256x64xbf16>, vector<64x64xbf16>, vector<256x64xf32> -> vector<256x64xf32>
    %get3A_633 = arith.constant 0 : index
    %get3A_634 = arith.constant 0 : index
    %get3A_635 = vector.load %arg9[%get3A_633, %get3A_634] : memref<1x64xf32, #tpu.memory_space<vmem>>, vector<1x64xf32>
    %add3A_636 = vector.broadcast %get3A_635 : vector<1x64xf32> to vector<256x64xf32>
    %add3A_637 = arith.addf %dot_general3A_632, %add3A_636 : vector<256x64xf32>
    %broadcast_in_dim3A_638 = vector.shape_cast %add3A_637 : vector<256x64xf32> to vector<1x256x64xf32>
    %broadcast_in_dim3A_639 = vector.shape_cast %broadcast_in_dim3A_638 : vector<1x256x64xf32> to vector<1x256x64xf32>
    %broadcast_in_dim3A_640 = vector.broadcast %broadcast_in_dim3A_639 : vector<1x256x64xf32> to vector<20x256x64xf32>
    %reshape3A_641 = vector.shape_cast %broadcast_in_dim3A_640 : vector<20x256x64xf32> to vector<5120x64xf32>
    %get3A_642 = arith.constant 0 : index
    %get3A_643 = arith.constant 0 : index
    %get3A_644 = vector.load %arg4[%get3A_642, %get3A_643] : memref<64x64xf32, #tpu.memory_space<vmem>>, vector<64x64xf32>
    %convert_element_type3A_645 = arith.truncf %get3A_464 : vector<5120x64xf32> to vector<5120x64xbf16>
    %convert_element_type3A_646 = arith.truncf %get3A_644 : vector<64x64xf32> to vector<64x64xbf16>
    %dot_general3A_647 = arith.constant dense<0.000000e+00> : vector<5120x64xf32>
    %dot_general3A_648 = tpu.matmul %convert_element_type3A_645, %convert_element_type3A_646, %dot_general3A_647 {dimension_numbers = #tpu.dot_dimension_numbers<[1], [0], [0], [1], [0, 0, 1, 1], [], []>, transpose_lhs_hint = false} : vector<5120x64xbf16>, vector<64x64xbf16>, vector<5120x64xf32> -> vector<5120x64xf32>
    %convert_element_type3A_649 = arith.truncf %concatenate3A_625 : vector<5120x8xf32> to vector<5120x8xbf16>
    %convert_element_type3A_650 = arith.truncf %dot_general3A_6 : vector<8x64xf32> to vector<8x64xbf16>
    %dot_general3A_651 = arith.constant dense<0.000000e+00> : vector<5120x64xf32>
    %dot_general3A_652 = tpu.matmul %convert_element_type3A_649, %convert_element_type3A_650, %dot_general3A_651 {dimension_numbers = #tpu.dot_dimension_numbers<[1], [0], [0], [1], [0, 0, 1, 1], [], []>, transpose_lhs_hint = false} : vector<5120x8xbf16>, vector<8x64xbf16>, vector<5120x64xf32> -> vector<5120x64xf32>
    %add3A_653 = arith.addf %dot_general3A_648, %dot_general3A_652 : vector<5120x64xf32>
    %get3A_654 = arith.constant 0 : index
    %get3A_655 = arith.constant 0 : index
    %get3A_656 = vector.load %arg6[%get3A_654, %get3A_655] : memref<1x64xf32, #tpu.memory_space<vmem>>, vector<1x64xf32>
    %add3A_657 = vector.broadcast %get3A_656 : vector<1x64xf32> to vector<5120x64xf32>
    %add3A_658 = arith.addf %add3A_653, %add3A_657 : vector<5120x64xf32>
    %max3A_659 = arith.constant 0.000000e+00 : f32
    %max3A_660 = vector.broadcast %max3A_659 : f32 to vector<5120x64xf32>
    %max3A_661 = arith.maximumf %add3A_658, %max3A_660 : vector<5120x64xf32>
    %get3A_662 = arith.constant 0 : index
    %get3A_663 = arith.constant 0 : index
    %get3A_664 = vector.load %arg7[%get3A_662, %get3A_663] : memref<64x64xf32, #tpu.memory_space<vmem>>, vector<64x64xf32>
    %convert_element_type3A_665 = arith.truncf %max3A_661 : vector<5120x64xf32> to vector<5120x64xbf16>
    %convert_element_type3A_666 = arith.truncf %get3A_664 : vector<64x64xf32> to vector<64x64xbf16>
    %dot_general3A_667 = arith.constant dense<0.000000e+00> : vector<5120x64xf32>
    %dot_general3A_668 = tpu.matmul %convert_element_type3A_665, %convert_element_type3A_666, %dot_general3A_667 {dimension_numbers = #tpu.dot_dimension_numbers<[1], [0], [0], [1], [0, 0, 1, 1], [], []>, transpose_lhs_hint = false} : vector<5120x64xbf16>, vector<64x64xbf16>, vector<5120x64xf32> -> vector<5120x64xf32>
    %add3A_669 = arith.addf %dot_general3A_668, %reshape3A_641 : vector<5120x64xf32>
    %max3A_670 = arith.constant 0.000000e+00 : f32
    %max3A_671 = vector.broadcast %max3A_670 : f32 to vector<5120x64xf32>
    %max3A_672 = arith.maximumf %add3A_669, %max3A_671 : vector<5120x64xf32>
    %get3A_673 = arith.constant 0 : index
    %get3A_674 = arith.constant 0 : index
    %get3A_675 = vector.load %arg10[%get3A_673, %get3A_674] : memref<64x64xf32, #tpu.memory_space<vmem>>, vector<64x64xf32>
    %convert_element_type3A_676 = arith.truncf %max3A_672 : vector<5120x64xf32> to vector<5120x64xbf16>
    %convert_element_type3A_677 = arith.truncf %get3A_675 : vector<64x64xf32> to vector<64x64xbf16>
    %dot_general3A_678 = arith.constant dense<0.000000e+00> : vector<5120x64xf32>
    %dot_general3A_679 = tpu.matmul %convert_element_type3A_676, %convert_element_type3A_677, %dot_general3A_678 {dimension_numbers = #tpu.dot_dimension_numbers<[1], [0], [0], [1], [0, 0, 1, 1], [], []>, transpose_lhs_hint = false} : vector<5120x64xbf16>, vector<64x64xbf16>, vector<5120x64xf32> -> vector<5120x64xf32>
    %get3A_680 = arith.constant 0 : index
    %get3A_681 = arith.constant 0 : index
    %get3A_682 = vector.load %arg11[%get3A_680, %get3A_681] : memref<1x64xf32, #tpu.memory_space<vmem>>, vector<1x64xf32>
    %add3A_683 = vector.broadcast %get3A_682 : vector<1x64xf32> to vector<5120x64xf32>
    %add3A_684 = arith.addf %dot_general3A_679, %add3A_683 : vector<5120x64xf32>
    %max3A_685 = arith.constant 0.000000e+00 : f32
    %max3A_686 = vector.broadcast %max3A_685 : f32 to vector<5120x64xf32>
    %max3A_687 = arith.maximumf %add3A_684, %max3A_686 : vector<5120x64xf32>
    %get3A_688 = arith.constant 0 : index
    %get3A_689 = arith.constant 0 : index
    %get3A_690 = vector.load %arg12[%get3A_688, %get3A_689] : memref<1x64xf32, #tpu.memory_space<vmem>>, vector<1x64xf32>
    %mul3A_691 = vector.broadcast %get3A_690 : vector<1x64xf32> to vector<5120x64xf32>
    %mul3A_692 = arith.mulf %max3A_687, %mul3A_691 : vector<5120x64xf32>
    %reduce_sum3A_693 = arith.constant dense<0.000000e+00> : vector<5120xf32>
    %reduce_sum3A_694 = vector.multi_reduction <add>, %mul3A_692, %reduce_sum3A_693 [1] : vector<5120x64xf32> to vector<5120xf32>
    %broadcast_in_dim3A_695 = vector.shape_cast %reduce_sum3A_694 : vector<5120xf32> to vector<5120x1xf32>
    %reshape3A_696 = vector.shape_cast %broadcast_in_dim3A_695 : vector<5120x1xf32> to vector<20x256x1xf32>
    %slice3A_697 = vector.extract_strided_slice %reshape3A_696 {offsets = [0, 0, 0], sizes = [1, 256, 1], strides = [1, 1, 1]} : vector<20x256x1xf32> to vector<1x256x1xf32>
    %squeeze3A_698 = vector.shape_cast %slice3A_697 : vector<1x256x1xf32> to vector<256x1xf32>
    %slice3A_699 = vector.extract_strided_slice %reshape3A_696 {offsets = [1, 0, 0], sizes = [1, 256, 1], strides = [1, 1, 1]} : vector<20x256x1xf32> to vector<1x256x1xf32>
    %squeeze3A_700 = vector.shape_cast %slice3A_699 : vector<1x256x1xf32> to vector<256x1xf32>
    %max3A_701 = arith.maximumf %squeeze3A_698, %squeeze3A_700 : vector<256x1xf32>
    %slice3A_702 = vector.extract_strided_slice %reshape3A_696 {offsets = [2, 0, 0], sizes = [1, 256, 1], strides = [1, 1, 1]} : vector<20x256x1xf32> to vector<1x256x1xf32>
    %squeeze3A_703 = vector.shape_cast %slice3A_702 : vector<1x256x1xf32> to vector<256x1xf32>
    %max3A_704 = arith.maximumf %max3A_701, %squeeze3A_703 : vector<256x1xf32>
    %slice3A_705 = vector.extract_strided_slice %reshape3A_696 {offsets = [3, 0, 0], sizes = [1, 256, 1], strides = [1, 1, 1]} : vector<20x256x1xf32> to vector<1x256x1xf32>
    %squeeze3A_706 = vector.shape_cast %slice3A_705 : vector<1x256x1xf32> to vector<256x1xf32>
    %max3A_707 = arith.maximumf %max3A_704, %squeeze3A_706 : vector<256x1xf32>
    %slice3A_708 = vector.extract_strided_slice %reshape3A_696 {offsets = [4, 0, 0], sizes = [1, 256, 1], strides = [1, 1, 1]} : vector<20x256x1xf32> to vector<1x256x1xf32>
    %squeeze3A_709 = vector.shape_cast %slice3A_708 : vector<1x256x1xf32> to vector<256x1xf32>
    %max3A_710 = arith.maximumf %max3A_707, %squeeze3A_709 : vector<256x1xf32>
    %slice3A_711 = vector.extract_strided_slice %reshape3A_696 {offsets = [5, 0, 0], sizes = [1, 256, 1], strides = [1, 1, 1]} : vector<20x256x1xf32> to vector<1x256x1xf32>
    %squeeze3A_712 = vector.shape_cast %slice3A_711 : vector<1x256x1xf32> to vector<256x1xf32>
    %max3A_713 = arith.maximumf %max3A_710, %squeeze3A_712 : vector<256x1xf32>
    %slice3A_714 = vector.extract_strided_slice %reshape3A_696 {offsets = [6, 0, 0], sizes = [1, 256, 1], strides = [1, 1, 1]} : vector<20x256x1xf32> to vector<1x256x1xf32>
    %squeeze3A_715 = vector.shape_cast %slice3A_714 : vector<1x256x1xf32> to vector<256x1xf32>
    %max3A_716 = arith.maximumf %max3A_713, %squeeze3A_715 : vector<256x1xf32>
    %slice3A_717 = vector.extract_strided_slice %reshape3A_696 {offsets = [7, 0, 0], sizes = [1, 256, 1], strides = [1, 1, 1]} : vector<20x256x1xf32> to vector<1x256x1xf32>
    %squeeze3A_718 = vector.shape_cast %slice3A_717 : vector<1x256x1xf32> to vector<256x1xf32>
    %max3A_719 = arith.maximumf %max3A_716, %squeeze3A_718 : vector<256x1xf32>
    %slice3A_720 = vector.extract_strided_slice %reshape3A_696 {offsets = [8, 0, 0], sizes = [1, 256, 1], strides = [1, 1, 1]} : vector<20x256x1xf32> to vector<1x256x1xf32>
    %squeeze3A_721 = vector.shape_cast %slice3A_720 : vector<1x256x1xf32> to vector<256x1xf32>
    %max3A_722 = arith.maximumf %max3A_719, %squeeze3A_721 : vector<256x1xf32>
    %slice3A_723 = vector.extract_strided_slice %reshape3A_696 {offsets = [9, 0, 0], sizes = [1, 256, 1], strides = [1, 1, 1]} : vector<20x256x1xf32> to vector<1x256x1xf32>
    %squeeze3A_724 = vector.shape_cast %slice3A_723 : vector<1x256x1xf32> to vector<256x1xf32>
    %max3A_725 = arith.maximumf %max3A_722, %squeeze3A_724 : vector<256x1xf32>
    %slice3A_726 = vector.extract_strided_slice %reshape3A_696 {offsets = [10, 0, 0], sizes = [1, 256, 1], strides = [1, 1, 1]} : vector<20x256x1xf32> to vector<1x256x1xf32>
    %squeeze3A_727 = vector.shape_cast %slice3A_726 : vector<1x256x1xf32> to vector<256x1xf32>
    %max3A_728 = arith.maximumf %max3A_725, %squeeze3A_727 : vector<256x1xf32>
    %slice3A_729 = vector.extract_strided_slice %reshape3A_696 {offsets = [11, 0, 0], sizes = [1, 256, 1], strides = [1, 1, 1]} : vector<20x256x1xf32> to vector<1x256x1xf32>
    %squeeze3A_730 = vector.shape_cast %slice3A_729 : vector<1x256x1xf32> to vector<256x1xf32>
    %max3A_731 = arith.maximumf %max3A_728, %squeeze3A_730 : vector<256x1xf32>
    %slice3A_732 = vector.extract_strided_slice %reshape3A_696 {offsets = [12, 0, 0], sizes = [1, 256, 1], strides = [1, 1, 1]} : vector<20x256x1xf32> to vector<1x256x1xf32>
    %squeeze3A_733 = vector.shape_cast %slice3A_732 : vector<1x256x1xf32> to vector<256x1xf32>
    %max3A_734 = arith.maximumf %max3A_731, %squeeze3A_733 : vector<256x1xf32>
    %slice3A_735 = vector.extract_strided_slice %reshape3A_696 {offsets = [13, 0, 0], sizes = [1, 256, 1], strides = [1, 1, 1]} : vector<20x256x1xf32> to vector<1x256x1xf32>
    %squeeze3A_736 = vector.shape_cast %slice3A_735 : vector<1x256x1xf32> to vector<256x1xf32>
    %max3A_737 = arith.maximumf %max3A_734, %squeeze3A_736 : vector<256x1xf32>
    %slice3A_738 = vector.extract_strided_slice %reshape3A_696 {offsets = [14, 0, 0], sizes = [1, 256, 1], strides = [1, 1, 1]} : vector<20x256x1xf32> to vector<1x256x1xf32>
    %squeeze3A_739 = vector.shape_cast %slice3A_738 : vector<1x256x1xf32> to vector<256x1xf32>
    %max3A_740 = arith.maximumf %max3A_737, %squeeze3A_739 : vector<256x1xf32>
    %slice3A_741 = vector.extract_strided_slice %reshape3A_696 {offsets = [15, 0, 0], sizes = [1, 256, 1], strides = [1, 1, 1]} : vector<20x256x1xf32> to vector<1x256x1xf32>
    %squeeze3A_742 = vector.shape_cast %slice3A_741 : vector<1x256x1xf32> to vector<256x1xf32>
    %max3A_743 = arith.maximumf %max3A_740, %squeeze3A_742 : vector<256x1xf32>
    %slice3A_744 = vector.extract_strided_slice %reshape3A_696 {offsets = [16, 0, 0], sizes = [1, 256, 1], strides = [1, 1, 1]} : vector<20x256x1xf32> to vector<1x256x1xf32>
    %squeeze3A_745 = vector.shape_cast %slice3A_744 : vector<1x256x1xf32> to vector<256x1xf32>
    %max3A_746 = arith.maximumf %max3A_743, %squeeze3A_745 : vector<256x1xf32>
    %slice3A_747 = vector.extract_strided_slice %reshape3A_696 {offsets = [17, 0, 0], sizes = [1, 256, 1], strides = [1, 1, 1]} : vector<20x256x1xf32> to vector<1x256x1xf32>
    %squeeze3A_748 = vector.shape_cast %slice3A_747 : vector<1x256x1xf32> to vector<256x1xf32>
    %max3A_749 = arith.maximumf %max3A_746, %squeeze3A_748 : vector<256x1xf32>
    %slice3A_750 = vector.extract_strided_slice %reshape3A_696 {offsets = [18, 0, 0], sizes = [1, 256, 1], strides = [1, 1, 1]} : vector<20x256x1xf32> to vector<1x256x1xf32>
    %squeeze3A_751 = vector.shape_cast %slice3A_750 : vector<1x256x1xf32> to vector<256x1xf32>
    %max3A_752 = arith.maximumf %max3A_749, %squeeze3A_751 : vector<256x1xf32>
    %slice3A_753 = vector.extract_strided_slice %reshape3A_696 {offsets = [19, 0, 0], sizes = [1, 256, 1], strides = [1, 1, 1]} : vector<20x256x1xf32> to vector<1x256x1xf32>
    %squeeze3A_754 = vector.shape_cast %slice3A_753 : vector<1x256x1xf32> to vector<256x1xf32>
    %max3A_755 = arith.maximumf %max3A_752, %squeeze3A_754 : vector<256x1xf32>
    %broadcast_in_dim3A_756 = vector.shape_cast %max3A_755 : vector<256x1xf32> to vector<1x256x1xf32>
    %sub3A_757 = vector.broadcast %broadcast_in_dim3A_756 : vector<1x256x1xf32> to vector<20x256x1xf32>
    %sub3A_758 = arith.subf %reshape3A_696, %sub3A_757 : vector<20x256x1xf32>
    %exp3A_759 = math.exp %sub3A_758 : vector<20x256x1xf32>
    %slice3A_760 = vector.extract_strided_slice %exp3A_759 {offsets = [0, 0, 0], sizes = [1, 256, 1], strides = [1, 1, 1]} : vector<20x256x1xf32> to vector<1x256x1xf32>
    %squeeze3A_761 = vector.shape_cast %slice3A_760 : vector<1x256x1xf32> to vector<256x1xf32>
    %slice3A_762 = vector.extract_strided_slice %exp3A_759 {offsets = [1, 0, 0], sizes = [1, 256, 1], strides = [1, 1, 1]} : vector<20x256x1xf32> to vector<1x256x1xf32>
    %squeeze3A_763 = vector.shape_cast %slice3A_762 : vector<1x256x1xf32> to vector<256x1xf32>
    %add3A_764 = arith.addf %squeeze3A_761, %squeeze3A_763 : vector<256x1xf32>
    %slice3A_765 = vector.extract_strided_slice %exp3A_759 {offsets = [2, 0, 0], sizes = [1, 256, 1], strides = [1, 1, 1]} : vector<20x256x1xf32> to vector<1x256x1xf32>
    %squeeze3A_766 = vector.shape_cast %slice3A_765 : vector<1x256x1xf32> to vector<256x1xf32>
    %add3A_767 = arith.addf %add3A_764, %squeeze3A_766 : vector<256x1xf32>
    %slice3A_768 = vector.extract_strided_slice %exp3A_759 {offsets = [3, 0, 0], sizes = [1, 256, 1], strides = [1, 1, 1]} : vector<20x256x1xf32> to vector<1x256x1xf32>
    %squeeze3A_769 = vector.shape_cast %slice3A_768 : vector<1x256x1xf32> to vector<256x1xf32>
    %add3A_770 = arith.addf %add3A_767, %squeeze3A_769 : vector<256x1xf32>
    %slice3A_771 = vector.extract_strided_slice %exp3A_759 {offsets = [4, 0, 0], sizes = [1, 256, 1], strides = [1, 1, 1]} : vector<20x256x1xf32> to vector<1x256x1xf32>
    %squeeze3A_772 = vector.shape_cast %slice3A_771 : vector<1x256x1xf32> to vector<256x1xf32>
    %add3A_773 = arith.addf %add3A_770, %squeeze3A_772 : vector<256x1xf32>
    %slice3A_774 = vector.extract_strided_slice %exp3A_759 {offsets = [5, 0, 0], sizes = [1, 256, 1], strides = [1, 1, 1]} : vector<20x256x1xf32> to vector<1x256x1xf32>
    %squeeze3A_775 = vector.shape_cast %slice3A_774 : vector<1x256x1xf32> to vector<256x1xf32>
    %add3A_776 = arith.addf %add3A_773, %squeeze3A_775 : vector<256x1xf32>
    %slice3A_777 = vector.extract_strided_slice %exp3A_759 {offsets = [6, 0, 0], sizes = [1, 256, 1], strides = [1, 1, 1]} : vector<20x256x1xf32> to vector<1x256x1xf32>
    %squeeze3A_778 = vector.shape_cast %slice3A_777 : vector<1x256x1xf32> to vector<256x1xf32>
    %add3A_779 = arith.addf %add3A_776, %squeeze3A_778 : vector<256x1xf32>
    %slice3A_780 = vector.extract_strided_slice %exp3A_759 {offsets = [7, 0, 0], sizes = [1, 256, 1], strides = [1, 1, 1]} : vector<20x256x1xf32> to vector<1x256x1xf32>
    %squeeze3A_781 = vector.shape_cast %slice3A_780 : vector<1x256x1xf32> to vector<256x1xf32>
    %add3A_782 = arith.addf %add3A_779, %squeeze3A_781 : vector<256x1xf32>
    %slice3A_783 = vector.extract_strided_slice %exp3A_759 {offsets = [8, 0, 0], sizes = [1, 256, 1], strides = [1, 1, 1]} : vector<20x256x1xf32> to vector<1x256x1xf32>
    %squeeze3A_784 = vector.shape_cast %slice3A_783 : vector<1x256x1xf32> to vector<256x1xf32>
    %add3A_785 = arith.addf %add3A_782, %squeeze3A_784 : vector<256x1xf32>
    %slice3A_786 = vector.extract_strided_slice %exp3A_759 {offsets = [9, 0, 0], sizes = [1, 256, 1], strides = [1, 1, 1]} : vector<20x256x1xf32> to vector<1x256x1xf32>
    %squeeze3A_787 = vector.shape_cast %slice3A_786 : vector<1x256x1xf32> to vector<256x1xf32>
    %add3A_788 = arith.addf %add3A_785, %squeeze3A_787 : vector<256x1xf32>
    %slice3A_789 = vector.extract_strided_slice %exp3A_759 {offsets = [10, 0, 0], sizes = [1, 256, 1], strides = [1, 1, 1]} : vector<20x256x1xf32> to vector<1x256x1xf32>
    %squeeze3A_790 = vector.shape_cast %slice3A_789 : vector<1x256x1xf32> to vector<256x1xf32>
    %add3A_791 = arith.addf %add3A_788, %squeeze3A_790 : vector<256x1xf32>
    %slice3A_792 = vector.extract_strided_slice %exp3A_759 {offsets = [11, 0, 0], sizes = [1, 256, 1], strides = [1, 1, 1]} : vector<20x256x1xf32> to vector<1x256x1xf32>
    %squeeze3A_793 = vector.shape_cast %slice3A_792 : vector<1x256x1xf32> to vector<256x1xf32>
    %add3A_794 = arith.addf %add3A_791, %squeeze3A_793 : vector<256x1xf32>
    %slice3A_795 = vector.extract_strided_slice %exp3A_759 {offsets = [12, 0, 0], sizes = [1, 256, 1], strides = [1, 1, 1]} : vector<20x256x1xf32> to vector<1x256x1xf32>
    %squeeze3A_796 = vector.shape_cast %slice3A_795 : vector<1x256x1xf32> to vector<256x1xf32>
    %add3A_797 = arith.addf %add3A_794, %squeeze3A_796 : vector<256x1xf32>
    %slice3A_798 = vector.extract_strided_slice %exp3A_759 {offsets = [13, 0, 0], sizes = [1, 256, 1], strides = [1, 1, 1]} : vector<20x256x1xf32> to vector<1x256x1xf32>
    %squeeze3A_799 = vector.shape_cast %slice3A_798 : vector<1x256x1xf32> to vector<256x1xf32>
    %add3A_800 = arith.addf %add3A_797, %squeeze3A_799 : vector<256x1xf32>
    %slice3A_801 = vector.extract_strided_slice %exp3A_759 {offsets = [14, 0, 0], sizes = [1, 256, 1], strides = [1, 1, 1]} : vector<20x256x1xf32> to vector<1x256x1xf32>
    %squeeze3A_802 = vector.shape_cast %slice3A_801 : vector<1x256x1xf32> to vector<256x1xf32>
    %add3A_803 = arith.addf %add3A_800, %squeeze3A_802 : vector<256x1xf32>
    %slice3A_804 = vector.extract_strided_slice %exp3A_759 {offsets = [15, 0, 0], sizes = [1, 256, 1], strides = [1, 1, 1]} : vector<20x256x1xf32> to vector<1x256x1xf32>
    %squeeze3A_805 = vector.shape_cast %slice3A_804 : vector<1x256x1xf32> to vector<256x1xf32>
    %add3A_806 = arith.addf %add3A_803, %squeeze3A_805 : vector<256x1xf32>
    %slice3A_807 = vector.extract_strided_slice %exp3A_759 {offsets = [16, 0, 0], sizes = [1, 256, 1], strides = [1, 1, 1]} : vector<20x256x1xf32> to vector<1x256x1xf32>
    %squeeze3A_808 = vector.shape_cast %slice3A_807 : vector<1x256x1xf32> to vector<256x1xf32>
    %add3A_809 = arith.addf %add3A_806, %squeeze3A_808 : vector<256x1xf32>
    %slice3A_810 = vector.extract_strided_slice %exp3A_759 {offsets = [17, 0, 0], sizes = [1, 256, 1], strides = [1, 1, 1]} : vector<20x256x1xf32> to vector<1x256x1xf32>
    %squeeze3A_811 = vector.shape_cast %slice3A_810 : vector<1x256x1xf32> to vector<256x1xf32>
    %add3A_812 = arith.addf %add3A_809, %squeeze3A_811 : vector<256x1xf32>
    %slice3A_813 = vector.extract_strided_slice %exp3A_759 {offsets = [18, 0, 0], sizes = [1, 256, 1], strides = [1, 1, 1]} : vector<20x256x1xf32> to vector<1x256x1xf32>
    %squeeze3A_814 = vector.shape_cast %slice3A_813 : vector<1x256x1xf32> to vector<256x1xf32>
    %add3A_815 = arith.addf %add3A_812, %squeeze3A_814 : vector<256x1xf32>
    %slice3A_816 = vector.extract_strided_slice %exp3A_759 {offsets = [19, 0, 0], sizes = [1, 256, 1], strides = [1, 1, 1]} : vector<20x256x1xf32> to vector<1x256x1xf32>
    %squeeze3A_817 = vector.shape_cast %slice3A_816 : vector<1x256x1xf32> to vector<256x1xf32>
    %add3A_818 = arith.addf %add3A_815, %squeeze3A_817 : vector<256x1xf32>
    %reshape3A_819 = vector.shape_cast %max3A_661 : vector<5120x64xf32> to vector<20x256x64xf32>
    %mul3A_820 = vector.broadcast %exp3A_759 : vector<20x256x1xf32> to vector<20x256x64xf32>
    %mul3A_821 = arith.mulf %reshape3A_819, %mul3A_820 : vector<20x256x64xf32>
    %slice3A_822 = vector.extract_strided_slice %mul3A_821 {offsets = [0, 0, 0], sizes = [1, 256, 64], strides = [1, 1, 1]} : vector<20x256x64xf32> to vector<1x256x64xf32>
    %squeeze3A_823 = vector.shape_cast %slice3A_822 : vector<1x256x64xf32> to vector<256x64xf32>
    %slice3A_824 = vector.extract_strided_slice %mul3A_821 {offsets = [1, 0, 0], sizes = [1, 256, 64], strides = [1, 1, 1]} : vector<20x256x64xf32> to vector<1x256x64xf32>
    %squeeze3A_825 = vector.shape_cast %slice3A_824 : vector<1x256x64xf32> to vector<256x64xf32>
    %add3A_826 = arith.addf %squeeze3A_823, %squeeze3A_825 : vector<256x64xf32>
    %slice3A_827 = vector.extract_strided_slice %mul3A_821 {offsets = [2, 0, 0], sizes = [1, 256, 64], strides = [1, 1, 1]} : vector<20x256x64xf32> to vector<1x256x64xf32>
    %squeeze3A_828 = vector.shape_cast %slice3A_827 : vector<1x256x64xf32> to vector<256x64xf32>
    %add3A_829 = arith.addf %add3A_826, %squeeze3A_828 : vector<256x64xf32>
    %slice3A_830 = vector.extract_strided_slice %mul3A_821 {offsets = [3, 0, 0], sizes = [1, 256, 64], strides = [1, 1, 1]} : vector<20x256x64xf32> to vector<1x256x64xf32>
    %squeeze3A_831 = vector.shape_cast %slice3A_830 : vector<1x256x64xf32> to vector<256x64xf32>
    %add3A_832 = arith.addf %add3A_829, %squeeze3A_831 : vector<256x64xf32>
    %slice3A_833 = vector.extract_strided_slice %mul3A_821 {offsets = [4, 0, 0], sizes = [1, 256, 64], strides = [1, 1, 1]} : vector<20x256x64xf32> to vector<1x256x64xf32>
    %squeeze3A_834 = vector.shape_cast %slice3A_833 : vector<1x256x64xf32> to vector<256x64xf32>
    %add3A_835 = arith.addf %add3A_832, %squeeze3A_834 : vector<256x64xf32>
    %slice3A_836 = vector.extract_strided_slice %mul3A_821 {offsets = [5, 0, 0], sizes = [1, 256, 64], strides = [1, 1, 1]} : vector<20x256x64xf32> to vector<1x256x64xf32>
    %squeeze3A_837 = vector.shape_cast %slice3A_836 : vector<1x256x64xf32> to vector<256x64xf32>
    %add3A_838 = arith.addf %add3A_835, %squeeze3A_837 : vector<256x64xf32>
    %slice3A_839 = vector.extract_strided_slice %mul3A_821 {offsets = [6, 0, 0], sizes = [1, 256, 64], strides = [1, 1, 1]} : vector<20x256x64xf32> to vector<1x256x64xf32>
    %squeeze3A_840 = vector.shape_cast %slice3A_839 : vector<1x256x64xf32> to vector<256x64xf32>
    %add3A_841 = arith.addf %add3A_838, %squeeze3A_840 : vector<256x64xf32>
    %slice3A_842 = vector.extract_strided_slice %mul3A_821 {offsets = [7, 0, 0], sizes = [1, 256, 64], strides = [1, 1, 1]} : vector<20x256x64xf32> to vector<1x256x64xf32>
    %squeeze3A_843 = vector.shape_cast %slice3A_842 : vector<1x256x64xf32> to vector<256x64xf32>
    %add3A_844 = arith.addf %add3A_841, %squeeze3A_843 : vector<256x64xf32>
    %slice3A_845 = vector.extract_strided_slice %mul3A_821 {offsets = [8, 0, 0], sizes = [1, 256, 64], strides = [1, 1, 1]} : vector<20x256x64xf32> to vector<1x256x64xf32>
    %squeeze3A_846 = vector.shape_cast %slice3A_845 : vector<1x256x64xf32> to vector<256x64xf32>
    %add3A_847 = arith.addf %add3A_844, %squeeze3A_846 : vector<256x64xf32>
    %slice3A_848 = vector.extract_strided_slice %mul3A_821 {offsets = [9, 0, 0], sizes = [1, 256, 64], strides = [1, 1, 1]} : vector<20x256x64xf32> to vector<1x256x64xf32>
    %squeeze3A_849 = vector.shape_cast %slice3A_848 : vector<1x256x64xf32> to vector<256x64xf32>
    %add3A_850 = arith.addf %add3A_847, %squeeze3A_849 : vector<256x64xf32>
    %slice3A_851 = vector.extract_strided_slice %mul3A_821 {offsets = [10, 0, 0], sizes = [1, 256, 64], strides = [1, 1, 1]} : vector<20x256x64xf32> to vector<1x256x64xf32>
    %squeeze3A_852 = vector.shape_cast %slice3A_851 : vector<1x256x64xf32> to vector<256x64xf32>
    %add3A_853 = arith.addf %add3A_850, %squeeze3A_852 : vector<256x64xf32>
    %slice3A_854 = vector.extract_strided_slice %mul3A_821 {offsets = [11, 0, 0], sizes = [1, 256, 64], strides = [1, 1, 1]} : vector<20x256x64xf32> to vector<1x256x64xf32>
    %squeeze3A_855 = vector.shape_cast %slice3A_854 : vector<1x256x64xf32> to vector<256x64xf32>
    %add3A_856 = arith.addf %add3A_853, %squeeze3A_855 : vector<256x64xf32>
    %slice3A_857 = vector.extract_strided_slice %mul3A_821 {offsets = [12, 0, 0], sizes = [1, 256, 64], strides = [1, 1, 1]} : vector<20x256x64xf32> to vector<1x256x64xf32>
    %squeeze3A_858 = vector.shape_cast %slice3A_857 : vector<1x256x64xf32> to vector<256x64xf32>
    %add3A_859 = arith.addf %add3A_856, %squeeze3A_858 : vector<256x64xf32>
    %slice3A_860 = vector.extract_strided_slice %mul3A_821 {offsets = [13, 0, 0], sizes = [1, 256, 64], strides = [1, 1, 1]} : vector<20x256x64xf32> to vector<1x256x64xf32>
    %squeeze3A_861 = vector.shape_cast %slice3A_860 : vector<1x256x64xf32> to vector<256x64xf32>
    %add3A_862 = arith.addf %add3A_859, %squeeze3A_861 : vector<256x64xf32>
    %slice3A_863 = vector.extract_strided_slice %mul3A_821 {offsets = [14, 0, 0], sizes = [1, 256, 64], strides = [1, 1, 1]} : vector<20x256x64xf32> to vector<1x256x64xf32>
    %squeeze3A_864 = vector.shape_cast %slice3A_863 : vector<1x256x64xf32> to vector<256x64xf32>
    %add3A_865 = arith.addf %add3A_862, %squeeze3A_864 : vector<256x64xf32>
    %slice3A_866 = vector.extract_strided_slice %mul3A_821 {offsets = [15, 0, 0], sizes = [1, 256, 64], strides = [1, 1, 1]} : vector<20x256x64xf32> to vector<1x256x64xf32>
    %squeeze3A_867 = vector.shape_cast %slice3A_866 : vector<1x256x64xf32> to vector<256x64xf32>
    %add3A_868 = arith.addf %add3A_865, %squeeze3A_867 : vector<256x64xf32>
    %slice3A_869 = vector.extract_strided_slice %mul3A_821 {offsets = [16, 0, 0], sizes = [1, 256, 64], strides = [1, 1, 1]} : vector<20x256x64xf32> to vector<1x256x64xf32>
    %squeeze3A_870 = vector.shape_cast %slice3A_869 : vector<1x256x64xf32> to vector<256x64xf32>
    %add3A_871 = arith.addf %add3A_868, %squeeze3A_870 : vector<256x64xf32>
    %slice3A_872 = vector.extract_strided_slice %mul3A_821 {offsets = [17, 0, 0], sizes = [1, 256, 64], strides = [1, 1, 1]} : vector<20x256x64xf32> to vector<1x256x64xf32>
    %squeeze3A_873 = vector.shape_cast %slice3A_872 : vector<1x256x64xf32> to vector<256x64xf32>
    %add3A_874 = arith.addf %add3A_871, %squeeze3A_873 : vector<256x64xf32>
    %slice3A_875 = vector.extract_strided_slice %mul3A_821 {offsets = [18, 0, 0], sizes = [1, 256, 64], strides = [1, 1, 1]} : vector<20x256x64xf32> to vector<1x256x64xf32>
    %squeeze3A_876 = vector.shape_cast %slice3A_875 : vector<1x256x64xf32> to vector<256x64xf32>
    %add3A_877 = arith.addf %add3A_874, %squeeze3A_876 : vector<256x64xf32>
    %slice3A_878 = vector.extract_strided_slice %mul3A_821 {offsets = [19, 0, 0], sizes = [1, 256, 64], strides = [1, 1, 1]} : vector<20x256x64xf32> to vector<1x256x64xf32>
    %squeeze3A_879 = vector.shape_cast %slice3A_878 : vector<1x256x64xf32> to vector<256x64xf32>
    %add3A_880 = arith.addf %add3A_877, %squeeze3A_879 : vector<256x64xf32>
    %div3A_881 = vector.broadcast %add3A_818 : vector<256x1xf32> to vector<256x64xf32>
    %div3A_882 = arith.divf %add3A_880, %div3A_881 : vector<256x64xf32>
    %get3A_883 = arith.constant 0 : index
    %get3A_884 = arith.constant 0 : index
    %get3A_885 = vector.load %arg13[%get3A_883, %get3A_884] : memref<64x64xf32, #tpu.memory_space<vmem>>, vector<64x64xf32>
    %convert_element_type3A_886 = arith.truncf %div3A_882 : vector<256x64xf32> to vector<256x64xbf16>
    %convert_element_type3A_887 = arith.truncf %get3A_885 : vector<64x64xf32> to vector<64x64xbf16>
    %dot_general3A_888 = arith.constant dense<0.000000e+00> : vector<256x64xf32>
    %dot_general3A_889 = tpu.matmul %convert_element_type3A_886, %convert_element_type3A_887, %dot_general3A_888 {dimension_numbers = #tpu.dot_dimension_numbers<[1], [0], [0], [1], [0, 0, 1, 1], [], []>, transpose_lhs_hint = false} : vector<256x64xbf16>, vector<64x64xbf16>, vector<256x64xf32> -> vector<256x64xf32>
    %get3A_890 = arith.constant 0 : index
    %get3A_891 = arith.constant 0 : index
    %get3A_892 = vector.load %arg14[%get3A_890, %get3A_891] : memref<1x64xf32, #tpu.memory_space<vmem>>, vector<1x64xf32>
    %add3A_893 = vector.broadcast %get3A_892 : vector<1x64xf32> to vector<256x64xf32>
    %add3A_894 = arith.addf %dot_general3A_889, %add3A_893 : vector<256x64xf32>
    %max3A_895 = arith.constant 0.000000e+00 : f32
    %max3A_896 = vector.broadcast %max3A_895 : f32 to vector<256x64xf32>
    %max3A_897 = arith.maximumf %add3A_894, %max3A_896 : vector<256x64xf32>
    %get3A_898 = arith.constant 0 : index
    %get3A_899 = arith.constant 0 : index
    %get3A_900 = vector.load %arg15[%get3A_898, %get3A_899] : memref<64x64xf32, #tpu.memory_space<vmem>>, vector<64x64xf32>
    %convert_element_type3A_901 = arith.truncf %bitcast_convert_type3A_461 : vector<256x64xf32> to vector<256x64xbf16>
    %convert_element_type3A_902 = arith.truncf %get3A_900 : vector<64x64xf32> to vector<64x64xbf16>
    %dot_general3A_903 = arith.constant dense<0.000000e+00> : vector<256x64xf32>
    %dot_general3A_904 = tpu.matmul %convert_element_type3A_901, %convert_element_type3A_902, %dot_general3A_903 {dimension_numbers = #tpu.dot_dimension_numbers<[1], [0], [0], [1], [0, 0, 1, 1], [], []>, transpose_lhs_hint = false} : vector<256x64xbf16>, vector<64x64xbf16>, vector<256x64xf32> -> vector<256x64xf32>
    %get3A_905 = arith.constant 0 : index
    %get3A_906 = arith.constant 0 : index
    %get3A_907 = vector.load %arg16[%get3A_905, %get3A_906] : memref<64x64xf32, #tpu.memory_space<vmem>>, vector<64x64xf32>
    %convert_element_type3A_908 = arith.truncf %max3A_897 : vector<256x64xf32> to vector<256x64xbf16>
    %convert_element_type3A_909 = arith.truncf %get3A_907 : vector<64x64xf32> to vector<64x64xbf16>
    %dot_general3A_910 = arith.constant dense<0.000000e+00> : vector<256x64xf32>
    %dot_general3A_911 = tpu.matmul %convert_element_type3A_908, %convert_element_type3A_909, %dot_general3A_910 {dimension_numbers = #tpu.dot_dimension_numbers<[1], [0], [0], [1], [0, 0, 1, 1], [], []>, transpose_lhs_hint = false} : vector<256x64xbf16>, vector<64x64xbf16>, vector<256x64xf32> -> vector<256x64xf32>
    %add3A_912 = arith.addf %dot_general3A_904, %dot_general3A_911 : vector<256x64xf32>
    %get3A_913 = arith.constant 0 : index
    %get3A_914 = arith.constant 0 : index
    %get3A_915 = vector.load %arg17[%get3A_913, %get3A_914] : memref<1x64xf32, #tpu.memory_space<vmem>>, vector<1x64xf32>
    %add3A_916 = vector.broadcast %get3A_915 : vector<1x64xf32> to vector<256x64xf32>
    %add3A_917 = arith.addf %add3A_912, %add3A_916 : vector<256x64xf32>
    %max3A_918 = arith.constant 0.000000e+00 : f32
    %max3A_919 = vector.broadcast %max3A_918 : f32 to vector<256x64xf32>
    %max3A_920 = arith.maximumf %add3A_917, %max3A_919 : vector<256x64xf32>
    %swap3A_921 = arith.constant 256 : index
    %swap3A_922 = arith.constant 0 : index
    %swap3A_923 = vector.load %arg18[%swap3A_921, %swap3A_922] : memref<512x64xf32, #tpu.memory_space<vmem>>, vector<256x64xf32>
    tpu.vector_store %arg18[%swap3A_921, %swap3A_922], %max3A_920 {strides = array<i32>} : memref<512x64xf32, #tpu.memory_space<vmem>>, vector<256x64xf32>,
    return
  }
  func.func @transform_0(%arg0: i32) -> (i32, i32) {
    %c0_i32 = arith.constant 0 : i32
    %c0_i32_0 = arith.constant 0 : i32
    return %arg0, %c0_i32 : i32, i32
  }
  func.func @transform_1(%arg0: i32) -> (i32, i32) {
    %add3A = arith.constant 0 : i32
    %add3A_0 = arith.addi %arg0, %add3A : i32
    %c0_i32 = arith.constant 0 : i32
    %c0_i32_1 = arith.constant 0 : i32
    return %add3A_0, %c0_i32 : i32, i32
  }
  func.func @transform_2(%arg0: i32) -> (i32, i32) {
    %c0_i32 = arith.constant 0 : i32
    %c0_i32_0 = arith.constant 0 : i32
    %c0_i32_1 = arith.constant 0 : i32
    return %c0_i32, %c0_i32_0 : i32, i32
  }
  func.func @transform_3(%arg0: i32) -> (i32, i32) {
    %c0_i32 = arith.constant 0 : i32
    %c0_i32_0 = arith.constant 0 : i32
    %c0_i32_1 = arith.constant 0 : i32
    return %c0_i32, %c0_i32_0 : i32, i32
  }
  func.func @transform_4(%arg0: i32) -> (i32, i32) {
    %c0_i32 = arith.constant 0 : i32
    %c0_i32_0 = arith.constant 0 : i32
    %c0_i32_1 = arith.constant 0 : i32
    return %c0_i32, %c0_i32_0 : i32, i32
  }
  func.func @transform_5(%arg0: i32) -> (i32, i32) {
    %c0_i32 = arith.constant 0 : i32
    %c0_i32_0 = arith.constant 0 : i32
    %c0_i32_1 = arith.constant 0 : i32
    return %c0_i32, %c0_i32_0 : i32, i32
  }
  func.func @transform_6(%arg0: i32) -> (i32, i32) {
    %c0_i32 = arith.constant 0 : i32
    %c0_i32_0 = arith.constant 0 : i32
    %c0_i32_1 = arith.constant 0 : i32
    return %c0_i32, %c0_i32_0 : i32, i32
  }
  func.func @transform_7(%arg0: i32) -> (i32, i32) {
    %c0_i32 = arith.constant 0 : i32
    %c0_i32_0 = arith.constant 0 : i32
    %c0_i32_1 = arith.constant 0 : i32
    return %c0_i32, %c0_i32_0 : i32, i32
  }
  func.func @transform_8(%arg0: i32) -> (i32, i32) {
    %c0_i32 = arith.constant 0 : i32
    %c0_i32_0 = arith.constant 0 : i32
    %c0_i32_1 = arith.constant 0 : i32
    return %c0_i32, %c0_i32_0 : i32, i32
  }
  func.func @transform_9(%arg0: i32) -> (i32, i32) {
    %c0_i32 = arith.constant 0 : i32
    %c0_i32_0 = arith.constant 0 : i32
    %c0_i32_1 = arith.constant 0 : i32
    return %c0_i32, %c0_i32_0 : i32, i32
  }
  func.func @transform_10(%arg0: i32) -> (i32, i32) {
    %c0_i32 = arith.constant 0 : i32
    %c0_i32_0 = arith.constant 0 : i32
    %c0_i32_1 = arith.constant 0 : i32
    return %c0_i32, %c0_i32_0 : i32, i32
  }
  func.func @transform_11(%arg0: i32) -> (i32, i32) {
    %c0_i32 = arith.constant 0 : i32
    %c0_i32_0 = arith.constant 0 : i32
    %c0_i32_1 = arith.constant 0 : i32
    return %c0_i32, %c0_i32_0 : i32, i32
  }
  func.func @transform_12(%arg0: i32) -> (i32, i32) {
    %c0_i32 = arith.constant 0 : i32
    %c0_i32_0 = arith.constant 0 : i32
    %c0_i32_1 = arith.constant 0 : i32
    return %c0_i32, %c0_i32_0 : i32, i32
  }
  func.func @transform_13(%arg0: i32) -> (i32, i32) {
    %c0_i32 = arith.constant 0 : i32
    %c0_i32_0 = arith.constant 0 : i32
    %c0_i32_1 = arith.constant 0 : i32
    return %c0_i32, %c0_i32_0 : i32, i32
  }
  func.func @transform_14(%arg0: i32) -> (i32, i32) {
    %c0_i32 = arith.constant 0 : i32
    %c0_i32_0 = arith.constant 0 : i32
    %c0_i32_1 = arith.constant 0 : i32
    return %c0_i32, %c0_i32_0 : i32, i32
  }
  func.func @transform_15(%arg0: i32) -> (i32, i32) {
    %c0_i32 = arith.constant 0 : i32
    %c0_i32_0 = arith.constant 0 : i32
    %c0_i32_1 = arith.constant 0 : i32
    return %c0_i32, %c0_i32_0 : i32, i32
  }
  func.func @transform_16(%arg0: i32) -> (i32, i32) {
    %c0_i32 = arith.constant 0 : i32
    %c0_i32_0 = arith.constant 0 : i32
    %c0_i32_1 = arith.constant 0 : i32
    return %c0_i32, %c0_i32_0 : i32, i32
  }
  func.func @transform_17(%arg0: i32) -> (i32, i32) {
    %c0_i32 = arith.constant 0 : i32
    %c0_i32_0 = arith.constant 0 : i32
    return %arg0, %c0_i32 : i32, i32
  }
}

module attributes {stable_mosaic.version = 14 : i64} {
  func.func @_stage_a_body(%arg0: i32, %arg1: memref<5120x128xf32, #tpu.memory_space<vmem>>, %arg2: memref<512x128xi32, #tpu.memory_space<vmem>>, %arg3: memref<8x64xf32, #tpu.memory_space<vmem>>, %arg4: memref<64x64xf32, #tpu.memory_space<vmem>>, %arg5: memref<64x64xf32, #tpu.memory_space<vmem>>, %arg6: memref<1x64xf32, #tpu.memory_space<vmem>>, %arg7: memref<64x64xf32, #tpu.memory_space<vmem>>, %arg8: memref<64x64xf32, #tpu.memory_space<vmem>>, %arg9: memref<1x64xf32, #tpu.memory_space<vmem>>, %arg10: memref<64x64xf32, #tpu.memory_space<vmem>>, %arg11: memref<1x64xf32, #tpu.memory_space<vmem>>, %arg12: memref<1x64xf32, #tpu.memory_space<vmem>>, %arg13: memref<64x64xf32, #tpu.memory_space<vmem>>, %arg14: memref<1x64xf32, #tpu.memory_space<vmem>>, %arg15: memref<64x64xf32, #tpu.memory_space<vmem>>, %arg16: memref<64x64xf32, #tpu.memory_space<vmem>>, %arg17: memref<1x64xf32, #tpu.memory_space<vmem>>, %arg18: memref<512x64xf32, #tpu.memory_space<vmem>>) attributes {dimension_semantics = [#tpu.dimension_semantics<arbitrary>], iteration_bounds = array<i64: 21>, scalar_prefetch = 0 : i64, scratch_operands = 0 : i64, tpu.core_type = #tpu.core_type<tc>, window_params = [{transform_indices = @transform_0, window_bounds = array<i64: 5120, 128>}, {transform_indices = @transform_1, window_bounds = array<i64: 512, 128>}, {pipeline_mode = #tpu.pipeline_mode<synchronous>, transform_indices = @transform_2, window_bounds = array<i64: 8, 64>}, {pipeline_mode = #tpu.pipeline_mode<synchronous>, transform_indices = @transform_3, window_bounds = array<i64: 64, 64>}, {pipeline_mode = #tpu.pipeline_mode<synchronous>, transform_indices = @transform_4, window_bounds = array<i64: 64, 64>}, {pipeline_mode = #tpu.pipeline_mode<synchronous>, transform_indices = @transform_5, window_bounds = array<i64: 1, 64>}, {pipeline_mode = #tpu.pipeline_mode<synchronous>, transform_indices = @transform_6, window_bounds = array<i64: 64, 64>}, {pipeline_mode = #tpu.pipeline_mode<synchronous>, transform_indices = @transform_7, window_bounds = array<i64: 64, 64>}, {pipeline_mode = #tpu.pipeline_mode<synchronous>, transform_indices = @transform_8, window_bounds = array<i64: 1, 64>}, {pipeline_mode = #tpu.pipeline_mode<synchronous>, transform_indices = @transform_9, window_bounds = array<i64: 64, 64>}, {pipeline_mode = #tpu.pipeline_mode<synchronous>, transform_indices = @transform_10, window_bounds = array<i64: 1, 64>}, {pipeline_mode = #tpu.pipeline_mode<synchronous>, transform_indices = @transform_11, window_bounds = array<i64: 1, 64>}, {pipeline_mode = #tpu.pipeline_mode<synchronous>, transform_indices = @transform_12, window_bounds = array<i64: 64, 64>}, {pipeline_mode = #tpu.pipeline_mode<synchronous>, transform_indices = @transform_13, window_bounds = array<i64: 1, 64>}, {pipeline_mode = #tpu.pipeline_mode<synchronous>, transform_indices = @transform_14, window_bounds = array<i64: 64, 64>}, {pipeline_mode = #tpu.pipeline_mode<synchronous>, transform_indices = @transform_15, window_bounds = array<i64: 64, 64>}, {pipeline_mode = #tpu.pipeline_mode<synchronous>, transform_indices = @transform_16, window_bounds = array<i64: 1, 64>}, {transform_indices = @transform_17, window_bounds = array<i64: 512, 64>}]} {
    %get3A = arith.constant 0 : index
    %get3A_0 = arith.constant 0 : index
    %get3A_1 = vector.load %arg3[%get3A, %get3A_0] : memref<8x64xf32, #tpu.memory_space<vmem>>, vector<8x64xf32>
    %get3A_2 = arith.constant 0 : index
    %get3A_3 = arith.constant 0 : index
    %get3A_4 = vector.load %arg5[%get3A_2, %get3A_3] : memref<64x64xf32, #tpu.memory_space<vmem>>, vector<64x64xf32>
    %convert_element_type3A = arith.truncf %get3A_1 : vector<8x64xf32> to vector<8x64xbf16>
    %convert_element_type3A_5 = arith.truncf %get3A_4 : vector<64x64xf32> to vector<64x64xbf16>
    %dot_general3A = arith.constant dense<0.000000e+00> : vector<8x64xf32>
    %dot_general3A_6 = tpu.matmul %convert_element_type3A, %convert_element_type3A_5, %dot_general3A {dimension_numbers = #tpu.dot_dimension_numbers<[1], [0], [0], [1], [0, 0, 1, 1], [], []>, transpose_lhs_hint = false} : vector<8x64xbf16>, vector<64x64xbf16>, vector<8x64xf32> -> vector<8x64xf32>
    %iota3A = tpu.iota {dimensions = array<i32: 1>} : vector<1x8xi32>
    %get3A_7 = arith.constant 0 : index
    %get3A_8 = arith.constant 64 : index
    %get3A_9 = vector.load %arg2[%get3A_7, %get3A_8] : memref<512x128xi32, #tpu.memory_space<vmem>>, vector<256x64xi32>
    %bitcast_convert_type3A = tpu.bitcast %get3A_9 : vector<256x64xi32> -> vector<256x64xf32>
    %get3A_10 = arith.constant 0 : index
    %get3A_11 = arith.constant 0 : index
    %get3A_12 = vector.load %arg1[%get3A_10, %get3A_11] : memref<5120x128xf32, #tpu.memory_space<vmem>>, vector<5120x64xf32>
    %get3A_13 = arith.constant 0 : index
    %get3A_14 = arith.constant 20 : index
    %get3A_15 = vector.load %arg2[%get3A_13, %get3A_14] : memref<512x128xi32, #tpu.memory_space<vmem>>, vector<256x1xi32>
    %eq3A = vector.broadcast %get3A_15 : vector<256x1xi32> to vector<256x8xi32>
    %eq3A_16 = vector.broadcast %iota3A : vector<1x8xi32> to vector<256x8xi32>
    %eq3A_17 = arith.cmpi eq, %eq3A, %eq3A_16 : vector<256x8xi32>
    %convert_element_type3A_18 = arith.extui %eq3A_17 : vector<256x8xi1> to vector<256x8xi32>
    %convert_element_type3A_19 = arith.sitofp %convert_element_type3A_18 : vector<256x8xi32> to vector<256x8xf32>
    %get3A_20 = arith.constant 0 : index
    %get3A_21 = arith.constant 21 : index
    %get3A_22 = vector.load %arg2[%get3A_20, %get3A_21] : memref<512x128xi32, #tpu.memory_space<vmem>>, vector<256x1xi32>
    %eq3A_23 = vector.broadcast %get3A_22 : vector<256x1xi32> to vector<256x8xi32>
    %eq3A_24 = vector.broadcast %iota3A : vector<1x8xi32> to vector<256x8xi32>
    %eq3A_25 = arith.cmpi eq, %eq3A_23, %eq3A_24 : vector<256x8xi32>
    %convert_element_type3A_26 = arith.extui %eq3A_25 : vector<256x8xi1> to vector<256x8xi32>
    %convert_element_type3A_27 = arith.sitofp %convert_element_type3A_26 : vector<256x8xi32> to vector<256x8xf32>
    %get3A_28 = arith.constant 0 : index
    %get3A_29 = arith.constant 22 : index
    %get3A_30 = vector.load %arg2[%get3A_28, %get3A_29] : memref<512x128xi32, #tpu.memory_space<vmem>>, vector<256x1xi32>
    %eq3A_31 = vector.broadcast %get3A_30 : vector<256x1xi32> to vector<256x8xi32>
    %eq3A_32 = vector.broadcast %iota3A : vector<1x8xi32> to vector<256x8xi32>
    %eq3A_33 = arith.cmpi eq, %eq3A_31, %eq3A_32 : vector<256x8xi32>
    %convert_element_type3A_34 = arith.extui %eq3A_33 : vector<256x8xi1> to vector<256x8xi32>
    %convert_element_type3A_35 = arith.sitofp %convert_element_type3A_34 : vector<256x8xi32> to vector<256x8xf32>
    %get3A_36 = arith.constant 0 : index
    %get3A_37 = arith.constant 23 : index
    %get3A_38 = vector.load %arg2[%get3A_36, %get3A_37] : memref<512x128xi32, #tpu.memory_space<vmem>>, vector<256x1xi32>
    %eq3A_39 = vector.broadcast %get3A_38 : vector<256x1xi32> to vector<256x8xi32>
    %eq3A_40 = vector.broadcast %iota3A : vector<1x8xi32> to vector<256x8xi32>
    %eq3A_41 = arith.cmpi eq, %eq3A_39, %eq3A_40 : vector<256x8xi32>
    %convert_element_type3A_42 = arith.extui %eq3A_41 : vector<256x8xi1> to vector<256x8xi32>
    %convert_element_type3A_43 = arith.sitofp %convert_element_type3A_42 : vector<256x8xi32> to vector<256x8xf32>
    %get3A_44 = arith.constant 0 : index
    %get3A_45 = arith.constant 24 : index
    %get3A_46 = vector.load %arg2[%get3A_44, %get3A_45] : memref<512x128xi32, #tpu.memory_space<vmem>>, vector<256x1xi32>
    %eq3A_47 = vector.broadcast %get3A_46 : vector<256x1xi32> to vector<256x8xi32>
    %eq3A_48 = vector.broadcast %iota3A : vector<1x8xi32> to vector<256x8xi32>
    %eq3A_49 = arith.cmpi eq, %eq3A_47, %eq3A_48 : vector<256x8xi32>
    %convert_element_type3A_50 = arith.extui %eq3A_49 : vector<256x8xi1> to vector<256x8xi32>
    %convert_element_type3A_51 = arith.sitofp %convert_element_type3A_50 : vector<256x8xi32> to vector<256x8xf32>
    %get3A_52 = arith.constant 0 : index
    %get3A_53 = arith.constant 25 : index
    %get3A_54 = vector.load %arg2[%get3A_52, %get3A_53] : memref<512x128xi32, #tpu.memory_space<vmem>>, vector<256x1xi32>
    %eq3A_55 = vector.broadcast %get3A_54 : vector<256x1xi32> to vector<256x8xi32>
    %eq3A_56 = vector.broadcast %iota3A : vector<1x8xi32> to vector<256x8xi32>
    %eq3A_57 = arith.cmpi eq, %eq3A_55, %eq3A_56 : vector<256x8xi32>
    %convert_element_type3A_58 = arith.extui %eq3A_57 : vector<256x8xi1> to vector<256x8xi32>
    %convert_element_type3A_59 = arith.sitofp %convert_element_type3A_58 : vector<256x8xi32> to vector<256x8xf32>
    %get3A_60 = arith.constant 0 : index
    %get3A_61 = arith.constant 26 : index
    %get3A_62 = vector.load %arg2[%get3A_60, %get3A_61] : memref<512x128xi32, #tpu.memory_space<vmem>>, vector<256x1xi32>
    %eq3A_63 = vector.broadcast %get3A_62 : vector<256x1xi32> to vector<256x8xi32>
    %eq3A_64 = vector.broadcast %iota3A : vector<1x8xi32> to vector<256x8xi32>
    %eq3A_65 = arith.cmpi eq, %eq3A_63, %eq3A_64 : vector<256x8xi32>
    %convert_element_type3A_66 = arith.extui %eq3A_65 : vector<256x8xi1> to vector<256x8xi32>
    %convert_element_type3A_67 = arith.sitofp %convert_element_type3A_66 : vector<256x8xi32> to vector<256x8xf32>
    %get3A_68 = arith.constant 0 : index
    %get3A_69 = arith.constant 27 : index
    %get3A_70 = vector.load %arg2[%get3A_68, %get3A_69] : memref<512x128xi32, #tpu.memory_space<vmem>>, vector<256x1xi32>
    %eq3A_71 = vector.broadcast %get3A_70 : vector<256x1xi32> to vector<256x8xi32>
    %eq3A_72 = vector.broadcast %iota3A : vector<1x8xi32> to vector<256x8xi32>
    %eq3A_73 = arith.cmpi eq, %eq3A_71, %eq3A_72 : vector<256x8xi32>
    %convert_element_type3A_74 = arith.extui %eq3A_73 : vector<256x8xi1> to vector<256x8xi32>
    %convert_element_type3A_75 = arith.sitofp %convert_element_type3A_74 : vector<256x8xi32> to vector<256x8xf32>
    %get3A_76 = arith.constant 0 : index
    %get3A_77 = arith.constant 28 : index
    %get3A_78 = vector.load %arg2[%get3A_76, %get3A_77] : memref<512x128xi32, #tpu.memory_space<vmem>>, vector<256x1xi32>
    %eq3A_79 = vector.broadcast %get3A_78 : vector<256x1xi32> to vector<256x8xi32>
    %eq3A_80 = vector.broadcast %iota3A : vector<1x8xi32> to vector<256x8xi32>
    %eq3A_81 = arith.cmpi eq, %eq3A_79, %eq3A_80 : vector<256x8xi32>
    %convert_element_type3A_82 = arith.extui %eq3A_81 : vector<256x8xi1> to vector<256x8xi32>
    %convert_element_type3A_83 = arith.sitofp %convert_element_type3A_82 : vector<256x8xi32> to vector<256x8xf32>
    %get3A_84 = arith.constant 0 : index
    %get3A_85 = arith.constant 29 : index
    %get3A_86 = vector.load %arg2[%get3A_84, %get3A_85] : memref<512x128xi32, #tpu.memory_space<vmem>>, vector<256x1xi32>
    %eq3A_87 = vector.broadcast %get3A_86 : vector<256x1xi32> to vector<256x8xi32>
    %eq3A_88 = vector.broadcast %iota3A : vector<1x8xi32> to vector<256x8xi32>
    %eq3A_89 = arith.cmpi eq, %eq3A_87, %eq3A_88 : vector<256x8xi32>
    %convert_element_type3A_90 = arith.extui %eq3A_89 : vector<256x8xi1> to vector<256x8xi32>
    %convert_element_type3A_91 = arith.sitofp %convert_element_type3A_90 : vector<256x8xi32> to vector<256x8xf32>
    %get3A_92 = arith.constant 0 : index
    %get3A_93 = arith.constant 30 : index
    %get3A_94 = vector.load %arg2[%get3A_92, %get3A_93] : memref<512x128xi32, #tpu.memory_space<vmem>>, vector<256x1xi32>
    %eq3A_95 = vector.broadcast %get3A_94 : vector<256x1xi32> to vector<256x8xi32>
    %eq3A_96 = vector.broadcast %iota3A : vector<1x8xi32> to vector<256x8xi32>
    %eq3A_97 = arith.cmpi eq, %eq3A_95, %eq3A_96 : vector<256x8xi32>
    %convert_element_type3A_98 = arith.extui %eq3A_97 : vector<256x8xi1> to vector<256x8xi32>
    %convert_element_type3A_99 = arith.sitofp %convert_element_type3A_98 : vector<256x8xi32> to vector<256x8xf32>
    %get3A_100 = arith.constant 0 : index
    %get3A_101 = arith.constant 31 : index
    %get3A_102 = vector.load %arg2[%get3A_100, %get3A_101] : memref<512x128xi32, #tpu.memory_space<vmem>>, vector<256x1xi32>
    %eq3A_103 = vector.broadcast %get3A_102 : vector<256x1xi32> to vector<256x8xi32>
    %eq3A_104 = vector.broadcast %iota3A : vector<1x8xi32> to vector<256x8xi32>
    %eq3A_105 = arith.cmpi eq, %eq3A_103, %eq3A_104 : vector<256x8xi32>
    %convert_element_type3A_106 = arith.extui %eq3A_105 : vector<256x8xi1> to vector<256x8xi32>
    %convert_element_type3A_107 = arith.sitofp %convert_element_type3A_106 : vector<256x8xi32> to vector<256x8xf32>
    %get3A_108 = arith.constant 0 : index
    %get3A_109 = arith.constant 32 : index
    %get3A_110 = vector.load %arg2[%get3A_108, %get3A_109] : memref<512x128xi32, #tpu.memory_space<vmem>>, vector<256x1xi32>
    %eq3A_111 = vector.broadcast %get3A_110 : vector<256x1xi32> to vector<256x8xi32>
    %eq3A_112 = vector.broadcast %iota3A : vector<1x8xi32> to vector<256x8xi32>
    %eq3A_113 = arith.cmpi eq, %eq3A_111, %eq3A_112 : vector<256x8xi32>
    %convert_element_type3A_114 = arith.extui %eq3A_113 : vector<256x8xi1> to vector<256x8xi32>
    %convert_element_type3A_115 = arith.sitofp %convert_element_type3A_114 : vector<256x8xi32> to vector<256x8xf32>
    %get3A_116 = arith.constant 0 : index
    %get3A_117 = arith.constant 33 : index
    %get3A_118 = vector.load %arg2[%get3A_116, %get3A_117] : memref<512x128xi32, #tpu.memory_space<vmem>>, vector<256x1xi32>
    %eq3A_119 = vector.broadcast %get3A_118 : vector<256x1xi32> to vector<256x8xi32>
    %eq3A_120 = vector.broadcast %iota3A : vector<1x8xi32> to vector<256x8xi32>
    %eq3A_121 = arith.cmpi eq, %eq3A_119, %eq3A_120 : vector<256x8xi32>
    %convert_element_type3A_122 = arith.extui %eq3A_121 : vector<256x8xi1> to vector<256x8xi32>
    %convert_element_type3A_123 = arith.sitofp %convert_element_type3A_122 : vector<256x8xi32> to vector<256x8xf32>
    %get3A_124 = arith.constant 0 : index
    %get3A_125 = arith.constant 34 : index
    %get3A_126 = vector.load %arg2[%get3A_124, %get3A_125] : memref<512x128xi32, #tpu.memory_space<vmem>>, vector<256x1xi32>
    %eq3A_127 = vector.broadcast %get3A_126 : vector<256x1xi32> to vector<256x8xi32>
    %eq3A_128 = vector.broadcast %iota3A : vector<1x8xi32> to vector<256x8xi32>
    %eq3A_129 = arith.cmpi eq, %eq3A_127, %eq3A_128 : vector<256x8xi32>
    %convert_element_type3A_130 = arith.extui %eq3A_129 : vector<256x8xi1> to vector<256x8xi32>
    %convert_element_type3A_131 = arith.sitofp %convert_element_type3A_130 : vector<256x8xi32> to vector<256x8xf32>
    %get3A_132 = arith.constant 0 : index
    %get3A_133 = arith.constant 35 : index
    %get3A_134 = vector.load %arg2[%get3A_132, %get3A_133] : memref<512x128xi32, #tpu.memory_space<vmem>>, vector<256x1xi32>
    %eq3A_135 = vector.broadcast %get3A_134 : vector<256x1xi32> to vector<256x8xi32>
    %eq3A_136 = vector.broadcast %iota3A : vector<1x8xi32> to vector<256x8xi32>
    %eq3A_137 = arith.cmpi eq, %eq3A_135, %eq3A_136 : vector<256x8xi32>
    %convert_element_type3A_138 = arith.extui %eq3A_137 : vector<256x8xi1> to vector<256x8xi32>
    %convert_element_type3A_139 = arith.sitofp %convert_element_type3A_138 : vector<256x8xi32> to vector<256x8xf32>
    %get3A_140 = arith.constant 0 : index
    %get3A_141 = arith.constant 36 : index
    %get3A_142 = vector.load %arg2[%get3A_140, %get3A_141] : memref<512x128xi32, #tpu.memory_space<vmem>>, vector<256x1xi32>
    %eq3A_143 = vector.broadcast %get3A_142 : vector<256x1xi32> to vector<256x8xi32>
    %eq3A_144 = vector.broadcast %iota3A : vector<1x8xi32> to vector<256x8xi32>
    %eq3A_145 = arith.cmpi eq, %eq3A_143, %eq3A_144 : vector<256x8xi32>
    %convert_element_type3A_146 = arith.extui %eq3A_145 : vector<256x8xi1> to vector<256x8xi32>
    %convert_element_type3A_147 = arith.sitofp %convert_element_type3A_146 : vector<256x8xi32> to vector<256x8xf32>
    %get3A_148 = arith.constant 0 : index
    %get3A_149 = arith.constant 37 : index
    %get3A_150 = vector.load %arg2[%get3A_148, %get3A_149] : memref<512x128xi32, #tpu.memory_space<vmem>>, vector<256x1xi32>
    %eq3A_151 = vector.broadcast %get3A_150 : vector<256x1xi32> to vector<256x8xi32>
    %eq3A_152 = vector.broadcast %iota3A : vector<1x8xi32> to vector<256x8xi32>
    %eq3A_153 = arith.cmpi eq, %eq3A_151, %eq3A_152 : vector<256x8xi32>
    %convert_element_type3A_154 = arith.extui %eq3A_153 : vector<256x8xi1> to vector<256x8xi32>
    %convert_element_type3A_155 = arith.sitofp %convert_element_type3A_154 : vector<256x8xi32> to vector<256x8xf32>
    %get3A_156 = arith.constant 0 : index
    %get3A_157 = arith.constant 38 : index
    %get3A_158 = vector.load %arg2[%get3A_156, %get3A_157] : memref<512x128xi32, #tpu.memory_space<vmem>>, vector<256x1xi32>
    %eq3A_159 = vector.broadcast %get3A_158 : vector<256x1xi32> to vector<256x8xi32>
    %eq3A_160 = vector.broadcast %iota3A : vector<1x8xi32> to vector<256x8xi32>
    %eq3A_161 = arith.cmpi eq, %eq3A_159, %eq3A_160 : vector<256x8xi32>
    %convert_element_type3A_162 = arith.extui %eq3A_161 : vector<256x8xi1> to vector<256x8xi32>
    %convert_element_type3A_163 = arith.sitofp %convert_element_type3A_162 : vector<256x8xi32> to vector<256x8xf32>
    %get3A_164 = arith.constant 0 : index
    %get3A_165 = arith.constant 39 : index
    %get3A_166 = vector.load %arg2[%get3A_164, %get3A_165] : memref<512x128xi32, #tpu.memory_space<vmem>>, vector<256x1xi32>
    %eq3A_167 = vector.broadcast %get3A_166 : vector<256x1xi32> to vector<256x8xi32>
    %eq3A_168 = vector.broadcast %iota3A : vector<1x8xi32> to vector<256x8xi32>
    %eq3A_169 = arith.cmpi eq, %eq3A_167, %eq3A_168 : vector<256x8xi32>
    %convert_element_type3A_170 = arith.extui %eq3A_169 : vector<256x8xi1> to vector<256x8xi32>
    %convert_element_type3A_171 = arith.sitofp %convert_element_type3A_170 : vector<256x8xi32> to vector<256x8xf32>
    %concatenate3A = tpu.concatenate %convert_element_type3A_19, %convert_element_type3A_27, %convert_element_type3A_35, %convert_element_type3A_43, %convert_element_type3A_51, %convert_element_type3A_59, %convert_element_type3A_67, %convert_element_type3A_75, %convert_element_type3A_83, %convert_element_type3A_91, %convert_element_type3A_99, %convert_element_type3A_107, %convert_element_type3A_115, %convert_element_type3A_123, %convert_element_type3A_131, %convert_element_type3A_139, %convert_element_type3A_147, %convert_element_type3A_155, %convert_element_type3A_163, %convert_element_type3A_171 in 0 : vector<256x8xf32>, vector<256x8xf32>, vector<256x8xf32>, vector<256x8xf32>, vector<256x8xf32>, vector<256x8xf32>, vector<256x8xf32>, vector<256x8xf32>, vector<256x8xf32>, vector<256x8xf32>, vector<256x8xf32>, vector<256x8xf32>, vector<256x8xf32>, vector<256x8xf32>, vector<256x8xf32>, vector<256x8xf32>, vector<256x8xf32>, vector<256x8xf32>, vector<256x8xf32>, vector<256x8xf32> -> vector<5120x8xf32>
    %get3A_172 = arith.constant 0 : index
    %get3A_173 = arith.constant 0 : index
    %get3A_174 = vector.load %arg8[%get3A_172, %get3A_173] : memref<64x64xf32, #tpu.memory_space<vmem>>, vector<64x64xf32>
    %convert_element_type3A_175 = arith.truncf %bitcast_convert_type3A : vector<256x64xf32> to vector<256x64xbf16>
    %convert_element_type3A_176 = arith.truncf %get3A_174 : vector<64x64xf32> to vector<64x64xbf16>
    %dot_general3A_177 = arith.constant dense<0.000000e+00> : vector<256x64xf32>
    %dot_general3A_178 = tpu.matmul %convert_element_type3A_175, %convert_element_type3A_176, %dot_general3A_177 {dimension_numbers = #tpu.dot_dimension_numbers<[1], [0], [0], [1], [0, 0, 1, 1], [], []>, transpose_lhs_hint = false} : vector<256x64xbf16>, vector<64x64xbf16>, vector<256x64xf32> -> vector<256x64xf32>
    %get3A_179 = arith.constant 0 : index
    %get3A_180 = arith.constant 0 : index
    %get3A_181 = vector.load %arg9[%get3A_179, %get3A_180] : memref<1x64xf32, #tpu.memory_space<vmem>>, vector<1x64xf32>
    %add3A = vector.broadcast %get3A_181 : vector<1x64xf32> to vector<256x64xf32>
    %add3A_182 = arith.addf %dot_general3A_178, %add3A : vector<256x64xf32>
    %broadcast_in_dim3A = vector.shape_cast %add3A_182 : vector<256x64xf32> to vector<1x256x64xf32>
    %broadcast_in_dim3A_183 = vector.shape_cast %broadcast_in_dim3A : vector<1x256x64xf32> to vector<1x256x64xf32>
    %broadcast_in_dim3A_184 = vector.broadcast %broadcast_in_dim3A_183 : vector<1x256x64xf32> to vector<20x256x64xf32>
    %reshape3A = vector.shape_cast %broadcast_in_dim3A_184 : vector<20x256x64xf32> to vector<5120x64xf32>
    %get3A_185 = arith.constant 0 : index
    %get3A_186 = arith.constant 0 : index
    %get3A_187 = vector.load %arg4[%get3A_185, %get3A_186] : memref<64x64xf32, #tpu.memory_space<vmem>>, vector<64x64xf32>
    %convert_element_type3A_188 = arith.truncf %get3A_12 : vector<5120x64xf32> to vector<5120x64xbf16>
    %convert_element_type3A_189 = arith.truncf %get3A_187 : vector<64x64xf32> to vector<64x64xbf16>
    %dot_general3A_190 = arith.constant dense<0.000000e+00> : vector<5120x64xf32>
    %dot_general3A_191 = tpu.matmul %convert_element_type3A_188, %convert_element_type3A_189, %dot_general3A_190 {dimension_numbers = #tpu.dot_dimension_numbers<[1], [0], [0], [1], [0, 0, 1, 1], [], []>, transpose_lhs_hint = false} : vector<5120x64xbf16>, vector<64x64xbf16>, vector<5120x64xf32> -> vector<5120x64xf32>
    %convert_element_type3A_192 = arith.truncf %concatenate3A : vector<5120x8xf32> to vector<5120x8xbf16>
    %convert_element_type3A_193 = arith.truncf %dot_general3A_6 : vector<8x64xf32> to vector<8x64xbf16>
    %dot_general3A_194 = arith.constant dense<0.000000e+00> : vector<5120x64xf32>
    %dot_general3A_195 = tpu.matmul %convert_element_type3A_192, %convert_element_type3A_193, %dot_general3A_194 {dimension_numbers = #tpu.dot_dimension_numbers<[1], [0], [0], [1], [0, 0, 1, 1], [], []>, transpose_lhs_hint = false} : vector<5120x8xbf16>, vector<8x64xbf16>, vector<5120x64xf32> -> vector<5120x64xf32>
    %add3A_196 = arith.addf %dot_general3A_191, %dot_general3A_195 : vector<5120x64xf32>
    %get3A_197 = arith.constant 0 : index
    %get3A_198 = arith.constant 0 : index
    %get3A_199 = vector.load %arg6[%get3A_197, %get3A_198] : memref<1x64xf32, #tpu.memory_space<vmem>>, vector<1x64xf32>
    %add3A_200 = vector.broadcast %get3A_199 : vector<1x64xf32> to vector<5120x64xf32>
    %add3A_201 = arith.addf %add3A_196, %add3A_200 : vector<5120x64xf32>
    %max3A = arith.constant 0.000000e+00 : f32
    %max3A_202 = vector.broadcast %max3A : f32 to vector<5120x64xf32>
    %max3A_203 = arith.maximumf %add3A_201, %max3A_202 : vector<5120x64xf32>
    %get3A_204 = arith.constant 0 : index
    %get3A_205 = arith.constant 0 : index
    %get3A_206 = vector.load %arg7[%get3A_204, %get3A_205] : memref<64x64xf32, #tpu.memory_space<vmem>>, vector<64x64xf32>
    %convert_element_type3A_207 = arith.truncf %max3A_203 : vector<5120x64xf32> to vector<5120x64xbf16>
    %convert_element_type3A_208 = arith.truncf %get3A_206 : vector<64x64xf32> to vector<64x64xbf16>
    %dot_general3A_209 = arith.constant dense<0.000000e+00> : vector<5120x64xf32>
    %dot_general3A_210 = tpu.matmul %convert_element_type3A_207, %convert_element_type3A_208, %dot_general3A_209 {dimension_numbers = #tpu.dot_dimension_numbers<[1], [0], [0], [1], [0, 0, 1, 1], [], []>, transpose_lhs_hint = false} : vector<5120x64xbf16>, vector<64x64xbf16>, vector<5120x64xf32> -> vector<5120x64xf32>
    %add3A_211 = arith.addf %dot_general3A_210, %reshape3A : vector<5120x64xf32>
    %max3A_212 = arith.constant 0.000000e+00 : f32
    %max3A_213 = vector.broadcast %max3A_212 : f32 to vector<5120x64xf32>
    %max3A_214 = arith.maximumf %add3A_211, %max3A_213 : vector<5120x64xf32>
    %get3A_215 = arith.constant 0 : index
    %get3A_216 = arith.constant 0 : index
    %get3A_217 = vector.load %arg10[%get3A_215, %get3A_216] : memref<64x64xf32, #tpu.memory_space<vmem>>, vector<64x64xf32>
    %convert_element_type3A_218 = arith.truncf %max3A_214 : vector<5120x64xf32> to vector<5120x64xbf16>
    %convert_element_type3A_219 = arith.truncf %get3A_217 : vector<64x64xf32> to vector<64x64xbf16>
    %dot_general3A_220 = arith.constant dense<0.000000e+00> : vector<5120x64xf32>
    %dot_general3A_221 = tpu.matmul %convert_element_type3A_218, %convert_element_type3A_219, %dot_general3A_220 {dimension_numbers = #tpu.dot_dimension_numbers<[1], [0], [0], [1], [0, 0, 1, 1], [], []>, transpose_lhs_hint = false} : vector<5120x64xbf16>, vector<64x64xbf16>, vector<5120x64xf32> -> vector<5120x64xf32>
    %get3A_222 = arith.constant 0 : index
    %get3A_223 = arith.constant 0 : index
    %get3A_224 = vector.load %arg11[%get3A_222, %get3A_223] : memref<1x64xf32, #tpu.memory_space<vmem>>, vector<1x64xf32>
    %add3A_225 = vector.broadcast %get3A_224 : vector<1x64xf32> to vector<5120x64xf32>
    %add3A_226 = arith.addf %dot_general3A_221, %add3A_225 : vector<5120x64xf32>
    %max3A_227 = arith.constant 0.000000e+00 : f32
    %max3A_228 = vector.broadcast %max3A_227 : f32 to vector<5120x64xf32>
    %max3A_229 = arith.maximumf %add3A_226, %max3A_228 : vector<5120x64xf32>
    %get3A_230 = arith.constant 0 : index
    %get3A_231 = arith.constant 0 : index
    %get3A_232 = vector.load %arg12[%get3A_230, %get3A_231] : memref<1x64xf32, #tpu.memory_space<vmem>>, vector<1x64xf32>
    %mul3A = vector.broadcast %get3A_232 : vector<1x64xf32> to vector<5120x64xf32>
    %mul3A_233 = arith.mulf %max3A_229, %mul3A : vector<5120x64xf32>
    %reduce_sum3A = arith.constant dense<0.000000e+00> : vector<5120xf32>
    %reduce_sum3A_234 = vector.multi_reduction <add>, %mul3A_233, %reduce_sum3A [1] : vector<5120x64xf32> to vector<5120xf32>
    %broadcast_in_dim3A_235 = vector.shape_cast %reduce_sum3A_234 : vector<5120xf32> to vector<5120x1xf32>
    %reshape3A_236 = vector.shape_cast %broadcast_in_dim3A_235 : vector<5120x1xf32> to vector<20x256x1xf32>
    %slice3A = vector.extract_strided_slice %reshape3A_236 {offsets = [0, 0, 0], sizes = [1, 256, 1], strides = [1, 1, 1]} : vector<20x256x1xf32> to vector<1x256x1xf32>
    %squeeze3A = vector.shape_cast %slice3A : vector<1x256x1xf32> to vector<256x1xf32>
    %slice3A_237 = vector.extract_strided_slice %reshape3A_236 {offsets = [1, 0, 0], sizes = [1, 256, 1], strides = [1, 1, 1]} : vector<20x256x1xf32> to vector<1x256x1xf32>
    %squeeze3A_238 = vector.shape_cast %slice3A_237 : vector<1x256x1xf32> to vector<256x1xf32>
    %max3A_239 = arith.maximumf %squeeze3A, %squeeze3A_238 : vector<256x1xf32>
    %slice3A_240 = vector.extract_strided_slice %reshape3A_236 {offsets = [2, 0, 0], sizes = [1, 256, 1], strides = [1, 1, 1]} : vector<20x256x1xf32> to vector<1x256x1xf32>
    %squeeze3A_241 = vector.shape_cast %slice3A_240 : vector<1x256x1xf32> to vector<256x1xf32>
    %max3A_242 = arith.maximumf %max3A_239, %squeeze3A_241 : vector<256x1xf32>
    %slice3A_243 = vector.extract_strided_slice %reshape3A_236 {offsets = [3, 0, 0], sizes = [1, 256, 1], strides = [1, 1, 1]} : vector<20x256x1xf32> to vector<1x256x1xf32>
    %squeeze3A_244 = vector.shape_cast %slice3A_243 : vector<1x256x1xf32> to vector<256x1xf32>
    %max3A_245 = arith.maximumf %max3A_242, %squeeze3A_244 : vector<256x1xf32>
    %slice3A_246 = vector.extract_strided_slice %reshape3A_236 {offsets = [4, 0, 0], sizes = [1, 256, 1], strides = [1, 1, 1]} : vector<20x256x1xf32> to vector<1x256x1xf32>
    %squeeze3A_247 = vector.shape_cast %slice3A_246 : vector<1x256x1xf32> to vector<256x1xf32>
    %max3A_248 = arith.maximumf %max3A_245, %squeeze3A_247 : vector<256x1xf32>
    %slice3A_249 = vector.extract_strided_slice %reshape3A_236 {offsets = [5, 0, 0], sizes = [1, 256, 1], strides = [1, 1, 1]} : vector<20x256x1xf32> to vector<1x256x1xf32>
    %squeeze3A_250 = vector.shape_cast %slice3A_249 : vector<1x256x1xf32> to vector<256x1xf32>
    %max3A_251 = arith.maximumf %max3A_248, %squeeze3A_250 : vector<256x1xf32>
    %slice3A_252 = vector.extract_strided_slice %reshape3A_236 {offsets = [6, 0, 0], sizes = [1, 256, 1], strides = [1, 1, 1]} : vector<20x256x1xf32> to vector<1x256x1xf32>
    %squeeze3A_253 = vector.shape_cast %slice3A_252 : vector<1x256x1xf32> to vector<256x1xf32>
    %max3A_254 = arith.maximumf %max3A_251, %squeeze3A_253 : vector<256x1xf32>
    %slice3A_255 = vector.extract_strided_slice %reshape3A_236 {offsets = [7, 0, 0], sizes = [1, 256, 1], strides = [1, 1, 1]} : vector<20x256x1xf32> to vector<1x256x1xf32>
    %squeeze3A_256 = vector.shape_cast %slice3A_255 : vector<1x256x1xf32> to vector<256x1xf32>
    %max3A_257 = arith.maximumf %max3A_254, %squeeze3A_256 : vector<256x1xf32>
    %slice3A_258 = vector.extract_strided_slice %reshape3A_236 {offsets = [8, 0, 0], sizes = [1, 256, 1], strides = [1, 1, 1]} : vector<20x256x1xf32> to vector<1x256x1xf32>
    %squeeze3A_259 = vector.shape_cast %slice3A_258 : vector<1x256x1xf32> to vector<256x1xf32>
    %max3A_260 = arith.maximumf %max3A_257, %squeeze3A_259 : vector<256x1xf32>
    %slice3A_261 = vector.extract_strided_slice %reshape3A_236 {offsets = [9, 0, 0], sizes = [1, 256, 1], strides = [1, 1, 1]} : vector<20x256x1xf32> to vector<1x256x1xf32>
    %squeeze3A_262 = vector.shape_cast %slice3A_261 : vector<1x256x1xf32> to vector<256x1xf32>
    %max3A_263 = arith.maximumf %max3A_260, %squeeze3A_262 : vector<256x1xf32>
    %slice3A_264 = vector.extract_strided_slice %reshape3A_236 {offsets = [10, 0, 0], sizes = [1, 256, 1], strides = [1, 1, 1]} : vector<20x256x1xf32> to vector<1x256x1xf32>
    %squeeze3A_265 = vector.shape_cast %slice3A_264 : vector<1x256x1xf32> to vector<256x1xf32>
    %max3A_266 = arith.maximumf %max3A_263, %squeeze3A_265 : vector<256x1xf32>
    %slice3A_267 = vector.extract_strided_slice %reshape3A_236 {offsets = [11, 0, 0], sizes = [1, 256, 1], strides = [1, 1, 1]} : vector<20x256x1xf32> to vector<1x256x1xf32>
    %squeeze3A_268 = vector.shape_cast %slice3A_267 : vector<1x256x1xf32> to vector<256x1xf32>
    %max3A_269 = arith.maximumf %max3A_266, %squeeze3A_268 : vector<256x1xf32>
    %slice3A_270 = vector.extract_strided_slice %reshape3A_236 {offsets = [12, 0, 0], sizes = [1, 256, 1], strides = [1, 1, 1]} : vector<20x256x1xf32> to vector<1x256x1xf32>
    %squeeze3A_271 = vector.shape_cast %slice3A_270 : vector<1x256x1xf32> to vector<256x1xf32>
    %max3A_272 = arith.maximumf %max3A_269, %squeeze3A_271 : vector<256x1xf32>
    %slice3A_273 = vector.extract_strided_slice %reshape3A_236 {offsets = [13, 0, 0], sizes = [1, 256, 1], strides = [1, 1, 1]} : vector<20x256x1xf32> to vector<1x256x1xf32>
    %squeeze3A_274 = vector.shape_cast %slice3A_273 : vector<1x256x1xf32> to vector<256x1xf32>
    %max3A_275 = arith.maximumf %max3A_272, %squeeze3A_274 : vector<256x1xf32>
    %slice3A_276 = vector.extract_strided_slice %reshape3A_236 {offsets = [14, 0, 0], sizes = [1, 256, 1], strides = [1, 1, 1]} : vector<20x256x1xf32> to vector<1x256x1xf32>
    %squeeze3A_277 = vector.shape_cast %slice3A_276 : vector<1x256x1xf32> to vector<256x1xf32>
    %max3A_278 = arith.maximumf %max3A_275, %squeeze3A_277 : vector<256x1xf32>
    %slice3A_279 = vector.extract_strided_slice %reshape3A_236 {offsets = [15, 0, 0], sizes = [1, 256, 1], strides = [1, 1, 1]} : vector<20x256x1xf32> to vector<1x256x1xf32>
    %squeeze3A_280 = vector.shape_cast %slice3A_279 : vector<1x256x1xf32> to vector<256x1xf32>
    %max3A_281 = arith.maximumf %max3A_278, %squeeze3A_280 : vector<256x1xf32>
    %slice3A_282 = vector.extract_strided_slice %reshape3A_236 {offsets = [16, 0, 0], sizes = [1, 256, 1], strides = [1, 1, 1]} : vector<20x256x1xf32> to vector<1x256x1xf32>
    %squeeze3A_283 = vector.shape_cast %slice3A_282 : vector<1x256x1xf32> to vector<256x1xf32>
    %max3A_284 = arith.maximumf %max3A_281, %squeeze3A_283 : vector<256x1xf32>
    %slice3A_285 = vector.extract_strided_slice %reshape3A_236 {offsets = [17, 0, 0], sizes = [1, 256, 1], strides = [1, 1, 1]} : vector<20x256x1xf32> to vector<1x256x1xf32>
    %squeeze3A_286 = vector.shape_cast %slice3A_285 : vector<1x256x1xf32> to vector<256x1xf32>
    %max3A_287 = arith.maximumf %max3A_284, %squeeze3A_286 : vector<256x1xf32>
    %slice3A_288 = vector.extract_strided_slice %reshape3A_236 {offsets = [18, 0, 0], sizes = [1, 256, 1], strides = [1, 1, 1]} : vector<20x256x1xf32> to vector<1x256x1xf32>
    %squeeze3A_289 = vector.shape_cast %slice3A_288 : vector<1x256x1xf32> to vector<256x1xf32>
    %max3A_290 = arith.maximumf %max3A_287, %squeeze3A_289 : vector<256x1xf32>
    %slice3A_291 = vector.extract_strided_slice %reshape3A_236 {offsets = [19, 0, 0], sizes = [1, 256, 1], strides = [1, 1, 1]} : vector<20x256x1xf32> to vector<1x256x1xf32>
    %squeeze3A_292 = vector.shape_cast %slice3A_291 : vector<1x256x1xf32> to vector<256x1xf32>
    %max3A_293 = arith.maximumf %max3A_290, %squeeze3A_292 : vector<256x1xf32>
    %broadcast_in_dim3A_294 = vector.shape_cast %max3A_293 : vector<256x1xf32> to vector<1x256x1xf32>
    %sub3A = vector.broadcast %broadcast_in_dim3A_294 : vector<1x256x1xf32> to vector<20x256x1xf32>
    %sub3A_295 = arith.subf %reshape3A_236, %sub3A : vector<20x256x1xf32>
    %exp3A = math.exp %sub3A_295 : vector<20x256x1xf32>
    %slice3A_296 = vector.extract_strided_slice %exp3A {offsets = [0, 0, 0], sizes = [1, 256, 1], strides = [1, 1, 1]} : vector<20x256x1xf32> to vector<1x256x1xf32>
    %squeeze3A_297 = vector.shape_cast %slice3A_296 : vector<1x256x1xf32> to vector<256x1xf32>
    %slice3A_298 = vector.extract_strided_slice %exp3A {offsets = [1, 0, 0], sizes = [1, 256, 1], strides = [1, 1, 1]} : vector<20x256x1xf32> to vector<1x256x1xf32>
    %squeeze3A_299 = vector.shape_cast %slice3A_298 : vector<1x256x1xf32> to vector<256x1xf32>
    %add3A_300 = arith.addf %squeeze3A_297, %squeeze3A_299 : vector<256x1xf32>
    %slice3A_301 = vector.extract_strided_slice %exp3A {offsets = [2, 0, 0], sizes = [1, 256, 1], strides = [1, 1, 1]} : vector<20x256x1xf32> to vector<1x256x1xf32>
    %squeeze3A_302 = vector.shape_cast %slice3A_301 : vector<1x256x1xf32> to vector<256x1xf32>
    %add3A_303 = arith.addf %add3A_300, %squeeze3A_302 : vector<256x1xf32>
    %slice3A_304 = vector.extract_strided_slice %exp3A {offsets = [3, 0, 0], sizes = [1, 256, 1], strides = [1, 1, 1]} : vector<20x256x1xf32> to vector<1x256x1xf32>
    %squeeze3A_305 = vector.shape_cast %slice3A_304 : vector<1x256x1xf32> to vector<256x1xf32>
    %add3A_306 = arith.addf %add3A_303, %squeeze3A_305 : vector<256x1xf32>
    %slice3A_307 = vector.extract_strided_slice %exp3A {offsets = [4, 0, 0], sizes = [1, 256, 1], strides = [1, 1, 1]} : vector<20x256x1xf32> to vector<1x256x1xf32>
    %squeeze3A_308 = vector.shape_cast %slice3A_307 : vector<1x256x1xf32> to vector<256x1xf32>
    %add3A_309 = arith.addf %add3A_306, %squeeze3A_308 : vector<256x1xf32>
    %slice3A_310 = vector.extract_strided_slice %exp3A {offsets = [5, 0, 0], sizes = [1, 256, 1], strides = [1, 1, 1]} : vector<20x256x1xf32> to vector<1x256x1xf32>
    %squeeze3A_311 = vector.shape_cast %slice3A_310 : vector<1x256x1xf32> to vector<256x1xf32>
    %add3A_312 = arith.addf %add3A_309, %squeeze3A_311 : vector<256x1xf32>
    %slice3A_313 = vector.extract_strided_slice %exp3A {offsets = [6, 0, 0], sizes = [1, 256, 1], strides = [1, 1, 1]} : vector<20x256x1xf32> to vector<1x256x1xf32>
    %squeeze3A_314 = vector.shape_cast %slice3A_313 : vector<1x256x1xf32> to vector<256x1xf32>
    %add3A_315 = arith.addf %add3A_312, %squeeze3A_314 : vector<256x1xf32>
    %slice3A_316 = vector.extract_strided_slice %exp3A {offsets = [7, 0, 0], sizes = [1, 256, 1], strides = [1, 1, 1]} : vector<20x256x1xf32> to vector<1x256x1xf32>
    %squeeze3A_317 = vector.shape_cast %slice3A_316 : vector<1x256x1xf32> to vector<256x1xf32>
    %add3A_318 = arith.addf %add3A_315, %squeeze3A_317 : vector<256x1xf32>
    %slice3A_319 = vector.extract_strided_slice %exp3A {offsets = [8, 0, 0], sizes = [1, 256, 1], strides = [1, 1, 1]} : vector<20x256x1xf32> to vector<1x256x1xf32>
    %squeeze3A_320 = vector.shape_cast %slice3A_319 : vector<1x256x1xf32> to vector<256x1xf32>
    %add3A_321 = arith.addf %add3A_318, %squeeze3A_320 : vector<256x1xf32>
    %slice3A_322 = vector.extract_strided_slice %exp3A {offsets = [9, 0, 0], sizes = [1, 256, 1], strides = [1, 1, 1]} : vector<20x256x1xf32> to vector<1x256x1xf32>
    %squeeze3A_323 = vector.shape_cast %slice3A_322 : vector<1x256x1xf32> to vector<256x1xf32>
    %add3A_324 = arith.addf %add3A_321, %squeeze3A_323 : vector<256x1xf32>
    %slice3A_325 = vector.extract_strided_slice %exp3A {offsets = [10, 0, 0], sizes = [1, 256, 1], strides = [1, 1, 1]} : vector<20x256x1xf32> to vector<1x256x1xf32>
    %squeeze3A_326 = vector.shape_cast %slice3A_325 : vector<1x256x1xf32> to vector<256x1xf32>
    %add3A_327 = arith.addf %add3A_324, %squeeze3A_326 : vector<256x1xf32>
    %slice3A_328 = vector.extract_strided_slice %exp3A {offsets = [11, 0, 0], sizes = [1, 256, 1], strides = [1, 1, 1]} : vector<20x256x1xf32> to vector<1x256x1xf32>
    %squeeze3A_329 = vector.shape_cast %slice3A_328 : vector<1x256x1xf32> to vector<256x1xf32>
    %add3A_330 = arith.addf %add3A_327, %squeeze3A_329 : vector<256x1xf32>
    %slice3A_331 = vector.extract_strided_slice %exp3A {offsets = [12, 0, 0], sizes = [1, 256, 1], strides = [1, 1, 1]} : vector<20x256x1xf32> to vector<1x256x1xf32>
    %squeeze3A_332 = vector.shape_cast %slice3A_331 : vector<1x256x1xf32> to vector<256x1xf32>
    %add3A_333 = arith.addf %add3A_330, %squeeze3A_332 : vector<256x1xf32>
    %slice3A_334 = vector.extract_strided_slice %exp3A {offsets = [13, 0, 0], sizes = [1, 256, 1], strides = [1, 1, 1]} : vector<20x256x1xf32> to vector<1x256x1xf32>
    %squeeze3A_335 = vector.shape_cast %slice3A_334 : vector<1x256x1xf32> to vector<256x1xf32>
    %add3A_336 = arith.addf %add3A_333, %squeeze3A_335 : vector<256x1xf32>
    %slice3A_337 = vector.extract_strided_slice %exp3A {offsets = [14, 0, 0], sizes = [1, 256, 1], strides = [1, 1, 1]} : vector<20x256x1xf32> to vector<1x256x1xf32>
    %squeeze3A_338 = vector.shape_cast %slice3A_337 : vector<1x256x1xf32> to vector<256x1xf32>
    %add3A_339 = arith.addf %add3A_336, %squeeze3A_338 : vector<256x1xf32>
    %slice3A_340 = vector.extract_strided_slice %exp3A {offsets = [15, 0, 0], sizes = [1, 256, 1], strides = [1, 1, 1]} : vector<20x256x1xf32> to vector<1x256x1xf32>
    %squeeze3A_341 = vector.shape_cast %slice3A_340 : vector<1x256x1xf32> to vector<256x1xf32>
    %add3A_342 = arith.addf %add3A_339, %squeeze3A_341 : vector<256x1xf32>
    %slice3A_343 = vector.extract_strided_slice %exp3A {offsets = [16, 0, 0], sizes = [1, 256, 1], strides = [1, 1, 1]} : vector<20x256x1xf32> to vector<1x256x1xf32>
    %squeeze3A_344 = vector.shape_cast %slice3A_343 : vector<1x256x1xf32> to vector<256x1xf32>
    %add3A_345 = arith.addf %add3A_342, %squeeze3A_344 : vector<256x1xf32>
    %slice3A_346 = vector.extract_strided_slice %exp3A {offsets = [17, 0, 0], sizes = [1, 256, 1], strides = [1, 1, 1]} : vector<20x256x1xf32> to vector<1x256x1xf32>
    %squeeze3A_347 = vector.shape_cast %slice3A_346 : vector<1x256x1xf32> to vector<256x1xf32>
    %add3A_348 = arith.addf %add3A_345, %squeeze3A_347 : vector<256x1xf32>
    %slice3A_349 = vector.extract_strided_slice %exp3A {offsets = [18, 0, 0], sizes = [1, 256, 1], strides = [1, 1, 1]} : vector<20x256x1xf32> to vector<1x256x1xf32>
    %squeeze3A_350 = vector.shape_cast %slice3A_349 : vector<1x256x1xf32> to vector<256x1xf32>
    %add3A_351 = arith.addf %add3A_348, %squeeze3A_350 : vector<256x1xf32>
    %slice3A_352 = vector.extract_strided_slice %exp3A {offsets = [19, 0, 0], sizes = [1, 256, 1], strides = [1, 1, 1]} : vector<20x256x1xf32> to vector<1x256x1xf32>
    %squeeze3A_353 = vector.shape_cast %slice3A_352 : vector<1x256x1xf32> to vector<256x1xf32>
    %add3A_354 = arith.addf %add3A_351, %squeeze3A_353 : vector<256x1xf32>
    %reshape3A_355 = vector.shape_cast %max3A_203 : vector<5120x64xf32> to vector<20x256x64xf32>
    %mul3A_356 = vector.broadcast %exp3A : vector<20x256x1xf32> to vector<20x256x64xf32>
    %mul3A_357 = arith.mulf %reshape3A_355, %mul3A_356 : vector<20x256x64xf32>
    %slice3A_358 = vector.extract_strided_slice %mul3A_357 {offsets = [0, 0, 0], sizes = [1, 256, 64], strides = [1, 1, 1]} : vector<20x256x64xf32> to vector<1x256x64xf32>
    %squeeze3A_359 = vector.shape_cast %slice3A_358 : vector<1x256x64xf32> to vector<256x64xf32>
    %slice3A_360 = vector.extract_strided_slice %mul3A_357 {offsets = [1, 0, 0], sizes = [1, 256, 64], strides = [1, 1, 1]} : vector<20x256x64xf32> to vector<1x256x64xf32>
    %squeeze3A_361 = vector.shape_cast %slice3A_360 : vector<1x256x64xf32> to vector<256x64xf32>
    %add3A_362 = arith.addf %squeeze3A_359, %squeeze3A_361 : vector<256x64xf32>
    %slice3A_363 = vector.extract_strided_slice %mul3A_357 {offsets = [2, 0, 0], sizes = [1, 256, 64], strides = [1, 1, 1]} : vector<20x256x64xf32> to vector<1x256x64xf32>
    %squeeze3A_364 = vector.shape_cast %slice3A_363 : vector<1x256x64xf32> to vector<256x64xf32>
    %add3A_365 = arith.addf %add3A_362, %squeeze3A_364 : vector<256x64xf32>
    %slice3A_366 = vector.extract_strided_slice %mul3A_357 {offsets = [3, 0, 0], sizes = [1, 256, 64], strides = [1, 1, 1]} : vector<20x256x64xf32> to vector<1x256x64xf32>
    %squeeze3A_367 = vector.shape_cast %slice3A_366 : vector<1x256x64xf32> to vector<256x64xf32>
    %add3A_368 = arith.addf %add3A_365, %squeeze3A_367 : vector<256x64xf32>
    %slice3A_369 = vector.extract_strided_slice %mul3A_357 {offsets = [4, 0, 0], sizes = [1, 256, 64], strides = [1, 1, 1]} : vector<20x256x64xf32> to vector<1x256x64xf32>
    %squeeze3A_370 = vector.shape_cast %slice3A_369 : vector<1x256x64xf32> to vector<256x64xf32>
    %add3A_371 = arith.addf %add3A_368, %squeeze3A_370 : vector<256x64xf32>
    %slice3A_372 = vector.extract_strided_slice %mul3A_357 {offsets = [5, 0, 0], sizes = [1, 256, 64], strides = [1, 1, 1]} : vector<20x256x64xf32> to vector<1x256x64xf32>
    %squeeze3A_373 = vector.shape_cast %slice3A_372 : vector<1x256x64xf32> to vector<256x64xf32>
    %add3A_374 = arith.addf %add3A_371, %squeeze3A_373 : vector<256x64xf32>
    %slice3A_375 = vector.extract_strided_slice %mul3A_357 {offsets = [6, 0, 0], sizes = [1, 256, 64], strides = [1, 1, 1]} : vector<20x256x64xf32> to vector<1x256x64xf32>
    %squeeze3A_376 = vector.shape_cast %slice3A_375 : vector<1x256x64xf32> to vector<256x64xf32>
    %add3A_377 = arith.addf %add3A_374, %squeeze3A_376 : vector<256x64xf32>
    %slice3A_378 = vector.extract_strided_slice %mul3A_357 {offsets = [7, 0, 0], sizes = [1, 256, 64], strides = [1, 1, 1]} : vector<20x256x64xf32> to vector<1x256x64xf32>
    %squeeze3A_379 = vector.shape_cast %slice3A_378 : vector<1x256x64xf32> to vector<256x64xf32>
    %add3A_380 = arith.addf %add3A_377, %squeeze3A_379 : vector<256x64xf32>
    %slice3A_381 = vector.extract_strided_slice %mul3A_357 {offsets = [8, 0, 0], sizes = [1, 256, 64], strides = [1, 1, 1]} : vector<20x256x64xf32> to vector<1x256x64xf32>
    %squeeze3A_382 = vector.shape_cast %slice3A_381 : vector<1x256x64xf32> to vector<256x64xf32>
    %add3A_383 = arith.addf %add3A_380, %squeeze3A_382 : vector<256x64xf32>
    %slice3A_384 = vector.extract_strided_slice %mul3A_357 {offsets = [9, 0, 0], sizes = [1, 256, 64], strides = [1, 1, 1]} : vector<20x256x64xf32> to vector<1x256x64xf32>
    %squeeze3A_385 = vector.shape_cast %slice3A_384 : vector<1x256x64xf32> to vector<256x64xf32>
    %add3A_386 = arith.addf %add3A_383, %squeeze3A_385 : vector<256x64xf32>
    %slice3A_387 = vector.extract_strided_slice %mul3A_357 {offsets = [10, 0, 0], sizes = [1, 256, 64], strides = [1, 1, 1]} : vector<20x256x64xf32> to vector<1x256x64xf32>
    %squeeze3A_388 = vector.shape_cast %slice3A_387 : vector<1x256x64xf32> to vector<256x64xf32>
    %add3A_389 = arith.addf %add3A_386, %squeeze3A_388 : vector<256x64xf32>
    %slice3A_390 = vector.extract_strided_slice %mul3A_357 {offsets = [11, 0, 0], sizes = [1, 256, 64], strides = [1, 1, 1]} : vector<20x256x64xf32> to vector<1x256x64xf32>
    %squeeze3A_391 = vector.shape_cast %slice3A_390 : vector<1x256x64xf32> to vector<256x64xf32>
    %add3A_392 = arith.addf %add3A_389, %squeeze3A_391 : vector<256x64xf32>
    %slice3A_393 = vector.extract_strided_slice %mul3A_357 {offsets = [12, 0, 0], sizes = [1, 256, 64], strides = [1, 1, 1]} : vector<20x256x64xf32> to vector<1x256x64xf32>
    %squeeze3A_394 = vector.shape_cast %slice3A_393 : vector<1x256x64xf32> to vector<256x64xf32>
    %add3A_395 = arith.addf %add3A_392, %squeeze3A_394 : vector<256x64xf32>
    %slice3A_396 = vector.extract_strided_slice %mul3A_357 {offsets = [13, 0, 0], sizes = [1, 256, 64], strides = [1, 1, 1]} : vector<20x256x64xf32> to vector<1x256x64xf32>
    %squeeze3A_397 = vector.shape_cast %slice3A_396 : vector<1x256x64xf32> to vector<256x64xf32>
    %add3A_398 = arith.addf %add3A_395, %squeeze3A_397 : vector<256x64xf32>
    %slice3A_399 = vector.extract_strided_slice %mul3A_357 {offsets = [14, 0, 0], sizes = [1, 256, 64], strides = [1, 1, 1]} : vector<20x256x64xf32> to vector<1x256x64xf32>
    %squeeze3A_400 = vector.shape_cast %slice3A_399 : vector<1x256x64xf32> to vector<256x64xf32>
    %add3A_401 = arith.addf %add3A_398, %squeeze3A_400 : vector<256x64xf32>
    %slice3A_402 = vector.extract_strided_slice %mul3A_357 {offsets = [15, 0, 0], sizes = [1, 256, 64], strides = [1, 1, 1]} : vector<20x256x64xf32> to vector<1x256x64xf32>
    %squeeze3A_403 = vector.shape_cast %slice3A_402 : vector<1x256x64xf32> to vector<256x64xf32>
    %add3A_404 = arith.addf %add3A_401, %squeeze3A_403 : vector<256x64xf32>
    %slice3A_405 = vector.extract_strided_slice %mul3A_357 {offsets = [16, 0, 0], sizes = [1, 256, 64], strides = [1, 1, 1]} : vector<20x256x64xf32> to vector<1x256x64xf32>
    %squeeze3A_406 = vector.shape_cast %slice3A_405 : vector<1x256x64xf32> to vector<256x64xf32>
    %add3A_407 = arith.addf %add3A_404, %squeeze3A_406 : vector<256x64xf32>
    %slice3A_408 = vector.extract_strided_slice %mul3A_357 {offsets = [17, 0, 0], sizes = [1, 256, 64], strides = [1, 1, 1]} : vector<20x256x64xf32> to vector<1x256x64xf32>
    %squeeze3A_409 = vector.shape_cast %slice3A_408 : vector<1x256x64xf32> to vector<256x64xf32>
    %add3A_410 = arith.addf %add3A_407, %squeeze3A_409 : vector<256x64xf32>
    %slice3A_411 = vector.extract_strided_slice %mul3A_357 {offsets = [18, 0, 0], sizes = [1, 256, 64], strides = [1, 1, 1]} : vector<20x256x64xf32> to vector<1x256x64xf32>
    %squeeze3A_412 = vector.shape_cast %slice3A_411 : vector<1x256x64xf32> to vector<256x64xf32>
    %add3A_413 = arith.addf %add3A_410, %squeeze3A_412 : vector<256x64xf32>
    %slice3A_414 = vector.extract_strided_slice %mul3A_357 {offsets = [19, 0, 0], sizes = [1, 256, 64], strides = [1, 1, 1]} : vector<20x256x64xf32> to vector<1x256x64xf32>
    %squeeze3A_415 = vector.shape_cast %slice3A_414 : vector<1x256x64xf32> to vector<256x64xf32>
    %add3A_416 = arith.addf %add3A_413, %squeeze3A_415 : vector<256x64xf32>
    %div3A = vector.broadcast %add3A_354 : vector<256x1xf32> to vector<256x64xf32>
    %div3A_417 = arith.divf %add3A_416, %div3A : vector<256x64xf32>
    %get3A_418 = arith.constant 0 : index
    %get3A_419 = arith.constant 0 : index
    %get3A_420 = vector.load %arg13[%get3A_418, %get3A_419] : memref<64x64xf32, #tpu.memory_space<vmem>>, vector<64x64xf32>
    %convert_element_type3A_421 = arith.truncf %div3A_417 : vector<256x64xf32> to vector<256x64xbf16>
    %convert_element_type3A_422 = arith.truncf %get3A_420 : vector<64x64xf32> to vector<64x64xbf16>
    %dot_general3A_423 = arith.constant dense<0.000000e+00> : vector<256x64xf32>
    %dot_general3A_424 = tpu.matmul %convert_element_type3A_421, %convert_element_type3A_422, %dot_general3A_423 {dimension_numbers = #tpu.dot_dimension_numbers<[1], [0], [0], [1], [0, 0, 1, 1], [], []>, transpose_lhs_hint = false} : vector<256x64xbf16>, vector<64x64xbf16>, vector<256x64xf32> -> vector<256x64xf32>
    %get3A_425 = arith.constant 0 : index
    %get3A_426 = arith.constant 0 : index
    %get3A_427 = vector.load %arg14[%get3A_425, %get3A_426] : memref<1x64xf32, #tpu.memory_space<vmem>>, vector<1x64xf32>
    %add3A_428 = vector.broadcast %get3A_427 : vector<1x64xf32> to vector<256x64xf32>
    %add3A_429 = arith.addf %dot_general3A_424, %add3A_428 : vector<256x64xf32>
    %max3A_430 = arith.constant 0.000000e+00 : f32
    %max3A_431 = vector.broadcast %max3A_430 : f32 to vector<256x64xf32>
    %max3A_432 = arith.maximumf %add3A_429, %max3A_431 : vector<256x64xf32>
    %get3A_433 = arith.constant 0 : index
    %get3A_434 = arith.constant 0 : index
    %get3A_435 = vector.load %arg15[%get3A_433, %get3A_434] : memref<64x64xf32, #tpu.memory_space<vmem>>, vector<64x64xf32>
    %convert_element_type3A_436 = arith.truncf %bitcast_convert_type3A : vector<256x64xf32> to vector<256x64xbf16>
    %convert_element_type3A_437 = arith.truncf %get3A_435 : vector<64x64xf32> to vector<64x64xbf16>
    %dot_general3A_438 = arith.constant dense<0.000000e+00> : vector<256x64xf32>
    %dot_general3A_439 = tpu.matmul %convert_element_type3A_436, %convert_element_type3A_437, %dot_general3A_438 {dimension_numbers = #tpu.dot_dimension_numbers<[1], [0], [0], [1], [0, 0, 1, 1], [], []>, transpose_lhs_hint = false} : vector<256x64xbf16>, vector<64x64xbf16>, vector<256x64xf32> -> vector<256x64xf32>
    %get3A_440 = arith.constant 0 : index
    %get3A_441 = arith.constant 0 : index
    %get3A_442 = vector.load %arg16[%get3A_440, %get3A_441] : memref<64x64xf32, #tpu.memory_space<vmem>>, vector<64x64xf32>
    %convert_element_type3A_443 = arith.truncf %max3A_432 : vector<256x64xf32> to vector<256x64xbf16>
    %convert_element_type3A_444 = arith.truncf %get3A_442 : vector<64x64xf32> to vector<64x64xbf16>
    %dot_general3A_445 = arith.constant dense<0.000000e+00> : vector<256x64xf32>
    %dot_general3A_446 = tpu.matmul %convert_element_type3A_443, %convert_element_type3A_444, %dot_general3A_445 {dimension_numbers = #tpu.dot_dimension_numbers<[1], [0], [0], [1], [0, 0, 1, 1], [], []>, transpose_lhs_hint = false} : vector<256x64xbf16>, vector<64x64xbf16>, vector<256x64xf32> -> vector<256x64xf32>
    %add3A_447 = arith.addf %dot_general3A_439, %dot_general3A_446 : vector<256x64xf32>
    %get3A_448 = arith.constant 0 : index
    %get3A_449 = arith.constant 0 : index
    %get3A_450 = vector.load %arg17[%get3A_448, %get3A_449] : memref<1x64xf32, #tpu.memory_space<vmem>>, vector<1x64xf32>
    %add3A_451 = vector.broadcast %get3A_450 : vector<1x64xf32> to vector<256x64xf32>
    %add3A_452 = arith.addf %add3A_447, %add3A_451 : vector<256x64xf32>
    %max3A_453 = arith.constant 0.000000e+00 : f32
    %max3A_454 = vector.broadcast %max3A_453 : f32 to vector<256x64xf32>
    %max3A_455 = arith.maximumf %add3A_452, %max3A_454 : vector<256x64xf32>
    %swap3A = arith.constant 0 : index
    %swap3A_456 = arith.constant 0 : index
    %swap3A_457 = vector.load %arg18[%swap3A, %swap3A_456] : memref<512x64xf32, #tpu.memory_space<vmem>>, vector<256x64xf32>
    tpu.vector_store %arg18[%swap3A, %swap3A_456], %max3A_455 {strides = array<i32>} : memref<512x64xf32, #tpu.memory_space<vmem>>, vector<256x64xf32>,
    %get3A_458 = arith.constant 256 : index
    %get3A_459 = arith.constant 64 : index
    %get3A_460 = vector.load %arg2[%get3A_458, %get3A_459] : memref<512x128xi32, #tpu.memory_space<vmem>>, vector<256x64xi32>
    %bitcast_convert_type3A_461 = tpu.bitcast %get3A_460 : vector<256x64xi32> -> vector<256x64xf32>
    %get3A_462 = arith.constant 0 : index
    %get3A_463 = arith.constant 64 : index
    %get3A_464 = vector.load %arg1[%get3A_462, %get3A_463] : memref<5120x128xf32, #tpu.memory_space<vmem>>, vector<5120x64xf32>
    %get3A_465 = arith.constant 256 : index
    %get3A_466 = arith.constant 20 : index
    %get3A_467 = vector.load %arg2[%get3A_465, %get3A_466] : memref<512x128xi32, #tpu.memory_space<vmem>>, vector<256x1xi32>
    %eq3A_468 = vector.broadcast %get3A_467 : vector<256x1xi32> to vector<256x8xi32>
    %eq3A_469 = vector.broadcast %iota3A : vector<1x8xi32> to vector<256x8xi32>
    %eq3A_470 = arith.cmpi eq, %eq3A_468, %eq3A_469 : vector<256x8xi32>
    %convert_element_type3A_471 = arith.extui %eq3A_470 : vector<256x8xi1> to vector<256x8xi32>
    %convert_element_type3A_472 = arith.sitofp %convert_element_type3A_471 : vector<256x8xi32> to vector<256x8xf32>
    %get3A_473 = arith.constant 256 : index
    %get3A_474 = arith.constant 21 : index
    %get3A_475 = vector.load %arg2[%get3A_473, %get3A_474] : memref<512x128xi32, #tpu.memory_space<vmem>>, vector<256x1xi32>
    %eq3A_476 = vector.broadcast %get3A_475 : vector<256x1xi32> to vector<256x8xi32>
    %eq3A_477 = vector.broadcast %iota3A : vector<1x8xi32> to vector<256x8xi32>
    %eq3A_478 = arith.cmpi eq, %eq3A_476, %eq3A_477 : vector<256x8xi32>
    %convert_element_type3A_479 = arith.extui %eq3A_478 : vector<256x8xi1> to vector<256x8xi32>
    %convert_element_type3A_480 = arith.sitofp %convert_element_type3A_479 : vector<256x8xi32> to vector<256x8xf32>
    %get3A_481 = arith.constant 256 : index
    %get3A_482 = arith.constant 22 : index
    %get3A_483 = vector.load %arg2[%get3A_481, %get3A_482] : memref<512x128xi32, #tpu.memory_space<vmem>>, vector<256x1xi32>
    %eq3A_484 = vector.broadcast %get3A_483 : vector<256x1xi32> to vector<256x8xi32>
    %eq3A_485 = vector.broadcast %iota3A : vector<1x8xi32> to vector<256x8xi32>
    %eq3A_486 = arith.cmpi eq, %eq3A_484, %eq3A_485 : vector<256x8xi32>
    %convert_element_type3A_487 = arith.extui %eq3A_486 : vector<256x8xi1> to vector<256x8xi32>
    %convert_element_type3A_488 = arith.sitofp %convert_element_type3A_487 : vector<256x8xi32> to vector<256x8xf32>
    %get3A_489 = arith.constant 256 : index
    %get3A_490 = arith.constant 23 : index
    %get3A_491 = vector.load %arg2[%get3A_489, %get3A_490] : memref<512x128xi32, #tpu.memory_space<vmem>>, vector<256x1xi32>
    %eq3A_492 = vector.broadcast %get3A_491 : vector<256x1xi32> to vector<256x8xi32>
    %eq3A_493 = vector.broadcast %iota3A : vector<1x8xi32> to vector<256x8xi32>
    %eq3A_494 = arith.cmpi eq, %eq3A_492, %eq3A_493 : vector<256x8xi32>
    %convert_element_type3A_495 = arith.extui %eq3A_494 : vector<256x8xi1> to vector<256x8xi32>
    %convert_element_type3A_496 = arith.sitofp %convert_element_type3A_495 : vector<256x8xi32> to vector<256x8xf32>
    %get3A_497 = arith.constant 256 : index
    %get3A_498 = arith.constant 24 : index
    %get3A_499 = vector.load %arg2[%get3A_497, %get3A_498] : memref<512x128xi32, #tpu.memory_space<vmem>>, vector<256x1xi32>
    %eq3A_500 = vector.broadcast %get3A_499 : vector<256x1xi32> to vector<256x8xi32>
    %eq3A_501 = vector.broadcast %iota3A : vector<1x8xi32> to vector<256x8xi32>
    %eq3A_502 = arith.cmpi eq, %eq3A_500, %eq3A_501 : vector<256x8xi32>
    %convert_element_type3A_503 = arith.extui %eq3A_502 : vector<256x8xi1> to vector<256x8xi32>
    %convert_element_type3A_504 = arith.sitofp %convert_element_type3A_503 : vector<256x8xi32> to vector<256x8xf32>
    %get3A_505 = arith.constant 256 : index
    %get3A_506 = arith.constant 25 : index
    %get3A_507 = vector.load %arg2[%get3A_505, %get3A_506] : memref<512x128xi32, #tpu.memory_space<vmem>>, vector<256x1xi32>
    %eq3A_508 = vector.broadcast %get3A_507 : vector<256x1xi32> to vector<256x8xi32>
    %eq3A_509 = vector.broadcast %iota3A : vector<1x8xi32> to vector<256x8xi32>
    %eq3A_510 = arith.cmpi eq, %eq3A_508, %eq3A_509 : vector<256x8xi32>
    %convert_element_type3A_511 = arith.extui %eq3A_510 : vector<256x8xi1> to vector<256x8xi32>
    %convert_element_type3A_512 = arith.sitofp %convert_element_type3A_511 : vector<256x8xi32> to vector<256x8xf32>
    %get3A_513 = arith.constant 256 : index
    %get3A_514 = arith.constant 26 : index
    %get3A_515 = vector.load %arg2[%get3A_513, %get3A_514] : memref<512x128xi32, #tpu.memory_space<vmem>>, vector<256x1xi32>
    %eq3A_516 = vector.broadcast %get3A_515 : vector<256x1xi32> to vector<256x8xi32>
    %eq3A_517 = vector.broadcast %iota3A : vector<1x8xi32> to vector<256x8xi32>
    %eq3A_518 = arith.cmpi eq, %eq3A_516, %eq3A_517 : vector<256x8xi32>
    %convert_element_type3A_519 = arith.extui %eq3A_518 : vector<256x8xi1> to vector<256x8xi32>
    %convert_element_type3A_520 = arith.sitofp %convert_element_type3A_519 : vector<256x8xi32> to vector<256x8xf32>
    %get3A_521 = arith.constant 256 : index
    %get3A_522 = arith.constant 27 : index
    %get3A_523 = vector.load %arg2[%get3A_521, %get3A_522] : memref<512x128xi32, #tpu.memory_space<vmem>>, vector<256x1xi32>
    %eq3A_524 = vector.broadcast %get3A_523 : vector<256x1xi32> to vector<256x8xi32>
    %eq3A_525 = vector.broadcast %iota3A : vector<1x8xi32> to vector<256x8xi32>
    %eq3A_526 = arith.cmpi eq, %eq3A_524, %eq3A_525 : vector<256x8xi32>
    %convert_element_type3A_527 = arith.extui %eq3A_526 : vector<256x8xi1> to vector<256x8xi32>
    %convert_element_type3A_528 = arith.sitofp %convert_element_type3A_527 : vector<256x8xi32> to vector<256x8xf32>
    %get3A_529 = arith.constant 256 : index
    %get3A_530 = arith.constant 28 : index
    %get3A_531 = vector.load %arg2[%get3A_529, %get3A_530] : memref<512x128xi32, #tpu.memory_space<vmem>>, vector<256x1xi32>
    %eq3A_532 = vector.broadcast %get3A_531 : vector<256x1xi32> to vector<256x8xi32>
    %eq3A_533 = vector.broadcast %iota3A : vector<1x8xi32> to vector<256x8xi32>
    %eq3A_534 = arith.cmpi eq, %eq3A_532, %eq3A_533 : vector<256x8xi32>
    %convert_element_type3A_535 = arith.extui %eq3A_534 : vector<256x8xi1> to vector<256x8xi32>
    %convert_element_type3A_536 = arith.sitofp %convert_element_type3A_535 : vector<256x8xi32> to vector<256x8xf32>
    %get3A_537 = arith.constant 256 : index
    %get3A_538 = arith.constant 29 : index
    %get3A_539 = vector.load %arg2[%get3A_537, %get3A_538] : memref<512x128xi32, #tpu.memory_space<vmem>>, vector<256x1xi32>
    %eq3A_540 = vector.broadcast %get3A_539 : vector<256x1xi32> to vector<256x8xi32>
    %eq3A_541 = vector.broadcast %iota3A : vector<1x8xi32> to vector<256x8xi32>
    %eq3A_542 = arith.cmpi eq, %eq3A_540, %eq3A_541 : vector<256x8xi32>
    %convert_element_type3A_543 = arith.extui %eq3A_542 : vector<256x8xi1> to vector<256x8xi32>
    %convert_element_type3A_544 = arith.sitofp %convert_element_type3A_543 : vector<256x8xi32> to vector<256x8xf32>
    %get3A_545 = arith.constant 256 : index
    %get3A_546 = arith.constant 30 : index
    %get3A_547 = vector.load %arg2[%get3A_545, %get3A_546] : memref<512x128xi32, #tpu.memory_space<vmem>>, vector<256x1xi32>
    %eq3A_548 = vector.broadcast %get3A_547 : vector<256x1xi32> to vector<256x8xi32>
    %eq3A_549 = vector.broadcast %iota3A : vector<1x8xi32> to vector<256x8xi32>
    %eq3A_550 = arith.cmpi eq, %eq3A_548, %eq3A_549 : vector<256x8xi32>
    %convert_element_type3A_551 = arith.extui %eq3A_550 : vector<256x8xi1> to vector<256x8xi32>
    %convert_element_type3A_552 = arith.sitofp %convert_element_type3A_551 : vector<256x8xi32> to vector<256x8xf32>
    %get3A_553 = arith.constant 256 : index
    %get3A_554 = arith.constant 31 : index
    %get3A_555 = vector.load %arg2[%get3A_553, %get3A_554] : memref<512x128xi32, #tpu.memory_space<vmem>>, vector<256x1xi32>
    %eq3A_556 = vector.broadcast %get3A_555 : vector<256x1xi32> to vector<256x8xi32>
    %eq3A_557 = vector.broadcast %iota3A : vector<1x8xi32> to vector<256x8xi32>
    %eq3A_558 = arith.cmpi eq, %eq3A_556, %eq3A_557 : vector<256x8xi32>
    %convert_element_type3A_559 = arith.extui %eq3A_558 : vector<256x8xi1> to vector<256x8xi32>
    %convert_element_type3A_560 = arith.sitofp %convert_element_type3A_559 : vector<256x8xi32> to vector<256x8xf32>
    %get3A_561 = arith.constant 256 : index
    %get3A_562 = arith.constant 32 : index
    %get3A_563 = vector.load %arg2[%get3A_561, %get3A_562] : memref<512x128xi32, #tpu.memory_space<vmem>>, vector<256x1xi32>
    %eq3A_564 = vector.broadcast %get3A_563 : vector<256x1xi32> to vector<256x8xi32>
    %eq3A_565 = vector.broadcast %iota3A : vector<1x8xi32> to vector<256x8xi32>
    %eq3A_566 = arith.cmpi eq, %eq3A_564, %eq3A_565 : vector<256x8xi32>
    %convert_element_type3A_567 = arith.extui %eq3A_566 : vector<256x8xi1> to vector<256x8xi32>
    %convert_element_type3A_568 = arith.sitofp %convert_element_type3A_567 : vector<256x8xi32> to vector<256x8xf32>
    %get3A_569 = arith.constant 256 : index
    %get3A_570 = arith.constant 33 : index
    %get3A_571 = vector.load %arg2[%get3A_569, %get3A_570] : memref<512x128xi32, #tpu.memory_space<vmem>>, vector<256x1xi32>
    %eq3A_572 = vector.broadcast %get3A_571 : vector<256x1xi32> to vector<256x8xi32>
    %eq3A_573 = vector.broadcast %iota3A : vector<1x8xi32> to vector<256x8xi32>
    %eq3A_574 = arith.cmpi eq, %eq3A_572, %eq3A_573 : vector<256x8xi32>
    %convert_element_type3A_575 = arith.extui %eq3A_574 : vector<256x8xi1> to vector<256x8xi32>
    %convert_element_type3A_576 = arith.sitofp %convert_element_type3A_575 : vector<256x8xi32> to vector<256x8xf32>
    %get3A_577 = arith.constant 256 : index
    %get3A_578 = arith.constant 34 : index
    %get3A_579 = vector.load %arg2[%get3A_577, %get3A_578] : memref<512x128xi32, #tpu.memory_space<vmem>>, vector<256x1xi32>
    %eq3A_580 = vector.broadcast %get3A_579 : vector<256x1xi32> to vector<256x8xi32>
    %eq3A_581 = vector.broadcast %iota3A : vector<1x8xi32> to vector<256x8xi32>
    %eq3A_582 = arith.cmpi eq, %eq3A_580, %eq3A_581 : vector<256x8xi32>
    %convert_element_type3A_583 = arith.extui %eq3A_582 : vector<256x8xi1> to vector<256x8xi32>
    %convert_element_type3A_584 = arith.sitofp %convert_element_type3A_583 : vector<256x8xi32> to vector<256x8xf32>
    %get3A_585 = arith.constant 256 : index
    %get3A_586 = arith.constant 35 : index
    %get3A_587 = vector.load %arg2[%get3A_585, %get3A_586] : memref<512x128xi32, #tpu.memory_space<vmem>>, vector<256x1xi32>
    %eq3A_588 = vector.broadcast %get3A_587 : vector<256x1xi32> to vector<256x8xi32>
    %eq3A_589 = vector.broadcast %iota3A : vector<1x8xi32> to vector<256x8xi32>
    %eq3A_590 = arith.cmpi eq, %eq3A_588, %eq3A_589 : vector<256x8xi32>
    %convert_element_type3A_591 = arith.extui %eq3A_590 : vector<256x8xi1> to vector<256x8xi32>
    %convert_element_type3A_592 = arith.sitofp %convert_element_type3A_591 : vector<256x8xi32> to vector<256x8xf32>
    %get3A_593 = arith.constant 256 : index
    %get3A_594 = arith.constant 36 : index
    %get3A_595 = vector.load %arg2[%get3A_593, %get3A_594] : memref<512x128xi32, #tpu.memory_space<vmem>>, vector<256x1xi32>
    %eq3A_596 = vector.broadcast %get3A_595 : vector<256x1xi32> to vector<256x8xi32>
    %eq3A_597 = vector.broadcast %iota3A : vector<1x8xi32> to vector<256x8xi32>
    %eq3A_598 = arith.cmpi eq, %eq3A_596, %eq3A_597 : vector<256x8xi32>
    %convert_element_type3A_599 = arith.extui %eq3A_598 : vector<256x8xi1> to vector<256x8xi32>
    %convert_element_type3A_600 = arith.sitofp %convert_element_type3A_599 : vector<256x8xi32> to vector<256x8xf32>
    %get3A_601 = arith.constant 256 : index
    %get3A_602 = arith.constant 37 : index
    %get3A_603 = vector.load %arg2[%get3A_601, %get3A_602] : memref<512x128xi32, #tpu.memory_space<vmem>>, vector<256x1xi32>
    %eq3A_604 = vector.broadcast %get3A_603 : vector<256x1xi32> to vector<256x8xi32>
    %eq3A_605 = vector.broadcast %iota3A : vector<1x8xi32> to vector<256x8xi32>
    %eq3A_606 = arith.cmpi eq, %eq3A_604, %eq3A_605 : vector<256x8xi32>
    %convert_element_type3A_607 = arith.extui %eq3A_606 : vector<256x8xi1> to vector<256x8xi32>
    %convert_element_type3A_608 = arith.sitofp %convert_element_type3A_607 : vector<256x8xi32> to vector<256x8xf32>
    %get3A_609 = arith.constant 256 : index
    %get3A_610 = arith.constant 38 : index
    %get3A_611 = vector.load %arg2[%get3A_609, %get3A_610] : memref<512x128xi32, #tpu.memory_space<vmem>>, vector<256x1xi32>
    %eq3A_612 = vector.broadcast %get3A_611 : vector<256x1xi32> to vector<256x8xi32>
    %eq3A_613 = vector.broadcast %iota3A : vector<1x8xi32> to vector<256x8xi32>
    %eq3A_614 = arith.cmpi eq, %eq3A_612, %eq3A_613 : vector<256x8xi32>
    %convert_element_type3A_615 = arith.extui %eq3A_614 : vector<256x8xi1> to vector<256x8xi32>
    %convert_element_type3A_616 = arith.sitofp %convert_element_type3A_615 : vector<256x8xi32> to vector<256x8xf32>
    %get3A_617 = arith.constant 256 : index
    %get3A_618 = arith.constant 39 : index
    %get3A_619 = vector.load %arg2[%get3A_617, %get3A_618] : memref<512x128xi32, #tpu.memory_space<vmem>>, vector<256x1xi32>
    %eq3A_620 = vector.broadcast %get3A_619 : vector<256x1xi32> to vector<256x8xi32>
    %eq3A_621 = vector.broadcast %iota3A : vector<1x8xi32> to vector<256x8xi32>
    %eq3A_622 = arith.cmpi eq, %eq3A_620, %eq3A_621 : vector<256x8xi32>
    %convert_element_type3A_623 = arith.extui %eq3A_622 : vector<256x8xi1> to vector<256x8xi32>
    %convert_element_type3A_624 = arith.sitofp %convert_element_type3A_623 : vector<256x8xi32> to vector<256x8xf32>
    %concatenate3A_625 = tpu.concatenate %convert_element_type3A_472, %convert_element_type3A_480, %convert_element_type3A_488, %convert_element_type3A_496, %convert_element_type3A_504, %convert_element_type3A_512, %convert_element_type3A_520, %convert_element_type3A_528, %convert_element_type3A_536, %convert_element_type3A_544, %convert_element_type3A_552, %convert_element_type3A_560, %convert_element_type3A_568, %convert_element_type3A_576, %convert_element_type3A_584, %convert_element_type3A_592, %convert_element_type3A_600, %convert_element_type3A_608, %convert_element_type3A_616, %convert_element_type3A_624 in 0 : vector<256x8xf32>, vector<256x8xf32>, vector<256x8xf32>, vector<256x8xf32>, vector<256x8xf32>, vector<256x8xf32>, vector<256x8xf32>, vector<256x8xf32>, vector<256x8xf32>, vector<256x8xf32>, vector<256x8xf32>, vector<256x8xf32>, vector<256x8xf32>, vector<256x8xf32>, vector<256x8xf32>, vector<256x8xf32>, vector<256x8xf32>, vector<256x8xf32>, vector<256x8xf32>, vector<256x8xf32> -> vector<5120x8xf32>
    %get3A_626 = arith.constant 0 : index
    %get3A_627 = arith.constant 0 : index
    %get3A_628 = vector.load %arg8[%get3A_626, %get3A_627] : memref<64x64xf32, #tpu.memory_space<vmem>>, vector<64x64xf32>
    %convert_element_type3A_629 = arith.truncf %bitcast_convert_type3A_461 : vector<256x64xf32> to vector<256x64xbf16>
    %convert_element_type3A_630 = arith.truncf %get3A_628 : vector<64x64xf32> to vector<64x64xbf16>
    %dot_general3A_631 = arith.constant dense<0.000000e+00> : vector<256x64xf32>
    %dot_general3A_632 = tpu.matmul %convert_element_type3A_629, %convert_element_type3A_630, %dot_general3A_631 {dimension_numbers = #tpu.dot_dimension_numbers<[1], [0], [0], [1], [0, 0, 1, 1], [], []>, transpose_lhs_hint = false} : vector<256x64xbf16>, vector<64x64xbf16>, vector<256x64xf32> -> vector<256x64xf32>
    %get3A_633 = arith.constant 0 : index
    %get3A_634 = arith.constant 0 : index
    %get3A_635 = vector.load %arg9[%get3A_633, %get3A_634] : memref<1x64xf32, #tpu.memory_space<vmem>>, vector<1x64xf32>
    %add3A_636 = vector.broadcast %get3A_635 : vector<1x64xf32> to vector<256x64xf32>
    %add3A_637 = arith.addf %dot_general3A_632, %add3A_636 : vector<256x64xf32>
    %broadcast_in_dim3A_638 = vector.shape_cast %add3A_637 : vector<256x64xf32> to vector<1x256x64xf32>
    %broadcast_in_dim3A_639 = vector.shape_cast %broadcast_in_dim3A_638 : vector<1x256x64xf32> to vector<1x256x64xf32>
    %broadcast_in_dim3A_640 = vector.broadcast %broadcast_in_dim3A_639 : vector<1x256x64xf32> to vector<20x256x64xf32>
    %reshape3A_641 = vector.shape_cast %broadcast_in_dim3A_640 : vector<20x256x64xf32> to vector<5120x64xf32>
    %get3A_642 = arith.constant 0 : index
    %get3A_643 = arith.constant 0 : index
    %get3A_644 = vector.load %arg4[%get3A_642, %get3A_643] : memref<64x64xf32, #tpu.memory_space<vmem>>, vector<64x64xf32>
    %convert_element_type3A_645 = arith.truncf %get3A_464 : vector<5120x64xf32> to vector<5120x64xbf16>
    %convert_element_type3A_646 = arith.truncf %get3A_644 : vector<64x64xf32> to vector<64x64xbf16>
    %dot_general3A_647 = arith.constant dense<0.000000e+00> : vector<5120x64xf32>
    %dot_general3A_648 = tpu.matmul %convert_element_type3A_645, %convert_element_type3A_646, %dot_general3A_647 {dimension_numbers = #tpu.dot_dimension_numbers<[1], [0], [0], [1], [0, 0, 1, 1], [], []>, transpose_lhs_hint = false} : vector<5120x64xbf16>, vector<64x64xbf16>, vector<5120x64xf32> -> vector<5120x64xf32>
    %convert_element_type3A_649 = arith.truncf %concatenate3A_625 : vector<5120x8xf32> to vector<5120x8xbf16>
    %convert_element_type3A_650 = arith.truncf %dot_general3A_6 : vector<8x64xf32> to vector<8x64xbf16>
    %dot_general3A_651 = arith.constant dense<0.000000e+00> : vector<5120x64xf32>
    %dot_general3A_652 = tpu.matmul %convert_element_type3A_649, %convert_element_type3A_650, %dot_general3A_651 {dimension_numbers = #tpu.dot_dimension_numbers<[1], [0], [0], [1], [0, 0, 1, 1], [], []>, transpose_lhs_hint = false} : vector<5120x8xbf16>, vector<8x64xbf16>, vector<5120x64xf32> -> vector<5120x64xf32>
    %add3A_653 = arith.addf %dot_general3A_648, %dot_general3A_652 : vector<5120x64xf32>
    %get3A_654 = arith.constant 0 : index
    %get3A_655 = arith.constant 0 : index
    %get3A_656 = vector.load %arg6[%get3A_654, %get3A_655] : memref<1x64xf32, #tpu.memory_space<vmem>>, vector<1x64xf32>
    %add3A_657 = vector.broadcast %get3A_656 : vector<1x64xf32> to vector<5120x64xf32>
    %add3A_658 = arith.addf %add3A_653, %add3A_657 : vector<5120x64xf32>
    %max3A_659 = arith.constant 0.000000e+00 : f32
    %max3A_660 = vector.broadcast %max3A_659 : f32 to vector<5120x64xf32>
    %max3A_661 = arith.maximumf %add3A_658, %max3A_660 : vector<5120x64xf32>
    %get3A_662 = arith.constant 0 : index
    %get3A_663 = arith.constant 0 : index
    %get3A_664 = vector.load %arg7[%get3A_662, %get3A_663] : memref<64x64xf32, #tpu.memory_space<vmem>>, vector<64x64xf32>
    %convert_element_type3A_665 = arith.truncf %max3A_661 : vector<5120x64xf32> to vector<5120x64xbf16>
    %convert_element_type3A_666 = arith.truncf %get3A_664 : vector<64x64xf32> to vector<64x64xbf16>
    %dot_general3A_667 = arith.constant dense<0.000000e+00> : vector<5120x64xf32>
    %dot_general3A_668 = tpu.matmul %convert_element_type3A_665, %convert_element_type3A_666, %dot_general3A_667 {dimension_numbers = #tpu.dot_dimension_numbers<[1], [0], [0], [1], [0, 0, 1, 1], [], []>, transpose_lhs_hint = false} : vector<5120x64xbf16>, vector<64x64xbf16>, vector<5120x64xf32> -> vector<5120x64xf32>
    %add3A_669 = arith.addf %dot_general3A_668, %reshape3A_641 : vector<5120x64xf32>
    %max3A_670 = arith.constant 0.000000e+00 : f32
    %max3A_671 = vector.broadcast %max3A_670 : f32 to vector<5120x64xf32>
    %max3A_672 = arith.maximumf %add3A_669, %max3A_671 : vector<5120x64xf32>
    %get3A_673 = arith.constant 0 : index
    %get3A_674 = arith.constant 0 : index
    %get3A_675 = vector.load %arg10[%get3A_673, %get3A_674] : memref<64x64xf32, #tpu.memory_space<vmem>>, vector<64x64xf32>
    %convert_element_type3A_676 = arith.truncf %max3A_672 : vector<5120x64xf32> to vector<5120x64xbf16>
    %convert_element_type3A_677 = arith.truncf %get3A_675 : vector<64x64xf32> to vector<64x64xbf16>
    %dot_general3A_678 = arith.constant dense<0.000000e+00> : vector<5120x64xf32>
    %dot_general3A_679 = tpu.matmul %convert_element_type3A_676, %convert_element_type3A_677, %dot_general3A_678 {dimension_numbers = #tpu.dot_dimension_numbers<[1], [0], [0], [1], [0, 0, 1, 1], [], []>, transpose_lhs_hint = false} : vector<5120x64xbf16>, vector<64x64xbf16>, vector<5120x64xf32> -> vector<5120x64xf32>
    %get3A_680 = arith.constant 0 : index
    %get3A_681 = arith.constant 0 : index
    %get3A_682 = vector.load %arg11[%get3A_680, %get3A_681] : memref<1x64xf32, #tpu.memory_space<vmem>>, vector<1x64xf32>
    %add3A_683 = vector.broadcast %get3A_682 : vector<1x64xf32> to vector<5120x64xf32>
    %add3A_684 = arith.addf %dot_general3A_679, %add3A_683 : vector<5120x64xf32>
    %max3A_685 = arith.constant 0.000000e+00 : f32
    %max3A_686 = vector.broadcast %max3A_685 : f32 to vector<5120x64xf32>
    %max3A_687 = arith.maximumf %add3A_684, %max3A_686 : vector<5120x64xf32>
    %get3A_688 = arith.constant 0 : index
    %get3A_689 = arith.constant 0 : index
    %get3A_690 = vector.load %arg12[%get3A_688, %get3A_689] : memref<1x64xf32, #tpu.memory_space<vmem>>, vector<1x64xf32>
    %mul3A_691 = vector.broadcast %get3A_690 : vector<1x64xf32> to vector<5120x64xf32>
    %mul3A_692 = arith.mulf %max3A_687, %mul3A_691 : vector<5120x64xf32>
    %reduce_sum3A_693 = arith.constant dense<0.000000e+00> : vector<5120xf32>
    %reduce_sum3A_694 = vector.multi_reduction <add>, %mul3A_692, %reduce_sum3A_693 [1] : vector<5120x64xf32> to vector<5120xf32>
    %broadcast_in_dim3A_695 = vector.shape_cast %reduce_sum3A_694 : vector<5120xf32> to vector<5120x1xf32>
    %reshape3A_696 = vector.shape_cast %broadcast_in_dim3A_695 : vector<5120x1xf32> to vector<20x256x1xf32>
    %slice3A_697 = vector.extract_strided_slice %reshape3A_696 {offsets = [0, 0, 0], sizes = [1, 256, 1], strides = [1, 1, 1]} : vector<20x256x1xf32> to vector<1x256x1xf32>
    %squeeze3A_698 = vector.shape_cast %slice3A_697 : vector<1x256x1xf32> to vector<256x1xf32>
    %slice3A_699 = vector.extract_strided_slice %reshape3A_696 {offsets = [1, 0, 0], sizes = [1, 256, 1], strides = [1, 1, 1]} : vector<20x256x1xf32> to vector<1x256x1xf32>
    %squeeze3A_700 = vector.shape_cast %slice3A_699 : vector<1x256x1xf32> to vector<256x1xf32>
    %max3A_701 = arith.maximumf %squeeze3A_698, %squeeze3A_700 : vector<256x1xf32>
    %slice3A_702 = vector.extract_strided_slice %reshape3A_696 {offsets = [2, 0, 0], sizes = [1, 256, 1], strides = [1, 1, 1]} : vector<20x256x1xf32> to vector<1x256x1xf32>
    %squeeze3A_703 = vector.shape_cast %slice3A_702 : vector<1x256x1xf32> to vector<256x1xf32>
    %max3A_704 = arith.maximumf %max3A_701, %squeeze3A_703 : vector<256x1xf32>
    %slice3A_705 = vector.extract_strided_slice %reshape3A_696 {offsets = [3, 0, 0], sizes = [1, 256, 1], strides = [1, 1, 1]} : vector<20x256x1xf32> to vector<1x256x1xf32>
    %squeeze3A_706 = vector.shape_cast %slice3A_705 : vector<1x256x1xf32> to vector<256x1xf32>
    %max3A_707 = arith.maximumf %max3A_704, %squeeze3A_706 : vector<256x1xf32>
    %slice3A_708 = vector.extract_strided_slice %reshape3A_696 {offsets = [4, 0, 0], sizes = [1, 256, 1], strides = [1, 1, 1]} : vector<20x256x1xf32> to vector<1x256x1xf32>
    %squeeze3A_709 = vector.shape_cast %slice3A_708 : vector<1x256x1xf32> to vector<256x1xf32>
    %max3A_710 = arith.maximumf %max3A_707, %squeeze3A_709 : vector<256x1xf32>
    %slice3A_711 = vector.extract_strided_slice %reshape3A_696 {offsets = [5, 0, 0], sizes = [1, 256, 1], strides = [1, 1, 1]} : vector<20x256x1xf32> to vector<1x256x1xf32>
    %squeeze3A_712 = vector.shape_cast %slice3A_711 : vector<1x256x1xf32> to vector<256x1xf32>
    %max3A_713 = arith.maximumf %max3A_710, %squeeze3A_712 : vector<256x1xf32>
    %slice3A_714 = vector.extract_strided_slice %reshape3A_696 {offsets = [6, 0, 0], sizes = [1, 256, 1], strides = [1, 1, 1]} : vector<20x256x1xf32> to vector<1x256x1xf32>
    %squeeze3A_715 = vector.shape_cast %slice3A_714 : vector<1x256x1xf32> to vector<256x1xf32>
    %max3A_716 = arith.maximumf %max3A_713, %squeeze3A_715 : vector<256x1xf32>
    %slice3A_717 = vector.extract_strided_slice %reshape3A_696 {offsets = [7, 0, 0], sizes = [1, 256, 1], strides = [1, 1, 1]} : vector<20x256x1xf32> to vector<1x256x1xf32>
    %squeeze3A_718 = vector.shape_cast %slice3A_717 : vector<1x256x1xf32> to vector<256x1xf32>
    %max3A_719 = arith.maximumf %max3A_716, %squeeze3A_718 : vector<256x1xf32>
    %slice3A_720 = vector.extract_strided_slice %reshape3A_696 {offsets = [8, 0, 0], sizes = [1, 256, 1], strides = [1, 1, 1]} : vector<20x256x1xf32> to vector<1x256x1xf32>
    %squeeze3A_721 = vector.shape_cast %slice3A_720 : vector<1x256x1xf32> to vector<256x1xf32>
    %max3A_722 = arith.maximumf %max3A_719, %squeeze3A_721 : vector<256x1xf32>
    %slice3A_723 = vector.extract_strided_slice %reshape3A_696 {offsets = [9, 0, 0], sizes = [1, 256, 1], strides = [1, 1, 1]} : vector<20x256x1xf32> to vector<1x256x1xf32>
    %squeeze3A_724 = vector.shape_cast %slice3A_723 : vector<1x256x1xf32> to vector<256x1xf32>
    %max3A_725 = arith.maximumf %max3A_722, %squeeze3A_724 : vector<256x1xf32>
    %slice3A_726 = vector.extract_strided_slice %reshape3A_696 {offsets = [10, 0, 0], sizes = [1, 256, 1], strides = [1, 1, 1]} : vector<20x256x1xf32> to vector<1x256x1xf32>
    %squeeze3A_727 = vector.shape_cast %slice3A_726 : vector<1x256x1xf32> to vector<256x1xf32>
    %max3A_728 = arith.maximumf %max3A_725, %squeeze3A_727 : vector<256x1xf32>
    %slice3A_729 = vector.extract_strided_slice %reshape3A_696 {offsets = [11, 0, 0], sizes = [1, 256, 1], strides = [1, 1, 1]} : vector<20x256x1xf32> to vector<1x256x1xf32>
    %squeeze3A_730 = vector.shape_cast %slice3A_729 : vector<1x256x1xf32> to vector<256x1xf32>
    %max3A_731 = arith.maximumf %max3A_728, %squeeze3A_730 : vector<256x1xf32>
    %slice3A_732 = vector.extract_strided_slice %reshape3A_696 {offsets = [12, 0, 0], sizes = [1, 256, 1], strides = [1, 1, 1]} : vector<20x256x1xf32> to vector<1x256x1xf32>
    %squeeze3A_733 = vector.shape_cast %slice3A_732 : vector<1x256x1xf32> to vector<256x1xf32>
    %max3A_734 = arith.maximumf %max3A_731, %squeeze3A_733 : vector<256x1xf32>
    %slice3A_735 = vector.extract_strided_slice %reshape3A_696 {offsets = [13, 0, 0], sizes = [1, 256, 1], strides = [1, 1, 1]} : vector<20x256x1xf32> to vector<1x256x1xf32>
    %squeeze3A_736 = vector.shape_cast %slice3A_735 : vector<1x256x1xf32> to vector<256x1xf32>
    %max3A_737 = arith.maximumf %max3A_734, %squeeze3A_736 : vector<256x1xf32>
    %slice3A_738 = vector.extract_strided_slice %reshape3A_696 {offsets = [14, 0, 0], sizes = [1, 256, 1], strides = [1, 1, 1]} : vector<20x256x1xf32> to vector<1x256x1xf32>
    %squeeze3A_739 = vector.shape_cast %slice3A_738 : vector<1x256x1xf32> to vector<256x1xf32>
    %max3A_740 = arith.maximumf %max3A_737, %squeeze3A_739 : vector<256x1xf32>
    %slice3A_741 = vector.extract_strided_slice %reshape3A_696 {offsets = [15, 0, 0], sizes = [1, 256, 1], strides = [1, 1, 1]} : vector<20x256x1xf32> to vector<1x256x1xf32>
    %squeeze3A_742 = vector.shape_cast %slice3A_741 : vector<1x256x1xf32> to vector<256x1xf32>
    %max3A_743 = arith.maximumf %max3A_740, %squeeze3A_742 : vector<256x1xf32>
    %slice3A_744 = vector.extract_strided_slice %reshape3A_696 {offsets = [16, 0, 0], sizes = [1, 256, 1], strides = [1, 1, 1]} : vector<20x256x1xf32> to vector<1x256x1xf32>
    %squeeze3A_745 = vector.shape_cast %slice3A_744 : vector<1x256x1xf32> to vector<256x1xf32>
    %max3A_746 = arith.maximumf %max3A_743, %squeeze3A_745 : vector<256x1xf32>
    %slice3A_747 = vector.extract_strided_slice %reshape3A_696 {offsets = [17, 0, 0], sizes = [1, 256, 1], strides = [1, 1, 1]} : vector<20x256x1xf32> to vector<1x256x1xf32>
    %squeeze3A_748 = vector.shape_cast %slice3A_747 : vector<1x256x1xf32> to vector<256x1xf32>
    %max3A_749 = arith.maximumf %max3A_746, %squeeze3A_748 : vector<256x1xf32>
    %slice3A_750 = vector.extract_strided_slice %reshape3A_696 {offsets = [18, 0, 0], sizes = [1, 256, 1], strides = [1, 1, 1]} : vector<20x256x1xf32> to vector<1x256x1xf32>
    %squeeze3A_751 = vector.shape_cast %slice3A_750 : vector<1x256x1xf32> to vector<256x1xf32>
    %max3A_752 = arith.maximumf %max3A_749, %squeeze3A_751 : vector<256x1xf32>
    %slice3A_753 = vector.extract_strided_slice %reshape3A_696 {offsets = [19, 0, 0], sizes = [1, 256, 1], strides = [1, 1, 1]} : vector<20x256x1xf32> to vector<1x256x1xf32>
    %squeeze3A_754 = vector.shape_cast %slice3A_753 : vector<1x256x1xf32> to vector<256x1xf32>
    %max3A_755 = arith.maximumf %max3A_752, %squeeze3A_754 : vector<256x1xf32>
    %broadcast_in_dim3A_756 = vector.shape_cast %max3A_755 : vector<256x1xf32> to vector<1x256x1xf32>
    %sub3A_757 = vector.broadcast %broadcast_in_dim3A_756 : vector<1x256x1xf32> to vector<20x256x1xf32>
    %sub3A_758 = arith.subf %reshape3A_696, %sub3A_757 : vector<20x256x1xf32>
    %exp3A_759 = math.exp %sub3A_758 : vector<20x256x1xf32>
    %slice3A_760 = vector.extract_strided_slice %exp3A_759 {offsets = [0, 0, 0], sizes = [1, 256, 1], strides = [1, 1, 1]} : vector<20x256x1xf32> to vector<1x256x1xf32>
    %squeeze3A_761 = vector.shape_cast %slice3A_760 : vector<1x256x1xf32> to vector<256x1xf32>
    %slice3A_762 = vector.extract_strided_slice %exp3A_759 {offsets = [1, 0, 0], sizes = [1, 256, 1], strides = [1, 1, 1]} : vector<20x256x1xf32> to vector<1x256x1xf32>
    %squeeze3A_763 = vector.shape_cast %slice3A_762 : vector<1x256x1xf32> to vector<256x1xf32>
    %add3A_764 = arith.addf %squeeze3A_761, %squeeze3A_763 : vector<256x1xf32>
    %slice3A_765 = vector.extract_strided_slice %exp3A_759 {offsets = [2, 0, 0], sizes = [1, 256, 1], strides = [1, 1, 1]} : vector<20x256x1xf32> to vector<1x256x1xf32>
    %squeeze3A_766 = vector.shape_cast %slice3A_765 : vector<1x256x1xf32> to vector<256x1xf32>
    %add3A_767 = arith.addf %add3A_764, %squeeze3A_766 : vector<256x1xf32>
    %slice3A_768 = vector.extract_strided_slice %exp3A_759 {offsets = [3, 0, 0], sizes = [1, 256, 1], strides = [1, 1, 1]} : vector<20x256x1xf32> to vector<1x256x1xf32>
    %squeeze3A_769 = vector.shape_cast %slice3A_768 : vector<1x256x1xf32> to vector<256x1xf32>
    %add3A_770 = arith.addf %add3A_767, %squeeze3A_769 : vector<256x1xf32>
    %slice3A_771 = vector.extract_strided_slice %exp3A_759 {offsets = [4, 0, 0], sizes = [1, 256, 1], strides = [1, 1, 1]} : vector<20x256x1xf32> to vector<1x256x1xf32>
    %squeeze3A_772 = vector.shape_cast %slice3A_771 : vector<1x256x1xf32> to vector<256x1xf32>
    %add3A_773 = arith.addf %add3A_770, %squeeze3A_772 : vector<256x1xf32>
    %slice3A_774 = vector.extract_strided_slice %exp3A_759 {offsets = [5, 0, 0], sizes = [1, 256, 1], strides = [1, 1, 1]} : vector<20x256x1xf32> to vector<1x256x1xf32>
    %squeeze3A_775 = vector.shape_cast %slice3A_774 : vector<1x256x1xf32> to vector<256x1xf32>
    %add3A_776 = arith.addf %add3A_773, %squeeze3A_775 : vector<256x1xf32>
    %slice3A_777 = vector.extract_strided_slice %exp3A_759 {offsets = [6, 0, 0], sizes = [1, 256, 1], strides = [1, 1, 1]} : vector<20x256x1xf32> to vector<1x256x1xf32>
    %squeeze3A_778 = vector.shape_cast %slice3A_777 : vector<1x256x1xf32> to vector<256x1xf32>
    %add3A_779 = arith.addf %add3A_776, %squeeze3A_778 : vector<256x1xf32>
    %slice3A_780 = vector.extract_strided_slice %exp3A_759 {offsets = [7, 0, 0], sizes = [1, 256, 1], strides = [1, 1, 1]} : vector<20x256x1xf32> to vector<1x256x1xf32>
    %squeeze3A_781 = vector.shape_cast %slice3A_780 : vector<1x256x1xf32> to vector<256x1xf32>
    %add3A_782 = arith.addf %add3A_779, %squeeze3A_781 : vector<256x1xf32>
    %slice3A_783 = vector.extract_strided_slice %exp3A_759 {offsets = [8, 0, 0], sizes = [1, 256, 1], strides = [1, 1, 1]} : vector<20x256x1xf32> to vector<1x256x1xf32>
    %squeeze3A_784 = vector.shape_cast %slice3A_783 : vector<1x256x1xf32> to vector<256x1xf32>
    %add3A_785 = arith.addf %add3A_782, %squeeze3A_784 : vector<256x1xf32>
    %slice3A_786 = vector.extract_strided_slice %exp3A_759 {offsets = [9, 0, 0], sizes = [1, 256, 1], strides = [1, 1, 1]} : vector<20x256x1xf32> to vector<1x256x1xf32>
    %squeeze3A_787 = vector.shape_cast %slice3A_786 : vector<1x256x1xf32> to vector<256x1xf32>
    %add3A_788 = arith.addf %add3A_785, %squeeze3A_787 : vector<256x1xf32>
    %slice3A_789 = vector.extract_strided_slice %exp3A_759 {offsets = [10, 0, 0], sizes = [1, 256, 1], strides = [1, 1, 1]} : vector<20x256x1xf32> to vector<1x256x1xf32>
    %squeeze3A_790 = vector.shape_cast %slice3A_789 : vector<1x256x1xf32> to vector<256x1xf32>
    %add3A_791 = arith.addf %add3A_788, %squeeze3A_790 : vector<256x1xf32>
    %slice3A_792 = vector.extract_strided_slice %exp3A_759 {offsets = [11, 0, 0], sizes = [1, 256, 1], strides = [1, 1, 1]} : vector<20x256x1xf32> to vector<1x256x1xf32>
    %squeeze3A_793 = vector.shape_cast %slice3A_792 : vector<1x256x1xf32> to vector<256x1xf32>
    %add3A_794 = arith.addf %add3A_791, %squeeze3A_793 : vector<256x1xf32>
    %slice3A_795 = vector.extract_strided_slice %exp3A_759 {offsets = [12, 0, 0], sizes = [1, 256, 1], strides = [1, 1, 1]} : vector<20x256x1xf32> to vector<1x256x1xf32>
    %squeeze3A_796 = vector.shape_cast %slice3A_795 : vector<1x256x1xf32> to vector<256x1xf32>
    %add3A_797 = arith.addf %add3A_794, %squeeze3A_796 : vector<256x1xf32>
    %slice3A_798 = vector.extract_strided_slice %exp3A_759 {offsets = [13, 0, 0], sizes = [1, 256, 1], strides = [1, 1, 1]} : vector<20x256x1xf32> to vector<1x256x1xf32>
    %squeeze3A_799 = vector.shape_cast %slice3A_798 : vector<1x256x1xf32> to vector<256x1xf32>
    %add3A_800 = arith.addf %add3A_797, %squeeze3A_799 : vector<256x1xf32>
    %slice3A_801 = vector.extract_strided_slice %exp3A_759 {offsets = [14, 0, 0], sizes = [1, 256, 1], strides = [1, 1, 1]} : vector<20x256x1xf32> to vector<1x256x1xf32>
    %squeeze3A_802 = vector.shape_cast %slice3A_801 : vector<1x256x1xf32> to vector<256x1xf32>
    %add3A_803 = arith.addf %add3A_800, %squeeze3A_802 : vector<256x1xf32>
    %slice3A_804 = vector.extract_strided_slice %exp3A_759 {offsets = [15, 0, 0], sizes = [1, 256, 1], strides = [1, 1, 1]} : vector<20x256x1xf32> to vector<1x256x1xf32>
    %squeeze3A_805 = vector.shape_cast %slice3A_804 : vector<1x256x1xf32> to vector<256x1xf32>
    %add3A_806 = arith.addf %add3A_803, %squeeze3A_805 : vector<256x1xf32>
    %slice3A_807 = vector.extract_strided_slice %exp3A_759 {offsets = [16, 0, 0], sizes = [1, 256, 1], strides = [1, 1, 1]} : vector<20x256x1xf32> to vector<1x256x1xf32>
    %squeeze3A_808 = vector.shape_cast %slice3A_807 : vector<1x256x1xf32> to vector<256x1xf32>
    %add3A_809 = arith.addf %add3A_806, %squeeze3A_808 : vector<256x1xf32>
    %slice3A_810 = vector.extract_strided_slice %exp3A_759 {offsets = [17, 0, 0], sizes = [1, 256, 1], strides = [1, 1, 1]} : vector<20x256x1xf32> to vector<1x256x1xf32>
    %squeeze3A_811 = vector.shape_cast %slice3A_810 : vector<1x256x1xf32> to vector<256x1xf32>
    %add3A_812 = arith.addf %add3A_809, %squeeze3A_811 : vector<256x1xf32>
    %slice3A_813 = vector.extract_strided_slice %exp3A_759 {offsets = [18, 0, 0], sizes = [1, 256, 1], strides = [1, 1, 1]} : vector<20x256x1xf32> to vector<1x256x1xf32>
    %squeeze3A_814 = vector.shape_cast %slice3A_813 : vector<1x256x1xf32> to vector<256x1xf32>
    %add3A_815 = arith.addf %add3A_812, %squeeze3A_814 : vector<256x1xf32>
    %slice3A_816 = vector.extract_strided_slice %exp3A_759 {offsets = [19, 0, 0], sizes = [1, 256, 1], strides = [1, 1, 1]} : vector<20x256x1xf32> to vector<1x256x1xf32>
    %squeeze3A_817 = vector.shape_cast %slice3A_816 : vector<1x256x1xf32> to vector<256x1xf32>
    %add3A_818 = arith.addf %add3A_815, %squeeze3A_817 : vector<256x1xf32>
    %reshape3A_819 = vector.shape_cast %max3A_661 : vector<5120x64xf32> to vector<20x256x64xf32>
    %mul3A_820 = vector.broadcast %exp3A_759 : vector<20x256x1xf32> to vector<20x256x64xf32>
    %mul3A_821 = arith.mulf %reshape3A_819, %mul3A_820 : vector<20x256x64xf32>
    %slice3A_822 = vector.extract_strided_slice %mul3A_821 {offsets = [0, 0, 0], sizes = [1, 256, 64], strides = [1, 1, 1]} : vector<20x256x64xf32> to vector<1x256x64xf32>
    %squeeze3A_823 = vector.shape_cast %slice3A_822 : vector<1x256x64xf32> to vector<256x64xf32>
    %slice3A_824 = vector.extract_strided_slice %mul3A_821 {offsets = [1, 0, 0], sizes = [1, 256, 64], strides = [1, 1, 1]} : vector<20x256x64xf32> to vector<1x256x64xf32>
    %squeeze3A_825 = vector.shape_cast %slice3A_824 : vector<1x256x64xf32> to vector<256x64xf32>
    %add3A_826 = arith.addf %squeeze3A_823, %squeeze3A_825 : vector<256x64xf32>
    %slice3A_827 = vector.extract_strided_slice %mul3A_821 {offsets = [2, 0, 0], sizes = [1, 256, 64], strides = [1, 1, 1]} : vector<20x256x64xf32> to vector<1x256x64xf32>
    %squeeze3A_828 = vector.shape_cast %slice3A_827 : vector<1x256x64xf32> to vector<256x64xf32>
    %add3A_829 = arith.addf %add3A_826, %squeeze3A_828 : vector<256x64xf32>
    %slice3A_830 = vector.extract_strided_slice %mul3A_821 {offsets = [3, 0, 0], sizes = [1, 256, 64], strides = [1, 1, 1]} : vector<20x256x64xf32> to vector<1x256x64xf32>
    %squeeze3A_831 = vector.shape_cast %slice3A_830 : vector<1x256x64xf32> to vector<256x64xf32>
    %add3A_832 = arith.addf %add3A_829, %squeeze3A_831 : vector<256x64xf32>
    %slice3A_833 = vector.extract_strided_slice %mul3A_821 {offsets = [4, 0, 0], sizes = [1, 256, 64], strides = [1, 1, 1]} : vector<20x256x64xf32> to vector<1x256x64xf32>
    %squeeze3A_834 = vector.shape_cast %slice3A_833 : vector<1x256x64xf32> to vector<256x64xf32>
    %add3A_835 = arith.addf %add3A_832, %squeeze3A_834 : vector<256x64xf32>
    %slice3A_836 = vector.extract_strided_slice %mul3A_821 {offsets = [5, 0, 0], sizes = [1, 256, 64], strides = [1, 1, 1]} : vector<20x256x64xf32> to vector<1x256x64xf32>
    %squeeze3A_837 = vector.shape_cast %slice3A_836 : vector<1x256x64xf32> to vector<256x64xf32>
    %add3A_838 = arith.addf %add3A_835, %squeeze3A_837 : vector<256x64xf32>
    %slice3A_839 = vector.extract_strided_slice %mul3A_821 {offsets = [6, 0, 0], sizes = [1, 256, 64], strides = [1, 1, 1]} : vector<20x256x64xf32> to vector<1x256x64xf32>
    %squeeze3A_840 = vector.shape_cast %slice3A_839 : vector<1x256x64xf32> to vector<256x64xf32>
    %add3A_841 = arith.addf %add3A_838, %squeeze3A_840 : vector<256x64xf32>
    %slice3A_842 = vector.extract_strided_slice %mul3A_821 {offsets = [7, 0, 0], sizes = [1, 256, 64], strides = [1, 1, 1]} : vector<20x256x64xf32> to vector<1x256x64xf32>
    %squeeze3A_843 = vector.shape_cast %slice3A_842 : vector<1x256x64xf32> to vector<256x64xf32>
    %add3A_844 = arith.addf %add3A_841, %squeeze3A_843 : vector<256x64xf32>
    %slice3A_845 = vector.extract_strided_slice %mul3A_821 {offsets = [8, 0, 0], sizes = [1, 256, 64], strides = [1, 1, 1]} : vector<20x256x64xf32> to vector<1x256x64xf32>
    %squeeze3A_846 = vector.shape_cast %slice3A_845 : vector<1x256x64xf32> to vector<256x64xf32>
    %add3A_847 = arith.addf %add3A_844, %squeeze3A_846 : vector<256x64xf32>
    %slice3A_848 = vector.extract_strided_slice %mul3A_821 {offsets = [9, 0, 0], sizes = [1, 256, 64], strides = [1, 1, 1]} : vector<20x256x64xf32> to vector<1x256x64xf32>
    %squeeze3A_849 = vector.shape_cast %slice3A_848 : vector<1x256x64xf32> to vector<256x64xf32>
    %add3A_850 = arith.addf %add3A_847, %squeeze3A_849 : vector<256x64xf32>
    %slice3A_851 = vector.extract_strided_slice %mul3A_821 {offsets = [10, 0, 0], sizes = [1, 256, 64], strides = [1, 1, 1]} : vector<20x256x64xf32> to vector<1x256x64xf32>
    %squeeze3A_852 = vector.shape_cast %slice3A_851 : vector<1x256x64xf32> to vector<256x64xf32>
    %add3A_853 = arith.addf %add3A_850, %squeeze3A_852 : vector<256x64xf32>
    %slice3A_854 = vector.extract_strided_slice %mul3A_821 {offsets = [11, 0, 0], sizes = [1, 256, 64], strides = [1, 1, 1]} : vector<20x256x64xf32> to vector<1x256x64xf32>
    %squeeze3A_855 = vector.shape_cast %slice3A_854 : vector<1x256x64xf32> to vector<256x64xf32>
    %add3A_856 = arith.addf %add3A_853, %squeeze3A_855 : vector<256x64xf32>
    %slice3A_857 = vector.extract_strided_slice %mul3A_821 {offsets = [12, 0, 0], sizes = [1, 256, 64], strides = [1, 1, 1]} : vector<20x256x64xf32> to vector<1x256x64xf32>
    %squeeze3A_858 = vector.shape_cast %slice3A_857 : vector<1x256x64xf32> to vector<256x64xf32>
    %add3A_859 = arith.addf %add3A_856, %squeeze3A_858 : vector<256x64xf32>
    %slice3A_860 = vector.extract_strided_slice %mul3A_821 {offsets = [13, 0, 0], sizes = [1, 256, 64], strides = [1, 1, 1]} : vector<20x256x64xf32> to vector<1x256x64xf32>
    %squeeze3A_861 = vector.shape_cast %slice3A_860 : vector<1x256x64xf32> to vector<256x64xf32>
    %add3A_862 = arith.addf %add3A_859, %squeeze3A_861 : vector<256x64xf32>
    %slice3A_863 = vector.extract_strided_slice %mul3A_821 {offsets = [14, 0, 0], sizes = [1, 256, 64], strides = [1, 1, 1]} : vector<20x256x64xf32> to vector<1x256x64xf32>
    %squeeze3A_864 = vector.shape_cast %slice3A_863 : vector<1x256x64xf32> to vector<256x64xf32>
    %add3A_865 = arith.addf %add3A_862, %squeeze3A_864 : vector<256x64xf32>
    %slice3A_866 = vector.extract_strided_slice %mul3A_821 {offsets = [15, 0, 0], sizes = [1, 256, 64], strides = [1, 1, 1]} : vector<20x256x64xf32> to vector<1x256x64xf32>
    %squeeze3A_867 = vector.shape_cast %slice3A_866 : vector<1x256x64xf32> to vector<256x64xf32>
    %add3A_868 = arith.addf %add3A_865, %squeeze3A_867 : vector<256x64xf32>
    %slice3A_869 = vector.extract_strided_slice %mul3A_821 {offsets = [16, 0, 0], sizes = [1, 256, 64], strides = [1, 1, 1]} : vector<20x256x64xf32> to vector<1x256x64xf32>
    %squeeze3A_870 = vector.shape_cast %slice3A_869 : vector<1x256x64xf32> to vector<256x64xf32>
    %add3A_871 = arith.addf %add3A_868, %squeeze3A_870 : vector<256x64xf32>
    %slice3A_872 = vector.extract_strided_slice %mul3A_821 {offsets = [17, 0, 0], sizes = [1, 256, 64], strides = [1, 1, 1]} : vector<20x256x64xf32> to vector<1x256x64xf32>
    %squeeze3A_873 = vector.shape_cast %slice3A_872 : vector<1x256x64xf32> to vector<256x64xf32>
    %add3A_874 = arith.addf %add3A_871, %squeeze3A_873 : vector<256x64xf32>
    %slice3A_875 = vector.extract_strided_slice %mul3A_821 {offsets = [18, 0, 0], sizes = [1, 256, 64], strides = [1, 1, 1]} : vector<20x256x64xf32> to vector<1x256x64xf32>
    %squeeze3A_876 = vector.shape_cast %slice3A_875 : vector<1x256x64xf32> to vector<256x64xf32>
    %add3A_877 = arith.addf %add3A_874, %squeeze3A_876 : vector<256x64xf32>
    %slice3A_878 = vector.extract_strided_slice %mul3A_821 {offsets = [19, 0, 0], sizes = [1, 256, 64], strides = [1, 1, 1]} : vector<20x256x64xf32> to vector<1x256x64xf32>
    %squeeze3A_879 = vector.shape_cast %slice3A_878 : vector<1x256x64xf32> to vector<256x64xf32>
    %add3A_880 = arith.addf %add3A_877, %squeeze3A_879 : vector<256x64xf32>
    %div3A_881 = vector.broadcast %add3A_818 : vector<256x1xf32> to vector<256x64xf32>
    %div3A_882 = arith.divf %add3A_880, %div3A_881 : vector<256x64xf32>
    %get3A_883 = arith.constant 0 : index
    %get3A_884 = arith.constant 0 : index
    %get3A_885 = vector.load %arg13[%get3A_883, %get3A_884] : memref<64x64xf32, #tpu.memory_space<vmem>>, vector<64x64xf32>
    %convert_element_type3A_886 = arith.truncf %div3A_882 : vector<256x64xf32> to vector<256x64xbf16>
    %convert_element_type3A_887 = arith.truncf %get3A_885 : vector<64x64xf32> to vector<64x64xbf16>
    %dot_general3A_888 = arith.constant dense<0.000000e+00> : vector<256x64xf32>
    %dot_general3A_889 = tpu.matmul %convert_element_type3A_886, %convert_element_type3A_887, %dot_general3A_888 {dimension_numbers = #tpu.dot_dimension_numbers<[1], [0], [0], [1], [0, 0, 1, 1], [], []>, transpose_lhs_hint = false} : vector<256x64xbf16>, vector<64x64xbf16>, vector<256x64xf32> -> vector<256x64xf32>
    %get3A_890 = arith.constant 0 : index
    %get3A_891 = arith.constant 0 : index
    %get3A_892 = vector.load %arg14[%get3A_890, %get3A_891] : memref<1x64xf32, #tpu.memory_space<vmem>>, vector<1x64xf32>
    %add3A_893 = vector.broadcast %get3A_892 : vector<1x64xf32> to vector<256x64xf32>
    %add3A_894 = arith.addf %dot_general3A_889, %add3A_893 : vector<256x64xf32>
    %max3A_895 = arith.constant 0.000000e+00 : f32
    %max3A_896 = vector.broadcast %max3A_895 : f32 to vector<256x64xf32>
    %max3A_897 = arith.maximumf %add3A_894, %max3A_896 : vector<256x64xf32>
    %get3A_898 = arith.constant 0 : index
    %get3A_899 = arith.constant 0 : index
    %get3A_900 = vector.load %arg15[%get3A_898, %get3A_899] : memref<64x64xf32, #tpu.memory_space<vmem>>, vector<64x64xf32>
    %convert_element_type3A_901 = arith.truncf %bitcast_convert_type3A_461 : vector<256x64xf32> to vector<256x64xbf16>
    %convert_element_type3A_902 = arith.truncf %get3A_900 : vector<64x64xf32> to vector<64x64xbf16>
    %dot_general3A_903 = arith.constant dense<0.000000e+00> : vector<256x64xf32>
    %dot_general3A_904 = tpu.matmul %convert_element_type3A_901, %convert_element_type3A_902, %dot_general3A_903 {dimension_numbers = #tpu.dot_dimension_numbers<[1], [0], [0], [1], [0, 0, 1, 1], [], []>, transpose_lhs_hint = false} : vector<256x64xbf16>, vector<64x64xbf16>, vector<256x64xf32> -> vector<256x64xf32>
    %get3A_905 = arith.constant 0 : index
    %get3A_906 = arith.constant 0 : index
    %get3A_907 = vector.load %arg16[%get3A_905, %get3A_906] : memref<64x64xf32, #tpu.memory_space<vmem>>, vector<64x64xf32>
    %convert_element_type3A_908 = arith.truncf %max3A_897 : vector<256x64xf32> to vector<256x64xbf16>
    %convert_element_type3A_909 = arith.truncf %get3A_907 : vector<64x64xf32> to vector<64x64xbf16>
    %dot_general3A_910 = arith.constant dense<0.000000e+00> : vector<256x64xf32>
    %dot_general3A_911 = tpu.matmul %convert_element_type3A_908, %convert_element_type3A_909, %dot_general3A_910 {dimension_numbers = #tpu.dot_dimension_numbers<[1], [0], [0], [1], [0, 0, 1, 1], [], []>, transpose_lhs_hint = false} : vector<256x64xbf16>, vector<64x64xbf16>, vector<256x64xf32> -> vector<256x64xf32>
    %add3A_912 = arith.addf %dot_general3A_904, %dot_general3A_911 : vector<256x64xf32>
    %get3A_913 = arith.constant 0 : index
    %get3A_914 = arith.constant 0 : index
    %get3A_915 = vector.load %arg17[%get3A_913, %get3A_914] : memref<1x64xf32, #tpu.memory_space<vmem>>, vector<1x64xf32>
    %add3A_916 = vector.broadcast %get3A_915 : vector<1x64xf32> to vector<256x64xf32>
    %add3A_917 = arith.addf %add3A_912, %add3A_916 : vector<256x64xf32>
    %max3A_918 = arith.constant 0.000000e+00 : f32
    %max3A_919 = vector.broadcast %max3A_918 : f32 to vector<256x64xf32>
    %max3A_920 = arith.maximumf %add3A_917, %max3A_919 : vector<256x64xf32>
    %swap3A_921 = arith.constant 256 : index
    %swap3A_922 = arith.constant 0 : index
    %swap3A_923 = vector.load %arg18[%swap3A_921, %swap3A_922] : memref<512x64xf32, #tpu.memory_space<vmem>>, vector<256x64xf32>
    tpu.vector_store %arg18[%swap3A_921, %swap3A_922], %max3A_920 {strides = array<i32>} : memref<512x64xf32, #tpu.memory_space<vmem>>, vector<256x64xf32>,
    return
  }
  func.func @transform_0(%arg0: i32) -> (i32, i32) {
    %c0_i32 = arith.constant 0 : i32
    %c0_i32_0 = arith.constant 0 : i32
    return %arg0, %c0_i32 : i32, i32
  }
  func.func @transform_1(%arg0: i32) -> (i32, i32) {
    %add3A = arith.constant 21 : i32
    %add3A_0 = arith.addi %arg0, %add3A : i32
    %c0_i32 = arith.constant 0 : i32
    %c0_i32_1 = arith.constant 0 : i32
    return %add3A_0, %c0_i32 : i32, i32
  }
  func.func @transform_2(%arg0: i32) -> (i32, i32) {
    %c0_i32 = arith.constant 0 : i32
    %c0_i32_0 = arith.constant 0 : i32
    %c0_i32_1 = arith.constant 0 : i32
    return %c0_i32, %c0_i32_0 : i32, i32
  }
  func.func @transform_3(%arg0: i32) -> (i32, i32) {
    %c0_i32 = arith.constant 0 : i32
    %c0_i32_0 = arith.constant 0 : i32
    %c0_i32_1 = arith.constant 0 : i32
    return %c0_i32, %c0_i32_0 : i32, i32
  }
  func.func @transform_4(%arg0: i32) -> (i32, i32) {
    %c0_i32 = arith.constant 0 : i32
    %c0_i32_0 = arith.constant 0 : i32
    %c0_i32_1 = arith.constant 0 : i32
    return %c0_i32, %c0_i32_0 : i32, i32
  }
  func.func @transform_5(%arg0: i32) -> (i32, i32) {
    %c0_i32 = arith.constant 0 : i32
    %c0_i32_0 = arith.constant 0 : i32
    %c0_i32_1 = arith.constant 0 : i32
    return %c0_i32, %c0_i32_0 : i32, i32
  }
  func.func @transform_6(%arg0: i32) -> (i32, i32) {
    %c0_i32 = arith.constant 0 : i32
    %c0_i32_0 = arith.constant 0 : i32
    %c0_i32_1 = arith.constant 0 : i32
    return %c0_i32, %c0_i32_0 : i32, i32
  }
  func.func @transform_7(%arg0: i32) -> (i32, i32) {
    %c0_i32 = arith.constant 0 : i32
    %c0_i32_0 = arith.constant 0 : i32
    %c0_i32_1 = arith.constant 0 : i32
    return %c0_i32, %c0_i32_0 : i32, i32
  }
  func.func @transform_8(%arg0: i32) -> (i32, i32) {
    %c0_i32 = arith.constant 0 : i32
    %c0_i32_0 = arith.constant 0 : i32
    %c0_i32_1 = arith.constant 0 : i32
    return %c0_i32, %c0_i32_0 : i32, i32
  }
  func.func @transform_9(%arg0: i32) -> (i32, i32) {
    %c0_i32 = arith.constant 0 : i32
    %c0_i32_0 = arith.constant 0 : i32
    %c0_i32_1 = arith.constant 0 : i32
    return %c0_i32, %c0_i32_0 : i32, i32
  }
  func.func @transform_10(%arg0: i32) -> (i32, i32) {
    %c0_i32 = arith.constant 0 : i32
    %c0_i32_0 = arith.constant 0 : i32
    %c0_i32_1 = arith.constant 0 : i32
    return %c0_i32, %c0_i32_0 : i32, i32
  }
  func.func @transform_11(%arg0: i32) -> (i32, i32) {
    %c0_i32 = arith.constant 0 : i32
    %c0_i32_0 = arith.constant 0 : i32
    %c0_i32_1 = arith.constant 0 : i32
    return %c0_i32, %c0_i32_0 : i32, i32
  }
  func.func @transform_12(%arg0: i32) -> (i32, i32) {
    %c0_i32 = arith.constant 0 : i32
    %c0_i32_0 = arith.constant 0 : i32
    %c0_i32_1 = arith.constant 0 : i32
    return %c0_i32, %c0_i32_0 : i32, i32
  }
  func.func @transform_13(%arg0: i32) -> (i32, i32) {
    %c0_i32 = arith.constant 0 : i32
    %c0_i32_0 = arith.constant 0 : i32
    %c0_i32_1 = arith.constant 0 : i32
    return %c0_i32, %c0_i32_0 : i32, i32
  }
  func.func @transform_14(%arg0: i32) -> (i32, i32) {
    %c0_i32 = arith.constant 0 : i32
    %c0_i32_0 = arith.constant 0 : i32
    %c0_i32_1 = arith.constant 0 : i32
    return %c0_i32, %c0_i32_0 : i32, i32
  }
  func.func @transform_15(%arg0: i32) -> (i32, i32) {
    %c0_i32 = arith.constant 0 : i32
    %c0_i32_0 = arith.constant 0 : i32
    %c0_i32_1 = arith.constant 0 : i32
    return %c0_i32, %c0_i32_0 : i32, i32
  }
  func.func @transform_16(%arg0: i32) -> (i32, i32) {
    %c0_i32 = arith.constant 0 : i32
    %c0_i32_0 = arith.constant 0 : i32
    %c0_i32_1 = arith.constant 0 : i32
    return %c0_i32, %c0_i32_0 : i32, i32
  }
  func.func @transform_17(%arg0: i32) -> (i32, i32) {
    %c0_i32 = arith.constant 0 : i32
    %c0_i32_0 = arith.constant 0 : i32
    return %arg0, %c0_i32 : i32, i32
  }
}

module attributes {stable_mosaic.version = 14 : i64} {
  func.func @_stage_b_body(%arg0: i32, %arg1: memref<21x512x64xf32, #tpu.memory_space<vmem>>, %arg2: memref<512x128xi32, #tpu.memory_space<vmem>>, %arg3: memref<64x64xf32, #tpu.memory_space<vmem>>, %arg4: memref<64x64xf32, #tpu.memory_space<vmem>>, %arg5: memref<1x64xf32, #tpu.memory_space<vmem>>, %arg6: memref<64x64xf32, #tpu.memory_space<vmem>>, %arg7: memref<1x64xf32, #tpu.memory_space<vmem>>, %arg8: memref<1x64xf32, #tpu.memory_space<vmem>>, %arg9: memref<64x64xf32, #tpu.memory_space<vmem>>, %arg10: memref<1x64xf32, #tpu.memory_space<vmem>>, %arg11: memref<64x64xf32, #tpu.memory_space<vmem>>, %arg12: memref<64x64xf32, #tpu.memory_space<vmem>>, %arg13: memref<1x64xf32, #tpu.memory_space<vmem>>, %arg14: memref<64x64xf32, #tpu.memory_space<vmem>>, %arg15: memref<1x64xf32, #tpu.memory_space<vmem>>, %arg16: memref<512x64xf32, #tpu.memory_space<vmem>>) attributes {dimension_semantics = [#tpu.dimension_semantics<arbitrary>], iteration_bounds = array<i64: 2>, scalar_prefetch = 0 : i64, scratch_operands = 0 : i64, tpu.core_type = #tpu.core_type<tc>, window_params = [{transform_indices = @transform_0, window_bounds = array<i64: 21, 512, 64>}, {transform_indices = @transform_1, window_bounds = array<i64: 512, 128>}, {pipeline_mode = #tpu.pipeline_mode<synchronous>, transform_indices = @transform_2, window_bounds = array<i64: 64, 64>}, {pipeline_mode = #tpu.pipeline_mode<synchronous>, transform_indices = @transform_3, window_bounds = array<i64: 64, 64>}, {pipeline_mode = #tpu.pipeline_mode<synchronous>, transform_indices = @transform_4, window_bounds = array<i64: 1, 64>}, {pipeline_mode = #tpu.pipeline_mode<synchronous>, transform_indices = @transform_5, window_bounds = array<i64: 64, 64>}, {pipeline_mode = #tpu.pipeline_mode<synchronous>, transform_indices = @transform_6, window_bounds = array<i64: 1, 64>}, {pipeline_mode = #tpu.pipeline_mode<synchronous>, transform_indices = @transform_7, window_bounds = array<i64: 1, 64>}, {pipeline_mode = #tpu.pipeline_mode<synchronous>, transform_indices = @transform_8, window_bounds = array<i64: 64, 64>}, {pipeline_mode = #tpu.pipeline_mode<synchronous>, transform_indices = @transform_9, window_bounds = array<i64: 1, 64>}, {pipeline_mode = #tpu.pipeline_mode<synchronous>, transform_indices = @transform_10, window_bounds = array<i64: 64, 64>}, {pipeline_mode = #tpu.pipeline_mode<synchronous>, transform_indices = @transform_11, window_bounds = array<i64: 64, 64>}, {pipeline_mode = #tpu.pipeline_mode<synchronous>, transform_indices = @transform_12, window_bounds = array<i64: 1, 64>}, {pipeline_mode = #tpu.pipeline_mode<synchronous>, transform_indices = @transform_13, window_bounds = array<i64: 64, 64>}, {pipeline_mode = #tpu.pipeline_mode<synchronous>, transform_indices = @transform_14, window_bounds = array<i64: 1, 64>}, {transform_indices = @transform_15, window_bounds = array<i64: 512, 64>}]} {
    %get3A = arith.constant 0 : index
    %get3A_0 = arith.constant 64 : index
    %get3A_1 = vector.load %arg2[%get3A, %get3A_0] : memref<512x128xi32, #tpu.memory_space<vmem>>, vector<512x64xi32>
    %bitcast_convert_type3A = tpu.bitcast %get3A_1 : vector<512x64xi32> -> vector<512x64xf32>
    %get3A_2 = arith.constant 0 : index
    %get3A_3 = arith.constant 0 : index
    %get3A_4 = vector.load %arg4[%get3A_2, %get3A_3] : memref<64x64xf32, #tpu.memory_space<vmem>>, vector<64x64xf32>
    %convert_element_type3A = arith.truncf %bitcast_convert_type3A : vector<512x64xf32> to vector<512x64xbf16>
    %convert_element_type3A_5 = arith.truncf %get3A_4 : vector<64x64xf32> to vector<64x64xbf16>
    %dot_general3A = arith.constant dense<0.000000e+00> : vector<512x64xf32>
    %dot_general3A_6 = tpu.matmul %convert_element_type3A, %convert_element_type3A_5, %dot_general3A {dimension_numbers = #tpu.dot_dimension_numbers<[1], [0], [0], [1], [0, 0, 1, 1], [], []>, transpose_lhs_hint = false} : vector<512x64xbf16>, vector<64x64xbf16>, vector<512x64xf32> -> vector<512x64xf32>
    %get3A_7 = arith.constant 0 : index
    %get3A_8 = arith.constant 0 : index
    %get3A_9 = vector.load %arg5[%get3A_7, %get3A_8] : memref<1x64xf32, #tpu.memory_space<vmem>>, vector<1x64xf32>
    %add3A = vector.broadcast %get3A_9 : vector<1x64xf32> to vector<512x64xf32>
    %add3A_10 = arith.addf %dot_general3A_6, %add3A : vector<512x64xf32>
    %get3A_11 = arith.constant 0 : index
    %get3A_12 = arith.constant 0 : index
    %get3A_13 = vector.load %arg7[%get3A_11, %get3A_12] : memref<1x64xf32, #tpu.memory_space<vmem>>, vector<1x64xf32>
    %get3A_14 = arith.constant 0 : index
    %get3A_15 = arith.constant 0 : index
    %get3A_16 = vector.load %arg8[%get3A_14, %get3A_15] : memref<1x64xf32, #tpu.memory_space<vmem>>, vector<1x64xf32>
    %get3A_17 = arith.constant 1 : index
    %get3A_18 = arith.constant 0 : index
    %get3A_19 = arith.constant 0 : index
    %get3A_20 = vector.load %arg1[%get3A_17, %get3A_18, %get3A_19] : memref<21x512x64xf32, #tpu.memory_space<vmem>>, vector<1x512x64xf32>
    %get3A_21 = vector.shape_cast %get3A_20 : vector<1x512x64xf32> to vector<512x64xf32>
    %get3A_22 = arith.constant 0 : index
    %get3A_23 = arith.constant 0 : index
    %get3A_24 = vector.load %arg3[%get3A_22, %get3A_23] : memref<64x64xf32, #tpu.memory_space<vmem>>, vector<64x64xf32>
    %convert_element_type3A_25 = arith.truncf %get3A_21 : vector<512x64xf32> to vector<512x64xbf16>
    %convert_element_type3A_26 = arith.truncf %get3A_24 : vector<64x64xf32> to vector<64x64xbf16>
    %dot_general3A_27 = arith.constant dense<0.000000e+00> : vector<512x64xf32>
    %dot_general3A_28 = tpu.matmul %convert_element_type3A_25, %convert_element_type3A_26, %dot_general3A_27 {dimension_numbers = #tpu.dot_dimension_numbers<[1], [0], [0], [1], [0, 0, 1, 1], [], []>, transpose_lhs_hint = false} : vector<512x64xbf16>, vector<64x64xbf16>, vector<512x64xf32> -> vector<512x64xf32>
    %add3A_29 = arith.addf %dot_general3A_28, %add3A_10 : vector<512x64xf32>
    %max3A = arith.constant 0.000000e+00 : f32
    %max3A_30 = vector.broadcast %max3A : f32 to vector<512x64xf32>
    %max3A_31 = arith.maximumf %add3A_29, %max3A_30 : vector<512x64xf32>
    %get3A_32 = arith.constant 0 : index
    %get3A_33 = arith.constant 0 : index
    %get3A_34 = vector.load %arg6[%get3A_32, %get3A_33] : memref<64x64xf32, #tpu.memory_space<vmem>>, vector<64x64xf32>
    %convert_element_type3A_35 = arith.truncf %max3A_31 : vector<512x64xf32> to vector<512x64xbf16>
    %convert_element_type3A_36 = arith.truncf %get3A_34 : vector<64x64xf32> to vector<64x64xbf16>
    %dot_general3A_37 = arith.constant dense<0.000000e+00> : vector<512x64xf32>
    %dot_general3A_38 = tpu.matmul %convert_element_type3A_35, %convert_element_type3A_36, %dot_general3A_37 {dimension_numbers = #tpu.dot_dimension_numbers<[1], [0], [0], [1], [0, 0, 1, 1], [], []>, transpose_lhs_hint = false} : vector<512x64xbf16>, vector<64x64xbf16>, vector<512x64xf32> -> vector<512x64xf32>
    %add3A_39 = vector.broadcast %get3A_13 : vector<1x64xf32> to vector<512x64xf32>
    %add3A_40 = arith.addf %dot_general3A_38, %add3A_39 : vector<512x64xf32>
    %max3A_41 = arith.constant 0.000000e+00 : f32
    %max3A_42 = vector.broadcast %max3A_41 : f32 to vector<512x64xf32>
    %max3A_43 = arith.maximumf %add3A_40, %max3A_42 : vector<512x64xf32>
    %mul3A = vector.broadcast %get3A_16 : vector<1x64xf32> to vector<512x64xf32>
    %mul3A_44 = arith.mulf %max3A_43, %mul3A : vector<512x64xf32>
    %reduce_sum3A = arith.constant dense<0.000000e+00> : vector<512xf32>
    %reduce_sum3A_45 = vector.multi_reduction <add>, %mul3A_44, %reduce_sum3A [1] : vector<512x64xf32> to vector<512xf32>
    %broadcast_in_dim3A = vector.shape_cast %reduce_sum3A_45 : vector<512xf32> to vector<512x1xf32>
    %get3A_46 = arith.constant 2 : index
    %get3A_47 = arith.constant 0 : index
    %get3A_48 = arith.constant 0 : index
    %get3A_49 = vector.load %arg1[%get3A_46, %get3A_47, %get3A_48] : memref<21x512x64xf32, #tpu.memory_space<vmem>>, vector<1x512x64xf32>
    %get3A_50 = vector.shape_cast %get3A_49 : vector<1x512x64xf32> to vector<512x64xf32>
    %get3A_51 = arith.constant 0 : index
    %get3A_52 = arith.constant 0 : index
    %get3A_53 = vector.load %arg3[%get3A_51, %get3A_52] : memref<64x64xf32, #tpu.memory_space<vmem>>, vector<64x64xf32>
    %convert_element_type3A_54 = arith.truncf %get3A_50 : vector<512x64xf32> to vector<512x64xbf16>
    %convert_element_type3A_55 = arith.truncf %get3A_53 : vector<64x64xf32> to vector<64x64xbf16>
    %dot_general3A_56 = arith.constant dense<0.000000e+00> : vector<512x64xf32>
    %dot_general3A_57 = tpu.matmul %convert_element_type3A_54, %convert_element_type3A_55, %dot_general3A_56 {dimension_numbers = #tpu.dot_dimension_numbers<[1], [0], [0], [1], [0, 0, 1, 1], [], []>, transpose_lhs_hint = false} : vector<512x64xbf16>, vector<64x64xbf16>, vector<512x64xf32> -> vector<512x64xf32>
    %add3A_58 = arith.addf %dot_general3A_57, %add3A_10 : vector<512x64xf32>
    %max3A_59 = arith.constant 0.000000e+00 : f32
    %max3A_60 = vector.broadcast %max3A_59 : f32 to vector<512x64xf32>
    %max3A_61 = arith.maximumf %add3A_58, %max3A_60 : vector<512x64xf32>
    %get3A_62 = arith.constant 0 : index
    %get3A_63 = arith.constant 0 : index
    %get3A_64 = vector.load %arg6[%get3A_62, %get3A_63] : memref<64x64xf32, #tpu.memory_space<vmem>>, vector<64x64xf32>
    %convert_element_type3A_65 = arith.truncf %max3A_61 : vector<512x64xf32> to vector<512x64xbf16>
    %convert_element_type3A_66 = arith.truncf %get3A_64 : vector<64x64xf32> to vector<64x64xbf16>
    %dot_general3A_67 = arith.constant dense<0.000000e+00> : vector<512x64xf32>
    %dot_general3A_68 = tpu.matmul %convert_element_type3A_65, %convert_element_type3A_66, %dot_general3A_67 {dimension_numbers = #tpu.dot_dimension_numbers<[1], [0], [0], [1], [0, 0, 1, 1], [], []>, transpose_lhs_hint = false} : vector<512x64xbf16>, vector<64x64xbf16>, vector<512x64xf32> -> vector<512x64xf32>
    %add3A_69 = vector.broadcast %get3A_13 : vector<1x64xf32> to vector<512x64xf32>
    %add3A_70 = arith.addf %dot_general3A_68, %add3A_69 : vector<512x64xf32>
    %max3A_71 = arith.constant 0.000000e+00 : f32
    %max3A_72 = vector.broadcast %max3A_71 : f32 to vector<512x64xf32>
    %max3A_73 = arith.maximumf %add3A_70, %max3A_72 : vector<512x64xf32>
    %mul3A_74 = vector.broadcast %get3A_16 : vector<1x64xf32> to vector<512x64xf32>
    %mul3A_75 = arith.mulf %max3A_73, %mul3A_74 : vector<512x64xf32>
    %reduce_sum3A_76 = arith.constant dense<0.000000e+00> : vector<512xf32>
    %reduce_sum3A_77 = vector.multi_reduction <add>, %mul3A_75, %reduce_sum3A_76 [1] : vector<512x64xf32> to vector<512xf32>
    %broadcast_in_dim3A_78 = vector.shape_cast %reduce_sum3A_77 : vector<512xf32> to vector<512x1xf32>
    %get3A_79 = arith.constant 3 : index
    %get3A_80 = arith.constant 0 : index
    %get3A_81 = arith.constant 0 : index
    %get3A_82 = vector.load %arg1[%get3A_79, %get3A_80, %get3A_81] : memref<21x512x64xf32, #tpu.memory_space<vmem>>, vector<1x512x64xf32>
    %get3A_83 = vector.shape_cast %get3A_82 : vector<1x512x64xf32> to vector<512x64xf32>
    %get3A_84 = arith.constant 0 : index
    %get3A_85 = arith.constant 0 : index
    %get3A_86 = vector.load %arg3[%get3A_84, %get3A_85] : memref<64x64xf32, #tpu.memory_space<vmem>>, vector<64x64xf32>
    %convert_element_type3A_87 = arith.truncf %get3A_83 : vector<512x64xf32> to vector<512x64xbf16>
    %convert_element_type3A_88 = arith.truncf %get3A_86 : vector<64x64xf32> to vector<64x64xbf16>
    %dot_general3A_89 = arith.constant dense<0.000000e+00> : vector<512x64xf32>
    %dot_general3A_90 = tpu.matmul %convert_element_type3A_87, %convert_element_type3A_88, %dot_general3A_89 {dimension_numbers = #tpu.dot_dimension_numbers<[1], [0], [0], [1], [0, 0, 1, 1], [], []>, transpose_lhs_hint = false} : vector<512x64xbf16>, vector<64x64xbf16>, vector<512x64xf32> -> vector<512x64xf32>
    %add3A_91 = arith.addf %dot_general3A_90, %add3A_10 : vector<512x64xf32>
    %max3A_92 = arith.constant 0.000000e+00 : f32
    %max3A_93 = vector.broadcast %max3A_92 : f32 to vector<512x64xf32>
    %max3A_94 = arith.maximumf %add3A_91, %max3A_93 : vector<512x64xf32>
    %get3A_95 = arith.constant 0 : index
    %get3A_96 = arith.constant 0 : index
    %get3A_97 = vector.load %arg6[%get3A_95, %get3A_96] : memref<64x64xf32, #tpu.memory_space<vmem>>, vector<64x64xf32>
    %convert_element_type3A_98 = arith.truncf %max3A_94 : vector<512x64xf32> to vector<512x64xbf16>
    %convert_element_type3A_99 = arith.truncf %get3A_97 : vector<64x64xf32> to vector<64x64xbf16>
    %dot_general3A_100 = arith.constant dense<0.000000e+00> : vector<512x64xf32>
    %dot_general3A_101 = tpu.matmul %convert_element_type3A_98, %convert_element_type3A_99, %dot_general3A_100 {dimension_numbers = #tpu.dot_dimension_numbers<[1], [0], [0], [1], [0, 0, 1, 1], [], []>, transpose_lhs_hint = false} : vector<512x64xbf16>, vector<64x64xbf16>, vector<512x64xf32> -> vector<512x64xf32>
    %add3A_102 = vector.broadcast %get3A_13 : vector<1x64xf32> to vector<512x64xf32>
    %add3A_103 = arith.addf %dot_general3A_101, %add3A_102 : vector<512x64xf32>
    %max3A_104 = arith.constant 0.000000e+00 : f32
    %max3A_105 = vector.broadcast %max3A_104 : f32 to vector<512x64xf32>
    %max3A_106 = arith.maximumf %add3A_103, %max3A_105 : vector<512x64xf32>
    %mul3A_107 = vector.broadcast %get3A_16 : vector<1x64xf32> to vector<512x64xf32>
    %mul3A_108 = arith.mulf %max3A_106, %mul3A_107 : vector<512x64xf32>
    %reduce_sum3A_109 = arith.constant dense<0.000000e+00> : vector<512xf32>
    %reduce_sum3A_110 = vector.multi_reduction <add>, %mul3A_108, %reduce_sum3A_109 [1] : vector<512x64xf32> to vector<512xf32>
    %broadcast_in_dim3A_111 = vector.shape_cast %reduce_sum3A_110 : vector<512xf32> to vector<512x1xf32>
    %get3A_112 = arith.constant 4 : index
    %get3A_113 = arith.constant 0 : index
    %get3A_114 = arith.constant 0 : index
    %get3A_115 = vector.load %arg1[%get3A_112, %get3A_113, %get3A_114] : memref<21x512x64xf32, #tpu.memory_space<vmem>>, vector<1x512x64xf32>
    %get3A_116 = vector.shape_cast %get3A_115 : vector<1x512x64xf32> to vector<512x64xf32>
    %get3A_117 = arith.constant 0 : index
    %get3A_118 = arith.constant 0 : index
    %get3A_119 = vector.load %arg3[%get3A_117, %get3A_118] : memref<64x64xf32, #tpu.memory_space<vmem>>, vector<64x64xf32>
    %convert_element_type3A_120 = arith.truncf %get3A_116 : vector<512x64xf32> to vector<512x64xbf16>
    %convert_element_type3A_121 = arith.truncf %get3A_119 : vector<64x64xf32> to vector<64x64xbf16>
    %dot_general3A_122 = arith.constant dense<0.000000e+00> : vector<512x64xf32>
    %dot_general3A_123 = tpu.matmul %convert_element_type3A_120, %convert_element_type3A_121, %dot_general3A_122 {dimension_numbers = #tpu.dot_dimension_numbers<[1], [0], [0], [1], [0, 0, 1, 1], [], []>, transpose_lhs_hint = false} : vector<512x64xbf16>, vector<64x64xbf16>, vector<512x64xf32> -> vector<512x64xf32>
    %add3A_124 = arith.addf %dot_general3A_123, %add3A_10 : vector<512x64xf32>
    %max3A_125 = arith.constant 0.000000e+00 : f32
    %max3A_126 = vector.broadcast %max3A_125 : f32 to vector<512x64xf32>
    %max3A_127 = arith.maximumf %add3A_124, %max3A_126 : vector<512x64xf32>
    %get3A_128 = arith.constant 0 : index
    %get3A_129 = arith.constant 0 : index
    %get3A_130 = vector.load %arg6[%get3A_128, %get3A_129] : memref<64x64xf32, #tpu.memory_space<vmem>>, vector<64x64xf32>
    %convert_element_type3A_131 = arith.truncf %max3A_127 : vector<512x64xf32> to vector<512x64xbf16>
    %convert_element_type3A_132 = arith.truncf %get3A_130 : vector<64x64xf32> to vector<64x64xbf16>
    %dot_general3A_133 = arith.constant dense<0.000000e+00> : vector<512x64xf32>
    %dot_general3A_134 = tpu.matmul %convert_element_type3A_131, %convert_element_type3A_132, %dot_general3A_133 {dimension_numbers = #tpu.dot_dimension_numbers<[1], [0], [0], [1], [0, 0, 1, 1], [], []>, transpose_lhs_hint = false} : vector<512x64xbf16>, vector<64x64xbf16>, vector<512x64xf32> -> vector<512x64xf32>
    %add3A_135 = vector.broadcast %get3A_13 : vector<1x64xf32> to vector<512x64xf32>
    %add3A_136 = arith.addf %dot_general3A_134, %add3A_135 : vector<512x64xf32>
    %max3A_137 = arith.constant 0.000000e+00 : f32
    %max3A_138 = vector.broadcast %max3A_137 : f32 to vector<512x64xf32>
    %max3A_139 = arith.maximumf %add3A_136, %max3A_138 : vector<512x64xf32>
    %mul3A_140 = vector.broadcast %get3A_16 : vector<1x64xf32> to vector<512x64xf32>
    %mul3A_141 = arith.mulf %max3A_139, %mul3A_140 : vector<512x64xf32>
    %reduce_sum3A_142 = arith.constant dense<0.000000e+00> : vector<512xf32>
    %reduce_sum3A_143 = vector.multi_reduction <add>, %mul3A_141, %reduce_sum3A_142 [1] : vector<512x64xf32> to vector<512xf32>
    %broadcast_in_dim3A_144 = vector.shape_cast %reduce_sum3A_143 : vector<512xf32> to vector<512x1xf32>
    %get3A_145 = arith.constant 5 : index
    %get3A_146 = arith.constant 0 : index
    %get3A_147 = arith.constant 0 : index
    %get3A_148 = vector.load %arg1[%get3A_145, %get3A_146, %get3A_147] : memref<21x512x64xf32, #tpu.memory_space<vmem>>, vector<1x512x64xf32>
    %get3A_149 = vector.shape_cast %get3A_148 : vector<1x512x64xf32> to vector<512x64xf32>
    %get3A_150 = arith.constant 0 : index
    %get3A_151 = arith.constant 0 : index
    %get3A_152 = vector.load %arg3[%get3A_150, %get3A_151] : memref<64x64xf32, #tpu.memory_space<vmem>>, vector<64x64xf32>
    %convert_element_type3A_153 = arith.truncf %get3A_149 : vector<512x64xf32> to vector<512x64xbf16>
    %convert_element_type3A_154 = arith.truncf %get3A_152 : vector<64x64xf32> to vector<64x64xbf16>
    %dot_general3A_155 = arith.constant dense<0.000000e+00> : vector<512x64xf32>
    %dot_general3A_156 = tpu.matmul %convert_element_type3A_153, %convert_element_type3A_154, %dot_general3A_155 {dimension_numbers = #tpu.dot_dimension_numbers<[1], [0], [0], [1], [0, 0, 1, 1], [], []>, transpose_lhs_hint = false} : vector<512x64xbf16>, vector<64x64xbf16>, vector<512x64xf32> -> vector<512x64xf32>
    %add3A_157 = arith.addf %dot_general3A_156, %add3A_10 : vector<512x64xf32>
    %max3A_158 = arith.constant 0.000000e+00 : f32
    %max3A_159 = vector.broadcast %max3A_158 : f32 to vector<512x64xf32>
    %max3A_160 = arith.maximumf %add3A_157, %max3A_159 : vector<512x64xf32>
    %get3A_161 = arith.constant 0 : index
    %get3A_162 = arith.constant 0 : index
    %get3A_163 = vector.load %arg6[%get3A_161, %get3A_162] : memref<64x64xf32, #tpu.memory_space<vmem>>, vector<64x64xf32>
    %convert_element_type3A_164 = arith.truncf %max3A_160 : vector<512x64xf32> to vector<512x64xbf16>
    %convert_element_type3A_165 = arith.truncf %get3A_163 : vector<64x64xf32> to vector<64x64xbf16>
    %dot_general3A_166 = arith.constant dense<0.000000e+00> : vector<512x64xf32>
    %dot_general3A_167 = tpu.matmul %convert_element_type3A_164, %convert_element_type3A_165, %dot_general3A_166 {dimension_numbers = #tpu.dot_dimension_numbers<[1], [0], [0], [1], [0, 0, 1, 1], [], []>, transpose_lhs_hint = false} : vector<512x64xbf16>, vector<64x64xbf16>, vector<512x64xf32> -> vector<512x64xf32>
    %add3A_168 = vector.broadcast %get3A_13 : vector<1x64xf32> to vector<512x64xf32>
    %add3A_169 = arith.addf %dot_general3A_167, %add3A_168 : vector<512x64xf32>
    %max3A_170 = arith.constant 0.000000e+00 : f32
    %max3A_171 = vector.broadcast %max3A_170 : f32 to vector<512x64xf32>
    %max3A_172 = arith.maximumf %add3A_169, %max3A_171 : vector<512x64xf32>
    %mul3A_173 = vector.broadcast %get3A_16 : vector<1x64xf32> to vector<512x64xf32>
    %mul3A_174 = arith.mulf %max3A_172, %mul3A_173 : vector<512x64xf32>
    %reduce_sum3A_175 = arith.constant dense<0.000000e+00> : vector<512xf32>
    %reduce_sum3A_176 = vector.multi_reduction <add>, %mul3A_174, %reduce_sum3A_175 [1] : vector<512x64xf32> to vector<512xf32>
    %broadcast_in_dim3A_177 = vector.shape_cast %reduce_sum3A_176 : vector<512xf32> to vector<512x1xf32>
    %get3A_178 = arith.constant 6 : index
    %get3A_179 = arith.constant 0 : index
    %get3A_180 = arith.constant 0 : index
    %get3A_181 = vector.load %arg1[%get3A_178, %get3A_179, %get3A_180] : memref<21x512x64xf32, #tpu.memory_space<vmem>>, vector<1x512x64xf32>
    %get3A_182 = vector.shape_cast %get3A_181 : vector<1x512x64xf32> to vector<512x64xf32>
    %get3A_183 = arith.constant 0 : index
    %get3A_184 = arith.constant 0 : index
    %get3A_185 = vector.load %arg3[%get3A_183, %get3A_184] : memref<64x64xf32, #tpu.memory_space<vmem>>, vector<64x64xf32>
    %convert_element_type3A_186 = arith.truncf %get3A_182 : vector<512x64xf32> to vector<512x64xbf16>
    %convert_element_type3A_187 = arith.truncf %get3A_185 : vector<64x64xf32> to vector<64x64xbf16>
    %dot_general3A_188 = arith.constant dense<0.000000e+00> : vector<512x64xf32>
    %dot_general3A_189 = tpu.matmul %convert_element_type3A_186, %convert_element_type3A_187, %dot_general3A_188 {dimension_numbers = #tpu.dot_dimension_numbers<[1], [0], [0], [1], [0, 0, 1, 1], [], []>, transpose_lhs_hint = false} : vector<512x64xbf16>, vector<64x64xbf16>, vector<512x64xf32> -> vector<512x64xf32>
    %add3A_190 = arith.addf %dot_general3A_189, %add3A_10 : vector<512x64xf32>
    %max3A_191 = arith.constant 0.000000e+00 : f32
    %max3A_192 = vector.broadcast %max3A_191 : f32 to vector<512x64xf32>
    %max3A_193 = arith.maximumf %add3A_190, %max3A_192 : vector<512x64xf32>
    %get3A_194 = arith.constant 0 : index
    %get3A_195 = arith.constant 0 : index
    %get3A_196 = vector.load %arg6[%get3A_194, %get3A_195] : memref<64x64xf32, #tpu.memory_space<vmem>>, vector<64x64xf32>
    %convert_element_type3A_197 = arith.truncf %max3A_193 : vector<512x64xf32> to vector<512x64xbf16>
    %convert_element_type3A_198 = arith.truncf %get3A_196 : vector<64x64xf32> to vector<64x64xbf16>
    %dot_general3A_199 = arith.constant dense<0.000000e+00> : vector<512x64xf32>
    %dot_general3A_200 = tpu.matmul %convert_element_type3A_197, %convert_element_type3A_198, %dot_general3A_199 {dimension_numbers = #tpu.dot_dimension_numbers<[1], [0], [0], [1], [0, 0, 1, 1], [], []>, transpose_lhs_hint = false} : vector<512x64xbf16>, vector<64x64xbf16>, vector<512x64xf32> -> vector<512x64xf32>
    %add3A_201 = vector.broadcast %get3A_13 : vector<1x64xf32> to vector<512x64xf32>
    %add3A_202 = arith.addf %dot_general3A_200, %add3A_201 : vector<512x64xf32>
    %max3A_203 = arith.constant 0.000000e+00 : f32
    %max3A_204 = vector.broadcast %max3A_203 : f32 to vector<512x64xf32>
    %max3A_205 = arith.maximumf %add3A_202, %max3A_204 : vector<512x64xf32>
    %mul3A_206 = vector.broadcast %get3A_16 : vector<1x64xf32> to vector<512x64xf32>
    %mul3A_207 = arith.mulf %max3A_205, %mul3A_206 : vector<512x64xf32>
    %reduce_sum3A_208 = arith.constant dense<0.000000e+00> : vector<512xf32>
    %reduce_sum3A_209 = vector.multi_reduction <add>, %mul3A_207, %reduce_sum3A_208 [1] : vector<512x64xf32> to vector<512xf32>
    %broadcast_in_dim3A_210 = vector.shape_cast %reduce_sum3A_209 : vector<512xf32> to vector<512x1xf32>
    %get3A_211 = arith.constant 7 : index
    %get3A_212 = arith.constant 0 : index
    %get3A_213 = arith.constant 0 : index
    %get3A_214 = vector.load %arg1[%get3A_211, %get3A_212, %get3A_213] : memref<21x512x64xf32, #tpu.memory_space<vmem>>, vector<1x512x64xf32>
    %get3A_215 = vector.shape_cast %get3A_214 : vector<1x512x64xf32> to vector<512x64xf32>
    %get3A_216 = arith.constant 0 : index
    %get3A_217 = arith.constant 0 : index
    %get3A_218 = vector.load %arg3[%get3A_216, %get3A_217] : memref<64x64xf32, #tpu.memory_space<vmem>>, vector<64x64xf32>
    %convert_element_type3A_219 = arith.truncf %get3A_215 : vector<512x64xf32> to vector<512x64xbf16>
    %convert_element_type3A_220 = arith.truncf %get3A_218 : vector<64x64xf32> to vector<64x64xbf16>
    %dot_general3A_221 = arith.constant dense<0.000000e+00> : vector<512x64xf32>
    %dot_general3A_222 = tpu.matmul %convert_element_type3A_219, %convert_element_type3A_220, %dot_general3A_221 {dimension_numbers = #tpu.dot_dimension_numbers<[1], [0], [0], [1], [0, 0, 1, 1], [], []>, transpose_lhs_hint = false} : vector<512x64xbf16>, vector<64x64xbf16>, vector<512x64xf32> -> vector<512x64xf32>
    %add3A_223 = arith.addf %dot_general3A_222, %add3A_10 : vector<512x64xf32>
    %max3A_224 = arith.constant 0.000000e+00 : f32
    %max3A_225 = vector.broadcast %max3A_224 : f32 to vector<512x64xf32>
    %max3A_226 = arith.maximumf %add3A_223, %max3A_225 : vector<512x64xf32>
    %get3A_227 = arith.constant 0 : index
    %get3A_228 = arith.constant 0 : index
    %get3A_229 = vector.load %arg6[%get3A_227, %get3A_228] : memref<64x64xf32, #tpu.memory_space<vmem>>, vector<64x64xf32>
    %convert_element_type3A_230 = arith.truncf %max3A_226 : vector<512x64xf32> to vector<512x64xbf16>
    %convert_element_type3A_231 = arith.truncf %get3A_229 : vector<64x64xf32> to vector<64x64xbf16>
    %dot_general3A_232 = arith.constant dense<0.000000e+00> : vector<512x64xf32>
    %dot_general3A_233 = tpu.matmul %convert_element_type3A_230, %convert_element_type3A_231, %dot_general3A_232 {dimension_numbers = #tpu.dot_dimension_numbers<[1], [0], [0], [1], [0, 0, 1, 1], [], []>, transpose_lhs_hint = false} : vector<512x64xbf16>, vector<64x64xbf16>, vector<512x64xf32> -> vector<512x64xf32>
    %add3A_234 = vector.broadcast %get3A_13 : vector<1x64xf32> to vector<512x64xf32>
    %add3A_235 = arith.addf %dot_general3A_233, %add3A_234 : vector<512x64xf32>
    %max3A_236 = arith.constant 0.000000e+00 : f32
    %max3A_237 = vector.broadcast %max3A_236 : f32 to vector<512x64xf32>
    %max3A_238 = arith.maximumf %add3A_235, %max3A_237 : vector<512x64xf32>
    %mul3A_239 = vector.broadcast %get3A_16 : vector<1x64xf32> to vector<512x64xf32>
    %mul3A_240 = arith.mulf %max3A_238, %mul3A_239 : vector<512x64xf32>
    %reduce_sum3A_241 = arith.constant dense<0.000000e+00> : vector<512xf32>
    %reduce_sum3A_242 = vector.multi_reduction <add>, %mul3A_240, %reduce_sum3A_241 [1] : vector<512x64xf32> to vector<512xf32>
    %broadcast_in_dim3A_243 = vector.shape_cast %reduce_sum3A_242 : vector<512xf32> to vector<512x1xf32>
    %get3A_244 = arith.constant 8 : index
    %get3A_245 = arith.constant 0 : index
    %get3A_246 = arith.constant 0 : index
    %get3A_247 = vector.load %arg1[%get3A_244, %get3A_245, %get3A_246] : memref<21x512x64xf32, #tpu.memory_space<vmem>>, vector<1x512x64xf32>
    %get3A_248 = vector.shape_cast %get3A_247 : vector<1x512x64xf32> to vector<512x64xf32>
    %get3A_249 = arith.constant 0 : index
    %get3A_250 = arith.constant 0 : index
    %get3A_251 = vector.load %arg3[%get3A_249, %get3A_250] : memref<64x64xf32, #tpu.memory_space<vmem>>, vector<64x64xf32>
    %convert_element_type3A_252 = arith.truncf %get3A_248 : vector<512x64xf32> to vector<512x64xbf16>
    %convert_element_type3A_253 = arith.truncf %get3A_251 : vector<64x64xf32> to vector<64x64xbf16>
    %dot_general3A_254 = arith.constant dense<0.000000e+00> : vector<512x64xf32>
    %dot_general3A_255 = tpu.matmul %convert_element_type3A_252, %convert_element_type3A_253, %dot_general3A_254 {dimension_numbers = #tpu.dot_dimension_numbers<[1], [0], [0], [1], [0, 0, 1, 1], [], []>, transpose_lhs_hint = false} : vector<512x64xbf16>, vector<64x64xbf16>, vector<512x64xf32> -> vector<512x64xf32>
    %add3A_256 = arith.addf %dot_general3A_255, %add3A_10 : vector<512x64xf32>
    %max3A_257 = arith.constant 0.000000e+00 : f32
    %max3A_258 = vector.broadcast %max3A_257 : f32 to vector<512x64xf32>
    %max3A_259 = arith.maximumf %add3A_256, %max3A_258 : vector<512x64xf32>
    %get3A_260 = arith.constant 0 : index
    %get3A_261 = arith.constant 0 : index
    %get3A_262 = vector.load %arg6[%get3A_260, %get3A_261] : memref<64x64xf32, #tpu.memory_space<vmem>>, vector<64x64xf32>
    %convert_element_type3A_263 = arith.truncf %max3A_259 : vector<512x64xf32> to vector<512x64xbf16>
    %convert_element_type3A_264 = arith.truncf %get3A_262 : vector<64x64xf32> to vector<64x64xbf16>
    %dot_general3A_265 = arith.constant dense<0.000000e+00> : vector<512x64xf32>
    %dot_general3A_266 = tpu.matmul %convert_element_type3A_263, %convert_element_type3A_264, %dot_general3A_265 {dimension_numbers = #tpu.dot_dimension_numbers<[1], [0], [0], [1], [0, 0, 1, 1], [], []>, transpose_lhs_hint = false} : vector<512x64xbf16>, vector<64x64xbf16>, vector<512x64xf32> -> vector<512x64xf32>
    %add3A_267 = vector.broadcast %get3A_13 : vector<1x64xf32> to vector<512x64xf32>
    %add3A_268 = arith.addf %dot_general3A_266, %add3A_267 : vector<512x64xf32>
    %max3A_269 = arith.constant 0.000000e+00 : f32
    %max3A_270 = vector.broadcast %max3A_269 : f32 to vector<512x64xf32>
    %max3A_271 = arith.maximumf %add3A_268, %max3A_270 : vector<512x64xf32>
    %mul3A_272 = vector.broadcast %get3A_16 : vector<1x64xf32> to vector<512x64xf32>
    %mul3A_273 = arith.mulf %max3A_271, %mul3A_272 : vector<512x64xf32>
    %reduce_sum3A_274 = arith.constant dense<0.000000e+00> : vector<512xf32>
    %reduce_sum3A_275 = vector.multi_reduction <add>, %mul3A_273, %reduce_sum3A_274 [1] : vector<512x64xf32> to vector<512xf32>
    %broadcast_in_dim3A_276 = vector.shape_cast %reduce_sum3A_275 : vector<512xf32> to vector<512x1xf32>
    %get3A_277 = arith.constant 9 : index
    %get3A_278 = arith.constant 0 : index
    %get3A_279 = arith.constant 0 : index
    %get3A_280 = vector.load %arg1[%get3A_277, %get3A_278, %get3A_279] : memref<21x512x64xf32, #tpu.memory_space<vmem>>, vector<1x512x64xf32>
    %get3A_281 = vector.shape_cast %get3A_280 : vector<1x512x64xf32> to vector<512x64xf32>
    %get3A_282 = arith.constant 0 : index
    %get3A_283 = arith.constant 0 : index
    %get3A_284 = vector.load %arg3[%get3A_282, %get3A_283] : memref<64x64xf32, #tpu.memory_space<vmem>>, vector<64x64xf32>
    %convert_element_type3A_285 = arith.truncf %get3A_281 : vector<512x64xf32> to vector<512x64xbf16>
    %convert_element_type3A_286 = arith.truncf %get3A_284 : vector<64x64xf32> to vector<64x64xbf16>
    %dot_general3A_287 = arith.constant dense<0.000000e+00> : vector<512x64xf32>
    %dot_general3A_288 = tpu.matmul %convert_element_type3A_285, %convert_element_type3A_286, %dot_general3A_287 {dimension_numbers = #tpu.dot_dimension_numbers<[1], [0], [0], [1], [0, 0, 1, 1], [], []>, transpose_lhs_hint = false} : vector<512x64xbf16>, vector<64x64xbf16>, vector<512x64xf32> -> vector<512x64xf32>
    %add3A_289 = arith.addf %dot_general3A_288, %add3A_10 : vector<512x64xf32>
    %max3A_290 = arith.constant 0.000000e+00 : f32
    %max3A_291 = vector.broadcast %max3A_290 : f32 to vector<512x64xf32>
    %max3A_292 = arith.maximumf %add3A_289, %max3A_291 : vector<512x64xf32>
    %get3A_293 = arith.constant 0 : index
    %get3A_294 = arith.constant 0 : index
    %get3A_295 = vector.load %arg6[%get3A_293, %get3A_294] : memref<64x64xf32, #tpu.memory_space<vmem>>, vector<64x64xf32>
    %convert_element_type3A_296 = arith.truncf %max3A_292 : vector<512x64xf32> to vector<512x64xbf16>
    %convert_element_type3A_297 = arith.truncf %get3A_295 : vector<64x64xf32> to vector<64x64xbf16>
    %dot_general3A_298 = arith.constant dense<0.000000e+00> : vector<512x64xf32>
    %dot_general3A_299 = tpu.matmul %convert_element_type3A_296, %convert_element_type3A_297, %dot_general3A_298 {dimension_numbers = #tpu.dot_dimension_numbers<[1], [0], [0], [1], [0, 0, 1, 1], [], []>, transpose_lhs_hint = false} : vector<512x64xbf16>, vector<64x64xbf16>, vector<512x64xf32> -> vector<512x64xf32>
    %add3A_300 = vector.broadcast %get3A_13 : vector<1x64xf32> to vector<512x64xf32>
    %add3A_301 = arith.addf %dot_general3A_299, %add3A_300 : vector<512x64xf32>
    %max3A_302 = arith.constant 0.000000e+00 : f32
    %max3A_303 = vector.broadcast %max3A_302 : f32 to vector<512x64xf32>
    %max3A_304 = arith.maximumf %add3A_301, %max3A_303 : vector<512x64xf32>
    %mul3A_305 = vector.broadcast %get3A_16 : vector<1x64xf32> to vector<512x64xf32>
    %mul3A_306 = arith.mulf %max3A_304, %mul3A_305 : vector<512x64xf32>
    %reduce_sum3A_307 = arith.constant dense<0.000000e+00> : vector<512xf32>
    %reduce_sum3A_308 = vector.multi_reduction <add>, %mul3A_306, %reduce_sum3A_307 [1] : vector<512x64xf32> to vector<512xf32>
    %broadcast_in_dim3A_309 = vector.shape_cast %reduce_sum3A_308 : vector<512xf32> to vector<512x1xf32>
    %get3A_310 = arith.constant 10 : index
    %get3A_311 = arith.constant 0 : index
    %get3A_312 = arith.constant 0 : index
    %get3A_313 = vector.load %arg1[%get3A_310, %get3A_311, %get3A_312] : memref<21x512x64xf32, #tpu.memory_space<vmem>>, vector<1x512x64xf32>
    %get3A_314 = vector.shape_cast %get3A_313 : vector<1x512x64xf32> to vector<512x64xf32>
    %get3A_315 = arith.constant 0 : index
    %get3A_316 = arith.constant 0 : index
    %get3A_317 = vector.load %arg3[%get3A_315, %get3A_316] : memref<64x64xf32, #tpu.memory_space<vmem>>, vector<64x64xf32>
    %convert_element_type3A_318 = arith.truncf %get3A_314 : vector<512x64xf32> to vector<512x64xbf16>
    %convert_element_type3A_319 = arith.truncf %get3A_317 : vector<64x64xf32> to vector<64x64xbf16>
    %dot_general3A_320 = arith.constant dense<0.000000e+00> : vector<512x64xf32>
    %dot_general3A_321 = tpu.matmul %convert_element_type3A_318, %convert_element_type3A_319, %dot_general3A_320 {dimension_numbers = #tpu.dot_dimension_numbers<[1], [0], [0], [1], [0, 0, 1, 1], [], []>, transpose_lhs_hint = false} : vector<512x64xbf16>, vector<64x64xbf16>, vector<512x64xf32> -> vector<512x64xf32>
    %add3A_322 = arith.addf %dot_general3A_321, %add3A_10 : vector<512x64xf32>
    %max3A_323 = arith.constant 0.000000e+00 : f32
    %max3A_324 = vector.broadcast %max3A_323 : f32 to vector<512x64xf32>
    %max3A_325 = arith.maximumf %add3A_322, %max3A_324 : vector<512x64xf32>
    %get3A_326 = arith.constant 0 : index
    %get3A_327 = arith.constant 0 : index
    %get3A_328 = vector.load %arg6[%get3A_326, %get3A_327] : memref<64x64xf32, #tpu.memory_space<vmem>>, vector<64x64xf32>
    %convert_element_type3A_329 = arith.truncf %max3A_325 : vector<512x64xf32> to vector<512x64xbf16>
    %convert_element_type3A_330 = arith.truncf %get3A_328 : vector<64x64xf32> to vector<64x64xbf16>
    %dot_general3A_331 = arith.constant dense<0.000000e+00> : vector<512x64xf32>
    %dot_general3A_332 = tpu.matmul %convert_element_type3A_329, %convert_element_type3A_330, %dot_general3A_331 {dimension_numbers = #tpu.dot_dimension_numbers<[1], [0], [0], [1], [0, 0, 1, 1], [], []>, transpose_lhs_hint = false} : vector<512x64xbf16>, vector<64x64xbf16>, vector<512x64xf32> -> vector<512x64xf32>
    %add3A_333 = vector.broadcast %get3A_13 : vector<1x64xf32> to vector<512x64xf32>
    %add3A_334 = arith.addf %dot_general3A_332, %add3A_333 : vector<512x64xf32>
    %max3A_335 = arith.constant 0.000000e+00 : f32
    %max3A_336 = vector.broadcast %max3A_335 : f32 to vector<512x64xf32>
    %max3A_337 = arith.maximumf %add3A_334, %max3A_336 : vector<512x64xf32>
    %mul3A_338 = vector.broadcast %get3A_16 : vector<1x64xf32> to vector<512x64xf32>
    %mul3A_339 = arith.mulf %max3A_337, %mul3A_338 : vector<512x64xf32>
    %reduce_sum3A_340 = arith.constant dense<0.000000e+00> : vector<512xf32>
    %reduce_sum3A_341 = vector.multi_reduction <add>, %mul3A_339, %reduce_sum3A_340 [1] : vector<512x64xf32> to vector<512xf32>
    %broadcast_in_dim3A_342 = vector.shape_cast %reduce_sum3A_341 : vector<512xf32> to vector<512x1xf32>
    %get3A_343 = arith.constant 11 : index
    %get3A_344 = arith.constant 0 : index
    %get3A_345 = arith.constant 0 : index
    %get3A_346 = vector.load %arg1[%get3A_343, %get3A_344, %get3A_345] : memref<21x512x64xf32, #tpu.memory_space<vmem>>, vector<1x512x64xf32>
    %get3A_347 = vector.shape_cast %get3A_346 : vector<1x512x64xf32> to vector<512x64xf32>
    %get3A_348 = arith.constant 0 : index
    %get3A_349 = arith.constant 0 : index
    %get3A_350 = vector.load %arg3[%get3A_348, %get3A_349] : memref<64x64xf32, #tpu.memory_space<vmem>>, vector<64x64xf32>
    %convert_element_type3A_351 = arith.truncf %get3A_347 : vector<512x64xf32> to vector<512x64xbf16>
    %convert_element_type3A_352 = arith.truncf %get3A_350 : vector<64x64xf32> to vector<64x64xbf16>
    %dot_general3A_353 = arith.constant dense<0.000000e+00> : vector<512x64xf32>
    %dot_general3A_354 = tpu.matmul %convert_element_type3A_351, %convert_element_type3A_352, %dot_general3A_353 {dimension_numbers = #tpu.dot_dimension_numbers<[1], [0], [0], [1], [0, 0, 1, 1], [], []>, transpose_lhs_hint = false} : vector<512x64xbf16>, vector<64x64xbf16>, vector<512x64xf32> -> vector<512x64xf32>
    %add3A_355 = arith.addf %dot_general3A_354, %add3A_10 : vector<512x64xf32>
    %max3A_356 = arith.constant 0.000000e+00 : f32
    %max3A_357 = vector.broadcast %max3A_356 : f32 to vector<512x64xf32>
    %max3A_358 = arith.maximumf %add3A_355, %max3A_357 : vector<512x64xf32>
    %get3A_359 = arith.constant 0 : index
    %get3A_360 = arith.constant 0 : index
    %get3A_361 = vector.load %arg6[%get3A_359, %get3A_360] : memref<64x64xf32, #tpu.memory_space<vmem>>, vector<64x64xf32>
    %convert_element_type3A_362 = arith.truncf %max3A_358 : vector<512x64xf32> to vector<512x64xbf16>
    %convert_element_type3A_363 = arith.truncf %get3A_361 : vector<64x64xf32> to vector<64x64xbf16>
    %dot_general3A_364 = arith.constant dense<0.000000e+00> : vector<512x64xf32>
    %dot_general3A_365 = tpu.matmul %convert_element_type3A_362, %convert_element_type3A_363, %dot_general3A_364 {dimension_numbers = #tpu.dot_dimension_numbers<[1], [0], [0], [1], [0, 0, 1, 1], [], []>, transpose_lhs_hint = false} : vector<512x64xbf16>, vector<64x64xbf16>, vector<512x64xf32> -> vector<512x64xf32>
    %add3A_366 = vector.broadcast %get3A_13 : vector<1x64xf32> to vector<512x64xf32>
    %add3A_367 = arith.addf %dot_general3A_365, %add3A_366 : vector<512x64xf32>
    %max3A_368 = arith.constant 0.000000e+00 : f32
    %max3A_369 = vector.broadcast %max3A_368 : f32 to vector<512x64xf32>
    %max3A_370 = arith.maximumf %add3A_367, %max3A_369 : vector<512x64xf32>
    %mul3A_371 = vector.broadcast %get3A_16 : vector<1x64xf32> to vector<512x64xf32>
    %mul3A_372 = arith.mulf %max3A_370, %mul3A_371 : vector<512x64xf32>
    %reduce_sum3A_373 = arith.constant dense<0.000000e+00> : vector<512xf32>
    %reduce_sum3A_374 = vector.multi_reduction <add>, %mul3A_372, %reduce_sum3A_373 [1] : vector<512x64xf32> to vector<512xf32>
    %broadcast_in_dim3A_375 = vector.shape_cast %reduce_sum3A_374 : vector<512xf32> to vector<512x1xf32>
    %get3A_376 = arith.constant 12 : index
    %get3A_377 = arith.constant 0 : index
    %get3A_378 = arith.constant 0 : index
    %get3A_379 = vector.load %arg1[%get3A_376, %get3A_377, %get3A_378] : memref<21x512x64xf32, #tpu.memory_space<vmem>>, vector<1x512x64xf32>
    %get3A_380 = vector.shape_cast %get3A_379 : vector<1x512x64xf32> to vector<512x64xf32>
    %get3A_381 = arith.constant 0 : index
    %get3A_382 = arith.constant 0 : index
    %get3A_383 = vector.load %arg3[%get3A_381, %get3A_382] : memref<64x64xf32, #tpu.memory_space<vmem>>, vector<64x64xf32>
    %convert_element_type3A_384 = arith.truncf %get3A_380 : vector<512x64xf32> to vector<512x64xbf16>
    %convert_element_type3A_385 = arith.truncf %get3A_383 : vector<64x64xf32> to vector<64x64xbf16>
    %dot_general3A_386 = arith.constant dense<0.000000e+00> : vector<512x64xf32>
    %dot_general3A_387 = tpu.matmul %convert_element_type3A_384, %convert_element_type3A_385, %dot_general3A_386 {dimension_numbers = #tpu.dot_dimension_numbers<[1], [0], [0], [1], [0, 0, 1, 1], [], []>, transpose_lhs_hint = false} : vector<512x64xbf16>, vector<64x64xbf16>, vector<512x64xf32> -> vector<512x64xf32>
    %add3A_388 = arith.addf %dot_general3A_387, %add3A_10 : vector<512x64xf32>
    %max3A_389 = arith.constant 0.000000e+00 : f32
    %max3A_390 = vector.broadcast %max3A_389 : f32 to vector<512x64xf32>
    %max3A_391 = arith.maximumf %add3A_388, %max3A_390 : vector<512x64xf32>
    %get3A_392 = arith.constant 0 : index
    %get3A_393 = arith.constant 0 : index
    %get3A_394 = vector.load %arg6[%get3A_392, %get3A_393] : memref<64x64xf32, #tpu.memory_space<vmem>>, vector<64x64xf32>
    %convert_element_type3A_395 = arith.truncf %max3A_391 : vector<512x64xf32> to vector<512x64xbf16>
    %convert_element_type3A_396 = arith.truncf %get3A_394 : vector<64x64xf32> to vector<64x64xbf16>
    %dot_general3A_397 = arith.constant dense<0.000000e+00> : vector<512x64xf32>
    %dot_general3A_398 = tpu.matmul %convert_element_type3A_395, %convert_element_type3A_396, %dot_general3A_397 {dimension_numbers = #tpu.dot_dimension_numbers<[1], [0], [0], [1], [0, 0, 1, 1], [], []>, transpose_lhs_hint = false} : vector<512x64xbf16>, vector<64x64xbf16>, vector<512x64xf32> -> vector<512x64xf32>
    %add3A_399 = vector.broadcast %get3A_13 : vector<1x64xf32> to vector<512x64xf32>
    %add3A_400 = arith.addf %dot_general3A_398, %add3A_399 : vector<512x64xf32>
    %max3A_401 = arith.constant 0.000000e+00 : f32
    %max3A_402 = vector.broadcast %max3A_401 : f32 to vector<512x64xf32>
    %max3A_403 = arith.maximumf %add3A_400, %max3A_402 : vector<512x64xf32>
    %mul3A_404 = vector.broadcast %get3A_16 : vector<1x64xf32> to vector<512x64xf32>
    %mul3A_405 = arith.mulf %max3A_403, %mul3A_404 : vector<512x64xf32>
    %reduce_sum3A_406 = arith.constant dense<0.000000e+00> : vector<512xf32>
    %reduce_sum3A_407 = vector.multi_reduction <add>, %mul3A_405, %reduce_sum3A_406 [1] : vector<512x64xf32> to vector<512xf32>
    %broadcast_in_dim3A_408 = vector.shape_cast %reduce_sum3A_407 : vector<512xf32> to vector<512x1xf32>
    %get3A_409 = arith.constant 13 : index
    %get3A_410 = arith.constant 0 : index
    %get3A_411 = arith.constant 0 : index
    %get3A_412 = vector.load %arg1[%get3A_409, %get3A_410, %get3A_411] : memref<21x512x64xf32, #tpu.memory_space<vmem>>, vector<1x512x64xf32>
    %get3A_413 = vector.shape_cast %get3A_412 : vector<1x512x64xf32> to vector<512x64xf32>
    %get3A_414 = arith.constant 0 : index
    %get3A_415 = arith.constant 0 : index
    %get3A_416 = vector.load %arg3[%get3A_414, %get3A_415] : memref<64x64xf32, #tpu.memory_space<vmem>>, vector<64x64xf32>
    %convert_element_type3A_417 = arith.truncf %get3A_413 : vector<512x64xf32> to vector<512x64xbf16>
    %convert_element_type3A_418 = arith.truncf %get3A_416 : vector<64x64xf32> to vector<64x64xbf16>
    %dot_general3A_419 = arith.constant dense<0.000000e+00> : vector<512x64xf32>
    %dot_general3A_420 = tpu.matmul %convert_element_type3A_417, %convert_element_type3A_418, %dot_general3A_419 {dimension_numbers = #tpu.dot_dimension_numbers<[1], [0], [0], [1], [0, 0, 1, 1], [], []>, transpose_lhs_hint = false} : vector<512x64xbf16>, vector<64x64xbf16>, vector<512x64xf32> -> vector<512x64xf32>
    %add3A_421 = arith.addf %dot_general3A_420, %add3A_10 : vector<512x64xf32>
    %max3A_422 = arith.constant 0.000000e+00 : f32
    %max3A_423 = vector.broadcast %max3A_422 : f32 to vector<512x64xf32>
    %max3A_424 = arith.maximumf %add3A_421, %max3A_423 : vector<512x64xf32>
    %get3A_425 = arith.constant 0 : index
    %get3A_426 = arith.constant 0 : index
    %get3A_427 = vector.load %arg6[%get3A_425, %get3A_426] : memref<64x64xf32, #tpu.memory_space<vmem>>, vector<64x64xf32>
    %convert_element_type3A_428 = arith.truncf %max3A_424 : vector<512x64xf32> to vector<512x64xbf16>
    %convert_element_type3A_429 = arith.truncf %get3A_427 : vector<64x64xf32> to vector<64x64xbf16>
    %dot_general3A_430 = arith.constant dense<0.000000e+00> : vector<512x64xf32>
    %dot_general3A_431 = tpu.matmul %convert_element_type3A_428, %convert_element_type3A_429, %dot_general3A_430 {dimension_numbers = #tpu.dot_dimension_numbers<[1], [0], [0], [1], [0, 0, 1, 1], [], []>, transpose_lhs_hint = false} : vector<512x64xbf16>, vector<64x64xbf16>, vector<512x64xf32> -> vector<512x64xf32>
    %add3A_432 = vector.broadcast %get3A_13 : vector<1x64xf32> to vector<512x64xf32>
    %add3A_433 = arith.addf %dot_general3A_431, %add3A_432 : vector<512x64xf32>
    %max3A_434 = arith.constant 0.000000e+00 : f32
    %max3A_435 = vector.broadcast %max3A_434 : f32 to vector<512x64xf32>
    %max3A_436 = arith.maximumf %add3A_433, %max3A_435 : vector<512x64xf32>
    %mul3A_437 = vector.broadcast %get3A_16 : vector<1x64xf32> to vector<512x64xf32>
    %mul3A_438 = arith.mulf %max3A_436, %mul3A_437 : vector<512x64xf32>
    %reduce_sum3A_439 = arith.constant dense<0.000000e+00> : vector<512xf32>
    %reduce_sum3A_440 = vector.multi_reduction <add>, %mul3A_438, %reduce_sum3A_439 [1] : vector<512x64xf32> to vector<512xf32>
    %broadcast_in_dim3A_441 = vector.shape_cast %reduce_sum3A_440 : vector<512xf32> to vector<512x1xf32>
    %get3A_442 = arith.constant 14 : index
    %get3A_443 = arith.constant 0 : index
    %get3A_444 = arith.constant 0 : index
    %get3A_445 = vector.load %arg1[%get3A_442, %get3A_443, %get3A_444] : memref<21x512x64xf32, #tpu.memory_space<vmem>>, vector<1x512x64xf32>
    %get3A_446 = vector.shape_cast %get3A_445 : vector<1x512x64xf32> to vector<512x64xf32>
    %get3A_447 = arith.constant 0 : index
    %get3A_448 = arith.constant 0 : index
    %get3A_449 = vector.load %arg3[%get3A_447, %get3A_448] : memref<64x64xf32, #tpu.memory_space<vmem>>, vector<64x64xf32>
    %convert_element_type3A_450 = arith.truncf %get3A_446 : vector<512x64xf32> to vector<512x64xbf16>
    %convert_element_type3A_451 = arith.truncf %get3A_449 : vector<64x64xf32> to vector<64x64xbf16>
    %dot_general3A_452 = arith.constant dense<0.000000e+00> : vector<512x64xf32>
    %dot_general3A_453 = tpu.matmul %convert_element_type3A_450, %convert_element_type3A_451, %dot_general3A_452 {dimension_numbers = #tpu.dot_dimension_numbers<[1], [0], [0], [1], [0, 0, 1, 1], [], []>, transpose_lhs_hint = false} : vector<512x64xbf16>, vector<64x64xbf16>, vector<512x64xf32> -> vector<512x64xf32>
    %add3A_454 = arith.addf %dot_general3A_453, %add3A_10 : vector<512x64xf32>
    %max3A_455 = arith.constant 0.000000e+00 : f32
    %max3A_456 = vector.broadcast %max3A_455 : f32 to vector<512x64xf32>
    %max3A_457 = arith.maximumf %add3A_454, %max3A_456 : vector<512x64xf32>
    %get3A_458 = arith.constant 0 : index
    %get3A_459 = arith.constant 0 : index
    %get3A_460 = vector.load %arg6[%get3A_458, %get3A_459] : memref<64x64xf32, #tpu.memory_space<vmem>>, vector<64x64xf32>
    %convert_element_type3A_461 = arith.truncf %max3A_457 : vector<512x64xf32> to vector<512x64xbf16>
    %convert_element_type3A_462 = arith.truncf %get3A_460 : vector<64x64xf32> to vector<64x64xbf16>
    %dot_general3A_463 = arith.constant dense<0.000000e+00> : vector<512x64xf32>
    %dot_general3A_464 = tpu.matmul %convert_element_type3A_461, %convert_element_type3A_462, %dot_general3A_463 {dimension_numbers = #tpu.dot_dimension_numbers<[1], [0], [0], [1], [0, 0, 1, 1], [], []>, transpose_lhs_hint = false} : vector<512x64xbf16>, vector<64x64xbf16>, vector<512x64xf32> -> vector<512x64xf32>
    %add3A_465 = vector.broadcast %get3A_13 : vector<1x64xf32> to vector<512x64xf32>
    %add3A_466 = arith.addf %dot_general3A_464, %add3A_465 : vector<512x64xf32>
    %max3A_467 = arith.constant 0.000000e+00 : f32
    %max3A_468 = vector.broadcast %max3A_467 : f32 to vector<512x64xf32>
    %max3A_469 = arith.maximumf %add3A_466, %max3A_468 : vector<512x64xf32>
    %mul3A_470 = vector.broadcast %get3A_16 : vector<1x64xf32> to vector<512x64xf32>
    %mul3A_471 = arith.mulf %max3A_469, %mul3A_470 : vector<512x64xf32>
    %reduce_sum3A_472 = arith.constant dense<0.000000e+00> : vector<512xf32>
    %reduce_sum3A_473 = vector.multi_reduction <add>, %mul3A_471, %reduce_sum3A_472 [1] : vector<512x64xf32> to vector<512xf32>
    %broadcast_in_dim3A_474 = vector.shape_cast %reduce_sum3A_473 : vector<512xf32> to vector<512x1xf32>
    %get3A_475 = arith.constant 15 : index
    %get3A_476 = arith.constant 0 : index
    %get3A_477 = arith.constant 0 : index
    %get3A_478 = vector.load %arg1[%get3A_475, %get3A_476, %get3A_477] : memref<21x512x64xf32, #tpu.memory_space<vmem>>, vector<1x512x64xf32>
    %get3A_479 = vector.shape_cast %get3A_478 : vector<1x512x64xf32> to vector<512x64xf32>
    %get3A_480 = arith.constant 0 : index
    %get3A_481 = arith.constant 0 : index
    %get3A_482 = vector.load %arg3[%get3A_480, %get3A_481] : memref<64x64xf32, #tpu.memory_space<vmem>>, vector<64x64xf32>
    %convert_element_type3A_483 = arith.truncf %get3A_479 : vector<512x64xf32> to vector<512x64xbf16>
    %convert_element_type3A_484 = arith.truncf %get3A_482 : vector<64x64xf32> to vector<64x64xbf16>
    %dot_general3A_485 = arith.constant dense<0.000000e+00> : vector<512x64xf32>
    %dot_general3A_486 = tpu.matmul %convert_element_type3A_483, %convert_element_type3A_484, %dot_general3A_485 {dimension_numbers = #tpu.dot_dimension_numbers<[1], [0], [0], [1], [0, 0, 1, 1], [], []>, transpose_lhs_hint = false} : vector<512x64xbf16>, vector<64x64xbf16>, vector<512x64xf32> -> vector<512x64xf32>
    %add3A_487 = arith.addf %dot_general3A_486, %add3A_10 : vector<512x64xf32>
    %max3A_488 = arith.constant 0.000000e+00 : f32
    %max3A_489 = vector.broadcast %max3A_488 : f32 to vector<512x64xf32>
    %max3A_490 = arith.maximumf %add3A_487, %max3A_489 : vector<512x64xf32>
    %get3A_491 = arith.constant 0 : index
    %get3A_492 = arith.constant 0 : index
    %get3A_493 = vector.load %arg6[%get3A_491, %get3A_492] : memref<64x64xf32, #tpu.memory_space<vmem>>, vector<64x64xf32>
    %convert_element_type3A_494 = arith.truncf %max3A_490 : vector<512x64xf32> to vector<512x64xbf16>
    %convert_element_type3A_495 = arith.truncf %get3A_493 : vector<64x64xf32> to vector<64x64xbf16>
    %dot_general3A_496 = arith.constant dense<0.000000e+00> : vector<512x64xf32>
    %dot_general3A_497 = tpu.matmul %convert_element_type3A_494, %convert_element_type3A_495, %dot_general3A_496 {dimension_numbers = #tpu.dot_dimension_numbers<[1], [0], [0], [1], [0, 0, 1, 1], [], []>, transpose_lhs_hint = false} : vector<512x64xbf16>, vector<64x64xbf16>, vector<512x64xf32> -> vector<512x64xf32>
    %add3A_498 = vector.broadcast %get3A_13 : vector<1x64xf32> to vector<512x64xf32>
    %add3A_499 = arith.addf %dot_general3A_497, %add3A_498 : vector<512x64xf32>
    %max3A_500 = arith.constant 0.000000e+00 : f32
    %max3A_501 = vector.broadcast %max3A_500 : f32 to vector<512x64xf32>
    %max3A_502 = arith.maximumf %add3A_499, %max3A_501 : vector<512x64xf32>
    %mul3A_503 = vector.broadcast %get3A_16 : vector<1x64xf32> to vector<512x64xf32>
    %mul3A_504 = arith.mulf %max3A_502, %mul3A_503 : vector<512x64xf32>
    %reduce_sum3A_505 = arith.constant dense<0.000000e+00> : vector<512xf32>
    %reduce_sum3A_506 = vector.multi_reduction <add>, %mul3A_504, %reduce_sum3A_505 [1] : vector<512x64xf32> to vector<512xf32>
    %broadcast_in_dim3A_507 = vector.shape_cast %reduce_sum3A_506 : vector<512xf32> to vector<512x1xf32>
    %get3A_508 = arith.constant 16 : index
    %get3A_509 = arith.constant 0 : index
    %get3A_510 = arith.constant 0 : index
    %get3A_511 = vector.load %arg1[%get3A_508, %get3A_509, %get3A_510] : memref<21x512x64xf32, #tpu.memory_space<vmem>>, vector<1x512x64xf32>
    %get3A_512 = vector.shape_cast %get3A_511 : vector<1x512x64xf32> to vector<512x64xf32>
    %get3A_513 = arith.constant 0 : index
    %get3A_514 = arith.constant 0 : index
    %get3A_515 = vector.load %arg3[%get3A_513, %get3A_514] : memref<64x64xf32, #tpu.memory_space<vmem>>, vector<64x64xf32>
    %convert_element_type3A_516 = arith.truncf %get3A_512 : vector<512x64xf32> to vector<512x64xbf16>
    %convert_element_type3A_517 = arith.truncf %get3A_515 : vector<64x64xf32> to vector<64x64xbf16>
    %dot_general3A_518 = arith.constant dense<0.000000e+00> : vector<512x64xf32>
    %dot_general3A_519 = tpu.matmul %convert_element_type3A_516, %convert_element_type3A_517, %dot_general3A_518 {dimension_numbers = #tpu.dot_dimension_numbers<[1], [0], [0], [1], [0, 0, 1, 1], [], []>, transpose_lhs_hint = false} : vector<512x64xbf16>, vector<64x64xbf16>, vector<512x64xf32> -> vector<512x64xf32>
    %add3A_520 = arith.addf %dot_general3A_519, %add3A_10 : vector<512x64xf32>
    %max3A_521 = arith.constant 0.000000e+00 : f32
    %max3A_522 = vector.broadcast %max3A_521 : f32 to vector<512x64xf32>
    %max3A_523 = arith.maximumf %add3A_520, %max3A_522 : vector<512x64xf32>
    %get3A_524 = arith.constant 0 : index
    %get3A_525 = arith.constant 0 : index
    %get3A_526 = vector.load %arg6[%get3A_524, %get3A_525] : memref<64x64xf32, #tpu.memory_space<vmem>>, vector<64x64xf32>
    %convert_element_type3A_527 = arith.truncf %max3A_523 : vector<512x64xf32> to vector<512x64xbf16>
    %convert_element_type3A_528 = arith.truncf %get3A_526 : vector<64x64xf32> to vector<64x64xbf16>
    %dot_general3A_529 = arith.constant dense<0.000000e+00> : vector<512x64xf32>
    %dot_general3A_530 = tpu.matmul %convert_element_type3A_527, %convert_element_type3A_528, %dot_general3A_529 {dimension_numbers = #tpu.dot_dimension_numbers<[1], [0], [0], [1], [0, 0, 1, 1], [], []>, transpose_lhs_hint = false} : vector<512x64xbf16>, vector<64x64xbf16>, vector<512x64xf32> -> vector<512x64xf32>
    %add3A_531 = vector.broadcast %get3A_13 : vector<1x64xf32> to vector<512x64xf32>
    %add3A_532 = arith.addf %dot_general3A_530, %add3A_531 : vector<512x64xf32>
    %max3A_533 = arith.constant 0.000000e+00 : f32
    %max3A_534 = vector.broadcast %max3A_533 : f32 to vector<512x64xf32>
    %max3A_535 = arith.maximumf %add3A_532, %max3A_534 : vector<512x64xf32>
    %mul3A_536 = vector.broadcast %get3A_16 : vector<1x64xf32> to vector<512x64xf32>
    %mul3A_537 = arith.mulf %max3A_535, %mul3A_536 : vector<512x64xf32>
    %reduce_sum3A_538 = arith.constant dense<0.000000e+00> : vector<512xf32>
    %reduce_sum3A_539 = vector.multi_reduction <add>, %mul3A_537, %reduce_sum3A_538 [1] : vector<512x64xf32> to vector<512xf32>
    %broadcast_in_dim3A_540 = vector.shape_cast %reduce_sum3A_539 : vector<512xf32> to vector<512x1xf32>
    %get3A_541 = arith.constant 17 : index
    %get3A_542 = arith.constant 0 : index
    %get3A_543 = arith.constant 0 : index
    %get3A_544 = vector.load %arg1[%get3A_541, %get3A_542, %get3A_543] : memref<21x512x64xf32, #tpu.memory_space<vmem>>, vector<1x512x64xf32>
    %get3A_545 = vector.shape_cast %get3A_544 : vector<1x512x64xf32> to vector<512x64xf32>
    %get3A_546 = arith.constant 0 : index
    %get3A_547 = arith.constant 0 : index
    %get3A_548 = vector.load %arg3[%get3A_546, %get3A_547] : memref<64x64xf32, #tpu.memory_space<vmem>>, vector<64x64xf32>
    %convert_element_type3A_549 = arith.truncf %get3A_545 : vector<512x64xf32> to vector<512x64xbf16>
    %convert_element_type3A_550 = arith.truncf %get3A_548 : vector<64x64xf32> to vector<64x64xbf16>
    %dot_general3A_551 = arith.constant dense<0.000000e+00> : vector<512x64xf32>
    %dot_general3A_552 = tpu.matmul %convert_element_type3A_549, %convert_element_type3A_550, %dot_general3A_551 {dimension_numbers = #tpu.dot_dimension_numbers<[1], [0], [0], [1], [0, 0, 1, 1], [], []>, transpose_lhs_hint = false} : vector<512x64xbf16>, vector<64x64xbf16>, vector<512x64xf32> -> vector<512x64xf32>
    %add3A_553 = arith.addf %dot_general3A_552, %add3A_10 : vector<512x64xf32>
    %max3A_554 = arith.constant 0.000000e+00 : f32
    %max3A_555 = vector.broadcast %max3A_554 : f32 to vector<512x64xf32>
    %max3A_556 = arith.maximumf %add3A_553, %max3A_555 : vector<512x64xf32>
    %get3A_557 = arith.constant 0 : index
    %get3A_558 = arith.constant 0 : index
    %get3A_559 = vector.load %arg6[%get3A_557, %get3A_558] : memref<64x64xf32, #tpu.memory_space<vmem>>, vector<64x64xf32>
    %convert_element_type3A_560 = arith.truncf %max3A_556 : vector<512x64xf32> to vector<512x64xbf16>
    %convert_element_type3A_561 = arith.truncf %get3A_559 : vector<64x64xf32> to vector<64x64xbf16>
    %dot_general3A_562 = arith.constant dense<0.000000e+00> : vector<512x64xf32>
    %dot_general3A_563 = tpu.matmul %convert_element_type3A_560, %convert_element_type3A_561, %dot_general3A_562 {dimension_numbers = #tpu.dot_dimension_numbers<[1], [0], [0], [1], [0, 0, 1, 1], [], []>, transpose_lhs_hint = false} : vector<512x64xbf16>, vector<64x64xbf16>, vector<512x64xf32> -> vector<512x64xf32>
    %add3A_564 = vector.broadcast %get3A_13 : vector<1x64xf32> to vector<512x64xf32>
    %add3A_565 = arith.addf %dot_general3A_563, %add3A_564 : vector<512x64xf32>
    %max3A_566 = arith.constant 0.000000e+00 : f32
    %max3A_567 = vector.broadcast %max3A_566 : f32 to vector<512x64xf32>
    %max3A_568 = arith.maximumf %add3A_565, %max3A_567 : vector<512x64xf32>
    %mul3A_569 = vector.broadcast %get3A_16 : vector<1x64xf32> to vector<512x64xf32>
    %mul3A_570 = arith.mulf %max3A_568, %mul3A_569 : vector<512x64xf32>
    %reduce_sum3A_571 = arith.constant dense<0.000000e+00> : vector<512xf32>
    %reduce_sum3A_572 = vector.multi_reduction <add>, %mul3A_570, %reduce_sum3A_571 [1] : vector<512x64xf32> to vector<512xf32>
    %broadcast_in_dim3A_573 = vector.shape_cast %reduce_sum3A_572 : vector<512xf32> to vector<512x1xf32>
    %get3A_574 = arith.constant 18 : index
    %get3A_575 = arith.constant 0 : index
    %get3A_576 = arith.constant 0 : index
    %get3A_577 = vector.load %arg1[%get3A_574, %get3A_575, %get3A_576] : memref<21x512x64xf32, #tpu.memory_space<vmem>>, vector<1x512x64xf32>
    %get3A_578 = vector.shape_cast %get3A_577 : vector<1x512x64xf32> to vector<512x64xf32>
    %get3A_579 = arith.constant 0 : index
    %get3A_580 = arith.constant 0 : index
    %get3A_581 = vector.load %arg3[%get3A_579, %get3A_580] : memref<64x64xf32, #tpu.memory_space<vmem>>, vector<64x64xf32>
    %convert_element_type3A_582 = arith.truncf %get3A_578 : vector<512x64xf32> to vector<512x64xbf16>
    %convert_element_type3A_583 = arith.truncf %get3A_581 : vector<64x64xf32> to vector<64x64xbf16>
    %dot_general3A_584 = arith.constant dense<0.000000e+00> : vector<512x64xf32>
    %dot_general3A_585 = tpu.matmul %convert_element_type3A_582, %convert_element_type3A_583, %dot_general3A_584 {dimension_numbers = #tpu.dot_dimension_numbers<[1], [0], [0], [1], [0, 0, 1, 1], [], []>, transpose_lhs_hint = false} : vector<512x64xbf16>, vector<64x64xbf16>, vector<512x64xf32> -> vector<512x64xf32>
    %add3A_586 = arith.addf %dot_general3A_585, %add3A_10 : vector<512x64xf32>
    %max3A_587 = arith.constant 0.000000e+00 : f32
    %max3A_588 = vector.broadcast %max3A_587 : f32 to vector<512x64xf32>
    %max3A_589 = arith.maximumf %add3A_586, %max3A_588 : vector<512x64xf32>
    %get3A_590 = arith.constant 0 : index
    %get3A_591 = arith.constant 0 : index
    %get3A_592 = vector.load %arg6[%get3A_590, %get3A_591] : memref<64x64xf32, #tpu.memory_space<vmem>>, vector<64x64xf32>
    %convert_element_type3A_593 = arith.truncf %max3A_589 : vector<512x64xf32> to vector<512x64xbf16>
    %convert_element_type3A_594 = arith.truncf %get3A_592 : vector<64x64xf32> to vector<64x64xbf16>
    %dot_general3A_595 = arith.constant dense<0.000000e+00> : vector<512x64xf32>
    %dot_general3A_596 = tpu.matmul %convert_element_type3A_593, %convert_element_type3A_594, %dot_general3A_595 {dimension_numbers = #tpu.dot_dimension_numbers<[1], [0], [0], [1], [0, 0, 1, 1], [], []>, transpose_lhs_hint = false} : vector<512x64xbf16>, vector<64x64xbf16>, vector<512x64xf32> -> vector<512x64xf32>
    %add3A_597 = vector.broadcast %get3A_13 : vector<1x64xf32> to vector<512x64xf32>
    %add3A_598 = arith.addf %dot_general3A_596, %add3A_597 : vector<512x64xf32>
    %max3A_599 = arith.constant 0.000000e+00 : f32
    %max3A_600 = vector.broadcast %max3A_599 : f32 to vector<512x64xf32>
    %max3A_601 = arith.maximumf %add3A_598, %max3A_600 : vector<512x64xf32>
    %mul3A_602 = vector.broadcast %get3A_16 : vector<1x64xf32> to vector<512x64xf32>
    %mul3A_603 = arith.mulf %max3A_601, %mul3A_602 : vector<512x64xf32>
    %reduce_sum3A_604 = arith.constant dense<0.000000e+00> : vector<512xf32>
    %reduce_sum3A_605 = vector.multi_reduction <add>, %mul3A_603, %reduce_sum3A_604 [1] : vector<512x64xf32> to vector<512xf32>
    %broadcast_in_dim3A_606 = vector.shape_cast %reduce_sum3A_605 : vector<512xf32> to vector<512x1xf32>
    %get3A_607 = arith.constant 19 : index
    %get3A_608 = arith.constant 0 : index
    %get3A_609 = arith.constant 0 : index
    %get3A_610 = vector.load %arg1[%get3A_607, %get3A_608, %get3A_609] : memref<21x512x64xf32, #tpu.memory_space<vmem>>, vector<1x512x64xf32>
    %get3A_611 = vector.shape_cast %get3A_610 : vector<1x512x64xf32> to vector<512x64xf32>
    %get3A_612 = arith.constant 0 : index
    %get3A_613 = arith.constant 0 : index
    %get3A_614 = vector.load %arg3[%get3A_612, %get3A_613] : memref<64x64xf32, #tpu.memory_space<vmem>>, vector<64x64xf32>
    %convert_element_type3A_615 = arith.truncf %get3A_611 : vector<512x64xf32> to vector<512x64xbf16>
    %convert_element_type3A_616 = arith.truncf %get3A_614 : vector<64x64xf32> to vector<64x64xbf16>
    %dot_general3A_617 = arith.constant dense<0.000000e+00> : vector<512x64xf32>
    %dot_general3A_618 = tpu.matmul %convert_element_type3A_615, %convert_element_type3A_616, %dot_general3A_617 {dimension_numbers = #tpu.dot_dimension_numbers<[1], [0], [0], [1], [0, 0, 1, 1], [], []>, transpose_lhs_hint = false} : vector<512x64xbf16>, vector<64x64xbf16>, vector<512x64xf32> -> vector<512x64xf32>
    %add3A_619 = arith.addf %dot_general3A_618, %add3A_10 : vector<512x64xf32>
    %max3A_620 = arith.constant 0.000000e+00 : f32
    %max3A_621 = vector.broadcast %max3A_620 : f32 to vector<512x64xf32>
    %max3A_622 = arith.maximumf %add3A_619, %max3A_621 : vector<512x64xf32>
    %get3A_623 = arith.constant 0 : index
    %get3A_624 = arith.constant 0 : index
    %get3A_625 = vector.load %arg6[%get3A_623, %get3A_624] : memref<64x64xf32, #tpu.memory_space<vmem>>, vector<64x64xf32>
    %convert_element_type3A_626 = arith.truncf %max3A_622 : vector<512x64xf32> to vector<512x64xbf16>
    %convert_element_type3A_627 = arith.truncf %get3A_625 : vector<64x64xf32> to vector<64x64xbf16>
    %dot_general3A_628 = arith.constant dense<0.000000e+00> : vector<512x64xf32>
    %dot_general3A_629 = tpu.matmul %convert_element_type3A_626, %convert_element_type3A_627, %dot_general3A_628 {dimension_numbers = #tpu.dot_dimension_numbers<[1], [0], [0], [1], [0, 0, 1, 1], [], []>, transpose_lhs_hint = false} : vector<512x64xbf16>, vector<64x64xbf16>, vector<512x64xf32> -> vector<512x64xf32>
    %add3A_630 = vector.broadcast %get3A_13 : vector<1x64xf32> to vector<512x64xf32>
    %add3A_631 = arith.addf %dot_general3A_629, %add3A_630 : vector<512x64xf32>
    %max3A_632 = arith.constant 0.000000e+00 : f32
    %max3A_633 = vector.broadcast %max3A_632 : f32 to vector<512x64xf32>
    %max3A_634 = arith.maximumf %add3A_631, %max3A_633 : vector<512x64xf32>
    %mul3A_635 = vector.broadcast %get3A_16 : vector<1x64xf32> to vector<512x64xf32>
    %mul3A_636 = arith.mulf %max3A_634, %mul3A_635 : vector<512x64xf32>
    %reduce_sum3A_637 = arith.constant dense<0.000000e+00> : vector<512xf32>
    %reduce_sum3A_638 = vector.multi_reduction <add>, %mul3A_636, %reduce_sum3A_637 [1] : vector<512x64xf32> to vector<512xf32>
    %broadcast_in_dim3A_639 = vector.shape_cast %reduce_sum3A_638 : vector<512xf32> to vector<512x1xf32>
    %get3A_640 = arith.constant 20 : index
    %get3A_641 = arith.constant 0 : index
    %get3A_642 = arith.constant 0 : index
    %get3A_643 = vector.load %arg1[%get3A_640, %get3A_641, %get3A_642] : memref<21x512x64xf32, #tpu.memory_space<vmem>>, vector<1x512x64xf32>
    %get3A_644 = vector.shape_cast %get3A_643 : vector<1x512x64xf32> to vector<512x64xf32>
    %get3A_645 = arith.constant 0 : index
    %get3A_646 = arith.constant 0 : index
    %get3A_647 = vector.load %arg3[%get3A_645, %get3A_646] : memref<64x64xf32, #tpu.memory_space<vmem>>, vector<64x64xf32>
    %convert_element_type3A_648 = arith.truncf %get3A_644 : vector<512x64xf32> to vector<512x64xbf16>
    %convert_element_type3A_649 = arith.truncf %get3A_647 : vector<64x64xf32> to vector<64x64xbf16>
    %dot_general3A_650 = arith.constant dense<0.000000e+00> : vector<512x64xf32>
    %dot_general3A_651 = tpu.matmul %convert_element_type3A_648, %convert_element_type3A_649, %dot_general3A_650 {dimension_numbers = #tpu.dot_dimension_numbers<[1], [0], [0], [1], [0, 0, 1, 1], [], []>, transpose_lhs_hint = false} : vector<512x64xbf16>, vector<64x64xbf16>, vector<512x64xf32> -> vector<512x64xf32>
    %add3A_652 = arith.addf %dot_general3A_651, %add3A_10 : vector<512x64xf32>
    %max3A_653 = arith.constant 0.000000e+00 : f32
    %max3A_654 = vector.broadcast %max3A_653 : f32 to vector<512x64xf32>
    %max3A_655 = arith.maximumf %add3A_652, %max3A_654 : vector<512x64xf32>
    %get3A_656 = arith.constant 0 : index
    %get3A_657 = arith.constant 0 : index
    %get3A_658 = vector.load %arg6[%get3A_656, %get3A_657] : memref<64x64xf32, #tpu.memory_space<vmem>>, vector<64x64xf32>
    %convert_element_type3A_659 = arith.truncf %max3A_655 : vector<512x64xf32> to vector<512x64xbf16>
    %convert_element_type3A_660 = arith.truncf %get3A_658 : vector<64x64xf32> to vector<64x64xbf16>
    %dot_general3A_661 = arith.constant dense<0.000000e+00> : vector<512x64xf32>
    %dot_general3A_662 = tpu.matmul %convert_element_type3A_659, %convert_element_type3A_660, %dot_general3A_661 {dimension_numbers = #tpu.dot_dimension_numbers<[1], [0], [0], [1], [0, 0, 1, 1], [], []>, transpose_lhs_hint = false} : vector<512x64xbf16>, vector<64x64xbf16>, vector<512x64xf32> -> vector<512x64xf32>
    %add3A_663 = vector.broadcast %get3A_13 : vector<1x64xf32> to vector<512x64xf32>
    %add3A_664 = arith.addf %dot_general3A_662, %add3A_663 : vector<512x64xf32>
    %max3A_665 = arith.constant 0.000000e+00 : f32
    %max3A_666 = vector.broadcast %max3A_665 : f32 to vector<512x64xf32>
    %max3A_667 = arith.maximumf %add3A_664, %max3A_666 : vector<512x64xf32>
    %mul3A_668 = vector.broadcast %get3A_16 : vector<1x64xf32> to vector<512x64xf32>
    %mul3A_669 = arith.mulf %max3A_667, %mul3A_668 : vector<512x64xf32>
    %reduce_sum3A_670 = arith.constant dense<0.000000e+00> : vector<512xf32>
    %reduce_sum3A_671 = vector.multi_reduction <add>, %mul3A_669, %reduce_sum3A_670 [1] : vector<512x64xf32> to vector<512xf32>
    %broadcast_in_dim3A_672 = vector.shape_cast %reduce_sum3A_671 : vector<512xf32> to vector<512x1xf32>
    %max3A_673 = arith.maximumf %broadcast_in_dim3A, %broadcast_in_dim3A_78 : vector<512x1xf32>
    %max3A_674 = arith.maximumf %max3A_673, %broadcast_in_dim3A_111 : vector<512x1xf32>
    %max3A_675 = arith.maximumf %max3A_674, %broadcast_in_dim3A_144 : vector<512x1xf32>
    %max3A_676 = arith.maximumf %max3A_675, %broadcast_in_dim3A_177 : vector<512x1xf32>
    %max3A_677 = arith.maximumf %max3A_676, %broadcast_in_dim3A_210 : vector<512x1xf32>
    %max3A_678 = arith.maximumf %max3A_677, %broadcast_in_dim3A_243 : vector<512x1xf32>
    %max3A_679 = arith.maximumf %max3A_678, %broadcast_in_dim3A_276 : vector<512x1xf32>
    %max3A_680 = arith.maximumf %max3A_679, %broadcast_in_dim3A_309 : vector<512x1xf32>
    %max3A_681 = arith.maximumf %max3A_680, %broadcast_in_dim3A_342 : vector<512x1xf32>
    %max3A_682 = arith.maximumf %max3A_681, %broadcast_in_dim3A_375 : vector<512x1xf32>
    %max3A_683 = arith.maximumf %max3A_682, %broadcast_in_dim3A_408 : vector<512x1xf32>
    %max3A_684 = arith.maximumf %max3A_683, %broadcast_in_dim3A_441 : vector<512x1xf32>
    %max3A_685 = arith.maximumf %max3A_684, %broadcast_in_dim3A_474 : vector<512x1xf32>
    %max3A_686 = arith.maximumf %max3A_685, %broadcast_in_dim3A_507 : vector<512x1xf32>
    %max3A_687 = arith.maximumf %max3A_686, %broadcast_in_dim3A_540 : vector<512x1xf32>
    %max3A_688 = arith.maximumf %max3A_687, %broadcast_in_dim3A_573 : vector<512x1xf32>
    %max3A_689 = arith.maximumf %max3A_688, %broadcast_in_dim3A_606 : vector<512x1xf32>
    %max3A_690 = arith.maximumf %max3A_689, %broadcast_in_dim3A_639 : vector<512x1xf32>
    %max3A_691 = arith.maximumf %max3A_690, %broadcast_in_dim3A_672 : vector<512x1xf32>
    %sub3A = arith.subf %broadcast_in_dim3A, %max3A_691 : vector<512x1xf32>
    %exp3A = math.exp %sub3A : vector<512x1xf32>
    %sub3A_692 = arith.subf %broadcast_in_dim3A_78, %max3A_691 : vector<512x1xf32>
    %exp3A_693 = math.exp %sub3A_692 : vector<512x1xf32>
    %sub3A_694 = arith.subf %broadcast_in_dim3A_111, %max3A_691 : vector<512x1xf32>
    %exp3A_695 = math.exp %sub3A_694 : vector<512x1xf32>
    %sub3A_696 = arith.subf %broadcast_in_dim3A_144, %max3A_691 : vector<512x1xf32>
    %exp3A_697 = math.exp %sub3A_696 : vector<512x1xf32>
    %sub3A_698 = arith.subf %broadcast_in_dim3A_177, %max3A_691 : vector<512x1xf32>
    %exp3A_699 = math.exp %sub3A_698 : vector<512x1xf32>
    %sub3A_700 = arith.subf %broadcast_in_dim3A_210, %max3A_691 : vector<512x1xf32>
    %exp3A_701 = math.exp %sub3A_700 : vector<512x1xf32>
    %sub3A_702 = arith.subf %broadcast_in_dim3A_243, %max3A_691 : vector<512x1xf32>
    %exp3A_703 = math.exp %sub3A_702 : vector<512x1xf32>
    %sub3A_704 = arith.subf %broadcast_in_dim3A_276, %max3A_691 : vector<512x1xf32>
    %exp3A_705 = math.exp %sub3A_704 : vector<512x1xf32>
    %sub3A_706 = arith.subf %broadcast_in_dim3A_309, %max3A_691 : vector<512x1xf32>
    %exp3A_707 = math.exp %sub3A_706 : vector<512x1xf32>
    %sub3A_708 = arith.subf %broadcast_in_dim3A_342, %max3A_691 : vector<512x1xf32>
    %exp3A_709 = math.exp %sub3A_708 : vector<512x1xf32>
    %sub3A_710 = arith.subf %broadcast_in_dim3A_375, %max3A_691 : vector<512x1xf32>
    %exp3A_711 = math.exp %sub3A_710 : vector<512x1xf32>
    %sub3A_712 = arith.subf %broadcast_in_dim3A_408, %max3A_691 : vector<512x1xf32>
    %exp3A_713 = math.exp %sub3A_712 : vector<512x1xf32>
    %sub3A_714 = arith.subf %broadcast_in_dim3A_441, %max3A_691 : vector<512x1xf32>
    %exp3A_715 = math.exp %sub3A_714 : vector<512x1xf32>
    %sub3A_716 = arith.subf %broadcast_in_dim3A_474, %max3A_691 : vector<512x1xf32>
    %exp3A_717 = math.exp %sub3A_716 : vector<512x1xf32>
    %sub3A_718 = arith.subf %broadcast_in_dim3A_507, %max3A_691 : vector<512x1xf32>
    %exp3A_719 = math.exp %sub3A_718 : vector<512x1xf32>
    %sub3A_720 = arith.subf %broadcast_in_dim3A_540, %max3A_691 : vector<512x1xf32>
    %exp3A_721 = math.exp %sub3A_720 : vector<512x1xf32>
    %sub3A_722 = arith.subf %broadcast_in_dim3A_573, %max3A_691 : vector<512x1xf32>
    %exp3A_723 = math.exp %sub3A_722 : vector<512x1xf32>
    %sub3A_724 = arith.subf %broadcast_in_dim3A_606, %max3A_691 : vector<512x1xf32>
    %exp3A_725 = math.exp %sub3A_724 : vector<512x1xf32>
    %sub3A_726 = arith.subf %broadcast_in_dim3A_639, %max3A_691 : vector<512x1xf32>
    %exp3A_727 = math.exp %sub3A_726 : vector<512x1xf32>
    %sub3A_728 = arith.subf %broadcast_in_dim3A_672, %max3A_691 : vector<512x1xf32>
    %exp3A_729 = math.exp %sub3A_728 : vector<512x1xf32>
    %add3A_730 = arith.addf %exp3A, %exp3A_693 : vector<512x1xf32>
    %add3A_731 = arith.addf %add3A_730, %exp3A_695 : vector<512x1xf32>
    %add3A_732 = arith.addf %add3A_731, %exp3A_697 : vector<512x1xf32>
    %add3A_733 = arith.addf %add3A_732, %exp3A_699 : vector<512x1xf32>
    %add3A_734 = arith.addf %add3A_733, %exp3A_701 : vector<512x1xf32>
    %add3A_735 = arith.addf %add3A_734, %exp3A_703 : vector<512x1xf32>
    %add3A_736 = arith.addf %add3A_735, %exp3A_705 : vector<512x1xf32>
    %add3A_737 = arith.addf %add3A_736, %exp3A_707 : vector<512x1xf32>
    %add3A_738 = arith.addf %add3A_737, %exp3A_709 : vector<512x1xf32>
    %add3A_739 = arith.addf %add3A_738, %exp3A_711 : vector<512x1xf32>
    %add3A_740 = arith.addf %add3A_739, %exp3A_713 : vector<512x1xf32>
    %add3A_741 = arith.addf %add3A_740, %exp3A_715 : vector<512x1xf32>
    %add3A_742 = arith.addf %add3A_741, %exp3A_717 : vector<512x1xf32>
    %add3A_743 = arith.addf %add3A_742, %exp3A_719 : vector<512x1xf32>
    %add3A_744 = arith.addf %add3A_743, %exp3A_721 : vector<512x1xf32>
    %add3A_745 = arith.addf %add3A_744, %exp3A_723 : vector<512x1xf32>
    %add3A_746 = arith.addf %add3A_745, %exp3A_725 : vector<512x1xf32>
    %add3A_747 = arith.addf %add3A_746, %exp3A_727 : vector<512x1xf32>
    %add3A_748 = arith.addf %add3A_747, %exp3A_729 : vector<512x1xf32>
    %mul3A_749 = vector.broadcast %exp3A : vector<512x1xf32> to vector<512x64xf32>
    %mul3A_750 = arith.mulf %get3A_21, %mul3A_749 : vector<512x64xf32>
    %mul3A_751 = vector.broadcast %exp3A_693 : vector<512x1xf32> to vector<512x64xf32>
    %mul3A_752 = arith.mulf %get3A_50, %mul3A_751 : vector<512x64xf32>
    %add3A_753 = arith.addf %mul3A_750, %mul3A_752 : vector<512x64xf32>
    %mul3A_754 = vector.broadcast %exp3A_695 : vector<512x1xf32> to vector<512x64xf32>
    %mul3A_755 = arith.mulf %get3A_83, %mul3A_754 : vector<512x64xf32>
    %add3A_756 = arith.addf %add3A_753, %mul3A_755 : vector<512x64xf32>
    %mul3A_757 = vector.broadcast %exp3A_697 : vector<512x1xf32> to vector<512x64xf32>
    %mul3A_758 = arith.mulf %get3A_116, %mul3A_757 : vector<512x64xf32>
    %add3A_759 = arith.addf %add3A_756, %mul3A_758 : vector<512x64xf32>
    %mul3A_760 = vector.broadcast %exp3A_699 : vector<512x1xf32> to vector<512x64xf32>
    %mul3A_761 = arith.mulf %get3A_149, %mul3A_760 : vector<512x64xf32>
    %add3A_762 = arith.addf %add3A_759, %mul3A_761 : vector<512x64xf32>
    %mul3A_763 = vector.broadcast %exp3A_701 : vector<512x1xf32> to vector<512x64xf32>
    %mul3A_764 = arith.mulf %get3A_182, %mul3A_763 : vector<512x64xf32>
    %add3A_765 = arith.addf %add3A_762, %mul3A_764 : vector<512x64xf32>
    %mul3A_766 = vector.broadcast %exp3A_703 : vector<512x1xf32> to vector<512x64xf32>
    %mul3A_767 = arith.mulf %get3A_215, %mul3A_766 : vector<512x64xf32>
    %add3A_768 = arith.addf %add3A_765, %mul3A_767 : vector<512x64xf32>
    %mul3A_769 = vector.broadcast %exp3A_705 : vector<512x1xf32> to vector<512x64xf32>
    %mul3A_770 = arith.mulf %get3A_248, %mul3A_769 : vector<512x64xf32>
    %add3A_771 = arith.addf %add3A_768, %mul3A_770 : vector<512x64xf32>
    %mul3A_772 = vector.broadcast %exp3A_707 : vector<512x1xf32> to vector<512x64xf32>
    %mul3A_773 = arith.mulf %get3A_281, %mul3A_772 : vector<512x64xf32>
    %add3A_774 = arith.addf %add3A_771, %mul3A_773 : vector<512x64xf32>
    %mul3A_775 = vector.broadcast %exp3A_709 : vector<512x1xf32> to vector<512x64xf32>
    %mul3A_776 = arith.mulf %get3A_314, %mul3A_775 : vector<512x64xf32>
    %add3A_777 = arith.addf %add3A_774, %mul3A_776 : vector<512x64xf32>
    %mul3A_778 = vector.broadcast %exp3A_711 : vector<512x1xf32> to vector<512x64xf32>
    %mul3A_779 = arith.mulf %get3A_347, %mul3A_778 : vector<512x64xf32>
    %add3A_780 = arith.addf %add3A_777, %mul3A_779 : vector<512x64xf32>
    %mul3A_781 = vector.broadcast %exp3A_713 : vector<512x1xf32> to vector<512x64xf32>
    %mul3A_782 = arith.mulf %get3A_380, %mul3A_781 : vector<512x64xf32>
    %add3A_783 = arith.addf %add3A_780, %mul3A_782 : vector<512x64xf32>
    %mul3A_784 = vector.broadcast %exp3A_715 : vector<512x1xf32> to vector<512x64xf32>
    %mul3A_785 = arith.mulf %get3A_413, %mul3A_784 : vector<512x64xf32>
    %add3A_786 = arith.addf %add3A_783, %mul3A_785 : vector<512x64xf32>
    %mul3A_787 = vector.broadcast %exp3A_717 : vector<512x1xf32> to vector<512x64xf32>
    %mul3A_788 = arith.mulf %get3A_446, %mul3A_787 : vector<512x64xf32>
    %add3A_789 = arith.addf %add3A_786, %mul3A_788 : vector<512x64xf32>
    %mul3A_790 = vector.broadcast %exp3A_719 : vector<512x1xf32> to vector<512x64xf32>
    %mul3A_791 = arith.mulf %get3A_479, %mul3A_790 : vector<512x64xf32>
    %add3A_792 = arith.addf %add3A_789, %mul3A_791 : vector<512x64xf32>
    %mul3A_793 = vector.broadcast %exp3A_721 : vector<512x1xf32> to vector<512x64xf32>
    %mul3A_794 = arith.mulf %get3A_512, %mul3A_793 : vector<512x64xf32>
    %add3A_795 = arith.addf %add3A_792, %mul3A_794 : vector<512x64xf32>
    %mul3A_796 = vector.broadcast %exp3A_723 : vector<512x1xf32> to vector<512x64xf32>
    %mul3A_797 = arith.mulf %get3A_545, %mul3A_796 : vector<512x64xf32>
    %add3A_798 = arith.addf %add3A_795, %mul3A_797 : vector<512x64xf32>
    %mul3A_799 = vector.broadcast %exp3A_725 : vector<512x1xf32> to vector<512x64xf32>
    %mul3A_800 = arith.mulf %get3A_578, %mul3A_799 : vector<512x64xf32>
    %add3A_801 = arith.addf %add3A_798, %mul3A_800 : vector<512x64xf32>
    %mul3A_802 = vector.broadcast %exp3A_727 : vector<512x1xf32> to vector<512x64xf32>
    %mul3A_803 = arith.mulf %get3A_611, %mul3A_802 : vector<512x64xf32>
    %add3A_804 = arith.addf %add3A_801, %mul3A_803 : vector<512x64xf32>
    %mul3A_805 = vector.broadcast %exp3A_729 : vector<512x1xf32> to vector<512x64xf32>
    %mul3A_806 = arith.mulf %get3A_644, %mul3A_805 : vector<512x64xf32>
    %add3A_807 = arith.addf %add3A_804, %mul3A_806 : vector<512x64xf32>
    %div3A = vector.broadcast %add3A_748 : vector<512x1xf32> to vector<512x64xf32>
    %div3A_808 = arith.divf %add3A_807, %div3A : vector<512x64xf32>
    %get3A_809 = arith.constant 0 : index
    %get3A_810 = arith.constant 0 : index
    %get3A_811 = vector.load %arg9[%get3A_809, %get3A_810] : memref<64x64xf32, #tpu.memory_space<vmem>>, vector<64x64xf32>
    %convert_element_type3A_812 = arith.truncf %div3A_808 : vector<512x64xf32> to vector<512x64xbf16>
    %convert_element_type3A_813 = arith.truncf %get3A_811 : vector<64x64xf32> to vector<64x64xbf16>
    %dot_general3A_814 = arith.constant dense<0.000000e+00> : vector<512x64xf32>
    %dot_general3A_815 = tpu.matmul %convert_element_type3A_812, %convert_element_type3A_813, %dot_general3A_814 {dimension_numbers = #tpu.dot_dimension_numbers<[1], [0], [0], [1], [0, 0, 1, 1], [], []>, transpose_lhs_hint = false} : vector<512x64xbf16>, vector<64x64xbf16>, vector<512x64xf32> -> vector<512x64xf32>
    %get3A_816 = arith.constant 0 : index
    %get3A_817 = arith.constant 0 : index
    %get3A_818 = vector.load %arg10[%get3A_816, %get3A_817] : memref<1x64xf32, #tpu.memory_space<vmem>>, vector<1x64xf32>
    %add3A_819 = vector.broadcast %get3A_818 : vector<1x64xf32> to vector<512x64xf32>
    %add3A_820 = arith.addf %dot_general3A_815, %add3A_819 : vector<512x64xf32>
    %max3A_821 = arith.constant 0.000000e+00 : f32
    %max3A_822 = vector.broadcast %max3A_821 : f32 to vector<512x64xf32>
    %max3A_823 = arith.maximumf %add3A_820, %max3A_822 : vector<512x64xf32>
    %get3A_824 = arith.constant 0 : index
    %get3A_825 = arith.constant 0 : index
    %get3A_826 = arith.constant 0 : index
    %get3A_827 = vector.load %arg1[%get3A_824, %get3A_825, %get3A_826] : memref<21x512x64xf32, #tpu.memory_space<vmem>>, vector<1x512x64xf32>
    %get3A_828 = vector.shape_cast %get3A_827 : vector<1x512x64xf32> to vector<512x64xf32>
    %get3A_829 = arith.constant 0 : index
    %get3A_830 = arith.constant 0 : index
    %get3A_831 = vector.load %arg11[%get3A_829, %get3A_830] : memref<64x64xf32, #tpu.memory_space<vmem>>, vector<64x64xf32>
    %convert_element_type3A_832 = arith.truncf %get3A_828 : vector<512x64xf32> to vector<512x64xbf16>
    %convert_element_type3A_833 = arith.truncf %get3A_831 : vector<64x64xf32> to vector<64x64xbf16>
    %dot_general3A_834 = arith.constant dense<0.000000e+00> : vector<512x64xf32>
    %dot_general3A_835 = tpu.matmul %convert_element_type3A_832, %convert_element_type3A_833, %dot_general3A_834 {dimension_numbers = #tpu.dot_dimension_numbers<[1], [0], [0], [1], [0, 0, 1, 1], [], []>, transpose_lhs_hint = false} : vector<512x64xbf16>, vector<64x64xbf16>, vector<512x64xf32> -> vector<512x64xf32>
    %get3A_836 = arith.constant 0 : index
    %get3A_837 = arith.constant 0 : index
    %get3A_838 = vector.load %arg12[%get3A_836, %get3A_837] : memref<64x64xf32, #tpu.memory_space<vmem>>, vector<64x64xf32>
    %convert_element_type3A_839 = arith.truncf %max3A_823 : vector<512x64xf32> to vector<512x64xbf16>
    %convert_element_type3A_840 = arith.truncf %get3A_838 : vector<64x64xf32> to vector<64x64xbf16>
    %dot_general3A_841 = arith.constant dense<0.000000e+00> : vector<512x64xf32>
    %dot_general3A_842 = tpu.matmul %convert_element_type3A_839, %convert_element_type3A_840, %dot_general3A_841 {dimension_numbers = #tpu.dot_dimension_numbers<[1], [0], [0], [1], [0, 0, 1, 1], [], []>, transpose_lhs_hint = false} : vector<512x64xbf16>, vector<64x64xbf16>, vector<512x64xf32> -> vector<512x64xf32>
    %add3A_843 = arith.addf %dot_general3A_835, %dot_general3A_842 : vector<512x64xf32>
    %get3A_844 = arith.constant 0 : index
    %get3A_845 = arith.constant 0 : index
    %get3A_846 = vector.load %arg13[%get3A_844, %get3A_845] : memref<1x64xf32, #tpu.memory_space<vmem>>, vector<1x64xf32>
    %add3A_847 = vector.broadcast %get3A_846 : vector<1x64xf32> to vector<512x64xf32>
    %add3A_848 = arith.addf %add3A_843, %add3A_847 : vector<512x64xf32>
    %max3A_849 = arith.constant 0.000000e+00 : f32
    %max3A_850 = vector.broadcast %max3A_849 : f32 to vector<512x64xf32>
    %max3A_851 = arith.maximumf %add3A_848, %max3A_850 : vector<512x64xf32>
    %get3A_852 = arith.constant 0 : index
    %get3A_853 = arith.constant 0 : index
    %get3A_854 = vector.load %arg14[%get3A_852, %get3A_853] : memref<64x64xf32, #tpu.memory_space<vmem>>, vector<64x64xf32>
    %convert_element_type3A_855 = arith.truncf %max3A_851 : vector<512x64xf32> to vector<512x64xbf16>
    %convert_element_type3A_856 = arith.truncf %get3A_854 : vector<64x64xf32> to vector<64x64xbf16>
    %dot_general3A_857 = arith.constant dense<0.000000e+00> : vector<512x64xf32>
    %dot_general3A_858 = tpu.matmul %convert_element_type3A_855, %convert_element_type3A_856, %dot_general3A_857 {dimension_numbers = #tpu.dot_dimension_numbers<[1], [0], [0], [1], [0, 0, 1, 1], [], []>, transpose_lhs_hint = false} : vector<512x64xbf16>, vector<64x64xbf16>, vector<512x64xf32> -> vector<512x64xf32>
    %get3A_859 = arith.constant 0 : index
    %get3A_860 = arith.constant 0 : index
    %get3A_861 = vector.load %arg15[%get3A_859, %get3A_860] : memref<1x64xf32, #tpu.memory_space<vmem>>, vector<1x64xf32>
    %add3A_862 = vector.broadcast %get3A_861 : vector<1x64xf32> to vector<512x64xf32>
    %add3A_863 = arith.addf %dot_general3A_858, %add3A_862 : vector<512x64xf32>
    %max3A_864 = arith.constant 0.000000e+00 : f32
    %max3A_865 = vector.broadcast %max3A_864 : f32 to vector<512x64xf32>
    %max3A_866 = arith.maximumf %add3A_863, %max3A_865 : vector<512x64xf32>
    %swap3A = arith.constant 0 : index
    %swap3A_867 = arith.constant 0 : index
    %swap3A_868 = vector.load %arg16[%swap3A, %swap3A_867] : memref<512x64xf32, #tpu.memory_space<vmem>>, vector<512x64xf32>
    tpu.vector_store %arg16[%swap3A, %swap3A_867], %max3A_866 {strides = array<i32>} : memref<512x64xf32, #tpu.memory_space<vmem>>, vector<512x64xf32>,
    return
  }
  func.func @transform_0(%arg0: i32) -> (i32, i32, i32) {
    %c0_i32 = arith.constant 0 : i32
    %c0_i32_0 = arith.constant 0 : i32
    %c0_i32_1 = arith.constant 0 : i32
    return %c0_i32, %arg0, %c0_i32_0 : i32, i32, i32
  }
  func.func @transform_1(%arg0: i32) -> (i32, i32) {
    %c0_i32 = arith.constant 0 : i32
    %c0_i32_0 = arith.constant 0 : i32
    return %arg0, %c0_i32 : i32, i32
  }
  func.func @transform_2(%arg0: i32) -> (i32, i32) {
    %c0_i32 = arith.constant 0 : i32
    %c0_i32_0 = arith.constant 0 : i32
    %c0_i32_1 = arith.constant 0 : i32
    return %c0_i32, %c0_i32_0 : i32, i32
  }
  func.func @transform_3(%arg0: i32) -> (i32, i32) {
    %c0_i32 = arith.constant 0 : i32
    %c0_i32_0 = arith.constant 0 : i32
    %c0_i32_1 = arith.constant 0 : i32
    return %c0_i32, %c0_i32_0 : i32, i32
  }
  func.func @transform_4(%arg0: i32) -> (i32, i32) {
    %c0_i32 = arith.constant 0 : i32
    %c0_i32_0 = arith.constant 0 : i32
    %c0_i32_1 = arith.constant 0 : i32
    return %c0_i32, %c0_i32_0 : i32, i32
  }
  func.func @transform_5(%arg0: i32) -> (i32, i32) {
    %c0_i32 = arith.constant 0 : i32
    %c0_i32_0 = arith.constant 0 : i32
    %c0_i32_1 = arith.constant 0 : i32
    return %c0_i32, %c0_i32_0 : i32, i32
  }
  func.func @transform_6(%arg0: i32) -> (i32, i32) {
    %c0_i32 = arith.constant 0 : i32
    %c0_i32_0 = arith.constant 0 : i32
    %c0_i32_1 = arith.constant 0 : i32
    return %c0_i32, %c0_i32_0 : i32, i32
  }
  func.func @transform_7(%arg0: i32) -> (i32, i32) {
    %c0_i32 = arith.constant 0 : i32
    %c0_i32_0 = arith.constant 0 : i32
    %c0_i32_1 = arith.constant 0 : i32
    return %c0_i32, %c0_i32_0 : i32, i32
  }
  func.func @transform_8(%arg0: i32) -> (i32, i32) {
    %c0_i32 = arith.constant 0 : i32
    %c0_i32_0 = arith.constant 0 : i32
    %c0_i32_1 = arith.constant 0 : i32
    return %c0_i32, %c0_i32_0 : i32, i32
  }
  func.func @transform_9(%arg0: i32) -> (i32, i32) {
    %c0_i32 = arith.constant 0 : i32
    %c0_i32_0 = arith.constant 0 : i32
    %c0_i32_1 = arith.constant 0 : i32
    return %c0_i32, %c0_i32_0 : i32, i32
  }
  func.func @transform_10(%arg0: i32) -> (i32, i32) {
    %c0_i32 = arith.constant 0 : i32
    %c0_i32_0 = arith.constant 0 : i32
    %c0_i32_1 = arith.constant 0 : i32
    return %c0_i32, %c0_i32_0 : i32, i32
  }
  func.func @transform_11(%arg0: i32) -> (i32, i32) {
    %c0_i32 = arith.constant 0 : i32
    %c0_i32_0 = arith.constant 0 : i32
    %c0_i32_1 = arith.constant 0 : i32
    return %c0_i32, %c0_i32_0 : i32, i32
  }
  func.func @transform_12(%arg0: i32) -> (i32, i32) {
    %c0_i32 = arith.constant 0 : i32
    %c0_i32_0 = arith.constant 0 : i32
    %c0_i32_1 = arith.constant 0 : i32
    return %c0_i32, %c0_i32_0 : i32, i32
  }
  func.func @transform_13(%arg0: i32) -> (i32, i32) {
    %c0_i32 = arith.constant 0 : i32
    %c0_i32_0 = arith.constant 0 : i32
    %c0_i32_1 = arith.constant 0 : i32
    return %c0_i32, %c0_i32_0 : i32, i32
  }
  func.func @transform_14(%arg0: i32) -> (i32, i32) {
    %c0_i32 = arith.constant 0 : i32
    %c0_i32_0 = arith.constant 0 : i32
    %c0_i32_1 = arith.constant 0 : i32
    return %c0_i32, %c0_i32_0 : i32, i32
  }
  func.func @transform_15(%arg0: i32) -> (i32, i32) {
    %c0_i32 = arith.constant 0 : i32
    %c0_i32_0 = arith.constant 0 : i32
    return %arg0, %c0_i32 : i32, i32
  }
}

</mosaic_0001>

<sc_bundles>
// kernel: kernel.12.cloned.1.call-start
scs
__scs_entry_jumppad:
0x0: {  	(pc) =	sbr.rel $0x88, $3  }
0x1: {  	(tag) =	ssettag $0x0;
	lr =	simm.s32 $0x1  }
0x2: {  	[smem:$0x3F84] =	sst lr;
	_ =	strace $0xD0000000  }
0x3: {  	_ = 	snop  }
0x4: {  	_ = 	snop  }
0x5: {  	_ = 	snop  }
0x6: {  	_ = 	snop  }
0x7: {  	_ = 	snop  }
__scs_overlays_trampoline_lowered:
0x8: {  	[smem:$0x3F93] =	sst s0  }
0x9: {  	[smem:$0x3F94] =	sst s1  }
0xa: {  	[smem:$0x3F95] =	sst s2  }
0xb: {  	[smem:$0x3F96] =	sst s3  }
0xc: {  	[smem:$0x3F97] =	sst s4  }
0xd: {  	[smem:$0x3F98] =	sst s5  }
0xe: {  	[smem:$0x3F99] =	sst s6  }
0xf: {  	[smem:$0x3F9A] =	sst s7  }
0x10: {  	[smem:$0x3F9B] =	sst s8  }
0x11: {  	[smem:$0x3F9C] =	sst s9;
	s0 =	simm.s32 @!p0 $0x0  }
0x12: {  	s1 =	sld [smem:$0x3F82];
	s0 =	simm.s32 @p0 $0x1  }
0x13: {  	[smem:$0x3F9D] =	sst s0;
	s0 =	simm.s32 @!p1 $0x0  }
0x14: {  	s2 =	sld [smem:$0x3F81];
	s0 =	simm.s32 @p1 $0x1  }
0x15: {  	[smem:$0x3F9E] =	sst s0;
	s0 =	simm.s32 @!p2 $0x0  }
0x16: {  	s3 =	sld [smem:$0x3FDB];
	s0 =	simm.s32 @p2 $0x1  }
0x17: {  	s4 =	simm.s32 $0x1BF5;
	[smem:$0x3FA0] =	sst s0  }
0x18: {  	s0 =	sld [smem:$0x3F83];
	_ =	swait.ge [sflag:s4], $0x0  }
0x19: {  	s7 =	sld [smem:$0x3F84]  }
0x1a: {  	s8 =	sadd.s32 $0xFFFFE003, lr  }
0x1b: {  	s9 =	sadd.s32 $0xFFFFFEF7, lr;
	s5 =	simm.s32 $0xFFFFFFFF;
	p2 =	slt.u32 s8, $0xFFFFF086  }
0x1c: {  	p1 =	slt.u32 s9, $0xF7A;
	s5 =	simm.s32 @!p2 $0x0  }
0x1d: {  	s5 =	simm.s32 @p1 $0x1;
	p0 =	seq.s32 s7, s2  }
0x1e: {  	s7 =	smul.u32 @!p0 $0xF7A, s2;
	p2 =	seq.s32 @!p0 s5, $0x0  }
0x1f: {  	s9 =	smul.u32 $0xF7A, s1;
	s8 =	simm.s32 @!p0 $0x1BF5;
	p2 =	por !p2, p0  }
0x20: {  	[sflag:s8] =	ssyncset.s32 @!p0 $0xFFFFF086;
	s6 =	sadd.s32 @!p0 s3, s7;
	s7 =	simm.s32 @!p0 $0x108  }
0x21: {  	s3 =	sadd.s32 s3, s9;
	s6 =	sadd.s32 @!p0 $0x88, s6;
	s7 =	simm.s32 @p2 $0x1082  }
0x22: {  	[simem:s7], [sflag:s8] =	dma.local @!p0 [hbm:s6], $0xF7A  }
0x23: {  	s9 =	sor.u32 $0xD0000000, s2;
	s6 =	simm.s32 $0x108;
	_ =	swait.ge @!p0 [sflag:s8], $0x0  }
0x24: {  	s3 =	sadd.s32 $0x88, s3;
	s6 =	simm.s32 @!p1 $0x1082;
	[sflag:s4] =	ssyncset.s32 $0xFFFFF086  }
0x25: {  	[simem:s6], [sflag:s4] =	dma.local [hbm:s3], $0xF7A  }
0x26: {  	[smem:$0x3F84] =	sst s1;
	(tag) =	ssettag s2;
	_ =	strace s9  }
0x27: {  	s1 =	sld [smem:$0x3F94]  }
0x28: {  	s2 =	sld [smem:$0x3F95]  }
0x29: {  	s4 =	sld [smem:$0x3F97]  }
0x2a: {  	p0 =	seq.s32 s5, $0x0;
	s5 =	sld [smem:$0x3F98]  }
0x2b: {  	s6 =	sld [smem:$0x3F99]  }
0x2c: {  	s7 =	sld [smem:$0x3F9A]  }
0x2d: {  	s3 =	simm.s32 $0x108;
	s8 =	sld [smem:$0x3F9B]  }
0x2e: {  	s3 =	simm.s32 @!p0 $0x1082;
	s9 =	sld [smem:$0x3F9C]  }
0x2f: {  	lr =	sadd.s32 s0, s3;
	s0 =	sld [smem:$0x3F93]  }
0x30: {  	s3 =	sld [smem:$0x3F96]  }
0x31: {  	[smem:$0x3F9F] =	sst s10  }
0x32: {  	s10 =	sld [smem:$0x3F9D];
	_ =	sdelay $0x3  }
0x33: {  	p0 =	seq.s32 s10, $0x1;
	s10 =	sld [smem:$0x3F9F];
	_ =	sdelay $0x3  }
0x34: {  	[smem:$0x3F9F] =	sst s10  }
0x35: {  	s10 =	sld [smem:$0x3F9E];
	_ =	sdelay $0x3  }
0x36: {  	p1 =	seq.s32 s10, $0x1;
	s10 =	sld [smem:$0x3F9F];
	_ =	sdelay $0x3  }
0x37: {  	[smem:$0x3F9F] =	sst s10  }
0x38: {  	s10 =	sld [smem:$0x3FA0]  }
0x39: {  	_ = 	snop;
	(pc) =	sbr.ind lr, $3  }
0x3a: {  	_ = 	snop  }
0x3b: {  	_ = 	snop  }
0x3c: {  	p2 =	seq.s32 s10, $0x1;
	s10 =	sld [smem:$0x3F9F]  }
0x3d: {  	_ =	shalt  }
0x3e: {  	_ =	shalt  }
0x3f: {  	_ =	shalt  }
0x40: {  	_ =	shalt  }
0x41: {  	_ =	shalt  }
0x42: {  	_ =	shalt  }
0x43: {  	_ =	shalt  }
0x44: {  	_ =	shalt  }
0x45: {  	_ =	shalt  }
0x46: {  	_ =	shalt  }
0x47: {  	_ =	shalt  }
0x48: {  	_ =	shalt  }
0x49: {  	_ =	shalt  }
0x4a: {  	_ =	shalt  }
0x4b: {  	_ =	shalt  }
0x4c: {  	_ =	shalt  }
0x4d: {  	_ =	shalt  }
0x4e: {  	_ =	shalt  }
0x4f: {  	_ =	shalt  }
0x50: {  	_ =	shalt  }
0x51: {  	_ =	shalt  }
0x52: {  	_ =	shalt  }
0x53: {  	_ =	shalt  }
0x54: {  	_ =	shalt  }
0x55: {  	_ =	shalt  }
0x56: {  	_ =	shalt  }
0x57: {  	_ =	shalt  }
0x58: {  	_ =	shalt  }
0x59: {  	_ =	shalt  }
0x5a: {  	_ =	shalt  }
0x5b: {  	_ =	shalt  }
0x5c: {  	_ =	shalt  }
0x5d: {  	_ =	shalt  }
0x5e: {  	_ =	shalt  }
0x5f: {  	_ =	shalt  }
0x60: {  	_ =	shalt  }
0x61: {  	_ =	shalt  }
0x62: {  	_ =	shalt  }
0x63: {  	_ =	shalt  }
0x64: {  	_ =	shalt  }
0x65: {  	_ =	shalt  }
0x66: {  	_ =	shalt  }
0x67: {  	_ =	shalt  }
0x68: {  	_ =	shalt  }
0x69: {  	_ =	shalt  }
0x6a: {  	_ =	shalt  }
0x6b: {  	_ =	shalt  }
0x6c: {  	_ =	shalt  }
0x6d: {  	_ =	shalt  }
0x6e: {  	_ =	shalt  }
0x6f: {  	_ =	shalt  }
0x70: {  	_ =	shalt  }
0x71: {  	_ =	shalt  }
0x72: {  	_ =	shalt  }
0x73: {  	_ =	shalt  }
0x74: {  	_ =	shalt  }
0x75: {  	_ =	shalt  }
0x76: {  	_ =	shalt  }
0x77: {  	_ =	shalt  }
0x78: {  	_ =	shalt  }
0x79: {  	_ =	shalt  }
0x7a: {  	_ =	shalt  }
0x7b: {  	_ =	shalt  }
0x7c: {  	_ =	shalt  }
0x7d: {  	_ =	shalt  }
0x7e: {  	_ =	shalt  }
0x7f: {  	_ =	shalt  }
0x80: {  	_ =	shalt  }
0x81: {  	_ =	shalt  }
0x82: {  	_ =	shalt  }
0x83: {  	_ =	shalt  }
0x84: {  	_ =	shalt  }
0x85: {  	_ =	shalt  }
0x86: {  	_ =	shalt  }
0x87: {  	_ =	shalt  }
.Lfunc_end0:
.L_simem_size_0:
called_computation.1_lowered:
.L_overlay_start_0:
0x88: {  	s2 =	sld [smem:$0x3FD9]  }
0x89: {  	s3 =	sld [smem:$0x3FFE];
	_ =	sdelay $0x1  }
0x8a: {  	s1 =	srdreg.scid  }
0x8b: {  	s0 =	sand.u32 $0x1, s1  }
0x8c: {  	s17 =	sshll.u32 s0, $0xA;
	s2 =	sadd.s32 s3, s2  }
0x8d: {  	s2 =	sadd.s32 s2, s17  }
0x8e: {  	[smem:$0x3FAB] =	sst s2  }
0x8f: {  	_ = 	snop  }
0x90: {  	s2 =	sld [smem:$0x3FD0];
	(tm) =	ssettm $0x1  }
0x91: {  	s18 =	sld [smem:$0x3FFB];
	_ =	sdelay $0x3  }
0x92: {  	_ =	strace s18  }
0x93: {  	s3 =	sld [smem:$0x3FFC];
	_ =	sdelay $0x3  }
0x94: {  	_ =	strace s3  }
0x95: {  	s3 =	sld [smem:$0x3FFD];
	_ =	sdelay $0x3  }
0x96: {  	_ =	strace s3  }
0x97: {  	_ =	strace $0x8FFFFFFF  }
0x98: {  	s19 =	sld [smem:$0x3FDB];
	_ =	sdelay $0x1  }
0x99: {  	s4 =	simm.s32 $_scs_section_size  }
0x9a: {  	s5 =	simm.s32 $_size__tile_overlayer_lowered;
	s6 =	simm.s32 $_tile_overlayer_lowered  }
0x9b: {  	s22 =	simm.s32 $0x1BFF;
	s21 =	sshll.u32 s6, $0x1;
	s3 =	sadd.s32 s4, s19  }
0x9c: {  	s7 =	simm.s32 $0x0;
	s20 =	sshll.u32 s5, $0x1;
	s5 =	sadd.s32 s21, s3  }
0x9d: {  	[timem:s7], [sflag:s22] =	dma.local [hbm:s5], s20  }
0x9e: {  	_ =	swait.ge [sflag:s22], s20  }
0x9f: {  	s4 =	ssub.s32 $0x0, s20;
	[sflag:s22] =	ssyncset.done $0x0  }
0xa0: {  	[sflag:s22] =	ssyncadd.s32 s4;
	_ =	sdelay $0x1  }
0xa1: {  	s23 =	simm.s32 $0x1B8B  }
0xa2: {  	_ =	swait.ge [sflag:s23], $0x1  }
0xa3: {  	[sflag:s23] =	ssyncset.done $0x0  }
0xa4: {  	s25 =	simm.s32 $0x1B8E;
	s24 =	sld [smem:$0x3FFE];
	[sflag:s23] =	ssyncadd.s32 $0xFFFFFFFF  }
0xa5: {  	s26 =	simm.s32 $execute0_lowered;
	[smem:$0x3FD2] =	sst s25  }
0xa6: {  	s5 =	sshll.u32 s26, $0x1;
	_ =	strace $0x80000049;
	[dreg:$0x1] =	wrdreg $0xFFFFFFFF  }
0xa7: {  	s28 =	simm.s32 $_size_execute0_lowered;
	s3 =	sadd.s32 s3, s5;
	[dreg:$0x0] =	wrdreg $0x0  }
0xa8: {  	s5 =	sshll.u32 s28, $0x1;
	[dreg:$0x2] =	wrdreg s3  }
0xa9: {  	[dreg:$0x3] =	wrdreg s5  }
0xaa: {  	[dreg:$0x4] =	wrdreg $0xC0  }
0xab: {  	_ =	task [dreg:s7], $0x5FFFF  }
0xac: {  	[dreg:$0x1] =	wrdreg $0xFFFFFFFF  }
0xad: {  	[dreg:$0x0] =	wrdreg $0x60  }
0xae: {  	[dreg:$0x2] =	wrdreg s24  }
0xaf: {  	[dreg:$0x3] =	wrdreg s2  }
0xb0: {  	[dreg:$0x4] =	wrdreg $0x9  }
0xb1: {  	_ =	task.clear_ibuf [dreg:s7], $0x5FFFF;
	_ =	strace $0x90000049  }
0xb2: {  	s29 =	simm.s32 $0x9;
	_ =	strace $0x8000004B  }
0xb3: {  	_ =	swait.ge [sflag:s29], $0x1  }
0xb4: {  	[sflag:s29] =	ssyncadd.s32 $0xFFFFFFFF  }
0xb5: {  	_ =	strace $0x9000004B  }
0xb6: {  	_ =	sfence  }
0xb7: {  	s30 =	sld [smem:$0x0];
	_ =	sdelay $0x2  }
0xb8: {  	s31 =	sshll.u32 s1, $0xD;
	s1 =	sshrl.u32 s1, $0x2  }
0xb9: {  	s3 =	sand.u32 $0x4000, s31;
	s1 =	sadd.s32 s1, s30  }
0xba: {  	s0 =	sor.u32 s3, s0;
	s1 =	sshll.u32 s1, $0x11  }
0xbb: {  	s0 =	sor.u32 s1, s0  }
0xbc: {  	s0 =	sadd.s32 $0x8F2B, s0  }
0xbd: {  	[sflag:s0] =	ssyncadd.remote.s32 $0x1  }
0xbe: {  	_ =	sfence.sel $0xFFFF  }
0xbf: {  	[dreg:$0x0] =	wrdreg $0xFFFFFFFF;
	(pc) =	sbr.abs _section_cstart, $3  }
0xc0: {  	[dreg:$0x1] =	wrdreg $0xFFFFFFFF  }
0xc1: {  	_ =	task.clear_ibuf [dreg:s7], $0x2FFFF;
	_ =	strace $0x9FFFFFFF  }
0xc2: {  	(tm) =	ssettm $0x7FFFFFFF  }
0xc3: {  	_ =	shalt  }
tec
execute0_lowered:
.L_overlay_start_1:
0x0: {  	(tag) =	ssettag $0x1  }
0x1: {  	s5 =	rddreg [dreg:$0x0]  }
0x2: {  	s7 =	rddreg [dreg:$0x1]  }
0x3: {  	s0 =	rddreg [dreg:$0x2]  }
0x4: {  	s1 =	stileid.u32;
	s3 =	srdreg.scid;
	s2 =	simm.s32 $0x0  }
0x5: {  	s12 =	simm.s32 $0x2;
	s13 =	simm.s32 $0x40;
	s6 =	smul.u32 $0x5400, s1  }
0x6: {  	s14 =	simm.s32 $0x80;
	s4 =	sand.u32 $0x1, s3;
	s9 =	smul.u32 $0x540, s1  }
0x7: {  	s15 =	simm.s32 $0x0;
	[smem:$0x7FF] =	sst s2;
	s8 =	smul.u32 $0x2A00, s4  }
0x8: {  	s3 =	sadd.s32 $0x8600, s5;
	s10 =	ssub.s32 $0x2, s4;
	s11 =	smul.u32 $0x2A0, s4  }
0x9: {  	s4 =	sadd.s32 $0x252600, s5;
	s5 =	sadd.s32 s6, s5;
	s30 =	sshrl.u32 s10, $0x1  }
0xa: {  	_ =	strace $0x8000004A;
	s6 =	ssub.s32 s10, s30;
	s8 =	sadd.s32 s8, s5  }
0xb: {  	s9 =	sadd.s32 s11, s9;
	s10 =	simm.s32 $0x1C70;
	s11 =	simm.s32 $0x1  }
0xc: {  	s5 =	smax.u32 s6, $0x1;
	s6 =	sadd.s32 $0xCBC08, s8;
	s31 =	sshrl.u32 s9, $0x3  }
0xd: {  	s8 =	simm.s32 $0x3;
	s9 =	simm.s32 $0x70;
	s7 =	sadd.s32 s31, s7  }
.LBB2_1:
0xe: {  	s16 =	sadd.s32 $0x0, s7  }
0xf: {  	[tilespmem:s2], [sflag:$0x3] =	stream.linear.gather [hbm4b:s16+s2], $0x70, $0x38;
	[tilespmem:$0x3870] =	vst v63  }
0x10: {  	_ =	swait.ge [sflag:s8], $0x70  }
0x11: {  	[sflag:s8] =	ssyncset.done $0x0  }
0x12: {  	[sflag:s8] =	ssyncadd.s32 $0xFFFFFF90  }
0x13: {  	[tilespmem:s9], [sflag:$0x1] =	stream.indirect.gather [hbm4b:s3+s9], $0x40, s2, s9, $0xb8;
	[tilespmem:$0x3870] =	vst v63  }
0x14: {  	_ = 	snop  }
0x15: {  	[tilespmem:s10], [sflag:$0x2] =	stream.indirect.gather [hbm4b:s4+s9], $0x40, s2, s9, $0xb8;
	[tilespmem:$0x3870] =	vst v63  }
0x16: {  	_ =	swait.ge [sflag:s11], $0x1C00  }
0x17: {  	[sflag:s11] =	ssyncset.done $0x0  }
0x18: {  	[sflag:s11] =	ssyncadd.s32 $0xFFFFE400  }
0x19: {  	_ =	swait.ge [sflag:s12], $0x1C00  }
0x1a: {  	[sflag:s12] =	ssyncset.done $0x0  }
0x1b: {  	s31 =	sadd.s32 $0xFFFFFFF8, s6;
	[sflag:s12] =	ssyncadd.s32 $0xFFFFE400  }
0x1c: {  	[hbm4b:s31+s13] =	stream.strided.scatter [tilespmem:s9], [sflag:$0x3], $0x1C00, s14, s13, $0x38;
	[tilespmem:$0x3870] =	vst v63  }
0x1d: {  	_ =	swait.ge [sflag:s8], $0x1C00  }
0x1e: {  	[sflag:s8] =	ssyncset.done $0x0  }
0x1f: {  	[sflag:s8] =	ssyncadd.s32 $0xFFFFE400  }
0x20: {  	[hbm4b:s6+s13] =	stream.strided.scatter [tilespmem:s10], [sflag:$0x3], $0x1C00, s14, s13, $0x38;
	[tilespmem:$0x3870] =	vst v63  }
0x21: {  	s17 =	simm.s32 $0xE;
	_ =	swait.ge [sflag:s8], $0x1C00  }
0x22: {  	s18 =	simm.s32 $0x1C;
	s16 =	sadd.s32 $0x700, s6;
	[sflag:s8] =	ssyncset.done $0x0  }
.LBB2_2:
0x23: {  	s19 =	sadd.s32 s17, s7  }
0x24: {  	[sflag:s8] =	ssyncadd.s32 $0xFFFFE400;
	s17 =	smov.u32 s18;
	s20 =	sadd.s32 $0xE, s18  }
0x25: {  	[tilespmem:s2], [sflag:$0x3] =	stream.linear.gather [hbm4b:s19+s2], $0x70, $0x38;
	[tilespmem:$0x3870] =	vst v63  }
0x26: {  	p0 =	sne.s32 s18, $0x46;
	_ =	swait.ge [sflag:s8], $0x70  }
0x27: {  	[sflag:s8] =	ssyncset.done $0x0  }
0x28: {  	[sflag:s8] =	ssyncadd.s32 $0xFFFFFF90  }
0x29: {  	[tilespmem:s9], [sflag:$0x1] =	stream.indirect.gather [hbm4b:s3+s9], $0x40, s2, s9, $0xb8;
	[tilespmem:$0x3870] =	vst v63  }
0x2a: {  	_ = 	snop  }
0x2b: {  	[tilespmem:s10], [sflag:$0x2] =	stream.indirect.gather [hbm4b:s4+s9], $0x40, s2, s9, $0xb8;
	[tilespmem:$0x3870] =	vst v63  }
0x2c: {  	_ =	swait.ge [sflag:s11], $0x1C00  }
0x2d: {  	[sflag:s11] =	ssyncset.done $0x0  }
0x2e: {  	[sflag:s11] =	ssyncadd.s32 $0xFFFFE400  }
0x2f: {  	_ =	swait.ge [sflag:s12], $0x1C00  }
0x30: {  	[sflag:s12] =	ssyncset.done $0x0  }
0x31: {  	s18 =	sadd.s32 $0xFFFFFFF8, s16;
	[sflag:s12] =	ssyncadd.s32 $0xFFFFE400  }
0x32: {  	[hbm4b:s18+s13] =	stream.strided.scatter [tilespmem:s9], [sflag:$0x3], $0x1C00, s14, s13, $0x38;
	[tilespmem:$0x3870] =	vst v63  }
0x33: {  	_ =	swait.ge [sflag:s8], $0x1C00  }
.Ltmp0:
0x34: {  	[sflag:s8] =	ssyncset.done $0x0;
	(pc) =	sbr.rel @p0 .LBB2_2-.Ltmp0, $4  }
0x35: {  	[sflag:s8] =	ssyncadd.s32 $0xFFFFE400  }
0x36: {  	[hbm4b:s16+s13] =	stream.strided.scatter [tilespmem:s10], [sflag:$0x3], $0x1C00, s14, s13, $0x38;
	[tilespmem:$0x3870] =	vst v63  }
0x37: {  	_ =	swait.ge [sflag:s8], $0x1C00  }
0x38: {  	s18 =	smov.u32 s20;
	s16 =	sadd.s32 $0x700, s16;
	[sflag:s8] =	ssyncset.done $0x0  }
0x39: {  	s17 =	sadd.s32 s17, s7;
	[sflag:s8] =	ssyncadd.s32 $0xFFFFE400  }
0x3a: {  	[tilespmem:s2], [sflag:$0x3] =	stream.linear.gather [hbm4b:s17+s2], $0x70, $0x38;
	[tilespmem:$0x3870] =	vst v63  }
0x3b: {  	_ =	swait.ge [sflag:s8], $0x70  }
0x3c: {  	[sflag:s8] =	ssyncset.done $0x0  }
0x3d: {  	[sflag:s8] =	ssyncadd.s32 $0xFFFFFF90  }
0x3e: {  	[tilespmem:s9], [sflag:$0x1] =	stream.indirect.gather [hbm4b:s3+s9], $0x40, s2, s9, $0xb8;
	[tilespmem:$0x3870] =	vst v63  }
0x3f: {  	_ = 	snop  }
0x40: {  	[tilespmem:s10], [sflag:$0x2] =	stream.indirect.gather [hbm4b:s4+s9], $0x40, s2, s9, $0xb8;
	[tilespmem:$0x3870] =	vst v63  }
0x41: {  	_ =	swait.ge [sflag:s11], $0x1C00  }
0x42: {  	[sflag:s11] =	ssyncset.done $0x0  }
0x43: {  	[sflag:s11] =	ssyncadd.s32 $0xFFFFE400  }
0x44: {  	_ =	swait.ge [sflag:s12], $0x1C00  }
0x45: {  	[sflag:s12] =	ssyncset.done $0x0  }
0x46: {  	s31 =	sadd.s32 $0xFFFFFFF8, s16;
	[sflag:s12] =	ssyncadd.s32 $0xFFFFE400  }
0x47: {  	[hbm4b:s31+s13] =	stream.strided.scatter [tilespmem:s9], [sflag:$0x3], $0x1C00, s14, s13, $0x38;
	[tilespmem:$0x3870] =	vst v63  }
0x48: {  	s15 =	sadd.s32 $0x1, s15;
	_ =	swait.ge [sflag:s8], $0x1C00  }
0x49: {  	p0 =	sne.s32 s15, s5;
	[sflag:s8] =	ssyncset.done $0x0  }
.Ltmp1:
0x4a: {  	[sflag:s8] =	ssyncadd.s32 $0xFFFFE400;
	(pc) =	sbr.rel @p0 .LBB2_1-.Ltmp1, $4  }
0x4b: {  	[hbm4b:s16+s13] =	stream.strided.scatter [tilespmem:s10], [sflag:$0x3], $0x1C00, s14, s13, $0x38;
	[tilespmem:$0x3870] =	vst v63  }
0x4c: {  	_ =	swait.ge [sflag:s8], $0x1C00  }
0x4d: {  	[sflag:s8] =	ssyncset.done $0x0  }
0x4e: {  	[sflag:s8] =	ssyncadd.s32 $0xFFFFE400  }
0x4f: {  	_ =	sfence.sel $0x180000  }
0x50: {  	[bflag:$0x0] =	sbarrier.arrive $0xFFFF  }
0x51: {  	p0 =	sne.s32 s1, $0x0;
	_ =	strace $0x9000004A  }
0x52: {  	s0 =	sadd.s32 @!p0 $0x100000, s0;
	[bflag:$0x2] =	sbarrier.arrive $0xFFFF  }
0x53: {  	[sflag:s0] =	ssyncadd.tile.s32 @!p0 $0x1;
	_ =	shalt  }
.Lfunc_end2:
_tile_overlayer_lowered:
.L_overlay_start_2:
0x54: {  	(tag) =	ssettag $0x2  }
0x55: {  	s0 =	rddreg [dreg:$0x0];
	s2 =	stileid.u32  }
0x56: {  	s1 =	rddreg [dreg:$0x1];
	p0 =	sne.s32 s2, $0x0  }
0x57: {  	s3 =	rddreg [dreg:$0x2];
	[bflag:$0x3] =	sbarrier.arrive $0xFFFF;
	s2 =	simm.s32 @!p0 $0x1C03  }
0x58: {  	[timem:s3], [sflag:s2] =	dma.local @!p0 [hbm:s0], s1  }
0x59: {  	s0 =	simm.s32 @!p0 $0x3  }
0x5a: {  	_ =	swait.ge @!p0 [sflag:s0], s1  }
0x5b: {  	s1 =	ssub.s32 @!p0 $0x0, s1;
	[sflag:s0] =	ssyncset.done @!p0 $0x0  }
0x5c: {  	[sflag:s0] =	ssyncadd.s32 @!p0 s1  }
0x5d: {  	[bflag:$0x3] =	sbarrier.arrive $0xFFFF  }
0x5e: {  	_ =	shalt  }

// kernel: kernel.15.cloned.1.call-start
scs
__scs_entry_jumppad:
0x0: {  	(pc) =	sbr.rel $0x88, $3  }
0x1: {  	(tag) =	ssettag $0x0;
	lr =	simm.s32 $0x1  }
0x2: {  	[smem:$0x3F84] =	sst lr;
	_ =	strace $0xD0000000  }
0x3: {  	_ = 	snop  }
0x4: {  	_ = 	snop  }
0x5: {  	_ = 	snop  }
0x6: {  	_ = 	snop  }
0x7: {  	_ = 	snop  }
__scs_overlays_trampoline_lowered:
0x8: {  	[smem:$0x3F93] =	sst s0  }
0x9: {  	[smem:$0x3F94] =	sst s1  }
0xa: {  	[smem:$0x3F95] =	sst s2  }
0xb: {  	[smem:$0x3F96] =	sst s3  }
0xc: {  	[smem:$0x3F97] =	sst s4  }
0xd: {  	[smem:$0x3F98] =	sst s5  }
0xe: {  	[smem:$0x3F99] =	sst s6  }
0xf: {  	[smem:$0x3F9A] =	sst s7  }
0x10: {  	[smem:$0x3F9B] =	sst s8  }
0x11: {  	[smem:$0x3F9C] =	sst s9;
	s0 =	simm.s32 @!p0 $0x0  }
0x12: {  	s1 =	sld [smem:$0x3F82];
	s0 =	simm.s32 @p0 $0x1  }
0x13: {  	[smem:$0x3F9D] =	sst s0;
	s0 =	simm.s32 @!p1 $0x0  }
0x14: {  	s2 =	sld [smem:$0x3F81];
	s0 =	simm.s32 @p1 $0x1  }
0x15: {  	[smem:$0x3F9E] =	sst s0;
	s0 =	simm.s32 @!p2 $0x0  }
0x16: {  	s3 =	sld [smem:$0x3FDB];
	s0 =	simm.s32 @p2 $0x1  }
0x17: {  	s4 =	simm.s32 $0x1BF5;
	[smem:$0x3FA0] =	sst s0  }
0x18: {  	s0 =	sld [smem:$0x3F83];
	_ =	swait.ge [sflag:s4], $0x0  }
0x19: {  	s7 =	sld [smem:$0x3F84]  }
0x1a: {  	s8 =	sadd.s32 $0xFFFFE003, lr  }
0x1b: {  	s9 =	sadd.s32 $0xFFFFFEF7, lr;
	s5 =	simm.s32 $0xFFFFFFFF;
	p2 =	slt.u32 s8, $0xFFFFF086  }
0x1c: {  	p1 =	slt.u32 s9, $0xF7A;
	s5 =	simm.s32 @!p2 $0x0  }
0x1d: {  	s5 =	simm.s32 @p1 $0x1;
	p0 =	seq.s32 s7, s2  }
0x1e: {  	s7 =	smul.u32 @!p0 $0xF7A, s2;
	p2 =	seq.s32 @!p0 s5, $0x0  }
0x1f: {  	s9 =	smul.u32 $0xF7A, s1;
	s8 =	simm.s32 @!p0 $0x1BF5;
	p2 =	por !p2, p0  }
0x20: {  	[sflag:s8] =	ssyncset.s32 @!p0 $0xFFFFF086;
	s6 =	sadd.s32 @!p0 s3, s7;
	s7 =	simm.s32 @!p0 $0x108  }
0x21: {  	s3 =	sadd.s32 s3, s9;
	s6 =	sadd.s32 @!p0 $0x88, s6;
	s7 =	simm.s32 @p2 $0x1082  }
0x22: {  	[simem:s7], [sflag:s8] =	dma.local @!p0 [hbm:s6], $0xF7A  }
0x23: {  	s9 =	sor.u32 $0xD0000000, s2;
	s6 =	simm.s32 $0x108;
	_ =	swait.ge @!p0 [sflag:s8], $0x0  }
0x24: {  	s3 =	sadd.s32 $0x88, s3;
	s6 =	simm.s32 @!p1 $0x1082;
	[sflag:s4] =	ssyncset.s32 $0xFFFFF086  }
0x25: {  	[simem:s6], [sflag:s4] =	dma.local [hbm:s3], $0xF7A  }
0x26: {  	[smem:$0x3F84] =	sst s1;
	(tag) =	ssettag s2;
	_ =	strace s9  }
0x27: {  	s1 =	sld [smem:$0x3F94]  }
0x28: {  	s2 =	sld [smem:$0x3F95]  }
0x29: {  	s4 =	sld [smem:$0x3F97]  }
0x2a: {  	p0 =	seq.s32 s5, $0x0;
	s5 =	sld [smem:$0x3F98]  }
0x2b: {  	s6 =	sld [smem:$0x3F99]  }
0x2c: {  	s7 =	sld [smem:$0x3F9A]  }
0x2d: {  	s3 =	simm.s32 $0x108;
	s8 =	sld [smem:$0x3F9B]  }
0x2e: {  	s3 =	simm.s32 @!p0 $0x1082;
	s9 =	sld [smem:$0x3F9C]  }
0x2f: {  	lr =	sadd.s32 s0, s3;
	s0 =	sld [smem:$0x3F93]  }
0x30: {  	s3 =	sld [smem:$0x3F96]  }
0x31: {  	[smem:$0x3F9F] =	sst s10  }
0x32: {  	s10 =	sld [smem:$0x3F9D];
	_ =	sdelay $0x3  }
0x33: {  	p0 =	seq.s32 s10, $0x1;
	s10 =	sld [smem:$0x3F9F];
	_ =	sdelay $0x3  }
0x34: {  	[smem:$0x3F9F] =	sst s10  }
0x35: {  	s10 =	sld [smem:$0x3F9E];
	_ =	sdelay $0x3  }
0x36: {  	p1 =	seq.s32 s10, $0x1;
	s10 =	sld [smem:$0x3F9F];
	_ =	sdelay $0x3  }
0x37: {  	[smem:$0x3F9F] =	sst s10  }
0x38: {  	s10 =	sld [smem:$0x3FA0]  }
0x39: {  	_ = 	snop;
	(pc) =	sbr.ind lr, $3  }
0x3a: {  	_ = 	snop  }
0x3b: {  	_ = 	snop  }
0x3c: {  	p2 =	seq.s32 s10, $0x1;
	s10 =	sld [smem:$0x3F9F]  }
0x3d: {  	_ =	shalt  }
0x3e: {  	_ =	shalt  }
0x3f: {  	_ =	shalt  }
0x40: {  	_ =	shalt  }
0x41: {  	_ =	shalt  }
0x42: {  	_ =	shalt  }
0x43: {  	_ =	shalt  }
0x44: {  	_ =	shalt  }
0x45: {  	_ =	shalt  }
0x46: {  	_ =	shalt  }
0x47: {  	_ =	shalt  }
0x48: {  	_ =	shalt  }
0x49: {  	_ =	shalt  }
0x4a: {  	_ =	shalt  }
0x4b: {  	_ =	shalt  }
0x4c: {  	_ =	shalt  }
0x4d: {  	_ =	shalt  }
0x4e: {  	_ =	shalt  }
0x4f: {  	_ =	shalt  }
0x50: {  	_ =	shalt  }
0x51: {  	_ =	shalt  }
0x52: {  	_ =	shalt  }
0x53: {  	_ =	shalt  }
0x54: {  	_ =	shalt  }
0x55: {  	_ =	shalt  }
0x56: {  	_ =	shalt  }
0x57: {  	_ =	shalt  }
0x58: {  	_ =	shalt  }
0x59: {  	_ =	shalt  }
0x5a: {  	_ =	shalt  }
0x5b: {  	_ =	shalt  }
0x5c: {  	_ =	shalt  }
0x5d: {  	_ =	shalt  }
0x5e: {  	_ =	shalt  }
0x5f: {  	_ =	shalt  }
0x60: {  	_ =	shalt  }
0x61: {  	_ =	shalt  }
0x62: {  	_ =	shalt  }
0x63: {  	_ =	shalt  }
0x64: {  	_ =	shalt  }
0x65: {  	_ =	shalt  }
0x66: {  	_ =	shalt  }
0x67: {  	_ =	shalt  }
0x68: {  	_ =	shalt  }
0x69: {  	_ =	shalt  }
0x6a: {  	_ =	shalt  }
0x6b: {  	_ =	shalt  }
0x6c: {  	_ =	shalt  }
0x6d: {  	_ =	shalt  }
0x6e: {  	_ =	shalt  }
0x6f: {  	_ =	shalt  }
0x70: {  	_ =	shalt  }
0x71: {  	_ =	shalt  }
0x72: {  	_ =	shalt  }
0x73: {  	_ =	shalt  }
0x74: {  	_ =	shalt  }
0x75: {  	_ =	shalt  }
0x76: {  	_ =	shalt  }
0x77: {  	_ =	shalt  }
0x78: {  	_ =	shalt  }
0x79: {  	_ =	shalt  }
0x7a: {  	_ =	shalt  }
0x7b: {  	_ =	shalt  }
0x7c: {  	_ =	shalt  }
0x7d: {  	_ =	shalt  }
0x7e: {  	_ =	shalt  }
0x7f: {  	_ =	shalt  }
0x80: {  	_ =	shalt  }
0x81: {  	_ =	shalt  }
0x82: {  	_ =	shalt  }
0x83: {  	_ =	shalt  }
0x84: {  	_ =	shalt  }
0x85: {  	_ =	shalt  }
0x86: {  	_ =	shalt  }
0x87: {  	_ =	shalt  }
.Lfunc_end0:
.L_simem_size_0:
called_computation.2_lowered:
.L_overlay_start_0:
0x88: {  	s2 =	sld [smem:$0x3FD9]  }
0x89: {  	s3 =	sld [smem:$0x3FFE];
	_ =	sdelay $0x1  }
0x8a: {  	s1 =	srdreg.scid  }
0x8b: {  	s0 =	sand.u32 $0x1, s1  }
0x8c: {  	s16 =	sshll.u32 s0, $0xA;
	s2 =	sadd.s32 s3, s2  }
0x8d: {  	s2 =	sadd.s32 s2, s16  }
0x8e: {  	[smem:$0x3FAB] =	sst s2  }
0x8f: {  	_ = 	snop  }
0x90: {  	(tm) =	ssettm $0x1  }
0x91: {  	s17 =	sld [smem:$0x3FFB];
	_ =	sdelay $0x3  }
0x92: {  	_ =	strace s17  }
0x93: {  	s2 =	sld [smem:$0x3FFC];
	_ =	sdelay $0x3  }
0x94: {  	_ =	strace s2  }
0x95: {  	s2 =	sld [smem:$0x3FFD];
	_ =	sdelay $0x3  }
0x96: {  	_ =	strace s2  }
0x97: {  	_ =	strace $0x8FFFFFFF  }
0x98: {  	s18 =	sld [smem:$0x3FDB];
	_ =	sdelay $0x1  }
0x99: {  	s19 =	simm.s32 $_scs_section_size  }
0x9a: {  	s4 =	simm.s32 $_size__tile_overlayer_lowered;
	s5 =	simm.s32 $_tile_overlayer_lowered  }
0x9b: {  	s22 =	simm.s32 $0x1BFF;
	s21 =	sshll.u32 s5, $0x1;
	s2 =	sadd.s32 s19, s18  }
0x9c: {  	s6 =	simm.s32 $0x0;
	s20 =	sshll.u32 s4, $0x1;
	s4 =	sadd.s32 s21, s2  }
0x9d: {  	[timem:s6], [sflag:s22] =	dma.local [hbm:s4], s20  }
0x9e: {  	_ =	swait.ge [sflag:s22], s20  }
0x9f: {  	s3 =	ssub.s32 $0x0, s20;
	[sflag:s22] =	ssyncset.done $0x0  }
0xa0: {  	[sflag:s22] =	ssyncadd.s32 s3;
	_ =	sdelay $0x1  }
0xa1: {  	s23 =	simm.s32 $0x1B8B  }
0xa2: {  	_ =	swait.ge [sflag:s23], $0x1  }
0xa3: {  	[sflag:s23] =	ssyncset.done $0x0  }
0xa4: {  	s25 =	simm.s32 $0x1B8E;
	s24 =	sld [smem:$0x3FFE];
	[sflag:s23] =	ssyncadd.s32 $0xFFFFFFFF  }
0xa5: {  	s26 =	simm.s32 $execute0_lowered;
	[smem:$0x3FD2] =	sst s25  }
0xa6: {  	s4 =	sshll.u32 s26, $0x1;
	_ =	strace $0x8000004C;
	[dreg:$0x1] =	wrdreg $0xFFFFFFFF  }
0xa7: {  	s28 =	simm.s32 $_size_execute0_lowered;
	s2 =	sadd.s32 s2, s4;
	[dreg:$0x0] =	wrdreg $0x0  }
0xa8: {  	s4 =	sshll.u32 s28, $0x1;
	[dreg:$0x2] =	wrdreg s2  }
0xa9: {  	[dreg:$0x3] =	wrdreg s4  }
0xaa: {  	[dreg:$0x4] =	wrdreg $0xC0  }
0xab: {  	_ =	task [dreg:s6], $0x5FFFF  }
0xac: {  	[dreg:$0x1] =	wrdreg $0xFFFFFFFF  }
0xad: {  	[dreg:$0x0] =	wrdreg $0x60  }
0xae: {  	[dreg:$0x2] =	wrdreg s24  }
0xaf: {  	[dreg:$0x3] =	wrdreg $0x9  }
0xb0: {  	_ =	task.clear_ibuf [dreg:s6], $0x4FFFF;
	_ =	strace $0x9000004C  }
0xb1: {  	s29 =	simm.s32 $0x9;
	_ =	strace $0x8000004E  }
0xb2: {  	_ =	swait.ge [sflag:s29], $0x1  }
0xb3: {  	[sflag:s29] =	ssyncadd.s32 $0xFFFFFFFF  }
0xb4: {  	_ =	strace $0x9000004E  }
0xb5: {  	_ =	sfence  }
0xb6: {  	s30 =	sld [smem:$0x0];
	_ =	sdelay $0x2  }
0xb7: {  	s31 =	sshll.u32 s1, $0xD;
	s1 =	sshrl.u32 s1, $0x2  }
0xb8: {  	s3 =	sand.u32 $0x4000, s31;
	s1 =	sadd.s32 s1, s30  }
0xb9: {  	s0 =	sor.u32 s3, s0;
	s1 =	sshll.u32 s1, $0x11  }
0xba: {  	s0 =	sor.u32 s1, s0  }
0xbb: {  	s0 =	sadd.s32 $0x8F2B, s0  }
0xbc: {  	[sflag:s0] =	ssyncadd.remote.s32 $0x1  }
0xbd: {  	_ =	sfence.sel $0xFFFF  }
0xbe: {  	[dreg:$0x0] =	wrdreg $0xFFFFFFFF;
	(pc) =	sbr.abs _section_cstart, $3  }
0xbf: {  	[dreg:$0x1] =	wrdreg $0xFFFFFFFF  }
0xc0: {  	_ =	task.clear_ibuf [dreg:s6], $0x2FFFF;
	_ =	strace $0x9FFFFFFF  }
0xc1: {  	(tm) =	ssettm $0x7FFFFFFF  }
tec
execute0_lowered:
.L_overlay_start_1:
0x0: {  	(tag) =	ssettag $0x1  }
0x1: {  	s5 =	rddreg [dreg:$0x0]  }
0x2: {  	s0 =	rddreg [dreg:$0x1]  }
0x3: {  	s2 =	simm.s32 $0x0;
	s3 =	srdreg.scid;
	s1 =	stileid.u32  }
0x4: {  	s16 =	simm.s32 $0xF0;
	s17 =	simm.s32 $0x1;
	s18 =	simm.s32 $0x1EF0  }
0x5: {  	s19 =	simm.s32 $0x2;
	s20 =	simm.s32 $0x3;
	s21 =	simm.s32 $0x4  }
0x6: {  	s22 =	simm.s32 $0x0;
	[smem:$0x7FF] =	sst s2;
	s12 =	smul.u32 $0x3480, s1  }
0x7: {  	s10 =	sand.u32 $0x1, s3;
	s3 =	sadd.s32 $0x11FC00, s5;
	s30 =	smul.u32 $0x1A400, s1  }
0x8: {  	s4 =	sshll.u32 s1, $0x1;
	s11 =	sadd.s32 $0x52B200, s5;
	s14 =	smul.u32 $0x1A40, s10  }
0x9: {  	s6 =	sor.u32 s10, s4;
	s7 =	ssub.s32 $0x2, s10;
	s15 =	smul.u32 $0xD200, s10  }
0xa: {  	_ =	strace $0x8000004D;
	s8 =	smul.u32 $0x1A40, s6;
	s23 =	sshrl.u32 s7, $0x1  }
0xb: {  	s4 =	sadd.s32 $0x5C600, s5;
	s9 =	smul.u32 $0xD200, s6;
	s24 =	ssub.s32 s7, s23  }
0xc: {  	s12 =	sadd.s32 s14, s12;
	s14 =	sadd.s32 s30, s11;
	s25 =	sshrl.u32 s8, $0x3  }
0xd: {  	s13 =	sadd.s32 $0x19C8, s8;
	s6 =	smax.u32 s24, $0x1;
	s26 =	sadd.s32 s11, s9  }
0xe: {  	s29 =	sadd.s32 $0x78, s12;
	s10 =	sadd.s32 $0xF0, s12;
	s5 =	sadd.s32 s4, s25  }
0xf: {  	s8 =	sshrl.u32 s13, $0x3;
	s7 =	sadd.s32 $0xCA80, s26;
	s28 =	sshll.u32 s13, $0x3  }
0x10: {  	s13 =	sshrl.u32 s29, $0x3;
	s8 =	sadd.s32 s4, s8;
	s9 =	sadd.s32 s11, s28  }
0x11: {  	s31 =	sshll.u32 s13, $0x6;
	s12 =	sadd.s32 s13, s4;
	s13 =	sadd.s32 s15, s14  }
0x12: {  	s14 =	simm.s32 $0x5;
	s15 =	simm.s32 $0x78;
	s11 =	sadd.s32 s31, s11  }
.LBB2_1:
0x13: {  	[tilespmem:s2], [sflag:$0x5] =	stream.linear.gather [hbm4b:s5+s2], $0x78, $0x38;
	[tilespmem:$0x3CF0] =	vst v63  }
0x14: {  	_ =	swait.ge [sflag:s14], $0x78  }
0x15: {  	[sflag:s14] =	ssyncset.done $0x0  }
0x16: {  	[sflag:s14] =	ssyncadd.s32 $0xFFFFFF88  }
0x17: {  	[tilespmem:s16], [sflag:$0x1] =	stream.indirect.gather [hbm4b:s3+s15], $0x40, s2, s15, $0xb8;
	[tilespmem:$0x3CF0] =	vst v63  }
0x18: {  	_ =	swait.ge [sflag:s17], $0x1E00  }
0x19: {  	[sflag:s17] =	ssyncset.done $0x0  }
0x1a: {  	s23 =	sadd.s32 $0x0, s13;
	[sflag:s17] =	ssyncadd.s32 $0xFFFFE200  }
0x1b: {  	[hbm4b:s23+s2] =	stream.linear.scatter [tilespmem:s16], [sflag:$0x3], $0x1E00, $0x38;
	[tilespmem:$0x3CF0] =	vst v63  }
0x1c: {  	_ = 	snop  }
0x1d: {  	[tilespmem:s15], [sflag:$0x5] =	stream.linear.gather [hbm4b:s12+s2], $0x78, $0x38;
	[tilespmem:$0x3CF0] =	vst v63  }
0x1e: {  	_ =	swait.ge [sflag:s14], $0x78  }
0x1f: {  	[sflag:s14] =	ssyncset.done $0x0  }
0x20: {  	[sflag:s14] =	ssyncadd.s32 $0xFFFFFF88  }
0x21: {  	[tilespmem:s18], [sflag:$0x2] =	stream.indirect.gather [hbm4b:s3+s15], $0x40, s15, s15, $0xb8;
	[tilespmem:$0x3CF0] =	vst v63  }
0x22: {  	_ =	swait.ge [sflag:s19], $0x1E00  }
0x23: {  	[sflag:s19] =	ssyncset.done $0x0  }
0x24: {  	s30 =	sadd.s32 $0x0, s11;
	[sflag:s19] =	ssyncadd.s32 $0xFFFFE200  }
0x25: {  	[hbm4b:s30+s2] =	stream.linear.scatter [tilespmem:s18], [sflag:$0x4], $0x1E00, $0x38;
	[tilespmem:$0x3CF0] =	vst v63  }
0x26: {  	_ =	swait.ge [sflag:s20], $0x1E00  }
0x27: {  	s31 =	sshrl.u32 s10, $0x3;
	[sflag:s20] =	ssyncset.done $0x0  }
0x28: {  	s23 =	sadd.s32 s4, s31;
	[sflag:s20] =	ssyncadd.s32 $0xFFFFE200  }
0x29: {  	[tilespmem:s2], [sflag:$0x5] =	stream.linear.gather [hbm4b:s23+s2], $0x78, $0x38;
	[tilespmem:$0x3CF0] =	vst v63  }
0x2a: {  	_ =	swait.ge [sflag:s14], $0x78  }
0x2b: {  	[sflag:s14] =	ssyncset.done $0x0  }
0x2c: {  	[sflag:s14] =	ssyncadd.s32 $0xFFFFFF88  }
0x2d: {  	[tilespmem:s16], [sflag:$0x1] =	stream.indirect.gather [hbm4b:s3+s15], $0x40, s2, s15, $0xb8;
	[tilespmem:$0x3CF0] =	vst v63  }
0x2e: {  	s24 =	smov.u32 s10;
	_ =	swait.ge [sflag:s21], $0x1E00  }
0x2f: {  	s25 =	smov.u32 s12;
	s23 =	simm.s32 $0x780;
	[sflag:s21] =	ssyncset.done $0x0  }
.LBB2_2:
0x30: {  	[sflag:s21] =	ssyncadd.s32 $0xFFFFE200  }
0x31: {  	s24 =	sadd.s32 $0xF0, s24;
	s25 =	sadd.s32 $0x1E, s25;
	s26 =	smov.u32 s23  }
0x32: {  	p0 =	sne.s32 s23, $0xC300;
	s23 =	sadd.s32 $0x780, s23;
	_ =	swait.ge [sflag:s17], $0x1E00  }
0x33: {  	[sflag:s17] =	ssyncset.done $0x0  }
0x34: {  	s28 =	sadd.s32 s26, s13;
	[sflag:s17] =	ssyncadd.s32 $0xFFFFE200  }
0x35: {  	[hbm4b:s28+s2] =	stream.linear.scatter [tilespmem:s16], [sflag:$0x3], $0x1E00, $0x38;
	[tilespmem:$0x3CF0] =	vst v63  }
0x36: {  	_ = 	snop  }
0x37: {  	[tilespmem:s15], [sflag:$0x5] =	stream.linear.gather [hbm4b:s25+s2], $0x78, $0x38;
	[tilespmem:$0x3CF0] =	vst v63  }
0x38: {  	_ =	swait.ge [sflag:s14], $0x78  }
0x39: {  	[sflag:s14] =	ssyncset.done $0x0  }
0x3a: {  	[sflag:s14] =	ssyncadd.s32 $0xFFFFFF88  }
0x3b: {  	[tilespmem:s18], [sflag:$0x2] =	stream.indirect.gather [hbm4b:s3+s15], $0x40, s15, s15, $0xb8;
	[tilespmem:$0x3CF0] =	vst v63  }
0x3c: {  	_ =	swait.ge [sflag:s19], $0x1E00  }
0x3d: {  	[sflag:s19] =	ssyncset.done $0x0  }
0x3e: {  	s26 =	sadd.s32 s26, s11;
	[sflag:s19] =	ssyncadd.s32 $0xFFFFE200  }
0x3f: {  	[hbm4b:s26+s2] =	stream.linear.scatter [tilespmem:s18], [sflag:$0x4], $0x1E00, $0x38;
	[tilespmem:$0x3CF0] =	vst v63  }
0x40: {  	_ =	swait.ge [sflag:s20], $0x1E00  }
0x41: {  	s26 =	sshrl.u32 s24, $0x3;
	[sflag:s20] =	ssyncset.done $0x0  }
0x42: {  	s26 =	sadd.s32 s4, s26;
	[sflag:s20] =	ssyncadd.s32 $0xFFFFE200  }
0x43: {  	[tilespmem:s2], [sflag:$0x5] =	stream.linear.gather [hbm4b:s26+s2], $0x78, $0x38;
	[tilespmem:$0x3CF0] =	vst v63  }
0x44: {  	_ =	swait.ge [sflag:s14], $0x78  }
.Ltmp0:
0x45: {  	[sflag:s14] =	ssyncset.done $0x0;
	(pc) =	sbr.rel @p0 .LBB2_2-.Ltmp0, $4  }
0x46: {  	[sflag:s14] =	ssyncadd.s32 $0xFFFFFF88  }
0x47: {  	[tilespmem:s16], [sflag:$0x1] =	stream.indirect.gather [hbm4b:s3+s15], $0x40, s2, s15, $0xb8;
	[tilespmem:$0x3CF0] =	vst v63  }
0x48: {  	_ =	swait.ge [sflag:s21], $0x1E00  }
0x49: {  	[sflag:s21] =	ssyncset.done $0x0  }
0x4a: {  	[sflag:s21] =	ssyncadd.s32 $0xFFFFE200  }
0x4b: {  	_ =	swait.ge [sflag:s17], $0x1E00  }
0x4c: {  	[sflag:s17] =	ssyncset.done $0x0  }
0x4d: {  	[sflag:s17] =	ssyncadd.s32 $0xFFFFE200  }
0x4e: {  	[hbm4b:s7+s2] =	stream.linear.scatter [tilespmem:s16], [sflag:$0x3], $0x1E00, $0x38;
	[tilespmem:$0x3CF0] =	vst v63  }
0x4f: {  	_ = 	snop  }
0x50: {  	[tilespmem:s15], [sflag:$0x5] =	stream.linear.gather [hbm4b:s8+s2], $0x78, $0x38;
	[tilespmem:$0x3CF0] =	vst v63  }
0x51: {  	_ =	swait.ge [sflag:s14], $0x78  }
0x52: {  	[sflag:s14] =	ssyncset.done $0x0  }
0x53: {  	[sflag:s14] =	ssyncadd.s32 $0xFFFFFF88  }
0x54: {  	[tilespmem:s18], [sflag:$0x2] =	stream.indirect.gather [hbm4b:s3+s15], $0x40, s15, s15, $0xb8;
	[tilespmem:$0x3CF0] =	vst v63  }
0x55: {  	_ =	swait.ge [sflag:s19], $0x1E00  }
0x56: {  	[sflag:s19] =	ssyncset.done $0x0  }
0x57: {  	s22 =	sadd.s32 $0x1, s22;
	[sflag:s19] =	ssyncadd.s32 $0xFFFFE200  }
0x58: {  	[hbm4b:s9+s2] =	stream.linear.scatter [tilespmem:s18], [sflag:$0x4], $0x1E00, $0x38;
	[tilespmem:$0x3CF0] =	vst v63  }
0x59: {  	p0 =	sne.s32 s22, s6;
	_ =	swait.ge [sflag:s20], $0x1E00  }
.Ltmp1:
0x5a: {  	[sflag:s20] =	ssyncset.done $0x0;
	(pc) =	sbr.rel @p0 .LBB2_1-.Ltmp1, $4  }
0x5b: {  	[sflag:s20] =	ssyncadd.s32 $0xFFFFE200  }
0x5c: {  	_ =	swait.ge [sflag:s21], $0x1E00  }
0x5d: {  	[sflag:s21] =	ssyncset.done $0x0  }
0x5e: {  	[sflag:s21] =	ssyncadd.s32 $0xFFFFE200  }
0x5f: {  	_ =	sfence.sel $0x180000  }
0x60: {  	[bflag:$0x0] =	sbarrier.arrive $0xFFFF  }
0x61: {  	p0 =	sne.s32 s1, $0x0;
	_ =	strace $0x9000004D  }
0x62: {  	s0 =	sadd.s32 @!p0 $0x100000, s0;
	[bflag:$0x2] =	sbarrier.arrive $0xFFFF  }
0x63: {  	[sflag:s0] =	ssyncadd.tile.s32 @!p0 $0x1;
	_ =	shalt  }
.Lfunc_end2:
_tile_overlayer_lowered:
.L_overlay_start_2:
0x64: {  	(tag) =	ssettag $0x2  }
0x65: {  	s0 =	rddreg [dreg:$0x0];
	s2 =	stileid.u32  }
0x66: {  	s1 =	rddreg [dreg:$0x1];
	p0 =	sne.s32 s2, $0x0  }
0x67: {  	s3 =	rddreg [dreg:$0x2];
	[bflag:$0x3] =	sbarrier.arrive $0xFFFF;
	s2 =	simm.s32 @!p0 $0x1C05  }
0x68: {  	[timem:s3], [sflag:s2] =	dma.local @!p0 [hbm:s0], s1  }
0x69: {  	s0 =	simm.s32 @!p0 $0x5  }
0x6a: {  	_ =	swait.ge @!p0 [sflag:s0], s1  }
0x6b: {  	s1 =	ssub.s32 @!p0 $0x0, s1;
	[sflag:s0] =	ssyncset.done @!p0 $0x0  }
0x6c: {  	[sflag:s0] =	ssyncadd.s32 @!p0 s1  }
0x6d: {  	[bflag:$0x3] =	sbarrier.arrive $0xFFFF  }
0x6e: {  	_ =	shalt  }

// kernel: kernel.18.cloned.1.call-start
scs
__scs_entry_jumppad:
0x0: {  	(pc) =	sbr.rel $0x88, $3  }
0x1: {  	(tag) =	ssettag $0x0;
	lr =	simm.s32 $0x1  }
0x2: {  	[smem:$0x3F84] =	sst lr;
	_ =	strace $0xD0000000  }
0x3: {  	_ = 	snop  }
0x4: {  	_ = 	snop  }
0x5: {  	_ = 	snop  }
0x6: {  	_ = 	snop  }
0x7: {  	_ = 	snop  }
__scs_overlays_trampoline_lowered:
0x8: {  	[smem:$0x3F93] =	sst s0  }
0x9: {  	[smem:$0x3F94] =	sst s1  }
0xa: {  	[smem:$0x3F95] =	sst s2  }
0xb: {  	[smem:$0x3F96] =	sst s3  }
0xc: {  	[smem:$0x3F97] =	sst s4  }
0xd: {  	[smem:$0x3F98] =	sst s5  }
0xe: {  	[smem:$0x3F99] =	sst s6  }
0xf: {  	[smem:$0x3F9A] =	sst s7  }
0x10: {  	[smem:$0x3F9B] =	sst s8  }
0x11: {  	[smem:$0x3F9C] =	sst s9;
	s0 =	simm.s32 @!p0 $0x0  }
0x12: {  	s1 =	sld [smem:$0x3F82];
	s0 =	simm.s32 @p0 $0x1  }
0x13: {  	[smem:$0x3F9D] =	sst s0;
	s0 =	simm.s32 @!p1 $0x0  }
0x14: {  	s2 =	sld [smem:$0x3F81];
	s0 =	simm.s32 @p1 $0x1  }
0x15: {  	[smem:$0x3F9E] =	sst s0;
	s0 =	simm.s32 @!p2 $0x0  }
0x16: {  	s3 =	sld [smem:$0x3FDB];
	s0 =	simm.s32 @p2 $0x1  }
0x17: {  	s4 =	simm.s32 $0x1BF5;
	[smem:$0x3FA0] =	sst s0  }
0x18: {  	s0 =	sld [smem:$0x3F83];
	_ =	swait.ge [sflag:s4], $0x0  }
0x19: {  	s7 =	sld [smem:$0x3F84]  }
0x1a: {  	s8 =	sadd.s32 $0xFFFFE003, lr  }
0x1b: {  	s9 =	sadd.s32 $0xFFFFFEF7, lr;
	s5 =	simm.s32 $0xFFFFFFFF;
	p2 =	slt.u32 s8, $0xFFFFF086  }
0x1c: {  	p1 =	slt.u32 s9, $0xF7A;
	s5 =	simm.s32 @!p2 $0x0  }
0x1d: {  	s5 =	simm.s32 @p1 $0x1;
	p0 =	seq.s32 s7, s2  }
0x1e: {  	s7 =	smul.u32 @!p0 $0xF7A, s2;
	p2 =	seq.s32 @!p0 s5, $0x0  }
0x1f: {  	s9 =	smul.u32 $0xF7A, s1;
	s8 =	simm.s32 @!p0 $0x1BF5;
	p2 =	por !p2, p0  }
0x20: {  	[sflag:s8] =	ssyncset.s32 @!p0 $0xFFFFF086;
	s6 =	sadd.s32 @!p0 s3, s7;
	s7 =	simm.s32 @!p0 $0x108  }
0x21: {  	s3 =	sadd.s32 s3, s9;
	s6 =	sadd.s32 @!p0 $0x88, s6;
	s7 =	simm.s32 @p2 $0x1082  }
0x22: {  	[simem:s7], [sflag:s8] =	dma.local @!p0 [hbm:s6], $0xF7A  }
0x23: {  	s9 =	sor.u32 $0xD0000000, s2;
	s6 =	simm.s32 $0x108;
	_ =	swait.ge @!p0 [sflag:s8], $0x0  }
0x24: {  	s3 =	sadd.s32 $0x88, s3;
	s6 =	simm.s32 @!p1 $0x1082;
	[sflag:s4] =	ssyncset.s32 $0xFFFFF086  }
0x25: {  	[simem:s6], [sflag:s4] =	dma.local [hbm:s3], $0xF7A  }
0x26: {  	[smem:$0x3F84] =	sst s1;
	(tag) =	ssettag s2;
	_ =	strace s9  }
0x27: {  	s1 =	sld [smem:$0x3F94]  }
0x28: {  	s2 =	sld [smem:$0x3F95]  }
0x29: {  	s4 =	sld [smem:$0x3F97]  }
0x2a: {  	p0 =	seq.s32 s5, $0x0;
	s5 =	sld [smem:$0x3F98]  }
0x2b: {  	s6 =	sld [smem:$0x3F99]  }
0x2c: {  	s7 =	sld [smem:$0x3F9A]  }
0x2d: {  	s3 =	simm.s32 $0x108;
	s8 =	sld [smem:$0x3F9B]  }
0x2e: {  	s3 =	simm.s32 @!p0 $0x1082;
	s9 =	sld [smem:$0x3F9C]  }
0x2f: {  	lr =	sadd.s32 s0, s3;
	s0 =	sld [smem:$0x3F93]  }
0x30: {  	s3 =	sld [smem:$0x3F96]  }
0x31: {  	[smem:$0x3F9F] =	sst s10  }
0x32: {  	s10 =	sld [smem:$0x3F9D];
	_ =	sdelay $0x3  }
0x33: {  	p0 =	seq.s32 s10, $0x1;
	s10 =	sld [smem:$0x3F9F];
	_ =	sdelay $0x3  }
0x34: {  	[smem:$0x3F9F] =	sst s10  }
0x35: {  	s10 =	sld [smem:$0x3F9E];
	_ =	sdelay $0x3  }
0x36: {  	p1 =	seq.s32 s10, $0x1;
	s10 =	sld [smem:$0x3F9F];
	_ =	sdelay $0x3  }
0x37: {  	[smem:$0x3F9F] =	sst s10  }
0x38: {  	s10 =	sld [smem:$0x3FA0]  }
0x39: {  	_ = 	snop;
	(pc) =	sbr.ind lr, $3  }
0x3a: {  	_ = 	snop  }
0x3b: {  	_ = 	snop  }
0x3c: {  	p2 =	seq.s32 s10, $0x1;
	s10 =	sld [smem:$0x3F9F]  }
0x3d: {  	_ =	shalt  }
0x3e: {  	_ =	shalt  }
0x3f: {  	_ =	shalt  }
0x40: {  	_ =	shalt  }
0x41: {  	_ =	shalt  }
0x42: {  	_ =	shalt  }
0x43: {  	_ =	shalt  }
0x44: {  	_ =	shalt  }
0x45: {  	_ =	shalt  }
0x46: {  	_ =	shalt  }
0x47: {  	_ =	shalt  }
0x48: {  	_ =	shalt  }
0x49: {  	_ =	shalt  }
0x4a: {  	_ =	shalt  }
0x4b: {  	_ =	shalt  }
0x4c: {  	_ =	shalt  }
0x4d: {  	_ =	shalt  }
0x4e: {  	_ =	shalt  }
0x4f: {  	_ =	shalt  }
0x50: {  	_ =	shalt  }
0x51: {  	_ =	shalt  }
0x52: {  	_ =	shalt  }
0x53: {  	_ =	shalt  }
0x54: {  	_ =	shalt  }
0x55: {  	_ =	shalt  }
0x56: {  	_ =	shalt  }
0x57: {  	_ =	shalt  }
0x58: {  	_ =	shalt  }
0x59: {  	_ =	shalt  }
0x5a: {  	_ =	shalt  }
0x5b: {  	_ =	shalt  }
0x5c: {  	_ =	shalt  }
0x5d: {  	_ =	shalt  }
0x5e: {  	_ =	shalt  }
0x5f: {  	_ =	shalt  }
0x60: {  	_ =	shalt  }
0x61: {  	_ =	shalt  }
0x62: {  	_ =	shalt  }
0x63: {  	_ =	shalt  }
0x64: {  	_ =	shalt  }
0x65: {  	_ =	shalt  }
0x66: {  	_ =	shalt  }
0x67: {  	_ =	shalt  }
0x68: {  	_ =	shalt  }
0x69: {  	_ =	shalt  }
0x6a: {  	_ =	shalt  }
0x6b: {  	_ =	shalt  }
0x6c: {  	_ =	shalt  }
0x6d: {  	_ =	shalt  }
0x6e: {  	_ =	shalt  }
0x6f: {  	_ =	shalt  }
0x70: {  	_ =	shalt  }
0x71: {  	_ =	shalt  }
0x72: {  	_ =	shalt  }
0x73: {  	_ =	shalt  }
0x74: {  	_ =	shalt  }
0x75: {  	_ =	shalt  }
0x76: {  	_ =	shalt  }
0x77: {  	_ =	shalt  }
0x78: {  	_ =	shalt  }
0x79: {  	_ =	shalt  }
0x7a: {  	_ =	shalt  }
0x7b: {  	_ =	shalt  }
0x7c: {  	_ =	shalt  }
0x7d: {  	_ =	shalt  }
0x7e: {  	_ =	shalt  }
0x7f: {  	_ =	shalt  }
0x80: {  	_ =	shalt  }
0x81: {  	_ =	shalt  }
0x82: {  	_ =	shalt  }
0x83: {  	_ =	shalt  }
0x84: {  	_ =	shalt  }
0x85: {  	_ =	shalt  }
0x86: {  	_ =	shalt  }
0x87: {  	_ =	shalt  }
.Lfunc_end0:
.L_simem_size_0:
called_computation.3_lowered:
.L_overlay_start_0:
0x88: {  	s2 =	sld [smem:$0x3FD9]  }
0x89: {  	s3 =	sld [smem:$0x3FFE];
	_ =	sdelay $0x1  }
0x8a: {  	s1 =	srdreg.scid  }
0x8b: {  	s0 =	sand.u32 $0x1, s1  }
0x8c: {  	s17 =	sshll.u32 s0, $0xA;
	s2 =	sadd.s32 s3, s2  }
0x8d: {  	s2 =	sadd.s32 s2, s17  }
0x8e: {  	[smem:$0x3FAB] =	sst s2  }
0x8f: {  	_ = 	snop  }
0x90: {  	(tm) =	ssettm $0x1  }
0x91: {  	s18 =	sld [smem:$0x3FFB];
	_ =	sdelay $0x3  }
0x92: {  	_ =	strace s18  }
0x93: {  	s2 =	sld [smem:$0x3FFC];
	_ =	sdelay $0x3  }
0x94: {  	_ =	strace s2  }
0x95: {  	s2 =	sld [smem:$0x3FFD];
	_ =	sdelay $0x3  }
0x96: {  	_ =	strace s2  }
0x97: {  	_ =	strace $0x8FFFFFFF  }
0x98: {  	s19 =	sld [smem:$0x3FDB];
	_ =	sdelay $0x1  }
0x99: {  	s20 =	simm.s32 $_scs_section_size  }
0x9a: {  	s4 =	simm.s32 $_size__tile_overlayer_lowered;
	s5 =	simm.s32 $_tile_overlayer_lowered  }
0x9b: {  	s6 =	simm.s32 $0x1BFF;
	s21 =	sshll.u32 s5, $0x1;
	s3 =	sadd.s32 s20, s19  }
0x9c: {  	s22 =	simm.s32 $0x0;
	s4 =	sshll.u32 s4, $0x1;
	s5 =	sadd.s32 s21, s3  }
0x9d: {  	[timem:s22], [sflag:s6] =	dma.local [hbm:s5], s4  }
0x9e: {  	_ =	swait.ge [sflag:s6], s4  }
0x9f: {  	s4 =	ssub.s32 $0x0, s4;
	[sflag:s6] =	ssyncset.done $0x0  }
0xa0: {  	[sflag:s6] =	ssyncadd.s32 s4;
	_ =	sdelay $0x1  }
0xa1: {  	s23 =	simm.s32 $0x1B8B  }
0xa2: {  	_ =	swait.ge [sflag:s23], $0x1  }
0xa3: {  	[sflag:s23] =	ssyncset.done $0x0  }
0xa4: {  	[sflag:s23] =	ssyncadd.s32 $0xFFFFFFFF  }
0xa5: {  	s4 =	sld [smem:$0x0]  }
0xa6: {  	s5 =	sand.u32 $0xFFFFFFFE, s1  }
0xa7: {  	p0 =	sne.s32 s1, s5  }
0xa8: {  	s5 =	sshll.u32 @p0 s5, $0xE  }
0xa9: {  	s5 =	sadd.s32 @p0 $0x11B8D, s5;
	s6 =	sshll.u32 @p0 s4, $0x11  }
0xaa: {  	s5 =	sor.u32 @p0 s6, s5  }
0xab: {  	[sflag:s5] =	ssyncadd.remote.s32 @p0 $0x1;
	_ =	sdelay $0x1  }
0xac: {  	s5 =	simm.s32 @p0 $0x1B8D  }
0xad: {  	_ =	swait.eq @p0 [sflag:s5], $0x1  }
0xae: {  	[sflag:s5] =	ssyncadd.s32 @p0 $0xFFFFFFFF  }
0xaf: {  	s6 =	sshll.u32 @!p0 s1, $0xE  }
0xb0: {  	s6 =	sor.u32 @!p0 $0x4000, s6;
	s5 =	simm.s32 @!p0 $0x1B8D  }
0xb1: {  	s4 =	sshll.u32 @!p0 s4, $0x11;
	s6 =	sadd.s32 @!p0 $0x11B8D, s6;
	_ =	swait.eq @!p0 [sflag:s5], $0x1  }
0xb2: {  	s4 =	sor.u32 @!p0 s4, s6;
	[sflag:s5] =	ssyncadd.s32 @!p0 $0xFFFFFFFF  }
0xb3: {  	s25 =	simm.s32 $0x1B8E;
	s24 =	sld [smem:$0x3FFE];
	[sflag:s4] =	ssyncadd.remote.s32 @!p0 $0x1  }
0xb4: {  	s26 =	simm.s32 $execute0_lowered;
	[smem:$0x3FD2] =	sst s25  }
0xb5: {  	s5 =	sshll.u32 s26, $0x1;
	_ =	strace $0x8000004F;
	[dreg:$0x1] =	wrdreg $0xFFFFFFFF  }
0xb6: {  	s28 =	simm.s32 $_size_execute0_lowered;
	s3 =	sadd.s32 s3, s5;
	[dreg:$0x0] =	wrdreg $0x0  }
0xb7: {  	s5 =	sshll.u32 s28, $0x1;
	[dreg:$0x2] =	wrdreg s3  }
0xb8: {  	[dreg:$0x3] =	wrdreg s5  }
0xb9: {  	[dreg:$0x4] =	wrdreg $0xC0  }
0xba: {  	_ =	task [dreg:s22], $0x5FFFF  }
0xbb: {  	[dreg:$0x1] =	wrdreg $0xFFFFFFFF  }
0xbc: {  	[dreg:$0x0] =	wrdreg $0x60  }
0xbd: {  	[dreg:$0x2] =	wrdreg s24  }
0xbe: {  	[dreg:$0x3] =	wrdreg $0xA  }
0xbf: {  	_ =	task.clear_ibuf [dreg:s22], $0x4FFFF;
	_ =	strace $0x9000004F  }
0xc0: {  	s29 =	simm.s32 $0xA;
	_ =	strace $0x80000051  }
0xc1: {  	_ =	swait.ge [sflag:s29], $0x1  }
0xc2: {  	[sflag:s29] =	ssyncadd.s32 $0xFFFFFFFF  }
0xc3: {  	_ =	strace $0x90000051  }
0xc4: {  	_ =	sfence  }
0xc5: {  	s30 =	sld [smem:$0x0];
	_ =	sdelay $0x2  }
0xc6: {  	s31 =	sshll.u32 s1, $0xD;
	s1 =	sshrl.u32 s1, $0x2  }
0xc7: {  	s4 =	sand.u32 $0x4000, s31;
	s1 =	sadd.s32 s1, s30  }
0xc8: {  	s0 =	sor.u32 s4, s0;
	s1 =	sshll.u32 s1, $0x11  }
0xc9: {  	s0 =	sor.u32 s1, s0  }
0xca: {  	s0 =	sadd.s32 $0x8F2B, s0  }
0xcb: {  	[sflag:s0] =	ssyncadd.remote.s32 $0x1  }
0xcc: {  	_ =	sfence.sel $0xFFFF  }
0xcd: {  	[dreg:$0x0] =	wrdreg $0xFFFFFFFF;
	(pc) =	sbr.abs _section_cstart, $3  }
0xce: {  	[dreg:$0x1] =	wrdreg $0xFFFFFFFF  }
0xcf: {  	_ =	task.clear_ibuf [dreg:s22], $0x2FFFF;
	_ =	strace $0x9FFFFFFF  }
0xd0: {  	(tm) =	ssettm $0x7FFFFFFF  }
0xd1: {  	_ =	shalt  }
tec
execute0_lowered:
.L_overlay_start_1:
0x0: {  	(tag) =	ssettag $0x1  }
0x1: {  	s5 =	rddreg [dreg:$0x0]  }
0x2: {  	s0 =	rddreg [dreg:$0x1]  }
0x3: {  	s2 =	simm.s32 $0x0;
	s3 =	srdreg.scid;
	s1 =	stileid.u32  }
0x4: {  	s16 =	simm.s32 $0xF0;
	s17 =	simm.s32 $0x1;
	s18 =	simm.s32 $0x1EF0  }
0x5: {  	s19 =	simm.s32 $0x2;
	s20 =	simm.s32 $0x3;
	s21 =	simm.s32 $0x4  }
0x6: {  	s22 =	simm.s32 $0x0;
	[smem:$0x7FF] =	sst s2;
	s12 =	smul.u32 $0x3480, s1  }
0x7: {  	s10 =	sand.u32 $0x1, s3;
	s3 =	sadd.s32 $0x11FC00, s5;
	s30 =	smul.u32 $0x1A400, s1  }
0x8: {  	s4 =	sshll.u32 s1, $0x1;
	s11 =	sadd.s32 $0x1E3200, s5;
	s14 =	smul.u32 $0x1A40, s10  }
0x9: {  	s6 =	sor.u32 s10, s4;
	s7 =	ssub.s32 $0x2, s10;
	s15 =	smul.u32 $0xD200, s10  }
0xa: {  	_ =	strace $0x80000050;
	s8 =	smul.u32 $0x1A40, s6;
	s23 =	sshrl.u32 s7, $0x1  }
0xb: {  	s4 =	sadd.s32 $0x63000, s5;
	s9 =	smul.u32 $0xD200, s6;
	s24 =	ssub.s32 s7, s23  }
0xc: {  	s12 =	sadd.s32 s14, s12;
	s14 =	sadd.s32 s30, s11;
	s25 =	sshrl.u32 s8, $0x3  }
0xd: {  	s13 =	sadd.s32 $0x19C8, s8;
	s6 =	smax.u32 s24, $0x1;
	s26 =	sadd.s32 s11, s9  }
0xe: {  	s29 =	sadd.s32 $0x78, s12;
	s10 =	sadd.s32 $0xF0, s12;
	s5 =	sadd.s32 s4, s25  }
0xf: {  	s8 =	sshrl.u32 s13, $0x3;
	s7 =	sadd.s32 $0xCA80, s26;
	s28 =	sshll.u32 s13, $0x3  }
0x10: {  	s13 =	sshrl.u32 s29, $0x3;
	s8 =	sadd.s32 s4, s8;
	s9 =	sadd.s32 s11, s28  }
0x11: {  	s31 =	sshll.u32 s13, $0x6;
	s12 =	sadd.s32 s13, s4;
	s13 =	sadd.s32 s15, s14  }
0x12: {  	s14 =	simm.s32 $0x5;
	s15 =	simm.s32 $0x78;
	s11 =	sadd.s32 s31, s11  }
.LBB2_1:
0x13: {  	[tilespmem:s2], [sflag:$0x5] =	stream.linear.gather [hbm4b:s5+s2], $0x78, $0x38;
	[tilespmem:$0x3CF0] =	vst v63  }
0x14: {  	_ =	swait.ge [sflag:s14], $0x78  }
0x15: {  	[sflag:s14] =	ssyncset.done $0x0  }
0x16: {  	[sflag:s14] =	ssyncadd.s32 $0xFFFFFF88  }
0x17: {  	[tilespmem:s16], [sflag:$0x1] =	stream.indirect.gather [hbm4b:s3+s15], $0x40, s2, s15, $0xb8;
	[tilespmem:$0x3CF0] =	vst v63  }
0x18: {  	_ =	swait.ge [sflag:s17], $0x1E00  }
0x19: {  	[sflag:s17] =	ssyncset.done $0x0  }
0x1a: {  	s23 =	sadd.s32 $0x0, s13;
	[sflag:s17] =	ssyncadd.s32 $0xFFFFE200  }
0x1b: {  	[hbm4b:s23+s2] =	stream.linear.scatter [tilespmem:s16], [sflag:$0x3], $0x1E00, $0x38;
	[tilespmem:$0x3CF0] =	vst v63  }
0x1c: {  	_ = 	snop  }
0x1d: {  	[tilespmem:s15], [sflag:$0x5] =	stream.linear.gather [hbm4b:s12+s2], $0x78, $0x38;
	[tilespmem:$0x3CF0] =	vst v63  }
0x1e: {  	_ =	swait.ge [sflag:s14], $0x78  }
0x1f: {  	[sflag:s14] =	ssyncset.done $0x0  }
0x20: {  	[sflag:s14] =	ssyncadd.s32 $0xFFFFFF88  }
0x21: {  	[tilespmem:s18], [sflag:$0x2] =	stream.indirect.gather [hbm4b:s3+s15], $0x40, s15, s15, $0xb8;
	[tilespmem:$0x3CF0] =	vst v63  }
0x22: {  	_ =	swait.ge [sflag:s19], $0x1E00  }
0x23: {  	[sflag:s19] =	ssyncset.done $0x0  }
0x24: {  	s30 =	sadd.s32 $0x0, s11;
	[sflag:s19] =	ssyncadd.s32 $0xFFFFE200  }
0x25: {  	[hbm4b:s30+s2] =	stream.linear.scatter [tilespmem:s18], [sflag:$0x4], $0x1E00, $0x38;
	[tilespmem:$0x3CF0] =	vst v63  }
0x26: {  	_ =	swait.ge [sflag:s20], $0x1E00  }
0x27: {  	s31 =	sshrl.u32 s10, $0x3;
	[sflag:s20] =	ssyncset.done $0x0  }
0x28: {  	s23 =	sadd.s32 s4, s31;
	[sflag:s20] =	ssyncadd.s32 $0xFFFFE200  }
0x29: {  	[tilespmem:s2], [sflag:$0x5] =	stream.linear.gather [hbm4b:s23+s2], $0x78, $0x38;
	[tilespmem:$0x3CF0] =	vst v63  }
0x2a: {  	_ =	swait.ge [sflag:s14], $0x78  }
0x2b: {  	[sflag:s14] =	ssyncset.done $0x0  }
0x2c: {  	[sflag:s14] =	ssyncadd.s32 $0xFFFFFF88  }
0x2d: {  	[tilespmem:s16], [sflag:$0x1] =	stream.indirect.gather [hbm4b:s3+s15], $0x40, s2, s15, $0xb8;
	[tilespmem:$0x3CF0] =	vst v63  }
0x2e: {  	s24 =	smov.u32 s10;
	_ =	swait.ge [sflag:s21], $0x1E00  }
0x2f: {  	s25 =	smov.u32 s12;
	s23 =	simm.s32 $0x780;
	[sflag:s21] =	ssyncset.done $0x0  }
.LBB2_2:
0x30: {  	[sflag:s21] =	ssyncadd.s32 $0xFFFFE200  }
0x31: {  	s24 =	sadd.s32 $0xF0, s24;
	s25 =	sadd.s32 $0x1E, s25;
	s26 =	smov.u32 s23  }
0x32: {  	p0 =	sne.s32 s23, $0xC300;
	s23 =	sadd.s32 $0x780, s23;
	_ =	swait.ge [sflag:s17], $0x1E00  }
0x33: {  	[sflag:s17] =	ssyncset.done $0x0  }
0x34: {  	s28 =	sadd.s32 s26, s13;
	[sflag:s17] =	ssyncadd.s32 $0xFFFFE200  }
0x35: {  	[hbm4b:s28+s2] =	stream.linear.scatter [tilespmem:s16], [sflag:$0x3], $0x1E00, $0x38;
	[tilespmem:$0x3CF0] =	vst v63  }
0x36: {  	_ = 	snop  }
0x37: {  	[tilespmem:s15], [sflag:$0x5] =	stream.linear.gather [hbm4b:s25+s2], $0x78, $0x38;
	[tilespmem:$0x3CF0] =	vst v63  }
0x38: {  	_ =	swait.ge [sflag:s14], $0x78  }
0x39: {  	[sflag:s14] =	ssyncset.done $0x0  }
0x3a: {  	[sflag:s14] =	ssyncadd.s32 $0xFFFFFF88  }
0x3b: {  	[tilespmem:s18], [sflag:$0x2] =	stream.indirect.gather [hbm4b:s3+s15], $0x40, s15, s15, $0xb8;
	[tilespmem:$0x3CF0] =	vst v63  }
0x3c: {  	_ =	swait.ge [sflag:s19], $0x1E00  }
0x3d: {  	[sflag:s19] =	ssyncset.done $0x0  }
0x3e: {  	s26 =	sadd.s32 s26, s11;
	[sflag:s19] =	ssyncadd.s32 $0xFFFFE200  }
0x3f: {  	[hbm4b:s26+s2] =	stream.linear.scatter [tilespmem:s18], [sflag:$0x4], $0x1E00, $0x38;
	[tilespmem:$0x3CF0] =	vst v63  }
0x40: {  	_ =	swait.ge [sflag:s20], $0x1E00  }
0x41: {  	s26 =	sshrl.u32 s24, $0x3;
	[sflag:s20] =	ssyncset.done $0x0  }
0x42: {  	s26 =	sadd.s32 s4, s26;
	[sflag:s20] =	ssyncadd.s32 $0xFFFFE200  }
0x43: {  	[tilespmem:s2], [sflag:$0x5] =	stream.linear.gather [hbm4b:s26+s2], $0x78, $0x38;
	[tilespmem:$0x3CF0] =	vst v63  }
0x44: {  	_ =	swait.ge [sflag:s14], $0x78  }
.Ltmp0:
0x45: {  	[sflag:s14] =	ssyncset.done $0x0;
	(pc) =	sbr.rel @p0 .LBB2_2-.Ltmp0, $4  }
0x46: {  	[sflag:s14] =	ssyncadd.s32 $0xFFFFFF88  }
0x47: {  	[tilespmem:s16], [sflag:$0x1] =	stream.indirect.gather [hbm4b:s3+s15], $0x40, s2, s15, $0xb8;
	[tilespmem:$0x3CF0] =	vst v63  }
0x48: {  	_ =	swait.ge [sflag:s21], $0x1E00  }
0x49: {  	[sflag:s21] =	ssyncset.done $0x0  }
0x4a: {  	[sflag:s21] =	ssyncadd.s32 $0xFFFFE200  }
0x4b: {  	_ =	swait.ge [sflag:s17], $0x1E00  }
0x4c: {  	[sflag:s17] =	ssyncset.done $0x0  }
0x4d: {  	[sflag:s17] =	ssyncadd.s32 $0xFFFFE200  }
0x4e: {  	[hbm4b:s7+s2] =	stream.linear.scatter [tilespmem:s16], [sflag:$0x3], $0x1E00, $0x38;
	[tilespmem:$0x3CF0] =	vst v63  }
0x4f: {  	_ = 	snop  }
0x50: {  	[tilespmem:s15], [sflag:$0x5] =	stream.linear.gather [hbm4b:s8+s2], $0x78, $0x38;
	[tilespmem:$0x3CF0] =	vst v63  }
0x51: {  	_ =	swait.ge [sflag:s14], $0x78  }
0x52: {  	[sflag:s14] =	ssyncset.done $0x0  }
0x53: {  	[sflag:s14] =	ssyncadd.s32 $0xFFFFFF88  }
0x54: {  	[tilespmem:s18], [sflag:$0x2] =	stream.indirect.gather [hbm4b:s3+s15], $0x40, s15, s15, $0xb8;
	[tilespmem:$0x3CF0] =	vst v63  }
0x55: {  	_ =	swait.ge [sflag:s19], $0x1E00  }
0x56: {  	[sflag:s19] =	ssyncset.done $0x0  }
0x57: {  	s22 =	sadd.s32 $0x1, s22;
	[sflag:s19] =	ssyncadd.s32 $0xFFFFE200  }
0x58: {  	[hbm4b:s9+s2] =	stream.linear.scatter [tilespmem:s18], [sflag:$0x4], $0x1E00, $0x38;
	[tilespmem:$0x3CF0] =	vst v63  }
0x59: {  	p0 =	sne.s32 s22, s6;
	_ =	swait.ge [sflag:s20], $0x1E00  }
.Ltmp1:
0x5a: {  	[sflag:s20] =	ssyncset.done $0x0;
	(pc) =	sbr.rel @p0 .LBB2_1-.Ltmp1, $4  }
0x5b: {  	[sflag:s20] =	ssyncadd.s32 $0xFFFFE200  }
0x5c: {  	_ =	swait.ge [sflag:s21], $0x1E00  }
0x5d: {  	[sflag:s21] =	ssyncset.done $0x0  }
0x5e: {  	[sflag:s21] =	ssyncadd.s32 $0xFFFFE200  }
0x5f: {  	_ =	sfence.sel $0x180000  }
0x60: {  	[bflag:$0x0] =	sbarrier.arrive $0xFFFF  }
0x61: {  	p0 =	sne.s32 s1, $0x0;
	_ =	strace $0x90000050  }
0x62: {  	s0 =	sadd.s32 @!p0 $0x100000, s0;
	[bflag:$0x2] =	sbarrier.arrive $0xFFFF  }
0x63: {  	[sflag:s0] =	ssyncadd.tile.s32 @!p0 $0x1;
	_ =	shalt  }
.Lfunc_end2:
_tile_overlayer_lowered:
.L_overlay_start_2:
0x64: {  	(tag) =	ssettag $0x2  }
0x65: {  	s0 =	rddreg [dreg:$0x0];
	s2 =	stileid.u32  }
0x66: {  	s1 =	rddreg [dreg:$0x1];
	p0 =	sne.s32 s2, $0x0  }
0x67: {  	s3 =	rddreg [dreg:$0x2];
	[bflag:$0x3] =	sbarrier.arrive $0xFFFF;
	s2 =	simm.s32 @!p0 $0x1C05  }
0x68: {  	[timem:s3], [sflag:s2] =	dma.local @!p0 [hbm:s0], s1  }
0x69: {  	s0 =	simm.s32 @!p0 $0x5  }
0x6a: {  	_ =	swait.ge @!p0 [sflag:s0], s1  }
0x6b: {  	s1 =	ssub.s32 @!p0 $0x0, s1;
	[sflag:s0] =	ssyncset.done @!p0 $0x0  }
0x6c: {  	[sflag:s0] =	ssyncadd.s32 @!p0 s1  }
0x6d: {  	[bflag:$0x3] =	sbarrier.arrive $0xFFFF  }
0x6e: {  	_ =	shalt  }

// kernel: kernel.9.cloned.1.call-start
scs
__scs_entry_jumppad:
0x0: {  	(pc) =	sbr.rel $0x88, $3  }
0x1: {  	(tag) =	ssettag $0x0;
	lr =	simm.s32 $0x1  }
0x2: {  	[smem:$0x3F84] =	sst lr;
	_ =	strace $0xD0000000  }
0x3: {  	_ = 	snop  }
0x4: {  	_ = 	snop  }
0x5: {  	_ = 	snop  }
0x6: {  	_ = 	snop  }
0x7: {  	_ = 	snop  }
__scs_overlays_trampoline_lowered:
0x8: {  	[smem:$0x3F93] =	sst s0  }
0x9: {  	[smem:$0x3F94] =	sst s1  }
0xa: {  	[smem:$0x3F95] =	sst s2  }
0xb: {  	[smem:$0x3F96] =	sst s3  }
0xc: {  	[smem:$0x3F97] =	sst s4  }
0xd: {  	[smem:$0x3F98] =	sst s5  }
0xe: {  	[smem:$0x3F99] =	sst s6  }
0xf: {  	[smem:$0x3F9A] =	sst s7  }
0x10: {  	[smem:$0x3F9B] =	sst s8  }
0x11: {  	[smem:$0x3F9C] =	sst s9;
	s0 =	simm.s32 @!p0 $0x0  }
0x12: {  	s1 =	sld [smem:$0x3F82];
	s0 =	simm.s32 @p0 $0x1  }
0x13: {  	[smem:$0x3F9D] =	sst s0;
	s0 =	simm.s32 @!p1 $0x0  }
0x14: {  	s2 =	sld [smem:$0x3F81];
	s0 =	simm.s32 @p1 $0x1  }
0x15: {  	[smem:$0x3F9E] =	sst s0;
	s0 =	simm.s32 @!p2 $0x0  }
0x16: {  	s3 =	sld [smem:$0x3FDB];
	s0 =	simm.s32 @p2 $0x1  }
0x17: {  	s4 =	simm.s32 $0x1BF5;
	[smem:$0x3FA0] =	sst s0  }
0x18: {  	s0 =	sld [smem:$0x3F83];
	_ =	swait.ge [sflag:s4], $0x0  }
0x19: {  	s7 =	sld [smem:$0x3F84]  }
0x1a: {  	s8 =	sadd.s32 $0xFFFFE003, lr  }
0x1b: {  	s9 =	sadd.s32 $0xFFFFFEF7, lr;
	s5 =	simm.s32 $0xFFFFFFFF;
	p2 =	slt.u32 s8, $0xFFFFF086  }
0x1c: {  	p1 =	slt.u32 s9, $0xF7A;
	s5 =	simm.s32 @!p2 $0x0  }
0x1d: {  	s5 =	simm.s32 @p1 $0x1;
	p0 =	seq.s32 s7, s2  }
0x1e: {  	s7 =	smul.u32 @!p0 $0xF7A, s2;
	p2 =	seq.s32 @!p0 s5, $0x0  }
0x1f: {  	s9 =	smul.u32 $0xF7A, s1;
	s8 =	simm.s32 @!p0 $0x1BF5;
	p2 =	por !p2, p0  }
0x20: {  	[sflag:s8] =	ssyncset.s32 @!p0 $0xFFFFF086;
	s6 =	sadd.s32 @!p0 s3, s7;
	s7 =	simm.s32 @!p0 $0x108  }
0x21: {  	s3 =	sadd.s32 s3, s9;
	s6 =	sadd.s32 @!p0 $0x88, s6;
	s7 =	simm.s32 @p2 $0x1082  }
0x22: {  	[simem:s7], [sflag:s8] =	dma.local @!p0 [hbm:s6], $0xF7A  }
0x23: {  	s9 =	sor.u32 $0xD0000000, s2;
	s6 =	simm.s32 $0x108;
	_ =	swait.ge @!p0 [sflag:s8], $0x0  }
0x24: {  	s3 =	sadd.s32 $0x88, s3;
	s6 =	simm.s32 @!p1 $0x1082;
	[sflag:s4] =	ssyncset.s32 $0xFFFFF086  }
0x25: {  	[simem:s6], [sflag:s4] =	dma.local [hbm:s3], $0xF7A  }
0x26: {  	[smem:$0x3F84] =	sst s1;
	(tag) =	ssettag s2;
	_ =	strace s9  }
0x27: {  	s1 =	sld [smem:$0x3F94]  }
0x28: {  	s2 =	sld [smem:$0x3F95]  }
0x29: {  	s4 =	sld [smem:$0x3F97]  }
0x2a: {  	p0 =	seq.s32 s5, $0x0;
	s5 =	sld [smem:$0x3F98]  }
0x2b: {  	s6 =	sld [smem:$0x3F99]  }
0x2c: {  	s7 =	sld [smem:$0x3F9A]  }
0x2d: {  	s3 =	simm.s32 $0x108;
	s8 =	sld [smem:$0x3F9B]  }
0x2e: {  	s3 =	simm.s32 @!p0 $0x1082;
	s9 =	sld [smem:$0x3F9C]  }
0x2f: {  	lr =	sadd.s32 s0, s3;
	s0 =	sld [smem:$0x3F93]  }
0x30: {  	s3 =	sld [smem:$0x3F96]  }
0x31: {  	[smem:$0x3F9F] =	sst s10  }
0x32: {  	s10 =	sld [smem:$0x3F9D];
	_ =	sdelay $0x3  }
0x33: {  	p0 =	seq.s32 s10, $0x1;
	s10 =	sld [smem:$0x3F9F];
	_ =	sdelay $0x3  }
0x34: {  	[smem:$0x3F9F] =	sst s10  }
0x35: {  	s10 =	sld [smem:$0x3F9E];
	_ =	sdelay $0x3  }
0x36: {  	p1 =	seq.s32 s10, $0x1;
	s10 =	sld [smem:$0x3F9F];
	_ =	sdelay $0x3  }
0x37: {  	[smem:$0x3F9F] =	sst s10  }
0x38: {  	s10 =	sld [smem:$0x3FA0]  }
0x39: {  	_ = 	snop;
	(pc) =	sbr.ind lr, $3  }
0x3a: {  	_ = 	snop  }
0x3b: {  	_ = 	snop  }
0x3c: {  	p2 =	seq.s32 s10, $0x1;
	s10 =	sld [smem:$0x3F9F]  }
0x3d: {  	_ =	shalt  }
0x3e: {  	_ =	shalt  }
0x3f: {  	_ =	shalt  }
0x40: {  	_ =	shalt  }
0x41: {  	_ =	shalt  }
0x42: {  	_ =	shalt  }
0x43: {  	_ =	shalt  }
0x44: {  	_ =	shalt  }
0x45: {  	_ =	shalt  }
0x46: {  	_ =	shalt  }
0x47: {  	_ =	shalt  }
0x48: {  	_ =	shalt  }
0x49: {  	_ =	shalt  }
0x4a: {  	_ =	shalt  }
0x4b: {  	_ =	shalt  }
0x4c: {  	_ =	shalt  }
0x4d: {  	_ =	shalt  }
0x4e: {  	_ =	shalt  }
0x4f: {  	_ =	shalt  }
0x50: {  	_ =	shalt  }
0x51: {  	_ =	shalt  }
0x52: {  	_ =	shalt  }
0x53: {  	_ =	shalt  }
0x54: {  	_ =	shalt  }
0x55: {  	_ =	shalt  }
0x56: {  	_ =	shalt  }
0x57: {  	_ =	shalt  }
0x58: {  	_ =	shalt  }
0x59: {  	_ =	shalt  }
0x5a: {  	_ =	shalt  }
0x5b: {  	_ =	shalt  }
0x5c: {  	_ =	shalt  }
0x5d: {  	_ =	shalt  }
0x5e: {  	_ =	shalt  }
0x5f: {  	_ =	shalt  }
0x60: {  	_ =	shalt  }
0x61: {  	_ =	shalt  }
0x62: {  	_ =	shalt  }
0x63: {  	_ =	shalt  }
0x64: {  	_ =	shalt  }
0x65: {  	_ =	shalt  }
0x66: {  	_ =	shalt  }
0x67: {  	_ =	shalt  }
0x68: {  	_ =	shalt  }
0x69: {  	_ =	shalt  }
0x6a: {  	_ =	shalt  }
0x6b: {  	_ =	shalt  }
0x6c: {  	_ =	shalt  }
0x6d: {  	_ =	shalt  }
0x6e: {  	_ =	shalt  }
0x6f: {  	_ =	shalt  }
0x70: {  	_ =	shalt  }
0x71: {  	_ =	shalt  }
0x72: {  	_ =	shalt  }
0x73: {  	_ =	shalt  }
0x74: {  	_ =	shalt  }
0x75: {  	_ =	shalt  }
0x76: {  	_ =	shalt  }
0x77: {  	_ =	shalt  }
0x78: {  	_ =	shalt  }
0x79: {  	_ =	shalt  }
0x7a: {  	_ =	shalt  }
0x7b: {  	_ =	shalt  }
0x7c: {  	_ =	shalt  }
0x7d: {  	_ =	shalt  }
0x7e: {  	_ =	shalt  }
0x7f: {  	_ =	shalt  }
0x80: {  	_ =	shalt  }
0x81: {  	_ =	shalt  }
0x82: {  	_ =	shalt  }
0x83: {  	_ =	shalt  }
0x84: {  	_ =	shalt  }
0x85: {  	_ =	shalt  }
0x86: {  	_ =	shalt  }
0x87: {  	_ =	shalt  }
.Lfunc_end0:
.L_simem_size_0:
called_computation_lowered:
.L_overlay_start_0:
0x88: {  	s2 =	sld [smem:$0x3FD9]  }
0x89: {  	s3 =	sld [smem:$0x3FFE];
	_ =	sdelay $0x1  }
0x8a: {  	s1 =	srdreg.scid  }
0x8b: {  	s0 =	sand.u32 $0x1, s1  }
0x8c: {  	s17 =	sshll.u32 s0, $0xA;
	s2 =	sadd.s32 s3, s2  }
0x8d: {  	s2 =	sadd.s32 s2, s17  }
0x8e: {  	[smem:$0x3FAB] =	sst s2  }
0x8f: {  	_ = 	snop  }
0x90: {  	s2 =	sld [smem:$0x3FC9]  }
0x91: {  	s18 =	sld [smem:$0x3FD0];
	(tm) =	ssettm $0x1  }
0x92: {  	s4 =	sld [smem:$0x3FFB];
	_ =	sdelay $0x3  }
0x93: {  	_ =	strace s4  }
0x94: {  	s4 =	sld [smem:$0x3FFC];
	_ =	sdelay $0x3  }
0x95: {  	_ =	strace s4  }
0x96: {  	s4 =	sld [smem:$0x3FFD];
	_ =	sdelay $0x3  }
0x97: {  	_ =	strace s4  }
0x98: {  	_ =	strace $0x8FFFFFFF  }
0x99: {  	s19 =	sld [smem:$0x3FDB];
	_ =	sdelay $0x1  }
0x9a: {  	s5 =	simm.s32 $_scs_section_size  }
0x9b: {  	s6 =	simm.s32 $_size__tile_overlayer_lowered;
	s7 =	simm.s32 $_tile_overlayer_lowered  }
0x9c: {  	s22 =	simm.s32 $0x1BFF;
	s21 =	sshll.u32 s7, $0x1;
	s4 =	sadd.s32 s5, s19  }
0x9d: {  	s8 =	simm.s32 $0x0;
	s20 =	sshll.u32 s6, $0x1;
	s6 =	sadd.s32 s21, s4  }
0x9e: {  	[timem:s8], [sflag:s22] =	dma.local [hbm:s6], s20  }
0x9f: {  	_ =	swait.ge [sflag:s22], s20  }
0xa0: {  	s5 =	ssub.s32 $0x0, s20;
	[sflag:s22] =	ssyncset.done $0x0  }
0xa1: {  	[sflag:s22] =	ssyncadd.s32 s5;
	_ =	sdelay $0x1  }
0xa2: {  	s23 =	simm.s32 $0x1B8B  }
0xa3: {  	_ =	swait.ge [sflag:s23], $0x1  }
0xa4: {  	[sflag:s23] =	ssyncset.done $0x0  }
0xa5: {  	s25 =	simm.s32 $0x1B8E;
	s24 =	sld [smem:$0x3FFE];
	[sflag:s23] =	ssyncadd.s32 $0xFFFFFFFF  }
0xa6: {  	s26 =	simm.s32 $execute0_lowered;
	[smem:$0x3FD2] =	sst s25  }
0xa7: {  	s6 =	sshll.u32 s26, $0x1;
	_ =	strace $0x80000046;
	[dreg:$0x1] =	wrdreg $0xFFFFFFFF  }
0xa8: {  	s28 =	simm.s32 $_size_execute0_lowered;
	s4 =	sadd.s32 s4, s6;
	[dreg:$0x0] =	wrdreg $0x0  }
0xa9: {  	s6 =	sshll.u32 s28, $0x1;
	[dreg:$0x2] =	wrdreg s4  }
0xaa: {  	[dreg:$0x3] =	wrdreg s6  }
0xab: {  	[dreg:$0x4] =	wrdreg $0xC0  }
0xac: {  	_ =	task [dreg:s8], $0x5FFFF  }
0xad: {  	[dreg:$0x1] =	wrdreg $0xFFFFFFFF  }
0xae: {  	[dreg:$0x0] =	wrdreg $0x60  }
0xaf: {  	[dreg:$0x2] =	wrdreg s24  }
0xb0: {  	[dreg:$0x3] =	wrdreg s2  }
0xb1: {  	[dreg:$0x4] =	wrdreg s18  }
0xb2: {  	[dreg:$0x5] =	wrdreg $0x9  }
0xb3: {  	_ =	task.clear_ibuf [dreg:s8], $0x6FFFF;
	_ =	strace $0x90000046  }
0xb4: {  	s29 =	simm.s32 $0x9;
	_ =	strace $0x80000048  }
0xb5: {  	_ =	swait.ge [sflag:s29], $0x1  }
0xb6: {  	[sflag:s29] =	ssyncadd.s32 $0xFFFFFFFF  }
0xb7: {  	_ =	strace $0x90000048  }
0xb8: {  	_ =	sfence  }
0xb9: {  	s30 =	sld [smem:$0x0];
	_ =	sdelay $0x2  }
0xba: {  	s31 =	sshll.u32 s1, $0xD;
	s1 =	sshrl.u32 s1, $0x2  }
0xbb: {  	s3 =	sand.u32 $0x4000, s31;
	s1 =	sadd.s32 s1, s30  }
0xbc: {  	s0 =	sor.u32 s3, s0;
	s1 =	sshll.u32 s1, $0x11  }
0xbd: {  	s0 =	sor.u32 s1, s0  }
0xbe: {  	s0 =	sadd.s32 $0x8F2B, s0  }
0xbf: {  	[sflag:s0] =	ssyncadd.remote.s32 $0x1  }
0xc0: {  	_ =	sfence.sel $0xFFFF  }
0xc1: {  	[dreg:$0x0] =	wrdreg $0xFFFFFFFF;
	(pc) =	sbr.abs _section_cstart, $3  }
0xc2: {  	[dreg:$0x1] =	wrdreg $0xFFFFFFFF  }
0xc3: {  	_ =	task.clear_ibuf [dreg:s8], $0x2FFFF;
	_ =	strace $0x9FFFFFFF  }
0xc4: {  	(tm) =	ssettm $0x7FFFFFFF  }
0xc5: {  	_ =	shalt  }
tec
execute0_lowered:
.L_overlay_start_1:
0x0: {  	(tag) =	ssettag $0x1  }
0x1: {  	s5 =	rddreg [dreg:$0x0]  }
0x2: {  	s1 =	srdreg.scid;
	s3 =	rddreg [dreg:$0x1]  }
0x3: {  	s0 =	stileid.u32;
	s8 =	rddreg [dreg:$0x2];
	s6 =	sand.u32 $0x1, s1  }
0x4: {  	s2 =	simm.s32 $0x0;
	s4 =	sshll.u32 s0, $0x6;
	s7 =	sshll.u32 s6, $0x5  }
0x5: {  	[smem:$0x7FF] =	sst s2;
	s9 =	sor.u32 s7, s4  }
0x6: {  	s1 =	rddreg [dreg:$0x3];
	_ =	strace $0x80000047;
	s4 =	sshrl.u32 s9, $0x3  }
0x7: {  	s10 =	ssub.s32 $0x2, s6;
	s4 =	sadd.s32 s3, s4;
	s3 =	simm.s32 $0x2  }
0x8: {  	[tilespmem:s2], [sflag:$0x2] =	stream.linear.gather [hbm4b:s4+s2], $0x20, $0x38;
	[tilespmem:$0x820] =	vst v63  }
0x9: {  	s5 =	sadd.s32 $0x8600, s5;
	s11 =	sshrl.u32 s10, $0x1;
	_ =	swait.ge [sflag:s3], $0x20  }
0xa: {  	s6 =	simm.s32 $0x20;
	s10 =	ssub.s32 s10, s11;
	[sflag:s3] =	ssyncset.done $0x0  }
0xb: {  	s7 =	simm.s32 $0x1;
	s31 =	smax.u32 s10, $0x1;
	[sflag:s3] =	ssyncadd.s32 $0xFFFFFFE0  }
0xc: {  	[tilespmem:s6], [sflag:$0x1] =	stream.indirect.gather [hbm4b:s5+s6], $0x40, s2, s6, $0xb8;
	[tilespmem:$0x820] =	vst v63  }
0xd: {  	p0 =	sne.s32 s31, $0x1;
	_ =	swait.ge [sflag:s7], $0x800  }
.Ltmp0:
0xe: {  	s9 =	sshll.u32 s9, $0x3;
	[sflag:s7] =	ssyncset.done $0x0;
	(pc) =	sbr.rel @!p0 .LBB2_2-.Ltmp0, $4  }
0xf: {  	s8 =	sadd.s32 s8, s9;
	[sflag:s7] =	ssyncadd.s32 $0xFFFFF800  }
0x10: {  	[hbm4b:s8+s2] =	stream.linear.scatter [tilespmem:s6], [sflag:$0x2], $0x800, $0x38;
	[tilespmem:$0x820] =	vst v63  }
0x11: {  	_ =	swait.ge [sflag:s3], $0x800  }
0x12: {  	s9 =	sadd.s32 $0xFFFFFFFF, s31;
	[sflag:s3] =	ssyncset.done $0x0  }
.LBB2_1:
0x13: {  	p0 =	sne.s32 s9, $0x1;
	s9 =	sadd.s32 $0xFFFFFFFF, s9;
	[sflag:s3] =	ssyncadd.s32 $0xFFFFF800  }
0x14: {  	[tilespmem:s2], [sflag:$0x2] =	stream.linear.gather [hbm4b:s4+s2], $0x20, $0x38;
	[tilespmem:$0x820] =	vst v63  }
0x15: {  	_ =	swait.ge [sflag:s3], $0x20  }
0x16: {  	[sflag:s3] =	ssyncset.done $0x0  }
0x17: {  	[sflag:s3] =	ssyncadd.s32 $0xFFFFFFE0  }
0x18: {  	[tilespmem:s6], [sflag:$0x1] =	stream.indirect.gather [hbm4b:s5+s6], $0x40, s2, s6, $0xb8;
	[tilespmem:$0x820] =	vst v63  }
0x19: {  	_ =	swait.ge [sflag:s7], $0x800  }
.Ltmp1:
0x1a: {  	[sflag:s7] =	ssyncset.done $0x0;
	(pc) =	sbr.rel @p0 .LBB2_1-.Ltmp1, $4  }
0x1b: {  	[sflag:s7] =	ssyncadd.s32 $0xFFFFF800  }
0x1c: {  	[hbm4b:s8+s2] =	stream.linear.scatter [tilespmem:s6], [sflag:$0x2], $0x800, $0x38;
	[tilespmem:$0x820] =	vst v63  }
0x1d: {  	_ =	swait.ge [sflag:s3], $0x800  }
0x1e: {  	[sflag:s3] =	ssyncset.done $0x0  }
.LBB2_2:
0x1f: {  	[sflag:s3] =	ssyncadd.s32 $0xFFFFF800  }
0x20: {  	_ =	sfence.sel $0x180000  }
0x21: {  	[bflag:$0x0] =	sbarrier.arrive $0xFFFF  }
0x22: {  	p0 =	sne.s32 s0, $0x0;
	_ =	strace $0x90000047  }
0x23: {  	s0 =	sadd.s32 @!p0 $0x100000, s1;
	[bflag:$0x2] =	sbarrier.arrive $0xFFFF  }
0x24: {  	[sflag:s0] =	ssyncadd.tile.s32 @!p0 $0x1;
	_ =	shalt  }
.Lfunc_end2:
_tile_overlayer_lowered:
.L_overlay_start_2:
0x25: {  	(tag) =	ssettag $0x2  }
0x26: {  	s0 =	rddreg [dreg:$0x0];
	s2 =	stileid.u32  }
0x27: {  	s1 =	rddreg [dreg:$0x1];
	p0 =	sne.s32 s2, $0x0  }
0x28: {  	s3 =	rddreg [dreg:$0x2];
	[bflag:$0x3] =	sbarrier.arrive $0xFFFF;
	s2 =	simm.s32 @!p0 $0x1C02  }
0x29: {  	[timem:s3], [sflag:s2] =	dma.local @!p0 [hbm:s0], s1  }
0x2a: {  	s0 =	simm.s32 @!p0 $0x2  }
0x2b: {  	_ =	swait.ge @!p0 [sflag:s0], s1  }
0x2c: {  	s1 =	ssub.s32 @!p0 $0x0, s1;
	[sflag:s0] =	ssyncset.done @!p0 $0x0  }
0x2d: {  	[sflag:s0] =	ssyncadd.s32 @!p0 s1  }
0x2e: {  	[bflag:$0x3] =	sbarrier.arrive $0xFFFF  }
0x2f: {  	_ =	shalt  }

</sc_bundles>
